<compile_context>
chip_gen: v7x
topology: tpu7x:2x2x1
jax: 0.10.2.dev20260603
libtpu: 0.0.44.dev20260713+nightly
codegen_flags: <defaults>
</compile_context>

<pallas_src>
import jax
import jax.numpy as jnp
from jax import lax
from jax.experimental import pallas as pl
from jax.experimental.pallas import tpu as pltpu
from jax.experimental.pallas import tpu_sc as plsc

_NUM_CORES = 2
_NUM_SUBCORES = 16
_NW = _NUM_CORES * _NUM_SUBCORES

_B = 4096
_L = 200
_D = 64
_REPEATS = 2
_BPT = _B // _NW
_NBUF = 2


def _body(codet_hbm, table_hbm, out_hbm, idx_v, rows_bufs, trans_bufs,
          gsems, wsems):
    wid = lax.axis_index("s") * _NUM_CORES + lax.axis_index("c")
    bt = wid
    bt0 = wid * _BPT

    pltpu.sync_copy(codet_hbm.at[:, pl.ds(bt0, _BPT)], idx_v)

    def gather_copy(l, b):
        return pltpu.make_async_copy(
            table_hbm.at[idx_v.at[l]],
            rows_bufs[b],
            gsems[b],
        )

    def out_copies(l, b):
        for r in range(_REPEATS):
            yield pltpu.make_async_copy(
                trans_bufs[b],
                out_hbm.at[_REPEATS * l + r, :, bt],
                wsems[b],
            )

    for b in range(_NBUF):
        gather_copy(b, b).start()

    iota16 = lax.iota(jnp.int32, 16)
    perm = [jnp.bitwise_and(iota16 + k, 15) for k in range(16)]

    def outer(i, _):
        for b in range(_NBUF):
            l = i * _NBUF + b
            gather_copy(l, b).wait()

            @pl.when(l >= _NBUF)
            def _():
                for c in out_copies(l - _NBUF, b):
                    c.wait()

            def trans(bc, _):
                b0 = bc * 16
                bvec = iota16 + b0
                for dc in range(_D // 16):
                    for k in range(16):
                        dvec = perm[k] + (dc * 16)
                        v = plsc.load_gather(rows_bufs[b], [bvec, dvec])
                        plsc.store_scatter(
                            trans_bufs[b],
                            [lax.shift_right_logical(dvec, 3),
                             jnp.bitwise_and(dvec, 7), bvec],
                            v)
                return 0

            lax.fori_loop(0, _BPT // 16, trans, 0)

            for c in out_copies(l, b):
                c.start()

            @pl.when(l + _NBUF < _L)
            def _():
                gather_copy(l + _NBUF, b).start()
        return 0

    lax.fori_loop(0, _L // _NBUF, outer, 0)

    for b in range(_NBUF):
        for c in out_copies(_L - _NBUF + b, b):
            c.wait()


@jax.jit
def _run(codet, table):
    k = pl.kernel(
        _body,
        out_type=jax.ShapeDtypeStruct(
            (_L * _REPEATS, _D // 8, _NW, 8, _BPT), jnp.float32),
        mesh=plsc.VectorSubcoreMesh(
            core_axis_name="c", subcore_axis_name="s",
            num_cores=_NUM_CORES, num_subcores=_NUM_SUBCORES,
        ),
        scratch_types=[
            pltpu.VMEM((_L, _BPT), jnp.int32),
            [pltpu.VMEM((_BPT, _D), jnp.float32)] * _NBUF,
            [pltpu.VMEM((_D // 8, 8, _BPT), jnp.float32)] * _NBUF,
            [pltpu.SemaphoreType.DMA] * _NBUF,
            [pltpu.SemaphoreType.DMA] * _NBUF,
        ],
        compiler_params=pltpu.CompilerParams(
            use_tc_tiling_on_sc=False, needs_layout_passes=False),
    )
    return k(codet, table)


def kernel(code, table):
    codet = jnp.transpose(code).astype(jnp.int32)
    out5 = _run(codet, table)
    return jnp.transpose(out5, (2, 4, 0, 1, 3)).reshape(_B, _L * _REPEATS, _D)

# --- scband reference (transcript-rebuilt; emitter-appended) ---
"""Pipeline reference for scband-di-tcodec-embedding-79164837200589 (READ-ONLY COPY).

The authoritative reference and input builder live on the scoring server;
editing this copy changes nothing except your own understanding.
"""

import jax, jax.numpy as jnp
import numpy as np

VOCAB = 100000
DIM = 64
REPEATS = 2

def setup_inputs(seed: int = 0) -> dict:
    key = jax.random.key(seed)
    k1, k2 = jax.random.split(key)
    code = jax.random.randint(k1, (4096, 200), 0, VOCAB, dtype=jnp.int64) if jax.config.read('jax_enable_x64') else jax.random.randint(k1, (4096, 200), 0, VOCAB, dtype=jnp.int32)
    table = jax.random.normal(k2, (VOCAB + 1, DIM), dtype=jnp.float32)
    return {"code": code, "table": table}

def reference(code, table):
    # nn.Embedding lookup: gather rows of the table
    code_embed = jnp.take(table, code, axis=0)  # [B, L, D]
    # torch.repeat_interleave(code_embed, repeats=REPEATS, dim=1)
    code_embed = jnp.repeat(code_embed, REPEATS, axis=1)  # [B, L*REPEATS, D]
    return code_embed

if __name__ == "__main__":
    import jax
    _d = setup_inputs()
    print(jax.jit(kernel)(*tuple(_d.values())))

</pallas_src>

<mosaic_0001>
#map = affine_map<(d0, d1) -> (0, 0)>
#map1 = affine_map<(d0, d1) -> (0, 0, 0, 0, 0)>
module attributes {stable_mosaic.version = 14 : i64} {
  func.func @_body(%arg0: i32, %arg1: i32, %arg2: memref<200x4096xi32, #tpu.memory_space<hbm>>, %arg3: memref<100001x64xf32, #tpu.memory_space<hbm>>, %arg4: memref<400x8x32x8x128xf32, #tpu.memory_space<hbm>>, %arg5: memref<200x128xi32, #tpu.memory_space<vmem>>, %arg6: memref<128x64xf32, #tpu.memory_space<vmem>>, %arg7: memref<128x64xf32, #tpu.memory_space<vmem>>, %arg8: memref<8x8x128xf32, #tpu.memory_space<vmem>>, %arg9: memref<8x8x128xf32, #tpu.memory_space<vmem>>, %arg10: memref<!tpu.dma_semaphore, #tpu.memory_space<semaphore_mem>>, %arg11: memref<!tpu.dma_semaphore, #tpu.memory_space<semaphore_mem>>, %arg12: memref<!tpu.dma_semaphore, #tpu.memory_space<semaphore_mem>>, %arg13: memref<!tpu.dma_semaphore, #tpu.memory_space<semaphore_mem>>) attributes {dimension_semantics = [#tpu.dimension_semantics<core_parallel>, #tpu.dimension_semantics<subcore_parallel>], iteration_bounds = array<i64: 2, 16>, scalar_prefetch = 0 : i64, scratch_operands = 9 : i64, tpu.core_type = #tpu.core_type<sc_vector_subcore>, window_params = [{transform_indices = #map}, {transform_indices = #map}, {transform_indices = #map1}]} {
    %mul3A = arith.constant 2 : i32
    %mul3A_0 = arith.muli %arg1, %mul3A : i32
    %add3A = arith.addi %mul3A_0, %arg0 : i32
    %mul3A_1 = arith.constant 128 : i32
    %mul3A_2 = arith.muli %add3A, %mul3A_1 : i32
    "tpu.region"() ({
      %run_scoped3A = tpu.sem_alloc : memref<!tpu.dma_semaphore, #tpu.memory_space<semaphore_mem>>
      %dma_start3A_160 = arith.constant 0 : i32
      %dma_start3A_161 = tpu.memref_slice %arg2[%dma_start3A_160, %mul3A_2] : memref<200x4096xi32, #tpu.memory_space<hbm>> -> memref<200x128xi32, #tpu.memory_space<hbm>>
      %dma_start3A_162 = arith.constant 0 : i32
      %dma_start3A_163 = tpu.memref_slice %arg2[%dma_start3A_162, %mul3A_2] : memref<200x4096xi32, #tpu.memory_space<hbm>> -> memref<200x128xi32, #tpu.memory_space<hbm>>
      tpu.enqueue_dma source(%dma_start3A_163 : memref<200x128xi32, #tpu.memory_space<hbm>>) target(%arg5 : memref<200x128xi32, #tpu.memory_space<vmem>>) target_semaphore(%run_scoped3A : memref<!tpu.dma_semaphore, #tpu.memory_space<semaphore_mem>>)
      %dma_wait3A_164 = arith.constant 0 : i32
      %dma_wait3A_165 = tpu.memref_slice %arg2[%dma_wait3A_164, %mul3A_2] : memref<200x4096xi32, #tpu.memory_space<hbm>> -> memref<200x128xi32, #tpu.memory_space<hbm>>
      %dma_wait3A_166 = arith.constant 0 : i32
      %dma_wait3A_167 = tpu.memref_slice %arg2[%dma_wait3A_166, %mul3A_2] : memref<200x4096xi32, #tpu.memory_space<hbm>> -> memref<200x128xi32, #tpu.memory_space<hbm>>
      tpu.wait_dma2 semaphore(%run_scoped3A : memref<!tpu.dma_semaphore, #tpu.memory_space<semaphore_mem>>) src(%dma_wait3A_167 : memref<200x128xi32, #tpu.memory_space<hbm>>) dst(%arg5 : memref<200x128xi32, #tpu.memory_space<vmem>>)
      tpu.yield
    }) : () -> ()
    %dma_start3A = arith.constant 0 : i32
    %dma_start3A_3 = arith.constant 0 : i32
    %dma_start3A_4 = tpu.memref_slice %arg5[%dma_start3A, %dma_start3A_3] : memref<200x128xi32, #tpu.memory_space<vmem>> -> memref<1x128xi32, #tpu.memory_space<vmem>>
    %dma_start3A_5 = tpu.memref_squeeze %dma_start3A_4 : memref<1x128xi32, #tpu.memory_space<vmem>> -> memref<128xi32, #tpu.memory_space<vmem>>
    %dma_start3A_6 = arith.constant 0 : i32
    %dma_start3A_7 = arith.constant 0 : i32
    %dma_start3A_8 = tpu.memref_slice %arg3[%dma_start3A_6, %dma_start3A_7] : memref<100001x64xf32, #tpu.memory_space<hbm>> -> memref<100001x64xf32, #tpu.memory_space<hbm>>
    tpu.enqueue_indirect_dma source(%dma_start3A_8 : memref<100001x64xf32, #tpu.memory_space<hbm>>) target(%arg6 : memref<128x64xf32, #tpu.memory_space<vmem>>) offsets(%dma_start3A_5 : memref<128xi32, #tpu.memory_space<vmem>>) semaphore(%arg10 : memref<!tpu.dma_semaphore, #tpu.memory_space<semaphore_mem>>)
    %dma_start3A_9 = arith.constant 1 : i32
    %dma_start3A_10 = arith.constant 0 : i32
    %dma_start3A_11 = tpu.memref_slice %arg5[%dma_start3A_9, %dma_start3A_10] : memref<200x128xi32, #tpu.memory_space<vmem>> -> memref<1x128xi32, #tpu.memory_space<vmem>>
    %dma_start3A_12 = tpu.memref_squeeze %dma_start3A_11 : memref<1x128xi32, #tpu.memory_space<vmem>> -> memref<128xi32, #tpu.memory_space<vmem>>
    %dma_start3A_13 = arith.constant 0 : i32
    %dma_start3A_14 = arith.constant 0 : i32
    %dma_start3A_15 = tpu.memref_slice %arg3[%dma_start3A_13, %dma_start3A_14] : memref<100001x64xf32, #tpu.memory_space<hbm>> -> memref<100001x64xf32, #tpu.memory_space<hbm>>
    tpu.enqueue_indirect_dma source(%dma_start3A_15 : memref<100001x64xf32, #tpu.memory_space<hbm>>) target(%arg7 : memref<128x64xf32, #tpu.memory_space<vmem>>) offsets(%dma_start3A_12 : memref<128xi32, #tpu.memory_space<vmem>>) semaphore(%arg11 : memref<!tpu.dma_semaphore, #tpu.memory_space<semaphore_mem>>)
    %iota3A = tpu.iota {dimensions = array<i32: 0>} : vector<16xi32>
    %add3A_16 = arith.constant 0 : i32
    %add3A_17 = vector.broadcast %add3A_16 : i32 to vector<16xi32>
    %add3A_18 = arith.addi %iota3A, %add3A_17 : vector<16xi32>
    %and3A = arith.constant 15 : i32
    %and3A_19 = vector.broadcast %and3A : i32 to vector<16xi32>
    %and3A_20 = arith.andi %add3A_18, %and3A_19 : vector<16xi32>
    %add3A_21 = arith.constant 1 : i32
    %add3A_22 = vector.broadcast %add3A_21 : i32 to vector<16xi32>
    %add3A_23 = arith.addi %iota3A, %add3A_22 : vector<16xi32>
    %and3A_24 = arith.constant 15 : i32
    %and3A_25 = vector.broadcast %and3A_24 : i32 to vector<16xi32>
    %and3A_26 = arith.andi %add3A_23, %and3A_25 : vector<16xi32>
    %add3A_27 = arith.constant 2 : i32
    %add3A_28 = vector.broadcast %add3A_27 : i32 to vector<16xi32>
    %add3A_29 = arith.addi %iota3A, %add3A_28 : vector<16xi32>
    %and3A_30 = arith.constant 15 : i32
    %and3A_31 = vector.broadcast %and3A_30 : i32 to vector<16xi32>
    %and3A_32 = arith.andi %add3A_29, %and3A_31 : vector<16xi32>
    %add3A_33 = arith.constant 3 : i32
    %add3A_34 = vector.broadcast %add3A_33 : i32 to vector<16xi32>
    %add3A_35 = arith.addi %iota3A, %add3A_34 : vector<16xi32>
    %and3A_36 = arith.constant 15 : i32
    %and3A_37 = vector.broadcast %and3A_36 : i32 to vector<16xi32>
    %and3A_38 = arith.andi %add3A_35, %and3A_37 : vector<16xi32>
    %add3A_39 = arith.constant 4 : i32
    %add3A_40 = vector.broadcast %add3A_39 : i32 to vector<16xi32>
    %add3A_41 = arith.addi %iota3A, %add3A_40 : vector<16xi32>
    %and3A_42 = arith.constant 15 : i32
    %and3A_43 = vector.broadcast %and3A_42 : i32 to vector<16xi32>
    %and3A_44 = arith.andi %add3A_41, %and3A_43 : vector<16xi32>
    %add3A_45 = arith.constant 5 : i32
    %add3A_46 = vector.broadcast %add3A_45 : i32 to vector<16xi32>
    %add3A_47 = arith.addi %iota3A, %add3A_46 : vector<16xi32>
    %and3A_48 = arith.constant 15 : i32
    %and3A_49 = vector.broadcast %and3A_48 : i32 to vector<16xi32>
    %and3A_50 = arith.andi %add3A_47, %and3A_49 : vector<16xi32>
    %add3A_51 = arith.constant 6 : i32
    %add3A_52 = vector.broadcast %add3A_51 : i32 to vector<16xi32>
    %add3A_53 = arith.addi %iota3A, %add3A_52 : vector<16xi32>
    %and3A_54 = arith.constant 15 : i32
    %and3A_55 = vector.broadcast %and3A_54 : i32 to vector<16xi32>
    %and3A_56 = arith.andi %add3A_53, %and3A_55 : vector<16xi32>
    %add3A_57 = arith.constant 7 : i32
    %add3A_58 = vector.broadcast %add3A_57 : i32 to vector<16xi32>
    %add3A_59 = arith.addi %iota3A, %add3A_58 : vector<16xi32>
    %and3A_60 = arith.constant 15 : i32
    %and3A_61 = vector.broadcast %and3A_60 : i32 to vector<16xi32>
    %and3A_62 = arith.andi %add3A_59, %and3A_61 : vector<16xi32>
    %add3A_63 = arith.constant 8 : i32
    %add3A_64 = vector.broadcast %add3A_63 : i32 to vector<16xi32>
    %add3A_65 = arith.addi %iota3A, %add3A_64 : vector<16xi32>
    %and3A_66 = arith.constant 15 : i32
    %and3A_67 = vector.broadcast %and3A_66 : i32 to vector<16xi32>
    %and3A_68 = arith.andi %add3A_65, %and3A_67 : vector<16xi32>
    %add3A_69 = arith.constant 9 : i32
    %add3A_70 = vector.broadcast %add3A_69 : i32 to vector<16xi32>
    %add3A_71 = arith.addi %iota3A, %add3A_70 : vector<16xi32>
    %and3A_72 = arith.constant 15 : i32
    %and3A_73 = vector.broadcast %and3A_72 : i32 to vector<16xi32>
    %and3A_74 = arith.andi %add3A_71, %and3A_73 : vector<16xi32>
    %add3A_75 = arith.constant 10 : i32
    %add3A_76 = vector.broadcast %add3A_75 : i32 to vector<16xi32>
    %add3A_77 = arith.addi %iota3A, %add3A_76 : vector<16xi32>
    %and3A_78 = arith.constant 15 : i32
    %and3A_79 = vector.broadcast %and3A_78 : i32 to vector<16xi32>
    %and3A_80 = arith.andi %add3A_77, %and3A_79 : vector<16xi32>
    %add3A_81 = arith.constant 11 : i32
    %add3A_82 = vector.broadcast %add3A_81 : i32 to vector<16xi32>
    %add3A_83 = arith.addi %iota3A, %add3A_82 : vector<16xi32>
    %and3A_84 = arith.constant 15 : i32
    %and3A_85 = vector.broadcast %and3A_84 : i32 to vector<16xi32>
    %and3A_86 = arith.andi %add3A_83, %and3A_85 : vector<16xi32>
    %add3A_87 = arith.constant 12 : i32
    %add3A_88 = vector.broadcast %add3A_87 : i32 to vector<16xi32>
    %add3A_89 = arith.addi %iota3A, %add3A_88 : vector<16xi32>
    %and3A_90 = arith.constant 15 : i32
    %and3A_91 = vector.broadcast %and3A_90 : i32 to vector<16xi32>
    %and3A_92 = arith.andi %add3A_89, %and3A_91 : vector<16xi32>
    %add3A_93 = arith.constant 13 : i32
    %add3A_94 = vector.broadcast %add3A_93 : i32 to vector<16xi32>
    %add3A_95 = arith.addi %iota3A, %add3A_94 : vector<16xi32>
    %and3A_96 = arith.constant 15 : i32
    %and3A_97 = vector.broadcast %and3A_96 : i32 to vector<16xi32>
    %and3A_98 = arith.andi %add3A_95, %and3A_97 : vector<16xi32>
    %add3A_99 = arith.constant 14 : i32
    %add3A_100 = vector.broadcast %add3A_99 : i32 to vector<16xi32>
    %add3A_101 = arith.addi %iota3A, %add3A_100 : vector<16xi32>
    %and3A_102 = arith.constant 15 : i32
    %and3A_103 = vector.broadcast %and3A_102 : i32 to vector<16xi32>
    %and3A_104 = arith.andi %add3A_101, %and3A_103 : vector<16xi32>
    %add3A_105 = arith.constant 15 : i32
    %add3A_106 = vector.broadcast %add3A_105 : i32 to vector<16xi32>
    %add3A_107 = arith.addi %iota3A, %add3A_106 : vector<16xi32>
    %and3A_108 = arith.constant 15 : i32
    %and3A_109 = vector.broadcast %and3A_108 : i32 to vector<16xi32>
    %and3A_110 = arith.andi %add3A_107, %and3A_109 : vector<16xi32>
    %scan3A = arith.constant 0 : i32
    %scan3A_111 = arith.constant 0 : i32
    %scan3A_112 = arith.constant 100 : i32
    %scan3A_113 = arith.addi %scan3A_111, %scan3A_112 : i32
    %scan3A_114 = arith.constant 1 : i32
    %scan3A_115 = scf.for %scan3A_160 = %scan3A_111 to %scan3A_113 step %scan3A_114 iter_args(%scan3A_161 = %scan3A) -> (i32)  : i32 {
      %mul3A_162 = arith.constant 2 : i32
      %mul3A_163 = arith.muli %scan3A_160, %mul3A_162 : i32
      %add3A_164 = arith.constant 0 : i32
      %add3A_165 = arith.addi %mul3A_163, %add3A_164 : i32
      %dma_wait3A_166 = arith.constant 0 : i32
      %dma_wait3A_167 = tpu.memref_slice %arg5[%add3A_165, %dma_wait3A_166] : memref<200x128xi32, #tpu.memory_space<vmem>> -> memref<1x128xi32, #tpu.memory_space<vmem>>
      %dma_wait3A_168 = tpu.memref_squeeze %dma_wait3A_167 : memref<1x128xi32, #tpu.memory_space<vmem>> -> memref<128xi32, #tpu.memory_space<vmem>>
      %dma_wait3A_169 = arith.constant 0 : i32
      %dma_wait3A_170 = arith.constant 0 : i32
      %dma_wait3A_171 = tpu.memref_slice %arg3[%dma_wait3A_169, %dma_wait3A_170] : memref<100001x64xf32, #tpu.memory_space<hbm>> -> memref<100001x64xf32, #tpu.memory_space<hbm>>
      tpu.wait_indirect_dma semaphore(%arg10 : memref<!tpu.dma_semaphore, #tpu.memory_space<semaphore_mem>>) src(%dma_wait3A_171 : memref<100001x64xf32, #tpu.memory_space<hbm>>) dst(%arg6 : memref<128x64xf32, #tpu.memory_space<vmem>>)
      %ge3A = arith.constant 2 : i32
      %ge3A_172 = arith.cmpi sge, %add3A_165, %ge3A : i32
      %convert_element_type3A = arith.extui %ge3A_172 : i1 to i32
      %cond3A = arith.constant 0 : i32
      %cond3A_173 = arith.cmpi ne, %convert_element_type3A, %cond3A : i32
      scf.if %cond3A_173 {
        %sub3A = arith.constant 2 : i32
        %sub3A_273 = arith.subi %add3A_165, %sub3A : i32
        %mul3A_274 = arith.constant 2 : i32
        %mul3A_275 = arith.muli %mul3A_274, %sub3A_273 : i32
        %add3A_276 = arith.constant 0 : i32
        %add3A_277 = arith.addi %mul3A_275, %add3A_276 : i32
        %dma_wait3A_278 = arith.constant 0 : i32
        %dma_wait3A_279 = arith.constant 0 : i32
        %dma_wait3A_280 = arith.constant 0 : i32
        %dma_wait3A_281 = tpu.memref_slice %arg4[%add3A_277, %dma_wait3A_278, %add3A, %dma_wait3A_279, %dma_wait3A_280] : memref<400x8x32x8x128xf32, #tpu.memory_space<hbm>> -> memref<1x8x1x8x128xf32, #tpu.memory_space<hbm>>
        %dma_wait3A_282 = tpu.memref_squeeze %dma_wait3A_281 : memref<1x8x1x8x128xf32, #tpu.memory_space<hbm>> -> memref<8x8x128xf32, #tpu.memory_space<hbm>>
        %dma_wait3A_283 = arith.constant 0 : i32
        %dma_wait3A_284 = arith.constant 0 : i32
        %dma_wait3A_285 = arith.constant 0 : i32
        %dma_wait3A_286 = tpu.memref_slice %arg4[%add3A_277, %dma_wait3A_283, %add3A, %dma_wait3A_284, %dma_wait3A_285] : memref<400x8x32x8x128xf32, #tpu.memory_space<hbm>> -> memref<1x8x1x8x128xf32, #tpu.memory_space<hbm>>
        %dma_wait3A_287 = tpu.memref_squeeze %dma_wait3A_286 : memref<1x8x1x8x128xf32, #tpu.memory_space<hbm>> -> memref<8x8x128xf32, #tpu.memory_space<hbm>>
        tpu.wait_dma2 semaphore(%arg12 : memref<!tpu.dma_semaphore, #tpu.memory_space<semaphore_mem>>) src(%arg8 : memref<8x8x128xf32, #tpu.memory_space<vmem>>) dst(%dma_wait3A_287 : memref<8x8x128xf32, #tpu.memory_space<hbm>>)
        %mul3A_288 = arith.constant 2 : i32
        %mul3A_289 = arith.muli %mul3A_288, %sub3A_273 : i32
        %add3A_290 = arith.constant 1 : i32
        %add3A_291 = arith.addi %mul3A_289, %add3A_290 : i32
        %dma_wait3A_292 = arith.constant 0 : i32
        %dma_wait3A_293 = arith.constant 0 : i32
        %dma_wait3A_294 = arith.constant 0 : i32
        %dma_wait3A_295 = tpu.memref_slice %arg4[%add3A_291, %dma_wait3A_292, %add3A, %dma_wait3A_293, %dma_wait3A_294] : memref<400x8x32x8x128xf32, #tpu.memory_space<hbm>> -> memref<1x8x1x8x128xf32, #tpu.memory_space<hbm>>
        %dma_wait3A_296 = tpu.memref_squeeze %dma_wait3A_295 : memref<1x8x1x8x128xf32, #tpu.memory_space<hbm>> -> memref<8x8x128xf32, #tpu.memory_space<hbm>>
        %dma_wait3A_297 = arith.constant 0 : i32
        %dma_wait3A_298 = arith.constant 0 : i32
        %dma_wait3A_299 = arith.constant 0 : i32
        %dma_wait3A_300 = tpu.memref_slice %arg4[%add3A_291, %dma_wait3A_297, %add3A, %dma_wait3A_298, %dma_wait3A_299] : memref<400x8x32x8x128xf32, #tpu.memory_space<hbm>> -> memref<1x8x1x8x128xf32, #tpu.memory_space<hbm>>
        %dma_wait3A_301 = tpu.memref_squeeze %dma_wait3A_300 : memref<1x8x1x8x128xf32, #tpu.memory_space<hbm>> -> memref<8x8x128xf32, #tpu.memory_space<hbm>>
        tpu.wait_dma2 semaphore(%arg12 : memref<!tpu.dma_semaphore, #tpu.memory_space<semaphore_mem>>) src(%arg8 : memref<8x8x128xf32, #tpu.memory_space<vmem>>) dst(%dma_wait3A_301 : memref<8x8x128xf32, #tpu.memory_space<hbm>>)
      } else {
      }
      %scan3A_174 = arith.constant 0 : i32
      %scan3A_175 = arith.constant 0 : i32
      %scan3A_176 = arith.constant 8 : i32
      %scan3A_177 = arith.addi %scan3A_175, %scan3A_176 : i32
      %scan3A_178 = arith.constant 1 : i32
      %scan3A_179 = scf.for %scan3A_273 = %scan3A_175 to %scan3A_177 step %scan3A_178 iter_args(%scan3A_274 = %scan3A_174) -> (i32)  : i32 {
        %mul3A_275 = arith.constant 16 : i32
        %mul3A_276 = arith.muli %scan3A_273, %mul3A_275 : i32
        %add3A_277 = vector.broadcast %mul3A_276 : i32 to vector<16xi32>
        %add3A_278 = arith.addi %iota3A, %add3A_277 : vector<16xi32>
        %add3A_279 = arith.constant 0 : i32
        %add3A_280 = vector.broadcast %add3A_279 : i32 to vector<16xi32>
        %add3A_281 = arith.addi %and3A_20, %add3A_280 : vector<16xi32>
        %gather3A = tpu.vector_load_idx %arg6[%add3A_278, %add3A_281] : memref<128x64xf32, #tpu.memory_space<vmem>>[vector<16xi32>, vector<16xi32>], vector<16xf32>,
        %shift_right_logical3A = arith.constant 3 : i32
        %shift_right_logical3A_282 = vector.broadcast %shift_right_logical3A : i32 to vector<16xi32>
        %shift_right_logical3A_283 = arith.shrui %add3A_281, %shift_right_logical3A_282 : vector<16xi32>
        %and3A_284 = arith.constant 7 : i32
        %and3A_285 = vector.broadcast %and3A_284 : i32 to vector<16xi32>
        %and3A_286 = arith.andi %add3A_281, %and3A_285 : vector<16xi32>
        tpu.vector_store_idx %arg8[%shift_right_logical3A_283, %and3A_286, %add3A_278], %gather3A : memref<8x8x128xf32, #tpu.memory_space<vmem>>[vector<16xi32>, vector<16xi32>, vector<16xi32>], vector<16xf32>,
        %add3A_287 = arith.constant 0 : i32
        %add3A_288 = vector.broadcast %add3A_287 : i32 to vector<16xi32>
        %add3A_289 = arith.addi %and3A_26, %add3A_288 : vector<16xi32>
        %gather3A_290 = tpu.vector_load_idx %arg6[%add3A_278, %add3A_289] : memref<128x64xf32, #tpu.memory_space<vmem>>[vector<16xi32>, vector<16xi32>], vector<16xf32>,
        %shift_right_logical3A_291 = arith.constant 3 : i32
        %shift_right_logical3A_292 = vector.broadcast %shift_right_logical3A_291 : i32 to vector<16xi32>
        %shift_right_logical3A_293 = arith.shrui %add3A_289, %shift_right_logical3A_292 : vector<16xi32>
        %and3A_294 = arith.constant 7 : i32
        %and3A_295 = vector.broadcast %and3A_294 : i32 to vector<16xi32>
        %and3A_296 = arith.andi %add3A_289, %and3A_295 : vector<16xi32>
        tpu.vector_store_idx %arg8[%shift_right_logical3A_293, %and3A_296, %add3A_278], %gather3A_290 : memref<8x8x128xf32, #tpu.memory_space<vmem>>[vector<16xi32>, vector<16xi32>, vector<16xi32>], vector<16xf32>,
        %add3A_297 = arith.constant 0 : i32
        %add3A_298 = vector.broadcast %add3A_297 : i32 to vector<16xi32>
        %add3A_299 = arith.addi %and3A_32, %add3A_298 : vector<16xi32>
        %gather3A_300 = tpu.vector_load_idx %arg6[%add3A_278, %add3A_299] : memref<128x64xf32, #tpu.memory_space<vmem>>[vector<16xi32>, vector<16xi32>], vector<16xf32>,
        %shift_right_logical3A_301 = arith.constant 3 : i32
        %shift_right_logical3A_302 = vector.broadcast %shift_right_logical3A_301 : i32 to vector<16xi32>
        %shift_right_logical3A_303 = arith.shrui %add3A_299, %shift_right_logical3A_302 : vector<16xi32>
        %and3A_304 = arith.constant 7 : i32
        %and3A_305 = vector.broadcast %and3A_304 : i32 to vector<16xi32>
        %and3A_306 = arith.andi %add3A_299, %and3A_305 : vector<16xi32>
        tpu.vector_store_idx %arg8[%shift_right_logical3A_303, %and3A_306, %add3A_278], %gather3A_300 : memref<8x8x128xf32, #tpu.memory_space<vmem>>[vector<16xi32>, vector<16xi32>, vector<16xi32>], vector<16xf32>,
        %add3A_307 = arith.constant 0 : i32
        %add3A_308 = vector.broadcast %add3A_307 : i32 to vector<16xi32>
        %add3A_309 = arith.addi %and3A_38, %add3A_308 : vector<16xi32>
        %gather3A_310 = tpu.vector_load_idx %arg6[%add3A_278, %add3A_309] : memref<128x64xf32, #tpu.memory_space<vmem>>[vector<16xi32>, vector<16xi32>], vector<16xf32>,
        %shift_right_logical3A_311 = arith.constant 3 : i32
        %shift_right_logical3A_312 = vector.broadcast %shift_right_logical3A_311 : i32 to vector<16xi32>
        %shift_right_logical3A_313 = arith.shrui %add3A_309, %shift_right_logical3A_312 : vector<16xi32>
        %and3A_314 = arith.constant 7 : i32
        %and3A_315 = vector.broadcast %and3A_314 : i32 to vector<16xi32>
        %and3A_316 = arith.andi %add3A_309, %and3A_315 : vector<16xi32>
        tpu.vector_store_idx %arg8[%shift_right_logical3A_313, %and3A_316, %add3A_278], %gather3A_310 : memref<8x8x128xf32, #tpu.memory_space<vmem>>[vector<16xi32>, vector<16xi32>, vector<16xi32>], vector<16xf32>,
        %add3A_317 = arith.constant 0 : i32
        %add3A_318 = vector.broadcast %add3A_317 : i32 to vector<16xi32>
        %add3A_319 = arith.addi %and3A_44, %add3A_318 : vector<16xi32>
        %gather3A_320 = tpu.vector_load_idx %arg6[%add3A_278, %add3A_319] : memref<128x64xf32, #tpu.memory_space<vmem>>[vector<16xi32>, vector<16xi32>], vector<16xf32>,
        %shift_right_logical3A_321 = arith.constant 3 : i32
        %shift_right_logical3A_322 = vector.broadcast %shift_right_logical3A_321 : i32 to vector<16xi32>
        %shift_right_logical3A_323 = arith.shrui %add3A_319, %shift_right_logical3A_322 : vector<16xi32>
        %and3A_324 = arith.constant 7 : i32
        %and3A_325 = vector.broadcast %and3A_324 : i32 to vector<16xi32>
        %and3A_326 = arith.andi %add3A_319, %and3A_325 : vector<16xi32>
        tpu.vector_store_idx %arg8[%shift_right_logical3A_323, %and3A_326, %add3A_278], %gather3A_320 : memref<8x8x128xf32, #tpu.memory_space<vmem>>[vector<16xi32>, vector<16xi32>, vector<16xi32>], vector<16xf32>,
        %add3A_327 = arith.constant 0 : i32
        %add3A_328 = vector.broadcast %add3A_327 : i32 to vector<16xi32>
        %add3A_329 = arith.addi %and3A_50, %add3A_328 : vector<16xi32>
        %gather3A_330 = tpu.vector_load_idx %arg6[%add3A_278, %add3A_329] : memref<128x64xf32, #tpu.memory_space<vmem>>[vector<16xi32>, vector<16xi32>], vector<16xf32>,
        %shift_right_logical3A_331 = arith.constant 3 : i32
        %shift_right_logical3A_332 = vector.broadcast %shift_right_logical3A_331 : i32 to vector<16xi32>
        %shift_right_logical3A_333 = arith.shrui %add3A_329, %shift_right_logical3A_332 : vector<16xi32>
        %and3A_334 = arith.constant 7 : i32
        %and3A_335 = vector.broadcast %and3A_334 : i32 to vector<16xi32>
        %and3A_336 = arith.andi %add3A_329, %and3A_335 : vector<16xi32>
        tpu.vector_store_idx %arg8[%shift_right_logical3A_333, %and3A_336, %add3A_278], %gather3A_330 : memref<8x8x128xf32, #tpu.memory_space<vmem>>[vector<16xi32>, vector<16xi32>, vector<16xi32>], vector<16xf32>,
        %add3A_337 = arith.constant 0 : i32
        %add3A_338 = vector.broadcast %add3A_337 : i32 to vector<16xi32>
        %add3A_339 = arith.addi %and3A_56, %add3A_338 : vector<16xi32>
        %gather3A_340 = tpu.vector_load_idx %arg6[%add3A_278, %add3A_339] : memref<128x64xf32, #tpu.memory_space<vmem>>[vector<16xi32>, vector<16xi32>], vector<16xf32>,
        %shift_right_logical3A_341 = arith.constant 3 : i32
        %shift_right_logical3A_342 = vector.broadcast %shift_right_logical3A_341 : i32 to vector<16xi32>
        %shift_right_logical3A_343 = arith.shrui %add3A_339, %shift_right_logical3A_342 : vector<16xi32>
        %and3A_344 = arith.constant 7 : i32
        %and3A_345 = vector.broadcast %and3A_344 : i32 to vector<16xi32>
        %and3A_346 = arith.andi %add3A_339, %and3A_345 : vector<16xi32>
        tpu.vector_store_idx %arg8[%shift_right_logical3A_343, %and3A_346, %add3A_278], %gather3A_340 : memref<8x8x128xf32, #tpu.memory_space<vmem>>[vector<16xi32>, vector<16xi32>, vector<16xi32>], vector<16xf32>,
        %add3A_347 = arith.constant 0 : i32
        %add3A_348 = vector.broadcast %add3A_347 : i32 to vector<16xi32>
        %add3A_349 = arith.addi %and3A_62, %add3A_348 : vector<16xi32>
        %gather3A_350 = tpu.vector_load_idx %arg6[%add3A_278, %add3A_349] : memref<128x64xf32, #tpu.memory_space<vmem>>[vector<16xi32>, vector<16xi32>], vector<16xf32>,
        %shift_right_logical3A_351 = arith.constant 3 : i32
        %shift_right_logical3A_352 = vector.broadcast %shift_right_logical3A_351 : i32 to vector<16xi32>
        %shift_right_logical3A_353 = arith.shrui %add3A_349, %shift_right_logical3A_352 : vector<16xi32>
        %and3A_354 = arith.constant 7 : i32
        %and3A_355 = vector.broadcast %and3A_354 : i32 to vector<16xi32>
        %and3A_356 = arith.andi %add3A_349, %and3A_355 : vector<16xi32>
        tpu.vector_store_idx %arg8[%shift_right_logical3A_353, %and3A_356, %add3A_278], %gather3A_350 : memref<8x8x128xf32, #tpu.memory_space<vmem>>[vector<16xi32>, vector<16xi32>, vector<16xi32>], vector<16xf32>,
        %add3A_357 = arith.constant 0 : i32
        %add3A_358 = vector.broadcast %add3A_357 : i32 to vector<16xi32>
        %add3A_359 = arith.addi %and3A_68, %add3A_358 : vector<16xi32>
        %gather3A_360 = tpu.vector_load_idx %arg6[%add3A_278, %add3A_359] : memref<128x64xf32, #tpu.memory_space<vmem>>[vector<16xi32>, vector<16xi32>], vector<16xf32>,
        %shift_right_logical3A_361 = arith.constant 3 : i32
        %shift_right_logical3A_362 = vector.broadcast %shift_right_logical3A_361 : i32 to vector<16xi32>
        %shift_right_logical3A_363 = arith.shrui %add3A_359, %shift_right_logical3A_362 : vector<16xi32>
        %and3A_364 = arith.constant 7 : i32
        %and3A_365 = vector.broadcast %and3A_364 : i32 to vector<16xi32>
        %and3A_366 = arith.andi %add3A_359, %and3A_365 : vector<16xi32>
        tpu.vector_store_idx %arg8[%shift_right_logical3A_363, %and3A_366, %add3A_278], %gather3A_360 : memref<8x8x128xf32, #tpu.memory_space<vmem>>[vector<16xi32>, vector<16xi32>, vector<16xi32>], vector<16xf32>,
        %add3A_367 = arith.constant 0 : i32
        %add3A_368 = vector.broadcast %add3A_367 : i32 to vector<16xi32>
        %add3A_369 = arith.addi %and3A_74, %add3A_368 : vector<16xi32>
        %gather3A_370 = tpu.vector_load_idx %arg6[%add3A_278, %add3A_369] : memref<128x64xf32, #tpu.memory_space<vmem>>[vector<16xi32>, vector<16xi32>], vector<16xf32>,
        %shift_right_logical3A_371 = arith.constant 3 : i32
        %shift_right_logical3A_372 = vector.broadcast %shift_right_logical3A_371 : i32 to vector<16xi32>
        %shift_right_logical3A_373 = arith.shrui %add3A_369, %shift_right_logical3A_372 : vector<16xi32>
        %and3A_374 = arith.constant 7 : i32
        %and3A_375 = vector.broadcast %and3A_374 : i32 to vector<16xi32>
        %and3A_376 = arith.andi %add3A_369, %and3A_375 : vector<16xi32>
        tpu.vector_store_idx %arg8[%shift_right_logical3A_373, %and3A_376, %add3A_278], %gather3A_370 : memref<8x8x128xf32, #tpu.memory_space<vmem>>[vector<16xi32>, vector<16xi32>, vector<16xi32>], vector<16xf32>,
        %add3A_377 = arith.constant 0 : i32
        %add3A_378 = vector.broadcast %add3A_377 : i32 to vector<16xi32>
        %add3A_379 = arith.addi %and3A_80, %add3A_378 : vector<16xi32>
        %gather3A_380 = tpu.vector_load_idx %arg6[%add3A_278, %add3A_379] : memref<128x64xf32, #tpu.memory_space<vmem>>[vector<16xi32>, vector<16xi32>], vector<16xf32>,
        %shift_right_logical3A_381 = arith.constant 3 : i32
        %shift_right_logical3A_382 = vector.broadcast %shift_right_logical3A_381 : i32 to vector<16xi32>
        %shift_right_logical3A_383 = arith.shrui %add3A_379, %shift_right_logical3A_382 : vector<16xi32>
        %and3A_384 = arith.constant 7 : i32
        %and3A_385 = vector.broadcast %and3A_384 : i32 to vector<16xi32>
        %and3A_386 = arith.andi %add3A_379, %and3A_385 : vector<16xi32>
        tpu.vector_store_idx %arg8[%shift_right_logical3A_383, %and3A_386, %add3A_278], %gather3A_380 : memref<8x8x128xf32, #tpu.memory_space<vmem>>[vector<16xi32>, vector<16xi32>, vector<16xi32>], vector<16xf32>,
        %add3A_387 = arith.constant 0 : i32
        %add3A_388 = vector.broadcast %add3A_387 : i32 to vector<16xi32>
        %add3A_389 = arith.addi %and3A_86, %add3A_388 : vector<16xi32>
        %gather3A_390 = tpu.vector_load_idx %arg6[%add3A_278, %add3A_389] : memref<128x64xf32, #tpu.memory_space<vmem>>[vector<16xi32>, vector<16xi32>], vector<16xf32>,
        %shift_right_logical3A_391 = arith.constant 3 : i32
        %shift_right_logical3A_392 = vector.broadcast %shift_right_logical3A_391 : i32 to vector<16xi32>
        %shift_right_logical3A_393 = arith.shrui %add3A_389, %shift_right_logical3A_392 : vector<16xi32>
        %and3A_394 = arith.constant 7 : i32
        %and3A_395 = vector.broadcast %and3A_394 : i32 to vector<16xi32>
        %and3A_396 = arith.andi %add3A_389, %and3A_395 : vector<16xi32>
        tpu.vector_store_idx %arg8[%shift_right_logical3A_393, %and3A_396, %add3A_278], %gather3A_390 : memref<8x8x128xf32, #tpu.memory_space<vmem>>[vector<16xi32>, vector<16xi32>, vector<16xi32>], vector<16xf32>,
        %add3A_397 = arith.constant 0 : i32
        %add3A_398 = vector.broadcast %add3A_397 : i32 to vector<16xi32>
        %add3A_399 = arith.addi %and3A_92, %add3A_398 : vector<16xi32>
        %gather3A_400 = tpu.vector_load_idx %arg6[%add3A_278, %add3A_399] : memref<128x64xf32, #tpu.memory_space<vmem>>[vector<16xi32>, vector<16xi32>], vector<16xf32>,
        %shift_right_logical3A_401 = arith.constant 3 : i32
        %shift_right_logical3A_402 = vector.broadcast %shift_right_logical3A_401 : i32 to vector<16xi32>
        %shift_right_logical3A_403 = arith.shrui %add3A_399, %shift_right_logical3A_402 : vector<16xi32>
        %and3A_404 = arith.constant 7 : i32
        %and3A_405 = vector.broadcast %and3A_404 : i32 to vector<16xi32>
        %and3A_406 = arith.andi %add3A_399, %and3A_405 : vector<16xi32>
        tpu.vector_store_idx %arg8[%shift_right_logical3A_403, %and3A_406, %add3A_278], %gather3A_400 : memref<8x8x128xf32, #tpu.memory_space<vmem>>[vector<16xi32>, vector<16xi32>, vector<16xi32>], vector<16xf32>,
        %add3A_407 = arith.constant 0 : i32
        %add3A_408 = vector.broadcast %add3A_407 : i32 to vector<16xi32>
        %add3A_409 = arith.addi %and3A_98, %add3A_408 : vector<16xi32>
        %gather3A_410 = tpu.vector_load_idx %arg6[%add3A_278, %add3A_409] : memref<128x64xf32, #tpu.memory_space<vmem>>[vector<16xi32>, vector<16xi32>], vector<16xf32>,
        %shift_right_logical3A_411 = arith.constant 3 : i32
        %shift_right_logical3A_412 = vector.broadcast %shift_right_logical3A_411 : i32 to vector<16xi32>
        %shift_right_logical3A_413 = arith.shrui %add3A_409, %shift_right_logical3A_412 : vector<16xi32>
        %and3A_414 = arith.constant 7 : i32
        %and3A_415 = vector.broadcast %and3A_414 : i32 to vector<16xi32>
        %and3A_416 = arith.andi %add3A_409, %and3A_415 : vector<16xi32>
        tpu.vector_store_idx %arg8[%shift_right_logical3A_413, %and3A_416, %add3A_278], %gather3A_410 : memref<8x8x128xf32, #tpu.memory_space<vmem>>[vector<16xi32>, vector<16xi32>, vector<16xi32>], vector<16xf32>,
        %add3A_417 = arith.constant 0 : i32
        %add3A_418 = vector.broadcast %add3A_417 : i32 to vector<16xi32>
        %add3A_419 = arith.addi %and3A_104, %add3A_418 : vector<16xi32>
        %gather3A_420 = tpu.vector_load_idx %arg6[%add3A_278, %add3A_419] : memref<128x64xf32, #tpu.memory_space<vmem>>[vector<16xi32>, vector<16xi32>], vector<16xf32>,
        %shift_right_logical3A_421 = arith.constant 3 : i32
        %shift_right_logical3A_422 = vector.broadcast %shift_right_logical3A_421 : i32 to vector<16xi32>
        %shift_right_logical3A_423 = arith.shrui %add3A_419, %shift_right_logical3A_422 : vector<16xi32>
        %and3A_424 = arith.constant 7 : i32
        %and3A_425 = vector.broadcast %and3A_424 : i32 to vector<16xi32>
        %and3A_426 = arith.andi %add3A_419, %and3A_425 : vector<16xi32>
        tpu.vector_store_idx %arg8[%shift_right_logical3A_423, %and3A_426, %add3A_278], %gather3A_420 : memref<8x8x128xf32, #tpu.memory_space<vmem>>[vector<16xi32>, vector<16xi32>, vector<16xi32>], vector<16xf32>,
        %add3A_427 = arith.constant 0 : i32
        %add3A_428 = vector.broadcast %add3A_427 : i32 to vector<16xi32>
        %add3A_429 = arith.addi %and3A_110, %add3A_428 : vector<16xi32>
        %gather3A_430 = tpu.vector_load_idx %arg6[%add3A_278, %add3A_429] : memref<128x64xf32, #tpu.memory_space<vmem>>[vector<16xi32>, vector<16xi32>], vector<16xf32>,
        %shift_right_logical3A_431 = arith.constant 3 : i32
        %shift_right_logical3A_432 = vector.broadcast %shift_right_logical3A_431 : i32 to vector<16xi32>
        %shift_right_logical3A_433 = arith.shrui %add3A_429, %shift_right_logical3A_432 : vector<16xi32>
        %and3A_434 = arith.constant 7 : i32
        %and3A_435 = vector.broadcast %and3A_434 : i32 to vector<16xi32>
        %and3A_436 = arith.andi %add3A_429, %and3A_435 : vector<16xi32>
        tpu.vector_store_idx %arg8[%shift_right_logical3A_433, %and3A_436, %add3A_278], %gather3A_430 : memref<8x8x128xf32, #tpu.memory_space<vmem>>[vector<16xi32>, vector<16xi32>, vector<16xi32>], vector<16xf32>,
        %add3A_437 = arith.constant 16 : i32
        %add3A_438 = vector.broadcast %add3A_437 : i32 to vector<16xi32>
        %add3A_439 = arith.addi %and3A_20, %add3A_438 : vector<16xi32>
        %gather3A_440 = tpu.vector_load_idx %arg6[%add3A_278, %add3A_439] : memref<128x64xf32, #tpu.memory_space<vmem>>[vector<16xi32>, vector<16xi32>], vector<16xf32>,
        %shift_right_logical3A_441 = arith.constant 3 : i32
        %shift_right_logical3A_442 = vector.broadcast %shift_right_logical3A_441 : i32 to vector<16xi32>
        %shift_right_logical3A_443 = arith.shrui %add3A_439, %shift_right_logical3A_442 : vector<16xi32>
        %and3A_444 = arith.constant 7 : i32
        %and3A_445 = vector.broadcast %and3A_444 : i32 to vector<16xi32>
        %and3A_446 = arith.andi %add3A_439, %and3A_445 : vector<16xi32>
        tpu.vector_store_idx %arg8[%shift_right_logical3A_443, %and3A_446, %add3A_278], %gather3A_440 : memref<8x8x128xf32, #tpu.memory_space<vmem>>[vector<16xi32>, vector<16xi32>, vector<16xi32>], vector<16xf32>,
        %add3A_447 = arith.constant 16 : i32
        %add3A_448 = vector.broadcast %add3A_447 : i32 to vector<16xi32>
        %add3A_449 = arith.addi %and3A_26, %add3A_448 : vector<16xi32>
        %gather3A_450 = tpu.vector_load_idx %arg6[%add3A_278, %add3A_449] : memref<128x64xf32, #tpu.memory_space<vmem>>[vector<16xi32>, vector<16xi32>], vector<16xf32>,
        %shift_right_logical3A_451 = arith.constant 3 : i32
        %shift_right_logical3A_452 = vector.broadcast %shift_right_logical3A_451 : i32 to vector<16xi32>
        %shift_right_logical3A_453 = arith.shrui %add3A_449, %shift_right_logical3A_452 : vector<16xi32>
        %and3A_454 = arith.constant 7 : i32
        %and3A_455 = vector.broadcast %and3A_454 : i32 to vector<16xi32>
        %and3A_456 = arith.andi %add3A_449, %and3A_455 : vector<16xi32>
        tpu.vector_store_idx %arg8[%shift_right_logical3A_453, %and3A_456, %add3A_278], %gather3A_450 : memref<8x8x128xf32, #tpu.memory_space<vmem>>[vector<16xi32>, vector<16xi32>, vector<16xi32>], vector<16xf32>,
        %add3A_457 = arith.constant 16 : i32
        %add3A_458 = vector.broadcast %add3A_457 : i32 to vector<16xi32>
        %add3A_459 = arith.addi %and3A_32, %add3A_458 : vector<16xi32>
        %gather3A_460 = tpu.vector_load_idx %arg6[%add3A_278, %add3A_459] : memref<128x64xf32, #tpu.memory_space<vmem>>[vector<16xi32>, vector<16xi32>], vector<16xf32>,
        %shift_right_logical3A_461 = arith.constant 3 : i32
        %shift_right_logical3A_462 = vector.broadcast %shift_right_logical3A_461 : i32 to vector<16xi32>
        %shift_right_logical3A_463 = arith.shrui %add3A_459, %shift_right_logical3A_462 : vector<16xi32>
        %and3A_464 = arith.constant 7 : i32
        %and3A_465 = vector.broadcast %and3A_464 : i32 to vector<16xi32>
        %and3A_466 = arith.andi %add3A_459, %and3A_465 : vector<16xi32>
        tpu.vector_store_idx %arg8[%shift_right_logical3A_463, %and3A_466, %add3A_278], %gather3A_460 : memref<8x8x128xf32, #tpu.memory_space<vmem>>[vector<16xi32>, vector<16xi32>, vector<16xi32>], vector<16xf32>,
        %add3A_467 = arith.constant 16 : i32
        %add3A_468 = vector.broadcast %add3A_467 : i32 to vector<16xi32>
        %add3A_469 = arith.addi %and3A_38, %add3A_468 : vector<16xi32>
        %gather3A_470 = tpu.vector_load_idx %arg6[%add3A_278, %add3A_469] : memref<128x64xf32, #tpu.memory_space<vmem>>[vector<16xi32>, vector<16xi32>], vector<16xf32>,
        %shift_right_logical3A_471 = arith.constant 3 : i32
        %shift_right_logical3A_472 = vector.broadcast %shift_right_logical3A_471 : i32 to vector<16xi32>
        %shift_right_logical3A_473 = arith.shrui %add3A_469, %shift_right_logical3A_472 : vector<16xi32>
        %and3A_474 = arith.constant 7 : i32
        %and3A_475 = vector.broadcast %and3A_474 : i32 to vector<16xi32>
        %and3A_476 = arith.andi %add3A_469, %and3A_475 : vector<16xi32>
        tpu.vector_store_idx %arg8[%shift_right_logical3A_473, %and3A_476, %add3A_278], %gather3A_470 : memref<8x8x128xf32, #tpu.memory_space<vmem>>[vector<16xi32>, vector<16xi32>, vector<16xi32>], vector<16xf32>,
        %add3A_477 = arith.constant 16 : i32
        %add3A_478 = vector.broadcast %add3A_477 : i32 to vector<16xi32>
        %add3A_479 = arith.addi %and3A_44, %add3A_478 : vector<16xi32>
        %gather3A_480 = tpu.vector_load_idx %arg6[%add3A_278, %add3A_479] : memref<128x64xf32, #tpu.memory_space<vmem>>[vector<16xi32>, vector<16xi32>], vector<16xf32>,
        %shift_right_logical3A_481 = arith.constant 3 : i32
        %shift_right_logical3A_482 = vector.broadcast %shift_right_logical3A_481 : i32 to vector<16xi32>
        %shift_right_logical3A_483 = arith.shrui %add3A_479, %shift_right_logical3A_482 : vector<16xi32>
        %and3A_484 = arith.constant 7 : i32
        %and3A_485 = vector.broadcast %and3A_484 : i32 to vector<16xi32>
        %and3A_486 = arith.andi %add3A_479, %and3A_485 : vector<16xi32>
        tpu.vector_store_idx %arg8[%shift_right_logical3A_483, %and3A_486, %add3A_278], %gather3A_480 : memref<8x8x128xf32, #tpu.memory_space<vmem>>[vector<16xi32>, vector<16xi32>, vector<16xi32>], vector<16xf32>,
        %add3A_487 = arith.constant 16 : i32
        %add3A_488 = vector.broadcast %add3A_487 : i32 to vector<16xi32>
        %add3A_489 = arith.addi %and3A_50, %add3A_488 : vector<16xi32>
        %gather3A_490 = tpu.vector_load_idx %arg6[%add3A_278, %add3A_489] : memref<128x64xf32, #tpu.memory_space<vmem>>[vector<16xi32>, vector<16xi32>], vector<16xf32>,
        %shift_right_logical3A_491 = arith.constant 3 : i32
        %shift_right_logical3A_492 = vector.broadcast %shift_right_logical3A_491 : i32 to vector<16xi32>
        %shift_right_logical3A_493 = arith.shrui %add3A_489, %shift_right_logical3A_492 : vector<16xi32>
        %and3A_494 = arith.constant 7 : i32
        %and3A_495 = vector.broadcast %and3A_494 : i32 to vector<16xi32>
        %and3A_496 = arith.andi %add3A_489, %and3A_495 : vector<16xi32>
        tpu.vector_store_idx %arg8[%shift_right_logical3A_493, %and3A_496, %add3A_278], %gather3A_490 : memref<8x8x128xf32, #tpu.memory_space<vmem>>[vector<16xi32>, vector<16xi32>, vector<16xi32>], vector<16xf32>,
        %add3A_497 = arith.constant 16 : i32
        %add3A_498 = vector.broadcast %add3A_497 : i32 to vector<16xi32>
        %add3A_499 = arith.addi %and3A_56, %add3A_498 : vector<16xi32>
        %gather3A_500 = tpu.vector_load_idx %arg6[%add3A_278, %add3A_499] : memref<128x64xf32, #tpu.memory_space<vmem>>[vector<16xi32>, vector<16xi32>], vector<16xf32>,
        %shift_right_logical3A_501 = arith.constant 3 : i32
        %shift_right_logical3A_502 = vector.broadcast %shift_right_logical3A_501 : i32 to vector<16xi32>
        %shift_right_logical3A_503 = arith.shrui %add3A_499, %shift_right_logical3A_502 : vector<16xi32>
        %and3A_504 = arith.constant 7 : i32
        %and3A_505 = vector.broadcast %and3A_504 : i32 to vector<16xi32>
        %and3A_506 = arith.andi %add3A_499, %and3A_505 : vector<16xi32>
        tpu.vector_store_idx %arg8[%shift_right_logical3A_503, %and3A_506, %add3A_278], %gather3A_500 : memref<8x8x128xf32, #tpu.memory_space<vmem>>[vector<16xi32>, vector<16xi32>, vector<16xi32>], vector<16xf32>,
        %add3A_507 = arith.constant 16 : i32
        %add3A_508 = vector.broadcast %add3A_507 : i32 to vector<16xi32>
        %add3A_509 = arith.addi %and3A_62, %add3A_508 : vector<16xi32>
        %gather3A_510 = tpu.vector_load_idx %arg6[%add3A_278, %add3A_509] : memref<128x64xf32, #tpu.memory_space<vmem>>[vector<16xi32>, vector<16xi32>], vector<16xf32>,
        %shift_right_logical3A_511 = arith.constant 3 : i32
        %shift_right_logical3A_512 = vector.broadcast %shift_right_logical3A_511 : i32 to vector<16xi32>
        %shift_right_logical3A_513 = arith.shrui %add3A_509, %shift_right_logical3A_512 : vector<16xi32>
        %and3A_514 = arith.constant 7 : i32
        %and3A_515 = vector.broadcast %and3A_514 : i32 to vector<16xi32>
        %and3A_516 = arith.andi %add3A_509, %and3A_515 : vector<16xi32>
        tpu.vector_store_idx %arg8[%shift_right_logical3A_513, %and3A_516, %add3A_278], %gather3A_510 : memref<8x8x128xf32, #tpu.memory_space<vmem>>[vector<16xi32>, vector<16xi32>, vector<16xi32>], vector<16xf32>,
        %add3A_517 = arith.constant 16 : i32
        %add3A_518 = vector.broadcast %add3A_517 : i32 to vector<16xi32>
        %add3A_519 = arith.addi %and3A_68, %add3A_518 : vector<16xi32>
        %gather3A_520 = tpu.vector_load_idx %arg6[%add3A_278, %add3A_519] : memref<128x64xf32, #tpu.memory_space<vmem>>[vector<16xi32>, vector<16xi32>], vector<16xf32>,
        %shift_right_logical3A_521 = arith.constant 3 : i32
        %shift_right_logical3A_522 = vector.broadcast %shift_right_logical3A_521 : i32 to vector<16xi32>
        %shift_right_logical3A_523 = arith.shrui %add3A_519, %shift_right_logical3A_522 : vector<16xi32>
        %and3A_524 = arith.constant 7 : i32
        %and3A_525 = vector.broadcast %and3A_524 : i32 to vector<16xi32>
        %and3A_526 = arith.andi %add3A_519, %and3A_525 : vector<16xi32>
        tpu.vector_store_idx %arg8[%shift_right_logical3A_523, %and3A_526, %add3A_278], %gather3A_520 : memref<8x8x128xf32, #tpu.memory_space<vmem>>[vector<16xi32>, vector<16xi32>, vector<16xi32>], vector<16xf32>,
        %add3A_527 = arith.constant 16 : i32
        %add3A_528 = vector.broadcast %add3A_527 : i32 to vector<16xi32>
        %add3A_529 = arith.addi %and3A_74, %add3A_528 : vector<16xi32>
        %gather3A_530 = tpu.vector_load_idx %arg6[%add3A_278, %add3A_529] : memref<128x64xf32, #tpu.memory_space<vmem>>[vector<16xi32>, vector<16xi32>], vector<16xf32>,
        %shift_right_logical3A_531 = arith.constant 3 : i32
        %shift_right_logical3A_532 = vector.broadcast %shift_right_logical3A_531 : i32 to vector<16xi32>
        %shift_right_logical3A_533 = arith.shrui %add3A_529, %shift_right_logical3A_532 : vector<16xi32>
        %and3A_534 = arith.constant 7 : i32
        %and3A_535 = vector.broadcast %and3A_534 : i32 to vector<16xi32>
        %and3A_536 = arith.andi %add3A_529, %and3A_535 : vector<16xi32>
        tpu.vector_store_idx %arg8[%shift_right_logical3A_533, %and3A_536, %add3A_278], %gather3A_530 : memref<8x8x128xf32, #tpu.memory_space<vmem>>[vector<16xi32>, vector<16xi32>, vector<16xi32>], vector<16xf32>,
        %add3A_537 = arith.constant 16 : i32
        %add3A_538 = vector.broadcast %add3A_537 : i32 to vector<16xi32>
        %add3A_539 = arith.addi %and3A_80, %add3A_538 : vector<16xi32>
        %gather3A_540 = tpu.vector_load_idx %arg6[%add3A_278, %add3A_539] : memref<128x64xf32, #tpu.memory_space<vmem>>[vector<16xi32>, vector<16xi32>], vector<16xf32>,
        %shift_right_logical3A_541 = arith.constant 3 : i32
        %shift_right_logical3A_542 = vector.broadcast %shift_right_logical3A_541 : i32 to vector<16xi32>
        %shift_right_logical3A_543 = arith.shrui %add3A_539, %shift_right_logical3A_542 : vector<16xi32>
        %and3A_544 = arith.constant 7 : i32
        %and3A_545 = vector.broadcast %and3A_544 : i32 to vector<16xi32>
        %and3A_546 = arith.andi %add3A_539, %and3A_545 : vector<16xi32>
        tpu.vector_store_idx %arg8[%shift_right_logical3A_543, %and3A_546, %add3A_278], %gather3A_540 : memref<8x8x128xf32, #tpu.memory_space<vmem>>[vector<16xi32>, vector<16xi32>, vector<16xi32>], vector<16xf32>,
        %add3A_547 = arith.constant 16 : i32
        %add3A_548 = vector.broadcast %add3A_547 : i32 to vector<16xi32>
        %add3A_549 = arith.addi %and3A_86, %add3A_548 : vector<16xi32>
        %gather3A_550 = tpu.vector_load_idx %arg6[%add3A_278, %add3A_549] : memref<128x64xf32, #tpu.memory_space<vmem>>[vector<16xi32>, vector<16xi32>], vector<16xf32>,
        %shift_right_logical3A_551 = arith.constant 3 : i32
        %shift_right_logical3A_552 = vector.broadcast %shift_right_logical3A_551 : i32 to vector<16xi32>
        %shift_right_logical3A_553 = arith.shrui %add3A_549, %shift_right_logical3A_552 : vector<16xi32>
        %and3A_554 = arith.constant 7 : i32
        %and3A_555 = vector.broadcast %and3A_554 : i32 to vector<16xi32>
        %and3A_556 = arith.andi %add3A_549, %and3A_555 : vector<16xi32>
        tpu.vector_store_idx %arg8[%shift_right_logical3A_553, %and3A_556, %add3A_278], %gather3A_550 : memref<8x8x128xf32, #tpu.memory_space<vmem>>[vector<16xi32>, vector<16xi32>, vector<16xi32>], vector<16xf32>,
        %add3A_557 = arith.constant 16 : i32
        %add3A_558 = vector.broadcast %add3A_557 : i32 to vector<16xi32>
        %add3A_559 = arith.addi %and3A_92, %add3A_558 : vector<16xi32>
        %gather3A_560 = tpu.vector_load_idx %arg6[%add3A_278, %add3A_559] : memref<128x64xf32, #tpu.memory_space<vmem>>[vector<16xi32>, vector<16xi32>], vector<16xf32>,
        %shift_right_logical3A_561 = arith.constant 3 : i32
        %shift_right_logical3A_562 = vector.broadcast %shift_right_logical3A_561 : i32 to vector<16xi32>
        %shift_right_logical3A_563 = arith.shrui %add3A_559, %shift_right_logical3A_562 : vector<16xi32>
        %and3A_564 = arith.constant 7 : i32
        %and3A_565 = vector.broadcast %and3A_564 : i32 to vector<16xi32>
        %and3A_566 = arith.andi %add3A_559, %and3A_565 : vector<16xi32>
        tpu.vector_store_idx %arg8[%shift_right_logical3A_563, %and3A_566, %add3A_278], %gather3A_560 : memref<8x8x128xf32, #tpu.memory_space<vmem>>[vector<16xi32>, vector<16xi32>, vector<16xi32>], vector<16xf32>,
        %add3A_567 = arith.constant 16 : i32
        %add3A_568 = vector.broadcast %add3A_567 : i32 to vector<16xi32>
        %add3A_569 = arith.addi %and3A_98, %add3A_568 : vector<16xi32>
        %gather3A_570 = tpu.vector_load_idx %arg6[%add3A_278, %add3A_569] : memref<128x64xf32, #tpu.memory_space<vmem>>[vector<16xi32>, vector<16xi32>], vector<16xf32>,
        %shift_right_logical3A_571 = arith.constant 3 : i32
        %shift_right_logical3A_572 = vector.broadcast %shift_right_logical3A_571 : i32 to vector<16xi32>
        %shift_right_logical3A_573 = arith.shrui %add3A_569, %shift_right_logical3A_572 : vector<16xi32>
        %and3A_574 = arith.constant 7 : i32
        %and3A_575 = vector.broadcast %and3A_574 : i32 to vector<16xi32>
        %and3A_576 = arith.andi %add3A_569, %and3A_575 : vector<16xi32>
        tpu.vector_store_idx %arg8[%shift_right_logical3A_573, %and3A_576, %add3A_278], %gather3A_570 : memref<8x8x128xf32, #tpu.memory_space<vmem>>[vector<16xi32>, vector<16xi32>, vector<16xi32>], vector<16xf32>,
        %add3A_577 = arith.constant 16 : i32
        %add3A_578 = vector.broadcast %add3A_577 : i32 to vector<16xi32>
        %add3A_579 = arith.addi %and3A_104, %add3A_578 : vector<16xi32>
        %gather3A_580 = tpu.vector_load_idx %arg6[%add3A_278, %add3A_579] : memref<128x64xf32, #tpu.memory_space<vmem>>[vector<16xi32>, vector<16xi32>], vector<16xf32>,
        %shift_right_logical3A_581 = arith.constant 3 : i32
        %shift_right_logical3A_582 = vector.broadcast %shift_right_logical3A_581 : i32 to vector<16xi32>
        %shift_right_logical3A_583 = arith.shrui %add3A_579, %shift_right_logical3A_582 : vector<16xi32>
        %and3A_584 = arith.constant 7 : i32
        %and3A_585 = vector.broadcast %and3A_584 : i32 to vector<16xi32>
        %and3A_586 = arith.andi %add3A_579, %and3A_585 : vector<16xi32>
        tpu.vector_store_idx %arg8[%shift_right_logical3A_583, %and3A_586, %add3A_278], %gather3A_580 : memref<8x8x128xf32, #tpu.memory_space<vmem>>[vector<16xi32>, vector<16xi32>, vector<16xi32>], vector<16xf32>,
        %add3A_587 = arith.constant 16 : i32
        %add3A_588 = vector.broadcast %add3A_587 : i32 to vector<16xi32>
        %add3A_589 = arith.addi %and3A_110, %add3A_588 : vector<16xi32>
        %gather3A_590 = tpu.vector_load_idx %arg6[%add3A_278, %add3A_589] : memref<128x64xf32, #tpu.memory_space<vmem>>[vector<16xi32>, vector<16xi32>], vector<16xf32>,
        %shift_right_logical3A_591 = arith.constant 3 : i32
        %shift_right_logical3A_592 = vector.broadcast %shift_right_logical3A_591 : i32 to vector<16xi32>
        %shift_right_logical3A_593 = arith.shrui %add3A_589, %shift_right_logical3A_592 : vector<16xi32>
        %and3A_594 = arith.constant 7 : i32
        %and3A_595 = vector.broadcast %and3A_594 : i32 to vector<16xi32>
        %and3A_596 = arith.andi %add3A_589, %and3A_595 : vector<16xi32>
        tpu.vector_store_idx %arg8[%shift_right_logical3A_593, %and3A_596, %add3A_278], %gather3A_590 : memref<8x8x128xf32, #tpu.memory_space<vmem>>[vector<16xi32>, vector<16xi32>, vector<16xi32>], vector<16xf32>,
        %add3A_597 = arith.constant 32 : i32
        %add3A_598 = vector.broadcast %add3A_597 : i32 to vector<16xi32>
        %add3A_599 = arith.addi %and3A_20, %add3A_598 : vector<16xi32>
        %gather3A_600 = tpu.vector_load_idx %arg6[%add3A_278, %add3A_599] : memref<128x64xf32, #tpu.memory_space<vmem>>[vector<16xi32>, vector<16xi32>], vector<16xf32>,
        %shift_right_logical3A_601 = arith.constant 3 : i32
        %shift_right_logical3A_602 = vector.broadcast %shift_right_logical3A_601 : i32 to vector<16xi32>
        %shift_right_logical3A_603 = arith.shrui %add3A_599, %shift_right_logical3A_602 : vector<16xi32>
        %and3A_604 = arith.constant 7 : i32
        %and3A_605 = vector.broadcast %and3A_604 : i32 to vector<16xi32>
        %and3A_606 = arith.andi %add3A_599, %and3A_605 : vector<16xi32>
        tpu.vector_store_idx %arg8[%shift_right_logical3A_603, %and3A_606, %add3A_278], %gather3A_600 : memref<8x8x128xf32, #tpu.memory_space<vmem>>[vector<16xi32>, vector<16xi32>, vector<16xi32>], vector<16xf32>,
        %add3A_607 = arith.constant 32 : i32
        %add3A_608 = vector.broadcast %add3A_607 : i32 to vector<16xi32>
        %add3A_609 = arith.addi %and3A_26, %add3A_608 : vector<16xi32>
        %gather3A_610 = tpu.vector_load_idx %arg6[%add3A_278, %add3A_609] : memref<128x64xf32, #tpu.memory_space<vmem>>[vector<16xi32>, vector<16xi32>], vector<16xf32>,
        %shift_right_logical3A_611 = arith.constant 3 : i32
        %shift_right_logical3A_612 = vector.broadcast %shift_right_logical3A_611 : i32 to vector<16xi32>
        %shift_right_logical3A_613 = arith.shrui %add3A_609, %shift_right_logical3A_612 : vector<16xi32>
        %and3A_614 = arith.constant 7 : i32
        %and3A_615 = vector.broadcast %and3A_614 : i32 to vector<16xi32>
        %and3A_616 = arith.andi %add3A_609, %and3A_615 : vector<16xi32>
        tpu.vector_store_idx %arg8[%shift_right_logical3A_613, %and3A_616, %add3A_278], %gather3A_610 : memref<8x8x128xf32, #tpu.memory_space<vmem>>[vector<16xi32>, vector<16xi32>, vector<16xi32>], vector<16xf32>,
        %add3A_617 = arith.constant 32 : i32
        %add3A_618 = vector.broadcast %add3A_617 : i32 to vector<16xi32>
        %add3A_619 = arith.addi %and3A_32, %add3A_618 : vector<16xi32>
        %gather3A_620 = tpu.vector_load_idx %arg6[%add3A_278, %add3A_619] : memref<128x64xf32, #tpu.memory_space<vmem>>[vector<16xi32>, vector<16xi32>], vector<16xf32>,
        %shift_right_logical3A_621 = arith.constant 3 : i32
        %shift_right_logical3A_622 = vector.broadcast %shift_right_logical3A_621 : i32 to vector<16xi32>
        %shift_right_logical3A_623 = arith.shrui %add3A_619, %shift_right_logical3A_622 : vector<16xi32>
        %and3A_624 = arith.constant 7 : i32
        %and3A_625 = vector.broadcast %and3A_624 : i32 to vector<16xi32>
        %and3A_626 = arith.andi %add3A_619, %and3A_625 : vector<16xi32>
        tpu.vector_store_idx %arg8[%shift_right_logical3A_623, %and3A_626, %add3A_278], %gather3A_620 : memref<8x8x128xf32, #tpu.memory_space<vmem>>[vector<16xi32>, vector<16xi32>, vector<16xi32>], vector<16xf32>,
        %add3A_627 = arith.constant 32 : i32
        %add3A_628 = vector.broadcast %add3A_627 : i32 to vector<16xi32>
        %add3A_629 = arith.addi %and3A_38, %add3A_628 : vector<16xi32>
        %gather3A_630 = tpu.vector_load_idx %arg6[%add3A_278, %add3A_629] : memref<128x64xf32, #tpu.memory_space<vmem>>[vector<16xi32>, vector<16xi32>], vector<16xf32>,
        %shift_right_logical3A_631 = arith.constant 3 : i32
        %shift_right_logical3A_632 = vector.broadcast %shift_right_logical3A_631 : i32 to vector<16xi32>
        %shift_right_logical3A_633 = arith.shrui %add3A_629, %shift_right_logical3A_632 : vector<16xi32>
        %and3A_634 = arith.constant 7 : i32
        %and3A_635 = vector.broadcast %and3A_634 : i32 to vector<16xi32>
        %and3A_636 = arith.andi %add3A_629, %and3A_635 : vector<16xi32>
        tpu.vector_store_idx %arg8[%shift_right_logical3A_633, %and3A_636, %add3A_278], %gather3A_630 : memref<8x8x128xf32, #tpu.memory_space<vmem>>[vector<16xi32>, vector<16xi32>, vector<16xi32>], vector<16xf32>,
        %add3A_637 = arith.constant 32 : i32
        %add3A_638 = vector.broadcast %add3A_637 : i32 to vector<16xi32>
        %add3A_639 = arith.addi %and3A_44, %add3A_638 : vector<16xi32>
        %gather3A_640 = tpu.vector_load_idx %arg6[%add3A_278, %add3A_639] : memref<128x64xf32, #tpu.memory_space<vmem>>[vector<16xi32>, vector<16xi32>], vector<16xf32>,
        %shift_right_logical3A_641 = arith.constant 3 : i32
        %shift_right_logical3A_642 = vector.broadcast %shift_right_logical3A_641 : i32 to vector<16xi32>
        %shift_right_logical3A_643 = arith.shrui %add3A_639, %shift_right_logical3A_642 : vector<16xi32>
        %and3A_644 = arith.constant 7 : i32
        %and3A_645 = vector.broadcast %and3A_644 : i32 to vector<16xi32>
        %and3A_646 = arith.andi %add3A_639, %and3A_645 : vector<16xi32>
        tpu.vector_store_idx %arg8[%shift_right_logical3A_643, %and3A_646, %add3A_278], %gather3A_640 : memref<8x8x128xf32, #tpu.memory_space<vmem>>[vector<16xi32>, vector<16xi32>, vector<16xi32>], vector<16xf32>,
        %add3A_647 = arith.constant 32 : i32
        %add3A_648 = vector.broadcast %add3A_647 : i32 to vector<16xi32>
        %add3A_649 = arith.addi %and3A_50, %add3A_648 : vector<16xi32>
        %gather3A_650 = tpu.vector_load_idx %arg6[%add3A_278, %add3A_649] : memref<128x64xf32, #tpu.memory_space<vmem>>[vector<16xi32>, vector<16xi32>], vector<16xf32>,
        %shift_right_logical3A_651 = arith.constant 3 : i32
        %shift_right_logical3A_652 = vector.broadcast %shift_right_logical3A_651 : i32 to vector<16xi32>
        %shift_right_logical3A_653 = arith.shrui %add3A_649, %shift_right_logical3A_652 : vector<16xi32>
        %and3A_654 = arith.constant 7 : i32
        %and3A_655 = vector.broadcast %and3A_654 : i32 to vector<16xi32>
        %and3A_656 = arith.andi %add3A_649, %and3A_655 : vector<16xi32>
        tpu.vector_store_idx %arg8[%shift_right_logical3A_653, %and3A_656, %add3A_278], %gather3A_650 : memref<8x8x128xf32, #tpu.memory_space<vmem>>[vector<16xi32>, vector<16xi32>, vector<16xi32>], vector<16xf32>,
        %add3A_657 = arith.constant 32 : i32
        %add3A_658 = vector.broadcast %add3A_657 : i32 to vector<16xi32>
        %add3A_659 = arith.addi %and3A_56, %add3A_658 : vector<16xi32>
        %gather3A_660 = tpu.vector_load_idx %arg6[%add3A_278, %add3A_659] : memref<128x64xf32, #tpu.memory_space<vmem>>[vector<16xi32>, vector<16xi32>], vector<16xf32>,
        %shift_right_logical3A_661 = arith.constant 3 : i32
        %shift_right_logical3A_662 = vector.broadcast %shift_right_logical3A_661 : i32 to vector<16xi32>
        %shift_right_logical3A_663 = arith.shrui %add3A_659, %shift_right_logical3A_662 : vector<16xi32>
        %and3A_664 = arith.constant 7 : i32
        %and3A_665 = vector.broadcast %and3A_664 : i32 to vector<16xi32>
        %and3A_666 = arith.andi %add3A_659, %and3A_665 : vector<16xi32>
        tpu.vector_store_idx %arg8[%shift_right_logical3A_663, %and3A_666, %add3A_278], %gather3A_660 : memref<8x8x128xf32, #tpu.memory_space<vmem>>[vector<16xi32>, vector<16xi32>, vector<16xi32>], vector<16xf32>,
        %add3A_667 = arith.constant 32 : i32
        %add3A_668 = vector.broadcast %add3A_667 : i32 to vector<16xi32>
        %add3A_669 = arith.addi %and3A_62, %add3A_668 : vector<16xi32>
        %gather3A_670 = tpu.vector_load_idx %arg6[%add3A_278, %add3A_669] : memref<128x64xf32, #tpu.memory_space<vmem>>[vector<16xi32>, vector<16xi32>], vector<16xf32>,
        %shift_right_logical3A_671 = arith.constant 3 : i32
        %shift_right_logical3A_672 = vector.broadcast %shift_right_logical3A_671 : i32 to vector<16xi32>
        %shift_right_logical3A_673 = arith.shrui %add3A_669, %shift_right_logical3A_672 : vector<16xi32>
        %and3A_674 = arith.constant 7 : i32
        %and3A_675 = vector.broadcast %and3A_674 : i32 to vector<16xi32>
        %and3A_676 = arith.andi %add3A_669, %and3A_675 : vector<16xi32>
        tpu.vector_store_idx %arg8[%shift_right_logical3A_673, %and3A_676, %add3A_278], %gather3A_670 : memref<8x8x128xf32, #tpu.memory_space<vmem>>[vector<16xi32>, vector<16xi32>, vector<16xi32>], vector<16xf32>,
        %add3A_677 = arith.constant 32 : i32
        %add3A_678 = vector.broadcast %add3A_677 : i32 to vector<16xi32>
        %add3A_679 = arith.addi %and3A_68, %add3A_678 : vector<16xi32>
        %gather3A_680 = tpu.vector_load_idx %arg6[%add3A_278, %add3A_679] : memref<128x64xf32, #tpu.memory_space<vmem>>[vector<16xi32>, vector<16xi32>], vector<16xf32>,
        %shift_right_logical3A_681 = arith.constant 3 : i32
        %shift_right_logical3A_682 = vector.broadcast %shift_right_logical3A_681 : i32 to vector<16xi32>
        %shift_right_logical3A_683 = arith.shrui %add3A_679, %shift_right_logical3A_682 : vector<16xi32>
        %and3A_684 = arith.constant 7 : i32
        %and3A_685 = vector.broadcast %and3A_684 : i32 to vector<16xi32>
        %and3A_686 = arith.andi %add3A_679, %and3A_685 : vector<16xi32>
        tpu.vector_store_idx %arg8[%shift_right_logical3A_683, %and3A_686, %add3A_278], %gather3A_680 : memref<8x8x128xf32, #tpu.memory_space<vmem>>[vector<16xi32>, vector<16xi32>, vector<16xi32>], vector<16xf32>,
        %add3A_687 = arith.constant 32 : i32
        %add3A_688 = vector.broadcast %add3A_687 : i32 to vector<16xi32>
        %add3A_689 = arith.addi %and3A_74, %add3A_688 : vector<16xi32>
        %gather3A_690 = tpu.vector_load_idx %arg6[%add3A_278, %add3A_689] : memref<128x64xf32, #tpu.memory_space<vmem>>[vector<16xi32>, vector<16xi32>], vector<16xf32>,
        %shift_right_logical3A_691 = arith.constant 3 : i32
        %shift_right_logical3A_692 = vector.broadcast %shift_right_logical3A_691 : i32 to vector<16xi32>
        %shift_right_logical3A_693 = arith.shrui %add3A_689, %shift_right_logical3A_692 : vector<16xi32>
        %and3A_694 = arith.constant 7 : i32
        %and3A_695 = vector.broadcast %and3A_694 : i32 to vector<16xi32>
        %and3A_696 = arith.andi %add3A_689, %and3A_695 : vector<16xi32>
        tpu.vector_store_idx %arg8[%shift_right_logical3A_693, %and3A_696, %add3A_278], %gather3A_690 : memref<8x8x128xf32, #tpu.memory_space<vmem>>[vector<16xi32>, vector<16xi32>, vector<16xi32>], vector<16xf32>,
        %add3A_697 = arith.constant 32 : i32
        %add3A_698 = vector.broadcast %add3A_697 : i32 to vector<16xi32>
        %add3A_699 = arith.addi %and3A_80, %add3A_698 : vector<16xi32>
        %gather3A_700 = tpu.vector_load_idx %arg6[%add3A_278, %add3A_699] : memref<128x64xf32, #tpu.memory_space<vmem>>[vector<16xi32>, vector<16xi32>], vector<16xf32>,
        %shift_right_logical3A_701 = arith.constant 3 : i32
        %shift_right_logical3A_702 = vector.broadcast %shift_right_logical3A_701 : i32 to vector<16xi32>
        %shift_right_logical3A_703 = arith.shrui %add3A_699, %shift_right_logical3A_702 : vector<16xi32>
        %and3A_704 = arith.constant 7 : i32
        %and3A_705 = vector.broadcast %and3A_704 : i32 to vector<16xi32>
        %and3A_706 = arith.andi %add3A_699, %and3A_705 : vector<16xi32>
        tpu.vector_store_idx %arg8[%shift_right_logical3A_703, %and3A_706, %add3A_278], %gather3A_700 : memref<8x8x128xf32, #tpu.memory_space<vmem>>[vector<16xi32>, vector<16xi32>, vector<16xi32>], vector<16xf32>,
        %add3A_707 = arith.constant 32 : i32
        %add3A_708 = vector.broadcast %add3A_707 : i32 to vector<16xi32>
        %add3A_709 = arith.addi %and3A_86, %add3A_708 : vector<16xi32>
        %gather3A_710 = tpu.vector_load_idx %arg6[%add3A_278, %add3A_709] : memref<128x64xf32, #tpu.memory_space<vmem>>[vector<16xi32>, vector<16xi32>], vector<16xf32>,
        %shift_right_logical3A_711 = arith.constant 3 : i32
        %shift_right_logical3A_712 = vector.broadcast %shift_right_logical3A_711 : i32 to vector<16xi32>
        %shift_right_logical3A_713 = arith.shrui %add3A_709, %shift_right_logical3A_712 : vector<16xi32>
        %and3A_714 = arith.constant 7 : i32
        %and3A_715 = vector.broadcast %and3A_714 : i32 to vector<16xi32>
        %and3A_716 = arith.andi %add3A_709, %and3A_715 : vector<16xi32>
        tpu.vector_store_idx %arg8[%shift_right_logical3A_713, %and3A_716, %add3A_278], %gather3A_710 : memref<8x8x128xf32, #tpu.memory_space<vmem>>[vector<16xi32>, vector<16xi32>, vector<16xi32>], vector<16xf32>,
        %add3A_717 = arith.constant 32 : i32
        %add3A_718 = vector.broadcast %add3A_717 : i32 to vector<16xi32>
        %add3A_719 = arith.addi %and3A_92, %add3A_718 : vector<16xi32>
        %gather3A_720 = tpu.vector_load_idx %arg6[%add3A_278, %add3A_719] : memref<128x64xf32, #tpu.memory_space<vmem>>[vector<16xi32>, vector<16xi32>], vector<16xf32>,
        %shift_right_logical3A_721 = arith.constant 3 : i32
        %shift_right_logical3A_722 = vector.broadcast %shift_right_logical3A_721 : i32 to vector<16xi32>
        %shift_right_logical3A_723 = arith.shrui %add3A_719, %shift_right_logical3A_722 : vector<16xi32>
        %and3A_724 = arith.constant 7 : i32
        %and3A_725 = vector.broadcast %and3A_724 : i32 to vector<16xi32>
        %and3A_726 = arith.andi %add3A_719, %and3A_725 : vector<16xi32>
        tpu.vector_store_idx %arg8[%shift_right_logical3A_723, %and3A_726, %add3A_278], %gather3A_720 : memref<8x8x128xf32, #tpu.memory_space<vmem>>[vector<16xi32>, vector<16xi32>, vector<16xi32>], vector<16xf32>,
        %add3A_727 = arith.constant 32 : i32
        %add3A_728 = vector.broadcast %add3A_727 : i32 to vector<16xi32>
        %add3A_729 = arith.addi %and3A_98, %add3A_728 : vector<16xi32>
        %gather3A_730 = tpu.vector_load_idx %arg6[%add3A_278, %add3A_729] : memref<128x64xf32, #tpu.memory_space<vmem>>[vector<16xi32>, vector<16xi32>], vector<16xf32>,
        %shift_right_logical3A_731 = arith.constant 3 : i32
        %shift_right_logical3A_732 = vector.broadcast %shift_right_logical3A_731 : i32 to vector<16xi32>
        %shift_right_logical3A_733 = arith.shrui %add3A_729, %shift_right_logical3A_732 : vector<16xi32>
        %and3A_734 = arith.constant 7 : i32
        %and3A_735 = vector.broadcast %and3A_734 : i32 to vector<16xi32>
        %and3A_736 = arith.andi %add3A_729, %and3A_735 : vector<16xi32>
        tpu.vector_store_idx %arg8[%shift_right_logical3A_733, %and3A_736, %add3A_278], %gather3A_730 : memref<8x8x128xf32, #tpu.memory_space<vmem>>[vector<16xi32>, vector<16xi32>, vector<16xi32>], vector<16xf32>,
        %add3A_737 = arith.constant 32 : i32
        %add3A_738 = vector.broadcast %add3A_737 : i32 to vector<16xi32>
        %add3A_739 = arith.addi %and3A_104, %add3A_738 : vector<16xi32>
        %gather3A_740 = tpu.vector_load_idx %arg6[%add3A_278, %add3A_739] : memref<128x64xf32, #tpu.memory_space<vmem>>[vector<16xi32>, vector<16xi32>], vector<16xf32>,
        %shift_right_logical3A_741 = arith.constant 3 : i32
        %shift_right_logical3A_742 = vector.broadcast %shift_right_logical3A_741 : i32 to vector<16xi32>
        %shift_right_logical3A_743 = arith.shrui %add3A_739, %shift_right_logical3A_742 : vector<16xi32>
        %and3A_744 = arith.constant 7 : i32
        %and3A_745 = vector.broadcast %and3A_744 : i32 to vector<16xi32>
        %and3A_746 = arith.andi %add3A_739, %and3A_745 : vector<16xi32>
        tpu.vector_store_idx %arg8[%shift_right_logical3A_743, %and3A_746, %add3A_278], %gather3A_740 : memref<8x8x128xf32, #tpu.memory_space<vmem>>[vector<16xi32>, vector<16xi32>, vector<16xi32>], vector<16xf32>,
        %add3A_747 = arith.constant 32 : i32
        %add3A_748 = vector.broadcast %add3A_747 : i32 to vector<16xi32>
        %add3A_749 = arith.addi %and3A_110, %add3A_748 : vector<16xi32>
        %gather3A_750 = tpu.vector_load_idx %arg6[%add3A_278, %add3A_749] : memref<128x64xf32, #tpu.memory_space<vmem>>[vector<16xi32>, vector<16xi32>], vector<16xf32>,
        %shift_right_logical3A_751 = arith.constant 3 : i32
        %shift_right_logical3A_752 = vector.broadcast %shift_right_logical3A_751 : i32 to vector<16xi32>
        %shift_right_logical3A_753 = arith.shrui %add3A_749, %shift_right_logical3A_752 : vector<16xi32>
        %and3A_754 = arith.constant 7 : i32
        %and3A_755 = vector.broadcast %and3A_754 : i32 to vector<16xi32>
        %and3A_756 = arith.andi %add3A_749, %and3A_755 : vector<16xi32>
        tpu.vector_store_idx %arg8[%shift_right_logical3A_753, %and3A_756, %add3A_278], %gather3A_750 : memref<8x8x128xf32, #tpu.memory_space<vmem>>[vector<16xi32>, vector<16xi32>, vector<16xi32>], vector<16xf32>,
        %add3A_757 = arith.constant 48 : i32
        %add3A_758 = vector.broadcast %add3A_757 : i32 to vector<16xi32>
        %add3A_759 = arith.addi %and3A_20, %add3A_758 : vector<16xi32>
        %gather3A_760 = tpu.vector_load_idx %arg6[%add3A_278, %add3A_759] : memref<128x64xf32, #tpu.memory_space<vmem>>[vector<16xi32>, vector<16xi32>], vector<16xf32>,
        %shift_right_logical3A_761 = arith.constant 3 : i32
        %shift_right_logical3A_762 = vector.broadcast %shift_right_logical3A_761 : i32 to vector<16xi32>
        %shift_right_logical3A_763 = arith.shrui %add3A_759, %shift_right_logical3A_762 : vector<16xi32>
        %and3A_764 = arith.constant 7 : i32
        %and3A_765 = vector.broadcast %and3A_764 : i32 to vector<16xi32>
        %and3A_766 = arith.andi %add3A_759, %and3A_765 : vector<16xi32>
        tpu.vector_store_idx %arg8[%shift_right_logical3A_763, %and3A_766, %add3A_278], %gather3A_760 : memref<8x8x128xf32, #tpu.memory_space<vmem>>[vector<16xi32>, vector<16xi32>, vector<16xi32>], vector<16xf32>,
        %add3A_767 = arith.constant 48 : i32
        %add3A_768 = vector.broadcast %add3A_767 : i32 to vector<16xi32>
        %add3A_769 = arith.addi %and3A_26, %add3A_768 : vector<16xi32>
        %gather3A_770 = tpu.vector_load_idx %arg6[%add3A_278, %add3A_769] : memref<128x64xf32, #tpu.memory_space<vmem>>[vector<16xi32>, vector<16xi32>], vector<16xf32>,
        %shift_right_logical3A_771 = arith.constant 3 : i32
        %shift_right_logical3A_772 = vector.broadcast %shift_right_logical3A_771 : i32 to vector<16xi32>
        %shift_right_logical3A_773 = arith.shrui %add3A_769, %shift_right_logical3A_772 : vector<16xi32>
        %and3A_774 = arith.constant 7 : i32
        %and3A_775 = vector.broadcast %and3A_774 : i32 to vector<16xi32>
        %and3A_776 = arith.andi %add3A_769, %and3A_775 : vector<16xi32>
        tpu.vector_store_idx %arg8[%shift_right_logical3A_773, %and3A_776, %add3A_278], %gather3A_770 : memref<8x8x128xf32, #tpu.memory_space<vmem>>[vector<16xi32>, vector<16xi32>, vector<16xi32>], vector<16xf32>,
        %add3A_777 = arith.constant 48 : i32
        %add3A_778 = vector.broadcast %add3A_777 : i32 to vector<16xi32>
        %add3A_779 = arith.addi %and3A_32, %add3A_778 : vector<16xi32>
        %gather3A_780 = tpu.vector_load_idx %arg6[%add3A_278, %add3A_779] : memref<128x64xf32, #tpu.memory_space<vmem>>[vector<16xi32>, vector<16xi32>], vector<16xf32>,
        %shift_right_logical3A_781 = arith.constant 3 : i32
        %shift_right_logical3A_782 = vector.broadcast %shift_right_logical3A_781 : i32 to vector<16xi32>
        %shift_right_logical3A_783 = arith.shrui %add3A_779, %shift_right_logical3A_782 : vector<16xi32>
        %and3A_784 = arith.constant 7 : i32
        %and3A_785 = vector.broadcast %and3A_784 : i32 to vector<16xi32>
        %and3A_786 = arith.andi %add3A_779, %and3A_785 : vector<16xi32>
        tpu.vector_store_idx %arg8[%shift_right_logical3A_783, %and3A_786, %add3A_278], %gather3A_780 : memref<8x8x128xf32, #tpu.memory_space<vmem>>[vector<16xi32>, vector<16xi32>, vector<16xi32>], vector<16xf32>,
        %add3A_787 = arith.constant 48 : i32
        %add3A_788 = vector.broadcast %add3A_787 : i32 to vector<16xi32>
        %add3A_789 = arith.addi %and3A_38, %add3A_788 : vector<16xi32>
        %gather3A_790 = tpu.vector_load_idx %arg6[%add3A_278, %add3A_789] : memref<128x64xf32, #tpu.memory_space<vmem>>[vector<16xi32>, vector<16xi32>], vector<16xf32>,
        %shift_right_logical3A_791 = arith.constant 3 : i32
        %shift_right_logical3A_792 = vector.broadcast %shift_right_logical3A_791 : i32 to vector<16xi32>
        %shift_right_logical3A_793 = arith.shrui %add3A_789, %shift_right_logical3A_792 : vector<16xi32>
        %and3A_794 = arith.constant 7 : i32
        %and3A_795 = vector.broadcast %and3A_794 : i32 to vector<16xi32>
        %and3A_796 = arith.andi %add3A_789, %and3A_795 : vector<16xi32>
        tpu.vector_store_idx %arg8[%shift_right_logical3A_793, %and3A_796, %add3A_278], %gather3A_790 : memref<8x8x128xf32, #tpu.memory_space<vmem>>[vector<16xi32>, vector<16xi32>, vector<16xi32>], vector<16xf32>,
        %add3A_797 = arith.constant 48 : i32
        %add3A_798 = vector.broadcast %add3A_797 : i32 to vector<16xi32>
        %add3A_799 = arith.addi %and3A_44, %add3A_798 : vector<16xi32>
        %gather3A_800 = tpu.vector_load_idx %arg6[%add3A_278, %add3A_799] : memref<128x64xf32, #tpu.memory_space<vmem>>[vector<16xi32>, vector<16xi32>], vector<16xf32>,
        %shift_right_logical3A_801 = arith.constant 3 : i32
        %shift_right_logical3A_802 = vector.broadcast %shift_right_logical3A_801 : i32 to vector<16xi32>
        %shift_right_logical3A_803 = arith.shrui %add3A_799, %shift_right_logical3A_802 : vector<16xi32>
        %and3A_804 = arith.constant 7 : i32
        %and3A_805 = vector.broadcast %and3A_804 : i32 to vector<16xi32>
        %and3A_806 = arith.andi %add3A_799, %and3A_805 : vector<16xi32>
        tpu.vector_store_idx %arg8[%shift_right_logical3A_803, %and3A_806, %add3A_278], %gather3A_800 : memref<8x8x128xf32, #tpu.memory_space<vmem>>[vector<16xi32>, vector<16xi32>, vector<16xi32>], vector<16xf32>,
        %add3A_807 = arith.constant 48 : i32
        %add3A_808 = vector.broadcast %add3A_807 : i32 to vector<16xi32>
        %add3A_809 = arith.addi %and3A_50, %add3A_808 : vector<16xi32>
        %gather3A_810 = tpu.vector_load_idx %arg6[%add3A_278, %add3A_809] : memref<128x64xf32, #tpu.memory_space<vmem>>[vector<16xi32>, vector<16xi32>], vector<16xf32>,
        %shift_right_logical3A_811 = arith.constant 3 : i32
        %shift_right_logical3A_812 = vector.broadcast %shift_right_logical3A_811 : i32 to vector<16xi32>
        %shift_right_logical3A_813 = arith.shrui %add3A_809, %shift_right_logical3A_812 : vector<16xi32>
        %and3A_814 = arith.constant 7 : i32
        %and3A_815 = vector.broadcast %and3A_814 : i32 to vector<16xi32>
        %and3A_816 = arith.andi %add3A_809, %and3A_815 : vector<16xi32>
        tpu.vector_store_idx %arg8[%shift_right_logical3A_813, %and3A_816, %add3A_278], %gather3A_810 : memref<8x8x128xf32, #tpu.memory_space<vmem>>[vector<16xi32>, vector<16xi32>, vector<16xi32>], vector<16xf32>,
        %add3A_817 = arith.constant 48 : i32
        %add3A_818 = vector.broadcast %add3A_817 : i32 to vector<16xi32>
        %add3A_819 = arith.addi %and3A_56, %add3A_818 : vector<16xi32>
        %gather3A_820 = tpu.vector_load_idx %arg6[%add3A_278, %add3A_819] : memref<128x64xf32, #tpu.memory_space<vmem>>[vector<16xi32>, vector<16xi32>], vector<16xf32>,
        %shift_right_logical3A_821 = arith.constant 3 : i32
        %shift_right_logical3A_822 = vector.broadcast %shift_right_logical3A_821 : i32 to vector<16xi32>
        %shift_right_logical3A_823 = arith.shrui %add3A_819, %shift_right_logical3A_822 : vector<16xi32>
        %and3A_824 = arith.constant 7 : i32
        %and3A_825 = vector.broadcast %and3A_824 : i32 to vector<16xi32>
        %and3A_826 = arith.andi %add3A_819, %and3A_825 : vector<16xi32>
        tpu.vector_store_idx %arg8[%shift_right_logical3A_823, %and3A_826, %add3A_278], %gather3A_820 : memref<8x8x128xf32, #tpu.memory_space<vmem>>[vector<16xi32>, vector<16xi32>, vector<16xi32>], vector<16xf32>,
        %add3A_827 = arith.constant 48 : i32
        %add3A_828 = vector.broadcast %add3A_827 : i32 to vector<16xi32>
        %add3A_829 = arith.addi %and3A_62, %add3A_828 : vector<16xi32>
        %gather3A_830 = tpu.vector_load_idx %arg6[%add3A_278, %add3A_829] : memref<128x64xf32, #tpu.memory_space<vmem>>[vector<16xi32>, vector<16xi32>], vector<16xf32>,
        %shift_right_logical3A_831 = arith.constant 3 : i32
        %shift_right_logical3A_832 = vector.broadcast %shift_right_logical3A_831 : i32 to vector<16xi32>
        %shift_right_logical3A_833 = arith.shrui %add3A_829, %shift_right_logical3A_832 : vector<16xi32>
        %and3A_834 = arith.constant 7 : i32
        %and3A_835 = vector.broadcast %and3A_834 : i32 to vector<16xi32>
        %and3A_836 = arith.andi %add3A_829, %and3A_835 : vector<16xi32>
        tpu.vector_store_idx %arg8[%shift_right_logical3A_833, %and3A_836, %add3A_278], %gather3A_830 : memref<8x8x128xf32, #tpu.memory_space<vmem>>[vector<16xi32>, vector<16xi32>, vector<16xi32>], vector<16xf32>,
        %add3A_837 = arith.constant 48 : i32
        %add3A_838 = vector.broadcast %add3A_837 : i32 to vector<16xi32>
        %add3A_839 = arith.addi %and3A_68, %add3A_838 : vector<16xi32>
        %gather3A_840 = tpu.vector_load_idx %arg6[%add3A_278, %add3A_839] : memref<128x64xf32, #tpu.memory_space<vmem>>[vector<16xi32>, vector<16xi32>], vector<16xf32>,
        %shift_right_logical3A_841 = arith.constant 3 : i32
        %shift_right_logical3A_842 = vector.broadcast %shift_right_logical3A_841 : i32 to vector<16xi32>
        %shift_right_logical3A_843 = arith.shrui %add3A_839, %shift_right_logical3A_842 : vector<16xi32>
        %and3A_844 = arith.constant 7 : i32
        %and3A_845 = vector.broadcast %and3A_844 : i32 to vector<16xi32>
        %and3A_846 = arith.andi %add3A_839, %and3A_845 : vector<16xi32>
        tpu.vector_store_idx %arg8[%shift_right_logical3A_843, %and3A_846, %add3A_278], %gather3A_840 : memref<8x8x128xf32, #tpu.memory_space<vmem>>[vector<16xi32>, vector<16xi32>, vector<16xi32>], vector<16xf32>,
        %add3A_847 = arith.constant 48 : i32
        %add3A_848 = vector.broadcast %add3A_847 : i32 to vector<16xi32>
        %add3A_849 = arith.addi %and3A_74, %add3A_848 : vector<16xi32>
        %gather3A_850 = tpu.vector_load_idx %arg6[%add3A_278, %add3A_849] : memref<128x64xf32, #tpu.memory_space<vmem>>[vector<16xi32>, vector<16xi32>], vector<16xf32>,
        %shift_right_logical3A_851 = arith.constant 3 : i32
        %shift_right_logical3A_852 = vector.broadcast %shift_right_logical3A_851 : i32 to vector<16xi32>
        %shift_right_logical3A_853 = arith.shrui %add3A_849, %shift_right_logical3A_852 : vector<16xi32>
        %and3A_854 = arith.constant 7 : i32
        %and3A_855 = vector.broadcast %and3A_854 : i32 to vector<16xi32>
        %and3A_856 = arith.andi %add3A_849, %and3A_855 : vector<16xi32>
        tpu.vector_store_idx %arg8[%shift_right_logical3A_853, %and3A_856, %add3A_278], %gather3A_850 : memref<8x8x128xf32, #tpu.memory_space<vmem>>[vector<16xi32>, vector<16xi32>, vector<16xi32>], vector<16xf32>,
        %add3A_857 = arith.constant 48 : i32
        %add3A_858 = vector.broadcast %add3A_857 : i32 to vector<16xi32>
        %add3A_859 = arith.addi %and3A_80, %add3A_858 : vector<16xi32>
        %gather3A_860 = tpu.vector_load_idx %arg6[%add3A_278, %add3A_859] : memref<128x64xf32, #tpu.memory_space<vmem>>[vector<16xi32>, vector<16xi32>], vector<16xf32>,
        %shift_right_logical3A_861 = arith.constant 3 : i32
        %shift_right_logical3A_862 = vector.broadcast %shift_right_logical3A_861 : i32 to vector<16xi32>
        %shift_right_logical3A_863 = arith.shrui %add3A_859, %shift_right_logical3A_862 : vector<16xi32>
        %and3A_864 = arith.constant 7 : i32
        %and3A_865 = vector.broadcast %and3A_864 : i32 to vector<16xi32>
        %and3A_866 = arith.andi %add3A_859, %and3A_865 : vector<16xi32>
        tpu.vector_store_idx %arg8[%shift_right_logical3A_863, %and3A_866, %add3A_278], %gather3A_860 : memref<8x8x128xf32, #tpu.memory_space<vmem>>[vector<16xi32>, vector<16xi32>, vector<16xi32>], vector<16xf32>,
        %add3A_867 = arith.constant 48 : i32
        %add3A_868 = vector.broadcast %add3A_867 : i32 to vector<16xi32>
        %add3A_869 = arith.addi %and3A_86, %add3A_868 : vector<16xi32>
        %gather3A_870 = tpu.vector_load_idx %arg6[%add3A_278, %add3A_869] : memref<128x64xf32, #tpu.memory_space<vmem>>[vector<16xi32>, vector<16xi32>], vector<16xf32>,
        %shift_right_logical3A_871 = arith.constant 3 : i32
        %shift_right_logical3A_872 = vector.broadcast %shift_right_logical3A_871 : i32 to vector<16xi32>
        %shift_right_logical3A_873 = arith.shrui %add3A_869, %shift_right_logical3A_872 : vector<16xi32>
        %and3A_874 = arith.constant 7 : i32
        %and3A_875 = vector.broadcast %and3A_874 : i32 to vector<16xi32>
        %and3A_876 = arith.andi %add3A_869, %and3A_875 : vector<16xi32>
        tpu.vector_store_idx %arg8[%shift_right_logical3A_873, %and3A_876, %add3A_278], %gather3A_870 : memref<8x8x128xf32, #tpu.memory_space<vmem>>[vector<16xi32>, vector<16xi32>, vector<16xi32>], vector<16xf32>,
        %add3A_877 = arith.constant 48 : i32
        %add3A_878 = vector.broadcast %add3A_877 : i32 to vector<16xi32>
        %add3A_879 = arith.addi %and3A_92, %add3A_878 : vector<16xi32>
        %gather3A_880 = tpu.vector_load_idx %arg6[%add3A_278, %add3A_879] : memref<128x64xf32, #tpu.memory_space<vmem>>[vector<16xi32>, vector<16xi32>], vector<16xf32>,
        %shift_right_logical3A_881 = arith.constant 3 : i32
        %shift_right_logical3A_882 = vector.broadcast %shift_right_logical3A_881 : i32 to vector<16xi32>
        %shift_right_logical3A_883 = arith.shrui %add3A_879, %shift_right_logical3A_882 : vector<16xi32>
        %and3A_884 = arith.constant 7 : i32
        %and3A_885 = vector.broadcast %and3A_884 : i32 to vector<16xi32>
        %and3A_886 = arith.andi %add3A_879, %and3A_885 : vector<16xi32>
        tpu.vector_store_idx %arg8[%shift_right_logical3A_883, %and3A_886, %add3A_278], %gather3A_880 : memref<8x8x128xf32, #tpu.memory_space<vmem>>[vector<16xi32>, vector<16xi32>, vector<16xi32>], vector<16xf32>,
        %add3A_887 = arith.constant 48 : i32
        %add3A_888 = vector.broadcast %add3A_887 : i32 to vector<16xi32>
        %add3A_889 = arith.addi %and3A_98, %add3A_888 : vector<16xi32>
        %gather3A_890 = tpu.vector_load_idx %arg6[%add3A_278, %add3A_889] : memref<128x64xf32, #tpu.memory_space<vmem>>[vector<16xi32>, vector<16xi32>], vector<16xf32>,
        %shift_right_logical3A_891 = arith.constant 3 : i32
        %shift_right_logical3A_892 = vector.broadcast %shift_right_logical3A_891 : i32 to vector<16xi32>
        %shift_right_logical3A_893 = arith.shrui %add3A_889, %shift_right_logical3A_892 : vector<16xi32>
        %and3A_894 = arith.constant 7 : i32
        %and3A_895 = vector.broadcast %and3A_894 : i32 to vector<16xi32>
        %and3A_896 = arith.andi %add3A_889, %and3A_895 : vector<16xi32>
        tpu.vector_store_idx %arg8[%shift_right_logical3A_893, %and3A_896, %add3A_278], %gather3A_890 : memref<8x8x128xf32, #tpu.memory_space<vmem>>[vector<16xi32>, vector<16xi32>, vector<16xi32>], vector<16xf32>,
        %add3A_897 = arith.constant 48 : i32
        %add3A_898 = vector.broadcast %add3A_897 : i32 to vector<16xi32>
        %add3A_899 = arith.addi %and3A_104, %add3A_898 : vector<16xi32>
        %gather3A_900 = tpu.vector_load_idx %arg6[%add3A_278, %add3A_899] : memref<128x64xf32, #tpu.memory_space<vmem>>[vector<16xi32>, vector<16xi32>], vector<16xf32>,
        %shift_right_logical3A_901 = arith.constant 3 : i32
        %shift_right_logical3A_902 = vector.broadcast %shift_right_logical3A_901 : i32 to vector<16xi32>
        %shift_right_logical3A_903 = arith.shrui %add3A_899, %shift_right_logical3A_902 : vector<16xi32>
        %and3A_904 = arith.constant 7 : i32
        %and3A_905 = vector.broadcast %and3A_904 : i32 to vector<16xi32>
        %and3A_906 = arith.andi %add3A_899, %and3A_905 : vector<16xi32>
        tpu.vector_store_idx %arg8[%shift_right_logical3A_903, %and3A_906, %add3A_278], %gather3A_900 : memref<8x8x128xf32, #tpu.memory_space<vmem>>[vector<16xi32>, vector<16xi32>, vector<16xi32>], vector<16xf32>,
        %add3A_907 = arith.constant 48 : i32
        %add3A_908 = vector.broadcast %add3A_907 : i32 to vector<16xi32>
        %add3A_909 = arith.addi %and3A_110, %add3A_908 : vector<16xi32>
        %gather3A_910 = tpu.vector_load_idx %arg6[%add3A_278, %add3A_909] : memref<128x64xf32, #tpu.memory_space<vmem>>[vector<16xi32>, vector<16xi32>], vector<16xf32>,
        %shift_right_logical3A_911 = arith.constant 3 : i32
        %shift_right_logical3A_912 = vector.broadcast %shift_right_logical3A_911 : i32 to vector<16xi32>
        %shift_right_logical3A_913 = arith.shrui %add3A_909, %shift_right_logical3A_912 : vector<16xi32>
        %and3A_914 = arith.constant 7 : i32
        %and3A_915 = vector.broadcast %and3A_914 : i32 to vector<16xi32>
        %and3A_916 = arith.andi %add3A_909, %and3A_915 : vector<16xi32>
        tpu.vector_store_idx %arg8[%shift_right_logical3A_913, %and3A_916, %add3A_278], %gather3A_910 : memref<8x8x128xf32, #tpu.memory_space<vmem>>[vector<16xi32>, vector<16xi32>, vector<16xi32>], vector<16xf32>,
        %scan3A_917 = arith.constant 0 : i32
        scf.yield %scan3A_917 : i32
      }
      %scan3A_180 = arith.constant 8 : i32
      %mul3A_181 = arith.constant 2 : i32
      %mul3A_182 = arith.muli %mul3A_181, %add3A_165 : i32
      %add3A_183 = arith.constant 0 : i32
      %add3A_184 = arith.addi %mul3A_182, %add3A_183 : i32
      %dma_start3A_185 = arith.constant 0 : i32
      %dma_start3A_186 = arith.constant 0 : i32
      %dma_start3A_187 = arith.constant 0 : i32
      %dma_start3A_188 = tpu.memref_slice %arg4[%add3A_184, %dma_start3A_185, %add3A, %dma_start3A_186, %dma_start3A_187] : memref<400x8x32x8x128xf32, #tpu.memory_space<hbm>> -> memref<1x8x1x8x128xf32, #tpu.memory_space<hbm>>
      %dma_start3A_189 = tpu.memref_squeeze %dma_start3A_188 : memref<1x8x1x8x128xf32, #tpu.memory_space<hbm>> -> memref<8x8x128xf32, #tpu.memory_space<hbm>>
      %dma_start3A_190 = arith.constant 0 : i32
      %dma_start3A_191 = arith.constant 0 : i32
      %dma_start3A_192 = arith.constant 0 : i32
      %dma_start3A_193 = tpu.memref_slice %arg4[%add3A_184, %dma_start3A_190, %add3A, %dma_start3A_191, %dma_start3A_192] : memref<400x8x32x8x128xf32, #tpu.memory_space<hbm>> -> memref<1x8x1x8x128xf32, #tpu.memory_space<hbm>>
      %dma_start3A_194 = tpu.memref_squeeze %dma_start3A_193 : memref<1x8x1x8x128xf32, #tpu.memory_space<hbm>> -> memref<8x8x128xf32, #tpu.memory_space<hbm>>
      tpu.enqueue_dma source(%arg8 : memref<8x8x128xf32, #tpu.memory_space<vmem>>) target(%dma_start3A_194 : memref<8x8x128xf32, #tpu.memory_space<hbm>>) target_semaphore(%arg12 : memref<!tpu.dma_semaphore, #tpu.memory_space<semaphore_mem>>)
      %mul3A_195 = arith.constant 2 : i32
      %mul3A_196 = arith.muli %mul3A_195, %add3A_165 : i32
      %add3A_197 = arith.constant 1 : i32
      %add3A_198 = arith.addi %mul3A_196, %add3A_197 : i32
      %dma_start3A_199 = arith.constant 0 : i32
      %dma_start3A_200 = arith.constant 0 : i32
      %dma_start3A_201 = arith.constant 0 : i32
      %dma_start3A_202 = tpu.memref_slice %arg4[%add3A_198, %dma_start3A_199, %add3A, %dma_start3A_200, %dma_start3A_201] : memref<400x8x32x8x128xf32, #tpu.memory_space<hbm>> -> memref<1x8x1x8x128xf32, #tpu.memory_space<hbm>>
      %dma_start3A_203 = tpu.memref_squeeze %dma_start3A_202 : memref<1x8x1x8x128xf32, #tpu.memory_space<hbm>> -> memref<8x8x128xf32, #tpu.memory_space<hbm>>
      %dma_start3A_204 = arith.constant 0 : i32
      %dma_start3A_205 = arith.constant 0 : i32
      %dma_start3A_206 = arith.constant 0 : i32
      %dma_start3A_207 = tpu.memref_slice %arg4[%add3A_198, %dma_start3A_204, %add3A, %dma_start3A_205, %dma_start3A_206] : memref<400x8x32x8x128xf32, #tpu.memory_space<hbm>> -> memref<1x8x1x8x128xf32, #tpu.memory_space<hbm>>
      %dma_start3A_208 = tpu.memref_squeeze %dma_start3A_207 : memref<1x8x1x8x128xf32, #tpu.memory_space<hbm>> -> memref<8x8x128xf32, #tpu.memory_space<hbm>>
      tpu.enqueue_dma source(%arg8 : memref<8x8x128xf32, #tpu.memory_space<vmem>>) target(%dma_start3A_208 : memref<8x8x128xf32, #tpu.memory_space<hbm>>) target_semaphore(%arg12 : memref<!tpu.dma_semaphore, #tpu.memory_space<semaphore_mem>>)
      %add3A_209 = arith.constant 2 : i32
      %add3A_210 = arith.addi %add3A_165, %add3A_209 : i32
      %lt3A = arith.constant 200 : i32
      %lt3A_211 = arith.cmpi slt, %add3A_210, %lt3A : i32
      %convert_element_type3A_212 = arith.extui %lt3A_211 : i1 to i32
      %cond3A_213 = arith.constant 0 : i32
      %cond3A_214 = arith.cmpi ne, %convert_element_type3A_212, %cond3A_213 : i32
      scf.if %cond3A_214 {
        %add3A_273 = arith.constant 2 : i32
        %add3A_274 = arith.addi %add3A_165, %add3A_273 : i32
        %dma_start3A_275 = arith.constant 0 : i32
        %dma_start3A_276 = tpu.memref_slice %arg5[%add3A_274, %dma_start3A_275] : memref<200x128xi32, #tpu.memory_space<vmem>> -> memref<1x128xi32, #tpu.memory_space<vmem>>
        %dma_start3A_277 = tpu.memref_squeeze %dma_start3A_276 : memref<1x128xi32, #tpu.memory_space<vmem>> -> memref<128xi32, #tpu.memory_space<vmem>>
        %dma_start3A_278 = arith.constant 0 : i32
        %dma_start3A_279 = arith.constant 0 : i32
        %dma_start3A_280 = tpu.memref_slice %arg3[%dma_start3A_278, %dma_start3A_279] : memref<100001x64xf32, #tpu.memory_space<hbm>> -> memref<100001x64xf32, #tpu.memory_space<hbm>>
        tpu.enqueue_indirect_dma source(%dma_start3A_280 : memref<100001x64xf32, #tpu.memory_space<hbm>>) target(%arg6 : memref<128x64xf32, #tpu.memory_space<vmem>>) offsets(%dma_start3A_277 : memref<128xi32, #tpu.memory_space<vmem>>) semaphore(%arg10 : memref<!tpu.dma_semaphore, #tpu.memory_space<semaphore_mem>>)
      } else {
      }
      %mul3A_215 = arith.constant 2 : i32
      %mul3A_216 = arith.muli %scan3A_160, %mul3A_215 : i32
      %add3A_217 = arith.constant 1 : i32
      %add3A_218 = arith.addi %mul3A_216, %add3A_217 : i32
      %dma_wait3A_219 = arith.constant 0 : i32
      %dma_wait3A_220 = tpu.memref_slice %arg5[%add3A_218, %dma_wait3A_219] : memref<200x128xi32, #tpu.memory_space<vmem>> -> memref<1x128xi32, #tpu.memory_space<vmem>>
      %dma_wait3A_221 = tpu.memref_squeeze %dma_wait3A_220 : memref<1x128xi32, #tpu.memory_space<vmem>> -> memref<128xi32, #tpu.memory_space<vmem>>
      %dma_wait3A_222 = arith.constant 0 : i32
      %dma_wait3A_223 = arith.constant 0 : i32
      %dma_wait3A_224 = tpu.memref_slice %arg3[%dma_wait3A_222, %dma_wait3A_223] : memref<100001x64xf32, #tpu.memory_space<hbm>> -> memref<100001x64xf32, #tpu.memory_space<hbm>>
      tpu.wait_indirect_dma semaphore(%arg11 : memref<!tpu.dma_semaphore, #tpu.memory_space<semaphore_mem>>) src(%dma_wait3A_224 : memref<100001x64xf32, #tpu.memory_space<hbm>>) dst(%arg7 : memref<128x64xf32, #tpu.memory_space<vmem>>)
      %ge3A_225 = arith.constant 2 : i32
      %ge3A_226 = arith.cmpi sge, %add3A_218, %ge3A_225 : i32
      %convert_element_type3A_227 = arith.extui %ge3A_226 : i1 to i32
      %cond3A_228 = arith.constant 0 : i32
      %cond3A_229 = arith.cmpi ne, %convert_element_type3A_227, %cond3A_228 : i32
      scf.if %cond3A_229 {
        %sub3A = arith.constant 2 : i32
        %sub3A_273 = arith.subi %add3A_218, %sub3A : i32
        %mul3A_274 = arith.constant 2 : i32
        %mul3A_275 = arith.muli %mul3A_274, %sub3A_273 : i32
        %add3A_276 = arith.constant 0 : i32
        %add3A_277 = arith.addi %mul3A_275, %add3A_276 : i32
        %dma_wait3A_278 = arith.constant 0 : i32
        %dma_wait3A_279 = arith.constant 0 : i32
        %dma_wait3A_280 = arith.constant 0 : i32
        %dma_wait3A_281 = tpu.memref_slice %arg4[%add3A_277, %dma_wait3A_278, %add3A, %dma_wait3A_279, %dma_wait3A_280] : memref<400x8x32x8x128xf32, #tpu.memory_space<hbm>> -> memref<1x8x1x8x128xf32, #tpu.memory_space<hbm>>
        %dma_wait3A_282 = tpu.memref_squeeze %dma_wait3A_281 : memref<1x8x1x8x128xf32, #tpu.memory_space<hbm>> -> memref<8x8x128xf32, #tpu.memory_space<hbm>>
        %dma_wait3A_283 = arith.constant 0 : i32
        %dma_wait3A_284 = arith.constant 0 : i32
        %dma_wait3A_285 = arith.constant 0 : i32
        %dma_wait3A_286 = tpu.memref_slice %arg4[%add3A_277, %dma_wait3A_283, %add3A, %dma_wait3A_284, %dma_wait3A_285] : memref<400x8x32x8x128xf32, #tpu.memory_space<hbm>> -> memref<1x8x1x8x128xf32, #tpu.memory_space<hbm>>
        %dma_wait3A_287 = tpu.memref_squeeze %dma_wait3A_286 : memref<1x8x1x8x128xf32, #tpu.memory_space<hbm>> -> memref<8x8x128xf32, #tpu.memory_space<hbm>>
        tpu.wait_dma2 semaphore(%arg13 : memref<!tpu.dma_semaphore, #tpu.memory_space<semaphore_mem>>) src(%arg9 : memref<8x8x128xf32, #tpu.memory_space<vmem>>) dst(%dma_wait3A_287 : memref<8x8x128xf32, #tpu.memory_space<hbm>>)
        %mul3A_288 = arith.constant 2 : i32
        %mul3A_289 = arith.muli %mul3A_288, %sub3A_273 : i32
        %add3A_290 = arith.constant 1 : i32
        %add3A_291 = arith.addi %mul3A_289, %add3A_290 : i32
        %dma_wait3A_292 = arith.constant 0 : i32
        %dma_wait3A_293 = arith.constant 0 : i32
        %dma_wait3A_294 = arith.constant 0 : i32
        %dma_wait3A_295 = tpu.memref_slice %arg4[%add3A_291, %dma_wait3A_292, %add3A, %dma_wait3A_293, %dma_wait3A_294] : memref<400x8x32x8x128xf32, #tpu.memory_space<hbm>> -> memref<1x8x1x8x128xf32, #tpu.memory_space<hbm>>
        %dma_wait3A_296 = tpu.memref_squeeze %dma_wait3A_295 : memref<1x8x1x8x128xf32, #tpu.memory_space<hbm>> -> memref<8x8x128xf32, #tpu.memory_space<hbm>>
        %dma_wait3A_297 = arith.constant 0 : i32
        %dma_wait3A_298 = arith.constant 0 : i32
        %dma_wait3A_299 = arith.constant 0 : i32
        %dma_wait3A_300 = tpu.memref_slice %arg4[%add3A_291, %dma_wait3A_297, %add3A, %dma_wait3A_298, %dma_wait3A_299] : memref<400x8x32x8x128xf32, #tpu.memory_space<hbm>> -> memref<1x8x1x8x128xf32, #tpu.memory_space<hbm>>
        %dma_wait3A_301 = tpu.memref_squeeze %dma_wait3A_300 : memref<1x8x1x8x128xf32, #tpu.memory_space<hbm>> -> memref<8x8x128xf32, #tpu.memory_space<hbm>>
        tpu.wait_dma2 semaphore(%arg13 : memref<!tpu.dma_semaphore, #tpu.memory_space<semaphore_mem>>) src(%arg9 : memref<8x8x128xf32, #tpu.memory_space<vmem>>) dst(%dma_wait3A_301 : memref<8x8x128xf32, #tpu.memory_space<hbm>>)
      } else {
      }
      %scan3A_230 = arith.constant 0 : i32
      %scan3A_231 = arith.constant 0 : i32
      %scan3A_232 = arith.constant 8 : i32
      %scan3A_233 = arith.addi %scan3A_231, %scan3A_232 : i32
      %scan3A_234 = arith.constant 1 : i32
      %scan3A_235 = scf.for %scan3A_273 = %scan3A_231 to %scan3A_233 step %scan3A_234 iter_args(%scan3A_274 = %scan3A_230) -> (i32)  : i32 {
        %mul3A_275 = arith.constant 16 : i32
        %mul3A_276 = arith.muli %scan3A_273, %mul3A_275 : i32
        %add3A_277 = vector.broadcast %mul3A_276 : i32 to vector<16xi32>
        %add3A_278 = arith.addi %iota3A, %add3A_277 : vector<16xi32>
        %add3A_279 = arith.constant 0 : i32
        %add3A_280 = vector.broadcast %add3A_279 : i32 to vector<16xi32>
        %add3A_281 = arith.addi %and3A_20, %add3A_280 : vector<16xi32>
        %gather3A = tpu.vector_load_idx %arg7[%add3A_278, %add3A_281] : memref<128x64xf32, #tpu.memory_space<vmem>>[vector<16xi32>, vector<16xi32>], vector<16xf32>,
        %shift_right_logical3A = arith.constant 3 : i32
        %shift_right_logical3A_282 = vector.broadcast %shift_right_logical3A : i32 to vector<16xi32>
        %shift_right_logical3A_283 = arith.shrui %add3A_281, %shift_right_logical3A_282 : vector<16xi32>
        %and3A_284 = arith.constant 7 : i32
        %and3A_285 = vector.broadcast %and3A_284 : i32 to vector<16xi32>
        %and3A_286 = arith.andi %add3A_281, %and3A_285 : vector<16xi32>
        tpu.vector_store_idx %arg9[%shift_right_logical3A_283, %and3A_286, %add3A_278], %gather3A : memref<8x8x128xf32, #tpu.memory_space<vmem>>[vector<16xi32>, vector<16xi32>, vector<16xi32>], vector<16xf32>,
        %add3A_287 = arith.constant 0 : i32
        %add3A_288 = vector.broadcast %add3A_287 : i32 to vector<16xi32>
        %add3A_289 = arith.addi %and3A_26, %add3A_288 : vector<16xi32>
        %gather3A_290 = tpu.vector_load_idx %arg7[%add3A_278, %add3A_289] : memref<128x64xf32, #tpu.memory_space<vmem>>[vector<16xi32>, vector<16xi32>], vector<16xf32>,
        %shift_right_logical3A_291 = arith.constant 3 : i32
        %shift_right_logical3A_292 = vector.broadcast %shift_right_logical3A_291 : i32 to vector<16xi32>
        %shift_right_logical3A_293 = arith.shrui %add3A_289, %shift_right_logical3A_292 : vector<16xi32>
        %and3A_294 = arith.constant 7 : i32
        %and3A_295 = vector.broadcast %and3A_294 : i32 to vector<16xi32>
        %and3A_296 = arith.andi %add3A_289, %and3A_295 : vector<16xi32>
        tpu.vector_store_idx %arg9[%shift_right_logical3A_293, %and3A_296, %add3A_278], %gather3A_290 : memref<8x8x128xf32, #tpu.memory_space<vmem>>[vector<16xi32>, vector<16xi32>, vector<16xi32>], vector<16xf32>,
        %add3A_297 = arith.constant 0 : i32
        %add3A_298 = vector.broadcast %add3A_297 : i32 to vector<16xi32>
        %add3A_299 = arith.addi %and3A_32, %add3A_298 : vector<16xi32>
        %gather3A_300 = tpu.vector_load_idx %arg7[%add3A_278, %add3A_299] : memref<128x64xf32, #tpu.memory_space<vmem>>[vector<16xi32>, vector<16xi32>], vector<16xf32>,
        %shift_right_logical3A_301 = arith.constant 3 : i32
        %shift_right_logical3A_302 = vector.broadcast %shift_right_logical3A_301 : i32 to vector<16xi32>
        %shift_right_logical3A_303 = arith.shrui %add3A_299, %shift_right_logical3A_302 : vector<16xi32>
        %and3A_304 = arith.constant 7 : i32
        %and3A_305 = vector.broadcast %and3A_304 : i32 to vector<16xi32>
        %and3A_306 = arith.andi %add3A_299, %and3A_305 : vector<16xi32>
        tpu.vector_store_idx %arg9[%shift_right_logical3A_303, %and3A_306, %add3A_278], %gather3A_300 : memref<8x8x128xf32, #tpu.memory_space<vmem>>[vector<16xi32>, vector<16xi32>, vector<16xi32>], vector<16xf32>,
        %add3A_307 = arith.constant 0 : i32
        %add3A_308 = vector.broadcast %add3A_307 : i32 to vector<16xi32>
        %add3A_309 = arith.addi %and3A_38, %add3A_308 : vector<16xi32>
        %gather3A_310 = tpu.vector_load_idx %arg7[%add3A_278, %add3A_309] : memref<128x64xf32, #tpu.memory_space<vmem>>[vector<16xi32>, vector<16xi32>], vector<16xf32>,
        %shift_right_logical3A_311 = arith.constant 3 : i32
        %shift_right_logical3A_312 = vector.broadcast %shift_right_logical3A_311 : i32 to vector<16xi32>
        %shift_right_logical3A_313 = arith.shrui %add3A_309, %shift_right_logical3A_312 : vector<16xi32>
        %and3A_314 = arith.constant 7 : i32
        %and3A_315 = vector.broadcast %and3A_314 : i32 to vector<16xi32>
        %and3A_316 = arith.andi %add3A_309, %and3A_315 : vector<16xi32>
        tpu.vector_store_idx %arg9[%shift_right_logical3A_313, %and3A_316, %add3A_278], %gather3A_310 : memref<8x8x128xf32, #tpu.memory_space<vmem>>[vector<16xi32>, vector<16xi32>, vector<16xi32>], vector<16xf32>,
        %add3A_317 = arith.constant 0 : i32
        %add3A_318 = vector.broadcast %add3A_317 : i32 to vector<16xi32>
        %add3A_319 = arith.addi %and3A_44, %add3A_318 : vector<16xi32>
        %gather3A_320 = tpu.vector_load_idx %arg7[%add3A_278, %add3A_319] : memref<128x64xf32, #tpu.memory_space<vmem>>[vector<16xi32>, vector<16xi32>], vector<16xf32>,
        %shift_right_logical3A_321 = arith.constant 3 : i32
        %shift_right_logical3A_322 = vector.broadcast %shift_right_logical3A_321 : i32 to vector<16xi32>
        %shift_right_logical3A_323 = arith.shrui %add3A_319, %shift_right_logical3A_322 : vector<16xi32>
        %and3A_324 = arith.constant 7 : i32
        %and3A_325 = vector.broadcast %and3A_324 : i32 to vector<16xi32>
        %and3A_326 = arith.andi %add3A_319, %and3A_325 : vector<16xi32>
        tpu.vector_store_idx %arg9[%shift_right_logical3A_323, %and3A_326, %add3A_278], %gather3A_320 : memref<8x8x128xf32, #tpu.memory_space<vmem>>[vector<16xi32>, vector<16xi32>, vector<16xi32>], vector<16xf32>,
        %add3A_327 = arith.constant 0 : i32
        %add3A_328 = vector.broadcast %add3A_327 : i32 to vector<16xi32>
        %add3A_329 = arith.addi %and3A_50, %add3A_328 : vector<16xi32>
        %gather3A_330 = tpu.vector_load_idx %arg7[%add3A_278, %add3A_329] : memref<128x64xf32, #tpu.memory_space<vmem>>[vector<16xi32>, vector<16xi32>], vector<16xf32>,
        %shift_right_logical3A_331 = arith.constant 3 : i32
        %shift_right_logical3A_332 = vector.broadcast %shift_right_logical3A_331 : i32 to vector<16xi32>
        %shift_right_logical3A_333 = arith.shrui %add3A_329, %shift_right_logical3A_332 : vector<16xi32>
        %and3A_334 = arith.constant 7 : i32
        %and3A_335 = vector.broadcast %and3A_334 : i32 to vector<16xi32>
        %and3A_336 = arith.andi %add3A_329, %and3A_335 : vector<16xi32>
        tpu.vector_store_idx %arg9[%shift_right_logical3A_333, %and3A_336, %add3A_278], %gather3A_330 : memref<8x8x128xf32, #tpu.memory_space<vmem>>[vector<16xi32>, vector<16xi32>, vector<16xi32>], vector<16xf32>,
        %add3A_337 = arith.constant 0 : i32
        %add3A_338 = vector.broadcast %add3A_337 : i32 to vector<16xi32>
        %add3A_339 = arith.addi %and3A_56, %add3A_338 : vector<16xi32>
        %gather3A_340 = tpu.vector_load_idx %arg7[%add3A_278, %add3A_339] : memref<128x64xf32, #tpu.memory_space<vmem>>[vector<16xi32>, vector<16xi32>], vector<16xf32>,
        %shift_right_logical3A_341 = arith.constant 3 : i32
        %shift_right_logical3A_342 = vector.broadcast %shift_right_logical3A_341 : i32 to vector<16xi32>
        %shift_right_logical3A_343 = arith.shrui %add3A_339, %shift_right_logical3A_342 : vector<16xi32>
        %and3A_344 = arith.constant 7 : i32
        %and3A_345 = vector.broadcast %and3A_344 : i32 to vector<16xi32>
        %and3A_346 = arith.andi %add3A_339, %and3A_345 : vector<16xi32>
        tpu.vector_store_idx %arg9[%shift_right_logical3A_343, %and3A_346, %add3A_278], %gather3A_340 : memref<8x8x128xf32, #tpu.memory_space<vmem>>[vector<16xi32>, vector<16xi32>, vector<16xi32>], vector<16xf32>,
        %add3A_347 = arith.constant 0 : i32
        %add3A_348 = vector.broadcast %add3A_347 : i32 to vector<16xi32>
        %add3A_349 = arith.addi %and3A_62, %add3A_348 : vector<16xi32>
        %gather3A_350 = tpu.vector_load_idx %arg7[%add3A_278, %add3A_349] : memref<128x64xf32, #tpu.memory_space<vmem>>[vector<16xi32>, vector<16xi32>], vector<16xf32>,
        %shift_right_logical3A_351 = arith.constant 3 : i32
        %shift_right_logical3A_352 = vector.broadcast %shift_right_logical3A_351 : i32 to vector<16xi32>
        %shift_right_logical3A_353 = arith.shrui %add3A_349, %shift_right_logical3A_352 : vector<16xi32>
        %and3A_354 = arith.constant 7 : i32
        %and3A_355 = vector.broadcast %and3A_354 : i32 to vector<16xi32>
        %and3A_356 = arith.andi %add3A_349, %and3A_355 : vector<16xi32>
        tpu.vector_store_idx %arg9[%shift_right_logical3A_353, %and3A_356, %add3A_278], %gather3A_350 : memref<8x8x128xf32, #tpu.memory_space<vmem>>[vector<16xi32>, vector<16xi32>, vector<16xi32>], vector<16xf32>,
        %add3A_357 = arith.constant 0 : i32
        %add3A_358 = vector.broadcast %add3A_357 : i32 to vector<16xi32>
        %add3A_359 = arith.addi %and3A_68, %add3A_358 : vector<16xi32>
        %gather3A_360 = tpu.vector_load_idx %arg7[%add3A_278, %add3A_359] : memref<128x64xf32, #tpu.memory_space<vmem>>[vector<16xi32>, vector<16xi32>], vector<16xf32>,
        %shift_right_logical3A_361 = arith.constant 3 : i32
        %shift_right_logical3A_362 = vector.broadcast %shift_right_logical3A_361 : i32 to vector<16xi32>
        %shift_right_logical3A_363 = arith.shrui %add3A_359, %shift_right_logical3A_362 : vector<16xi32>
        %and3A_364 = arith.constant 7 : i32
        %and3A_365 = vector.broadcast %and3A_364 : i32 to vector<16xi32>
        %and3A_366 = arith.andi %add3A_359, %and3A_365 : vector<16xi32>
        tpu.vector_store_idx %arg9[%shift_right_logical3A_363, %and3A_366, %add3A_278], %gather3A_360 : memref<8x8x128xf32, #tpu.memory_space<vmem>>[vector<16xi32>, vector<16xi32>, vector<16xi32>], vector<16xf32>,
        %add3A_367 = arith.constant 0 : i32
        %add3A_368 = vector.broadcast %add3A_367 : i32 to vector<16xi32>
        %add3A_369 = arith.addi %and3A_74, %add3A_368 : vector<16xi32>
        %gather3A_370 = tpu.vector_load_idx %arg7[%add3A_278, %add3A_369] : memref<128x64xf32, #tpu.memory_space<vmem>>[vector<16xi32>, vector<16xi32>], vector<16xf32>,
        %shift_right_logical3A_371 = arith.constant 3 : i32
        %shift_right_logical3A_372 = vector.broadcast %shift_right_logical3A_371 : i32 to vector<16xi32>
        %shift_right_logical3A_373 = arith.shrui %add3A_369, %shift_right_logical3A_372 : vector<16xi32>
        %and3A_374 = arith.constant 7 : i32
        %and3A_375 = vector.broadcast %and3A_374 : i32 to vector<16xi32>
        %and3A_376 = arith.andi %add3A_369, %and3A_375 : vector<16xi32>
        tpu.vector_store_idx %arg9[%shift_right_logical3A_373, %and3A_376, %add3A_278], %gather3A_370 : memref<8x8x128xf32, #tpu.memory_space<vmem>>[vector<16xi32>, vector<16xi32>, vector<16xi32>], vector<16xf32>,
        %add3A_377 = arith.constant 0 : i32
        %add3A_378 = vector.broadcast %add3A_377 : i32 to vector<16xi32>
        %add3A_379 = arith.addi %and3A_80, %add3A_378 : vector<16xi32>
        %gather3A_380 = tpu.vector_load_idx %arg7[%add3A_278, %add3A_379] : memref<128x64xf32, #tpu.memory_space<vmem>>[vector<16xi32>, vector<16xi32>], vector<16xf32>,
        %shift_right_logical3A_381 = arith.constant 3 : i32
        %shift_right_logical3A_382 = vector.broadcast %shift_right_logical3A_381 : i32 to vector<16xi32>
        %shift_right_logical3A_383 = arith.shrui %add3A_379, %shift_right_logical3A_382 : vector<16xi32>
        %and3A_384 = arith.constant 7 : i32
        %and3A_385 = vector.broadcast %and3A_384 : i32 to vector<16xi32>
        %and3A_386 = arith.andi %add3A_379, %and3A_385 : vector<16xi32>
        tpu.vector_store_idx %arg9[%shift_right_logical3A_383, %and3A_386, %add3A_278], %gather3A_380 : memref<8x8x128xf32, #tpu.memory_space<vmem>>[vector<16xi32>, vector<16xi32>, vector<16xi32>], vector<16xf32>,
        %add3A_387 = arith.constant 0 : i32
        %add3A_388 = vector.broadcast %add3A_387 : i32 to vector<16xi32>
        %add3A_389 = arith.addi %and3A_86, %add3A_388 : vector<16xi32>
        %gather3A_390 = tpu.vector_load_idx %arg7[%add3A_278, %add3A_389] : memref<128x64xf32, #tpu.memory_space<vmem>>[vector<16xi32>, vector<16xi32>], vector<16xf32>,
        %shift_right_logical3A_391 = arith.constant 3 : i32
        %shift_right_logical3A_392 = vector.broadcast %shift_right_logical3A_391 : i32 to vector<16xi32>
        %shift_right_logical3A_393 = arith.shrui %add3A_389, %shift_right_logical3A_392 : vector<16xi32>
        %and3A_394 = arith.constant 7 : i32
        %and3A_395 = vector.broadcast %and3A_394 : i32 to vector<16xi32>
        %and3A_396 = arith.andi %add3A_389, %and3A_395 : vector<16xi32>
        tpu.vector_store_idx %arg9[%shift_right_logical3A_393, %and3A_396, %add3A_278], %gather3A_390 : memref<8x8x128xf32, #tpu.memory_space<vmem>>[vector<16xi32>, vector<16xi32>, vector<16xi32>], vector<16xf32>,
        %add3A_397 = arith.constant 0 : i32
        %add3A_398 = vector.broadcast %add3A_397 : i32 to vector<16xi32>
        %add3A_399 = arith.addi %and3A_92, %add3A_398 : vector<16xi32>
        %gather3A_400 = tpu.vector_load_idx %arg7[%add3A_278, %add3A_399] : memref<128x64xf32, #tpu.memory_space<vmem>>[vector<16xi32>, vector<16xi32>], vector<16xf32>,
        %shift_right_logical3A_401 = arith.constant 3 : i32
        %shift_right_logical3A_402 = vector.broadcast %shift_right_logical3A_401 : i32 to vector<16xi32>
        %shift_right_logical3A_403 = arith.shrui %add3A_399, %shift_right_logical3A_402 : vector<16xi32>
        %and3A_404 = arith.constant 7 : i32
        %and3A_405 = vector.broadcast %and3A_404 : i32 to vector<16xi32>
        %and3A_406 = arith.andi %add3A_399, %and3A_405 : vector<16xi32>
        tpu.vector_store_idx %arg9[%shift_right_logical3A_403, %and3A_406, %add3A_278], %gather3A_400 : memref<8x8x128xf32, #tpu.memory_space<vmem>>[vector<16xi32>, vector<16xi32>, vector<16xi32>], vector<16xf32>,
        %add3A_407 = arith.constant 0 : i32
        %add3A_408 = vector.broadcast %add3A_407 : i32 to vector<16xi32>
        %add3A_409 = arith.addi %and3A_98, %add3A_408 : vector<16xi32>
        %gather3A_410 = tpu.vector_load_idx %arg7[%add3A_278, %add3A_409] : memref<128x64xf32, #tpu.memory_space<vmem>>[vector<16xi32>, vector<16xi32>], vector<16xf32>,
        %shift_right_logical3A_411 = arith.constant 3 : i32
        %shift_right_logical3A_412 = vector.broadcast %shift_right_logical3A_411 : i32 to vector<16xi32>
        %shift_right_logical3A_413 = arith.shrui %add3A_409, %shift_right_logical3A_412 : vector<16xi32>
        %and3A_414 = arith.constant 7 : i32
        %and3A_415 = vector.broadcast %and3A_414 : i32 to vector<16xi32>
        %and3A_416 = arith.andi %add3A_409, %and3A_415 : vector<16xi32>
        tpu.vector_store_idx %arg9[%shift_right_logical3A_413, %and3A_416, %add3A_278], %gather3A_410 : memref<8x8x128xf32, #tpu.memory_space<vmem>>[vector<16xi32>, vector<16xi32>, vector<16xi32>], vector<16xf32>,
        %add3A_417 = arith.constant 0 : i32
        %add3A_418 = vector.broadcast %add3A_417 : i32 to vector<16xi32>
        %add3A_419 = arith.addi %and3A_104, %add3A_418 : vector<16xi32>
        %gather3A_420 = tpu.vector_load_idx %arg7[%add3A_278, %add3A_419] : memref<128x64xf32, #tpu.memory_space<vmem>>[vector<16xi32>, vector<16xi32>], vector<16xf32>,
        %shift_right_logical3A_421 = arith.constant 3 : i32
        %shift_right_logical3A_422 = vector.broadcast %shift_right_logical3A_421 : i32 to vector<16xi32>
        %shift_right_logical3A_423 = arith.shrui %add3A_419, %shift_right_logical3A_422 : vector<16xi32>
        %and3A_424 = arith.constant 7 : i32
        %and3A_425 = vector.broadcast %and3A_424 : i32 to vector<16xi32>
        %and3A_426 = arith.andi %add3A_419, %and3A_425 : vector<16xi32>
        tpu.vector_store_idx %arg9[%shift_right_logical3A_423, %and3A_426, %add3A_278], %gather3A_420 : memref<8x8x128xf32, #tpu.memory_space<vmem>>[vector<16xi32>, vector<16xi32>, vector<16xi32>], vector<16xf32>,
        %add3A_427 = arith.constant 0 : i32
        %add3A_428 = vector.broadcast %add3A_427 : i32 to vector<16xi32>
        %add3A_429 = arith.addi %and3A_110, %add3A_428 : vector<16xi32>
        %gather3A_430 = tpu.vector_load_idx %arg7[%add3A_278, %add3A_429] : memref<128x64xf32, #tpu.memory_space<vmem>>[vector<16xi32>, vector<16xi32>], vector<16xf32>,
        %shift_right_logical3A_431 = arith.constant 3 : i32
        %shift_right_logical3A_432 = vector.broadcast %shift_right_logical3A_431 : i32 to vector<16xi32>
        %shift_right_logical3A_433 = arith.shrui %add3A_429, %shift_right_logical3A_432 : vector<16xi32>
        %and3A_434 = arith.constant 7 : i32
        %and3A_435 = vector.broadcast %and3A_434 : i32 to vector<16xi32>
        %and3A_436 = arith.andi %add3A_429, %and3A_435 : vector<16xi32>
        tpu.vector_store_idx %arg9[%shift_right_logical3A_433, %and3A_436, %add3A_278], %gather3A_430 : memref<8x8x128xf32, #tpu.memory_space<vmem>>[vector<16xi32>, vector<16xi32>, vector<16xi32>], vector<16xf32>,
        %add3A_437 = arith.constant 16 : i32
        %add3A_438 = vector.broadcast %add3A_437 : i32 to vector<16xi32>
        %add3A_439 = arith.addi %and3A_20, %add3A_438 : vector<16xi32>
        %gather3A_440 = tpu.vector_load_idx %arg7[%add3A_278, %add3A_439] : memref<128x64xf32, #tpu.memory_space<vmem>>[vector<16xi32>, vector<16xi32>], vector<16xf32>,
        %shift_right_logical3A_441 = arith.constant 3 : i32
        %shift_right_logical3A_442 = vector.broadcast %shift_right_logical3A_441 : i32 to vector<16xi32>
        %shift_right_logical3A_443 = arith.shrui %add3A_439, %shift_right_logical3A_442 : vector<16xi32>
        %and3A_444 = arith.constant 7 : i32
        %and3A_445 = vector.broadcast %and3A_444 : i32 to vector<16xi32>
        %and3A_446 = arith.andi %add3A_439, %and3A_445 : vector<16xi32>
        tpu.vector_store_idx %arg9[%shift_right_logical3A_443, %and3A_446, %add3A_278], %gather3A_440 : memref<8x8x128xf32, #tpu.memory_space<vmem>>[vector<16xi32>, vector<16xi32>, vector<16xi32>], vector<16xf32>,
        %add3A_447 = arith.constant 16 : i32
        %add3A_448 = vector.broadcast %add3A_447 : i32 to vector<16xi32>
        %add3A_449 = arith.addi %and3A_26, %add3A_448 : vector<16xi32>
        %gather3A_450 = tpu.vector_load_idx %arg7[%add3A_278, %add3A_449] : memref<128x64xf32, #tpu.memory_space<vmem>>[vector<16xi32>, vector<16xi32>], vector<16xf32>,
        %shift_right_logical3A_451 = arith.constant 3 : i32
        %shift_right_logical3A_452 = vector.broadcast %shift_right_logical3A_451 : i32 to vector<16xi32>
        %shift_right_logical3A_453 = arith.shrui %add3A_449, %shift_right_logical3A_452 : vector<16xi32>
        %and3A_454 = arith.constant 7 : i32
        %and3A_455 = vector.broadcast %and3A_454 : i32 to vector<16xi32>
        %and3A_456 = arith.andi %add3A_449, %and3A_455 : vector<16xi32>
        tpu.vector_store_idx %arg9[%shift_right_logical3A_453, %and3A_456, %add3A_278], %gather3A_450 : memref<8x8x128xf32, #tpu.memory_space<vmem>>[vector<16xi32>, vector<16xi32>, vector<16xi32>], vector<16xf32>,
        %add3A_457 = arith.constant 16 : i32
        %add3A_458 = vector.broadcast %add3A_457 : i32 to vector<16xi32>
        %add3A_459 = arith.addi %and3A_32, %add3A_458 : vector<16xi32>
        %gather3A_460 = tpu.vector_load_idx %arg7[%add3A_278, %add3A_459] : memref<128x64xf32, #tpu.memory_space<vmem>>[vector<16xi32>, vector<16xi32>], vector<16xf32>,
        %shift_right_logical3A_461 = arith.constant 3 : i32
        %shift_right_logical3A_462 = vector.broadcast %shift_right_logical3A_461 : i32 to vector<16xi32>
        %shift_right_logical3A_463 = arith.shrui %add3A_459, %shift_right_logical3A_462 : vector<16xi32>
        %and3A_464 = arith.constant 7 : i32
        %and3A_465 = vector.broadcast %and3A_464 : i32 to vector<16xi32>
        %and3A_466 = arith.andi %add3A_459, %and3A_465 : vector<16xi32>
        tpu.vector_store_idx %arg9[%shift_right_logical3A_463, %and3A_466, %add3A_278], %gather3A_460 : memref<8x8x128xf32, #tpu.memory_space<vmem>>[vector<16xi32>, vector<16xi32>, vector<16xi32>], vector<16xf32>,
        %add3A_467 = arith.constant 16 : i32
        %add3A_468 = vector.broadcast %add3A_467 : i32 to vector<16xi32>
        %add3A_469 = arith.addi %and3A_38, %add3A_468 : vector<16xi32>
        %gather3A_470 = tpu.vector_load_idx %arg7[%add3A_278, %add3A_469] : memref<128x64xf32, #tpu.memory_space<vmem>>[vector<16xi32>, vector<16xi32>], vector<16xf32>,
        %shift_right_logical3A_471 = arith.constant 3 : i32
        %shift_right_logical3A_472 = vector.broadcast %shift_right_logical3A_471 : i32 to vector<16xi32>
        %shift_right_logical3A_473 = arith.shrui %add3A_469, %shift_right_logical3A_472 : vector<16xi32>
        %and3A_474 = arith.constant 7 : i32
        %and3A_475 = vector.broadcast %and3A_474 : i32 to vector<16xi32>
        %and3A_476 = arith.andi %add3A_469, %and3A_475 : vector<16xi32>
        tpu.vector_store_idx %arg9[%shift_right_logical3A_473, %and3A_476, %add3A_278], %gather3A_470 : memref<8x8x128xf32, #tpu.memory_space<vmem>>[vector<16xi32>, vector<16xi32>, vector<16xi32>], vector<16xf32>,
        %add3A_477 = arith.constant 16 : i32
        %add3A_478 = vector.broadcast %add3A_477 : i32 to vector<16xi32>
        %add3A_479 = arith.addi %and3A_44, %add3A_478 : vector<16xi32>
        %gather3A_480 = tpu.vector_load_idx %arg7[%add3A_278, %add3A_479] : memref<128x64xf32, #tpu.memory_space<vmem>>[vector<16xi32>, vector<16xi32>], vector<16xf32>,
        %shift_right_logical3A_481 = arith.constant 3 : i32
        %shift_right_logical3A_482 = vector.broadcast %shift_right_logical3A_481 : i32 to vector<16xi32>
        %shift_right_logical3A_483 = arith.shrui %add3A_479, %shift_right_logical3A_482 : vector<16xi32>
        %and3A_484 = arith.constant 7 : i32
        %and3A_485 = vector.broadcast %and3A_484 : i32 to vector<16xi32>
        %and3A_486 = arith.andi %add3A_479, %and3A_485 : vector<16xi32>
        tpu.vector_store_idx %arg9[%shift_right_logical3A_483, %and3A_486, %add3A_278], %gather3A_480 : memref<8x8x128xf32, #tpu.memory_space<vmem>>[vector<16xi32>, vector<16xi32>, vector<16xi32>], vector<16xf32>,
        %add3A_487 = arith.constant 16 : i32
        %add3A_488 = vector.broadcast %add3A_487 : i32 to vector<16xi32>
        %add3A_489 = arith.addi %and3A_50, %add3A_488 : vector<16xi32>
        %gather3A_490 = tpu.vector_load_idx %arg7[%add3A_278, %add3A_489] : memref<128x64xf32, #tpu.memory_space<vmem>>[vector<16xi32>, vector<16xi32>], vector<16xf32>,
        %shift_right_logical3A_491 = arith.constant 3 : i32
        %shift_right_logical3A_492 = vector.broadcast %shift_right_logical3A_491 : i32 to vector<16xi32>
        %shift_right_logical3A_493 = arith.shrui %add3A_489, %shift_right_logical3A_492 : vector<16xi32>
        %and3A_494 = arith.constant 7 : i32
        %and3A_495 = vector.broadcast %and3A_494 : i32 to vector<16xi32>
        %and3A_496 = arith.andi %add3A_489, %and3A_495 : vector<16xi32>
        tpu.vector_store_idx %arg9[%shift_right_logical3A_493, %and3A_496, %add3A_278], %gather3A_490 : memref<8x8x128xf32, #tpu.memory_space<vmem>>[vector<16xi32>, vector<16xi32>, vector<16xi32>], vector<16xf32>,
        %add3A_497 = arith.constant 16 : i32
        %add3A_498 = vector.broadcast %add3A_497 : i32 to vector<16xi32>
        %add3A_499 = arith.addi %and3A_56, %add3A_498 : vector<16xi32>
        %gather3A_500 = tpu.vector_load_idx %arg7[%add3A_278, %add3A_499] : memref<128x64xf32, #tpu.memory_space<vmem>>[vector<16xi32>, vector<16xi32>], vector<16xf32>,
        %shift_right_logical3A_501 = arith.constant 3 : i32
        %shift_right_logical3A_502 = vector.broadcast %shift_right_logical3A_501 : i32 to vector<16xi32>
        %shift_right_logical3A_503 = arith.shrui %add3A_499, %shift_right_logical3A_502 : vector<16xi32>
        %and3A_504 = arith.constant 7 : i32
        %and3A_505 = vector.broadcast %and3A_504 : i32 to vector<16xi32>
        %and3A_506 = arith.andi %add3A_499, %and3A_505 : vector<16xi32>
        tpu.vector_store_idx %arg9[%shift_right_logical3A_503, %and3A_506, %add3A_278], %gather3A_500 : memref<8x8x128xf32, #tpu.memory_space<vmem>>[vector<16xi32>, vector<16xi32>, vector<16xi32>], vector<16xf32>,
        %add3A_507 = arith.constant 16 : i32
        %add3A_508 = vector.broadcast %add3A_507 : i32 to vector<16xi32>
        %add3A_509 = arith.addi %and3A_62, %add3A_508 : vector<16xi32>
        %gather3A_510 = tpu.vector_load_idx %arg7[%add3A_278, %add3A_509] : memref<128x64xf32, #tpu.memory_space<vmem>>[vector<16xi32>, vector<16xi32>], vector<16xf32>,
        %shift_right_logical3A_511 = arith.constant 3 : i32
        %shift_right_logical3A_512 = vector.broadcast %shift_right_logical3A_511 : i32 to vector<16xi32>
        %shift_right_logical3A_513 = arith.shrui %add3A_509, %shift_right_logical3A_512 : vector<16xi32>
        %and3A_514 = arith.constant 7 : i32
        %and3A_515 = vector.broadcast %and3A_514 : i32 to vector<16xi32>
        %and3A_516 = arith.andi %add3A_509, %and3A_515 : vector<16xi32>
        tpu.vector_store_idx %arg9[%shift_right_logical3A_513, %and3A_516, %add3A_278], %gather3A_510 : memref<8x8x128xf32, #tpu.memory_space<vmem>>[vector<16xi32>, vector<16xi32>, vector<16xi32>], vector<16xf32>,
        %add3A_517 = arith.constant 16 : i32
        %add3A_518 = vector.broadcast %add3A_517 : i32 to vector<16xi32>
        %add3A_519 = arith.addi %and3A_68, %add3A_518 : vector<16xi32>
        %gather3A_520 = tpu.vector_load_idx %arg7[%add3A_278, %add3A_519] : memref<128x64xf32, #tpu.memory_space<vmem>>[vector<16xi32>, vector<16xi32>], vector<16xf32>,
        %shift_right_logical3A_521 = arith.constant 3 : i32
        %shift_right_logical3A_522 = vector.broadcast %shift_right_logical3A_521 : i32 to vector<16xi32>
        %shift_right_logical3A_523 = arith.shrui %add3A_519, %shift_right_logical3A_522 : vector<16xi32>
        %and3A_524 = arith.constant 7 : i32
        %and3A_525 = vector.broadcast %and3A_524 : i32 to vector<16xi32>
        %and3A_526 = arith.andi %add3A_519, %and3A_525 : vector<16xi32>
        tpu.vector_store_idx %arg9[%shift_right_logical3A_523, %and3A_526, %add3A_278], %gather3A_520 : memref<8x8x128xf32, #tpu.memory_space<vmem>>[vector<16xi32>, vector<16xi32>, vector<16xi32>], vector<16xf32>,
        %add3A_527 = arith.constant 16 : i32
        %add3A_528 = vector.broadcast %add3A_527 : i32 to vector<16xi32>
        %add3A_529 = arith.addi %and3A_74, %add3A_528 : vector<16xi32>
        %gather3A_530 = tpu.vector_load_idx %arg7[%add3A_278, %add3A_529] : memref<128x64xf32, #tpu.memory_space<vmem>>[vector<16xi32>, vector<16xi32>], vector<16xf32>,
        %shift_right_logical3A_531 = arith.constant 3 : i32
        %shift_right_logical3A_532 = vector.broadcast %shift_right_logical3A_531 : i32 to vector<16xi32>
        %shift_right_logical3A_533 = arith.shrui %add3A_529, %shift_right_logical3A_532 : vector<16xi32>
        %and3A_534 = arith.constant 7 : i32
        %and3A_535 = vector.broadcast %and3A_534 : i32 to vector<16xi32>
        %and3A_536 = arith.andi %add3A_529, %and3A_535 : vector<16xi32>
        tpu.vector_store_idx %arg9[%shift_right_logical3A_533, %and3A_536, %add3A_278], %gather3A_530 : memref<8x8x128xf32, #tpu.memory_space<vmem>>[vector<16xi32>, vector<16xi32>, vector<16xi32>], vector<16xf32>,
        %add3A_537 = arith.constant 16 : i32
        %add3A_538 = vector.broadcast %add3A_537 : i32 to vector<16xi32>
        %add3A_539 = arith.addi %and3A_80, %add3A_538 : vector<16xi32>
        %gather3A_540 = tpu.vector_load_idx %arg7[%add3A_278, %add3A_539] : memref<128x64xf32, #tpu.memory_space<vmem>>[vector<16xi32>, vector<16xi32>], vector<16xf32>,
        %shift_right_logical3A_541 = arith.constant 3 : i32
        %shift_right_logical3A_542 = vector.broadcast %shift_right_logical3A_541 : i32 to vector<16xi32>
        %shift_right_logical3A_543 = arith.shrui %add3A_539, %shift_right_logical3A_542 : vector<16xi32>
        %and3A_544 = arith.constant 7 : i32
        %and3A_545 = vector.broadcast %and3A_544 : i32 to vector<16xi32>
        %and3A_546 = arith.andi %add3A_539, %and3A_545 : vector<16xi32>
        tpu.vector_store_idx %arg9[%shift_right_logical3A_543, %and3A_546, %add3A_278], %gather3A_540 : memref<8x8x128xf32, #tpu.memory_space<vmem>>[vector<16xi32>, vector<16xi32>, vector<16xi32>], vector<16xf32>,
        %add3A_547 = arith.constant 16 : i32
        %add3A_548 = vector.broadcast %add3A_547 : i32 to vector<16xi32>
        %add3A_549 = arith.addi %and3A_86, %add3A_548 : vector<16xi32>
        %gather3A_550 = tpu.vector_load_idx %arg7[%add3A_278, %add3A_549] : memref<128x64xf32, #tpu.memory_space<vmem>>[vector<16xi32>, vector<16xi32>], vector<16xf32>,
        %shift_right_logical3A_551 = arith.constant 3 : i32
        %shift_right_logical3A_552 = vector.broadcast %shift_right_logical3A_551 : i32 to vector<16xi32>
        %shift_right_logical3A_553 = arith.shrui %add3A_549, %shift_right_logical3A_552 : vector<16xi32>
        %and3A_554 = arith.constant 7 : i32
        %and3A_555 = vector.broadcast %and3A_554 : i32 to vector<16xi32>
        %and3A_556 = arith.andi %add3A_549, %and3A_555 : vector<16xi32>
        tpu.vector_store_idx %arg9[%shift_right_logical3A_553, %and3A_556, %add3A_278], %gather3A_550 : memref<8x8x128xf32, #tpu.memory_space<vmem>>[vector<16xi32>, vector<16xi32>, vector<16xi32>], vector<16xf32>,
        %add3A_557 = arith.constant 16 : i32
        %add3A_558 = vector.broadcast %add3A_557 : i32 to vector<16xi32>
        %add3A_559 = arith.addi %and3A_92, %add3A_558 : vector<16xi32>
        %gather3A_560 = tpu.vector_load_idx %arg7[%add3A_278, %add3A_559] : memref<128x64xf32, #tpu.memory_space<vmem>>[vector<16xi32>, vector<16xi32>], vector<16xf32>,
        %shift_right_logical3A_561 = arith.constant 3 : i32
        %shift_right_logical3A_562 = vector.broadcast %shift_right_logical3A_561 : i32 to vector<16xi32>
        %shift_right_logical3A_563 = arith.shrui %add3A_559, %shift_right_logical3A_562 : vector<16xi32>
        %and3A_564 = arith.constant 7 : i32
        %and3A_565 = vector.broadcast %and3A_564 : i32 to vector<16xi32>
        %and3A_566 = arith.andi %add3A_559, %and3A_565 : vector<16xi32>
        tpu.vector_store_idx %arg9[%shift_right_logical3A_563, %and3A_566, %add3A_278], %gather3A_560 : memref<8x8x128xf32, #tpu.memory_space<vmem>>[vector<16xi32>, vector<16xi32>, vector<16xi32>], vector<16xf32>,
        %add3A_567 = arith.constant 16 : i32
        %add3A_568 = vector.broadcast %add3A_567 : i32 to vector<16xi32>
        %add3A_569 = arith.addi %and3A_98, %add3A_568 : vector<16xi32>
        %gather3A_570 = tpu.vector_load_idx %arg7[%add3A_278, %add3A_569] : memref<128x64xf32, #tpu.memory_space<vmem>>[vector<16xi32>, vector<16xi32>], vector<16xf32>,
        %shift_right_logical3A_571 = arith.constant 3 : i32
        %shift_right_logical3A_572 = vector.broadcast %shift_right_logical3A_571 : i32 to vector<16xi32>
        %shift_right_logical3A_573 = arith.shrui %add3A_569, %shift_right_logical3A_572 : vector<16xi32>
        %and3A_574 = arith.constant 7 : i32
        %and3A_575 = vector.broadcast %and3A_574 : i32 to vector<16xi32>
        %and3A_576 = arith.andi %add3A_569, %and3A_575 : vector<16xi32>
        tpu.vector_store_idx %arg9[%shift_right_logical3A_573, %and3A_576, %add3A_278], %gather3A_570 : memref<8x8x128xf32, #tpu.memory_space<vmem>>[vector<16xi32>, vector<16xi32>, vector<16xi32>], vector<16xf32>,
        %add3A_577 = arith.constant 16 : i32
        %add3A_578 = vector.broadcast %add3A_577 : i32 to vector<16xi32>
        %add3A_579 = arith.addi %and3A_104, %add3A_578 : vector<16xi32>
        %gather3A_580 = tpu.vector_load_idx %arg7[%add3A_278, %add3A_579] : memref<128x64xf32, #tpu.memory_space<vmem>>[vector<16xi32>, vector<16xi32>], vector<16xf32>,
        %shift_right_logical3A_581 = arith.constant 3 : i32
        %shift_right_logical3A_582 = vector.broadcast %shift_right_logical3A_581 : i32 to vector<16xi32>
        %shift_right_logical3A_583 = arith.shrui %add3A_579, %shift_right_logical3A_582 : vector<16xi32>
        %and3A_584 = arith.constant 7 : i32
        %and3A_585 = vector.broadcast %and3A_584 : i32 to vector<16xi32>
        %and3A_586 = arith.andi %add3A_579, %and3A_585 : vector<16xi32>
        tpu.vector_store_idx %arg9[%shift_right_logical3A_583, %and3A_586, %add3A_278], %gather3A_580 : memref<8x8x128xf32, #tpu.memory_space<vmem>>[vector<16xi32>, vector<16xi32>, vector<16xi32>], vector<16xf32>,
        %add3A_587 = arith.constant 16 : i32
        %add3A_588 = vector.broadcast %add3A_587 : i32 to vector<16xi32>
        %add3A_589 = arith.addi %and3A_110, %add3A_588 : vector<16xi32>
        %gather3A_590 = tpu.vector_load_idx %arg7[%add3A_278, %add3A_589] : memref<128x64xf32, #tpu.memory_space<vmem>>[vector<16xi32>, vector<16xi32>], vector<16xf32>,
        %shift_right_logical3A_591 = arith.constant 3 : i32
        %shift_right_logical3A_592 = vector.broadcast %shift_right_logical3A_591 : i32 to vector<16xi32>
        %shift_right_logical3A_593 = arith.shrui %add3A_589, %shift_right_logical3A_592 : vector<16xi32>
        %and3A_594 = arith.constant 7 : i32
        %and3A_595 = vector.broadcast %and3A_594 : i32 to vector<16xi32>
        %and3A_596 = arith.andi %add3A_589, %and3A_595 : vector<16xi32>
        tpu.vector_store_idx %arg9[%shift_right_logical3A_593, %and3A_596, %add3A_278], %gather3A_590 : memref<8x8x128xf32, #tpu.memory_space<vmem>>[vector<16xi32>, vector<16xi32>, vector<16xi32>], vector<16xf32>,
        %add3A_597 = arith.constant 32 : i32
        %add3A_598 = vector.broadcast %add3A_597 : i32 to vector<16xi32>
        %add3A_599 = arith.addi %and3A_20, %add3A_598 : vector<16xi32>
        %gather3A_600 = tpu.vector_load_idx %arg7[%add3A_278, %add3A_599] : memref<128x64xf32, #tpu.memory_space<vmem>>[vector<16xi32>, vector<16xi32>], vector<16xf32>,
        %shift_right_logical3A_601 = arith.constant 3 : i32
        %shift_right_logical3A_602 = vector.broadcast %shift_right_logical3A_601 : i32 to vector<16xi32>
        %shift_right_logical3A_603 = arith.shrui %add3A_599, %shift_right_logical3A_602 : vector<16xi32>
        %and3A_604 = arith.constant 7 : i32
        %and3A_605 = vector.broadcast %and3A_604 : i32 to vector<16xi32>
        %and3A_606 = arith.andi %add3A_599, %and3A_605 : vector<16xi32>
        tpu.vector_store_idx %arg9[%shift_right_logical3A_603, %and3A_606, %add3A_278], %gather3A_600 : memref<8x8x128xf32, #tpu.memory_space<vmem>>[vector<16xi32>, vector<16xi32>, vector<16xi32>], vector<16xf32>,
        %add3A_607 = arith.constant 32 : i32
        %add3A_608 = vector.broadcast %add3A_607 : i32 to vector<16xi32>
        %add3A_609 = arith.addi %and3A_26, %add3A_608 : vector<16xi32>
        %gather3A_610 = tpu.vector_load_idx %arg7[%add3A_278, %add3A_609] : memref<128x64xf32, #tpu.memory_space<vmem>>[vector<16xi32>, vector<16xi32>], vector<16xf32>,
        %shift_right_logical3A_611 = arith.constant 3 : i32
        %shift_right_logical3A_612 = vector.broadcast %shift_right_logical3A_611 : i32 to vector<16xi32>
        %shift_right_logical3A_613 = arith.shrui %add3A_609, %shift_right_logical3A_612 : vector<16xi32>
        %and3A_614 = arith.constant 7 : i32
        %and3A_615 = vector.broadcast %and3A_614 : i32 to vector<16xi32>
        %and3A_616 = arith.andi %add3A_609, %and3A_615 : vector<16xi32>
        tpu.vector_store_idx %arg9[%shift_right_logical3A_613, %and3A_616, %add3A_278], %gather3A_610 : memref<8x8x128xf32, #tpu.memory_space<vmem>>[vector<16xi32>, vector<16xi32>, vector<16xi32>], vector<16xf32>,
        %add3A_617 = arith.constant 32 : i32
        %add3A_618 = vector.broadcast %add3A_617 : i32 to vector<16xi32>
        %add3A_619 = arith.addi %and3A_32, %add3A_618 : vector<16xi32>
        %gather3A_620 = tpu.vector_load_idx %arg7[%add3A_278, %add3A_619] : memref<128x64xf32, #tpu.memory_space<vmem>>[vector<16xi32>, vector<16xi32>], vector<16xf32>,
        %shift_right_logical3A_621 = arith.constant 3 : i32
        %shift_right_logical3A_622 = vector.broadcast %shift_right_logical3A_621 : i32 to vector<16xi32>
        %shift_right_logical3A_623 = arith.shrui %add3A_619, %shift_right_logical3A_622 : vector<16xi32>
        %and3A_624 = arith.constant 7 : i32
        %and3A_625 = vector.broadcast %and3A_624 : i32 to vector<16xi32>
        %and3A_626 = arith.andi %add3A_619, %and3A_625 : vector<16xi32>
        tpu.vector_store_idx %arg9[%shift_right_logical3A_623, %and3A_626, %add3A_278], %gather3A_620 : memref<8x8x128xf32, #tpu.memory_space<vmem>>[vector<16xi32>, vector<16xi32>, vector<16xi32>], vector<16xf32>,
        %add3A_627 = arith.constant 32 : i32
        %add3A_628 = vector.broadcast %add3A_627 : i32 to vector<16xi32>
        %add3A_629 = arith.addi %and3A_38, %add3A_628 : vector<16xi32>
        %gather3A_630 = tpu.vector_load_idx %arg7[%add3A_278, %add3A_629] : memref<128x64xf32, #tpu.memory_space<vmem>>[vector<16xi32>, vector<16xi32>], vector<16xf32>,
        %shift_right_logical3A_631 = arith.constant 3 : i32
        %shift_right_logical3A_632 = vector.broadcast %shift_right_logical3A_631 : i32 to vector<16xi32>
        %shift_right_logical3A_633 = arith.shrui %add3A_629, %shift_right_logical3A_632 : vector<16xi32>
        %and3A_634 = arith.constant 7 : i32
        %and3A_635 = vector.broadcast %and3A_634 : i32 to vector<16xi32>
        %and3A_636 = arith.andi %add3A_629, %and3A_635 : vector<16xi32>
        tpu.vector_store_idx %arg9[%shift_right_logical3A_633, %and3A_636, %add3A_278], %gather3A_630 : memref<8x8x128xf32, #tpu.memory_space<vmem>>[vector<16xi32>, vector<16xi32>, vector<16xi32>], vector<16xf32>,
        %add3A_637 = arith.constant 32 : i32
        %add3A_638 = vector.broadcast %add3A_637 : i32 to vector<16xi32>
        %add3A_639 = arith.addi %and3A_44, %add3A_638 : vector<16xi32>
        %gather3A_640 = tpu.vector_load_idx %arg7[%add3A_278, %add3A_639] : memref<128x64xf32, #tpu.memory_space<vmem>>[vector<16xi32>, vector<16xi32>], vector<16xf32>,
        %shift_right_logical3A_641 = arith.constant 3 : i32
        %shift_right_logical3A_642 = vector.broadcast %shift_right_logical3A_641 : i32 to vector<16xi32>
        %shift_right_logical3A_643 = arith.shrui %add3A_639, %shift_right_logical3A_642 : vector<16xi32>
        %and3A_644 = arith.constant 7 : i32
        %and3A_645 = vector.broadcast %and3A_644 : i32 to vector<16xi32>
        %and3A_646 = arith.andi %add3A_639, %and3A_645 : vector<16xi32>
        tpu.vector_store_idx %arg9[%shift_right_logical3A_643, %and3A_646, %add3A_278], %gather3A_640 : memref<8x8x128xf32, #tpu.memory_space<vmem>>[vector<16xi32>, vector<16xi32>, vector<16xi32>], vector<16xf32>,
        %add3A_647 = arith.constant 32 : i32
        %add3A_648 = vector.broadcast %add3A_647 : i32 to vector<16xi32>
        %add3A_649 = arith.addi %and3A_50, %add3A_648 : vector<16xi32>
        %gather3A_650 = tpu.vector_load_idx %arg7[%add3A_278, %add3A_649] : memref<128x64xf32, #tpu.memory_space<vmem>>[vector<16xi32>, vector<16xi32>], vector<16xf32>,
        %shift_right_logical3A_651 = arith.constant 3 : i32
        %shift_right_logical3A_652 = vector.broadcast %shift_right_logical3A_651 : i32 to vector<16xi32>
        %shift_right_logical3A_653 = arith.shrui %add3A_649, %shift_right_logical3A_652 : vector<16xi32>
        %and3A_654 = arith.constant 7 : i32
        %and3A_655 = vector.broadcast %and3A_654 : i32 to vector<16xi32>
        %and3A_656 = arith.andi %add3A_649, %and3A_655 : vector<16xi32>
        tpu.vector_store_idx %arg9[%shift_right_logical3A_653, %and3A_656, %add3A_278], %gather3A_650 : memref<8x8x128xf32, #tpu.memory_space<vmem>>[vector<16xi32>, vector<16xi32>, vector<16xi32>], vector<16xf32>,
        %add3A_657 = arith.constant 32 : i32
        %add3A_658 = vector.broadcast %add3A_657 : i32 to vector<16xi32>
        %add3A_659 = arith.addi %and3A_56, %add3A_658 : vector<16xi32>
        %gather3A_660 = tpu.vector_load_idx %arg7[%add3A_278, %add3A_659] : memref<128x64xf32, #tpu.memory_space<vmem>>[vector<16xi32>, vector<16xi32>], vector<16xf32>,
        %shift_right_logical3A_661 = arith.constant 3 : i32
        %shift_right_logical3A_662 = vector.broadcast %shift_right_logical3A_661 : i32 to vector<16xi32>
        %shift_right_logical3A_663 = arith.shrui %add3A_659, %shift_right_logical3A_662 : vector<16xi32>
        %and3A_664 = arith.constant 7 : i32
        %and3A_665 = vector.broadcast %and3A_664 : i32 to vector<16xi32>
        %and3A_666 = arith.andi %add3A_659, %and3A_665 : vector<16xi32>
        tpu.vector_store_idx %arg9[%shift_right_logical3A_663, %and3A_666, %add3A_278], %gather3A_660 : memref<8x8x128xf32, #tpu.memory_space<vmem>>[vector<16xi32>, vector<16xi32>, vector<16xi32>], vector<16xf32>,
        %add3A_667 = arith.constant 32 : i32
        %add3A_668 = vector.broadcast %add3A_667 : i32 to vector<16xi32>
        %add3A_669 = arith.addi %and3A_62, %add3A_668 : vector<16xi32>
        %gather3A_670 = tpu.vector_load_idx %arg7[%add3A_278, %add3A_669] : memref<128x64xf32, #tpu.memory_space<vmem>>[vector<16xi32>, vector<16xi32>], vector<16xf32>,
        %shift_right_logical3A_671 = arith.constant 3 : i32
        %shift_right_logical3A_672 = vector.broadcast %shift_right_logical3A_671 : i32 to vector<16xi32>
        %shift_right_logical3A_673 = arith.shrui %add3A_669, %shift_right_logical3A_672 : vector<16xi32>
        %and3A_674 = arith.constant 7 : i32
        %and3A_675 = vector.broadcast %and3A_674 : i32 to vector<16xi32>
        %and3A_676 = arith.andi %add3A_669, %and3A_675 : vector<16xi32>
        tpu.vector_store_idx %arg9[%shift_right_logical3A_673, %and3A_676, %add3A_278], %gather3A_670 : memref<8x8x128xf32, #tpu.memory_space<vmem>>[vector<16xi32>, vector<16xi32>, vector<16xi32>], vector<16xf32>,
        %add3A_677 = arith.constant 32 : i32
        %add3A_678 = vector.broadcast %add3A_677 : i32 to vector<16xi32>
        %add3A_679 = arith.addi %and3A_68, %add3A_678 : vector<16xi32>
        %gather3A_680 = tpu.vector_load_idx %arg7[%add3A_278, %add3A_679] : memref<128x64xf32, #tpu.memory_space<vmem>>[vector<16xi32>, vector<16xi32>], vector<16xf32>,
        %shift_right_logical3A_681 = arith.constant 3 : i32
        %shift_right_logical3A_682 = vector.broadcast %shift_right_logical3A_681 : i32 to vector<16xi32>
        %shift_right_logical3A_683 = arith.shrui %add3A_679, %shift_right_logical3A_682 : vector<16xi32>
        %and3A_684 = arith.constant 7 : i32
        %and3A_685 = vector.broadcast %and3A_684 : i32 to vector<16xi32>
        %and3A_686 = arith.andi %add3A_679, %and3A_685 : vector<16xi32>
        tpu.vector_store_idx %arg9[%shift_right_logical3A_683, %and3A_686, %add3A_278], %gather3A_680 : memref<8x8x128xf32, #tpu.memory_space<vmem>>[vector<16xi32>, vector<16xi32>, vector<16xi32>], vector<16xf32>,
        %add3A_687 = arith.constant 32 : i32
        %add3A_688 = vector.broadcast %add3A_687 : i32 to vector<16xi32>
        %add3A_689 = arith.addi %and3A_74, %add3A_688 : vector<16xi32>
        %gather3A_690 = tpu.vector_load_idx %arg7[%add3A_278, %add3A_689] : memref<128x64xf32, #tpu.memory_space<vmem>>[vector<16xi32>, vector<16xi32>], vector<16xf32>,
        %shift_right_logical3A_691 = arith.constant 3 : i32
        %shift_right_logical3A_692 = vector.broadcast %shift_right_logical3A_691 : i32 to vector<16xi32>
        %shift_right_logical3A_693 = arith.shrui %add3A_689, %shift_right_logical3A_692 : vector<16xi32>
        %and3A_694 = arith.constant 7 : i32
        %and3A_695 = vector.broadcast %and3A_694 : i32 to vector<16xi32>
        %and3A_696 = arith.andi %add3A_689, %and3A_695 : vector<16xi32>
        tpu.vector_store_idx %arg9[%shift_right_logical3A_693, %and3A_696, %add3A_278], %gather3A_690 : memref<8x8x128xf32, #tpu.memory_space<vmem>>[vector<16xi32>, vector<16xi32>, vector<16xi32>], vector<16xf32>,
        %add3A_697 = arith.constant 32 : i32
        %add3A_698 = vector.broadcast %add3A_697 : i32 to vector<16xi32>
        %add3A_699 = arith.addi %and3A_80, %add3A_698 : vector<16xi32>
        %gather3A_700 = tpu.vector_load_idx %arg7[%add3A_278, %add3A_699] : memref<128x64xf32, #tpu.memory_space<vmem>>[vector<16xi32>, vector<16xi32>], vector<16xf32>,
        %shift_right_logical3A_701 = arith.constant 3 : i32
        %shift_right_logical3A_702 = vector.broadcast %shift_right_logical3A_701 : i32 to vector<16xi32>
        %shift_right_logical3A_703 = arith.shrui %add3A_699, %shift_right_logical3A_702 : vector<16xi32>
        %and3A_704 = arith.constant 7 : i32
        %and3A_705 = vector.broadcast %and3A_704 : i32 to vector<16xi32>
        %and3A_706 = arith.andi %add3A_699, %and3A_705 : vector<16xi32>
        tpu.vector_store_idx %arg9[%shift_right_logical3A_703, %and3A_706, %add3A_278], %gather3A_700 : memref<8x8x128xf32, #tpu.memory_space<vmem>>[vector<16xi32>, vector<16xi32>, vector<16xi32>], vector<16xf32>,
        %add3A_707 = arith.constant 32 : i32
        %add3A_708 = vector.broadcast %add3A_707 : i32 to vector<16xi32>
        %add3A_709 = arith.addi %and3A_86, %add3A_708 : vector<16xi32>
        %gather3A_710 = tpu.vector_load_idx %arg7[%add3A_278, %add3A_709] : memref<128x64xf32, #tpu.memory_space<vmem>>[vector<16xi32>, vector<16xi32>], vector<16xf32>,
        %shift_right_logical3A_711 = arith.constant 3 : i32
        %shift_right_logical3A_712 = vector.broadcast %shift_right_logical3A_711 : i32 to vector<16xi32>
        %shift_right_logical3A_713 = arith.shrui %add3A_709, %shift_right_logical3A_712 : vector<16xi32>
        %and3A_714 = arith.constant 7 : i32
        %and3A_715 = vector.broadcast %and3A_714 : i32 to vector<16xi32>
        %and3A_716 = arith.andi %add3A_709, %and3A_715 : vector<16xi32>
        tpu.vector_store_idx %arg9[%shift_right_logical3A_713, %and3A_716, %add3A_278], %gather3A_710 : memref<8x8x128xf32, #tpu.memory_space<vmem>>[vector<16xi32>, vector<16xi32>, vector<16xi32>], vector<16xf32>,
        %add3A_717 = arith.constant 32 : i32
        %add3A_718 = vector.broadcast %add3A_717 : i32 to vector<16xi32>
        %add3A_719 = arith.addi %and3A_92, %add3A_718 : vector<16xi32>
        %gather3A_720 = tpu.vector_load_idx %arg7[%add3A_278, %add3A_719] : memref<128x64xf32, #tpu.memory_space<vmem>>[vector<16xi32>, vector<16xi32>], vector<16xf32>,
        %shift_right_logical3A_721 = arith.constant 3 : i32
        %shift_right_logical3A_722 = vector.broadcast %shift_right_logical3A_721 : i32 to vector<16xi32>
        %shift_right_logical3A_723 = arith.shrui %add3A_719, %shift_right_logical3A_722 : vector<16xi32>
        %and3A_724 = arith.constant 7 : i32
        %and3A_725 = vector.broadcast %and3A_724 : i32 to vector<16xi32>
        %and3A_726 = arith.andi %add3A_719, %and3A_725 : vector<16xi32>
        tpu.vector_store_idx %arg9[%shift_right_logical3A_723, %and3A_726, %add3A_278], %gather3A_720 : memref<8x8x128xf32, #tpu.memory_space<vmem>>[vector<16xi32>, vector<16xi32>, vector<16xi32>], vector<16xf32>,
        %add3A_727 = arith.constant 32 : i32
        %add3A_728 = vector.broadcast %add3A_727 : i32 to vector<16xi32>
        %add3A_729 = arith.addi %and3A_98, %add3A_728 : vector<16xi32>
        %gather3A_730 = tpu.vector_load_idx %arg7[%add3A_278, %add3A_729] : memref<128x64xf32, #tpu.memory_space<vmem>>[vector<16xi32>, vector<16xi32>], vector<16xf32>,
        %shift_right_logical3A_731 = arith.constant 3 : i32
        %shift_right_logical3A_732 = vector.broadcast %shift_right_logical3A_731 : i32 to vector<16xi32>
        %shift_right_logical3A_733 = arith.shrui %add3A_729, %shift_right_logical3A_732 : vector<16xi32>
        %and3A_734 = arith.constant 7 : i32
        %and3A_735 = vector.broadcast %and3A_734 : i32 to vector<16xi32>
        %and3A_736 = arith.andi %add3A_729, %and3A_735 : vector<16xi32>
        tpu.vector_store_idx %arg9[%shift_right_logical3A_733, %and3A_736, %add3A_278], %gather3A_730 : memref<8x8x128xf32, #tpu.memory_space<vmem>>[vector<16xi32>, vector<16xi32>, vector<16xi32>], vector<16xf32>,
        %add3A_737 = arith.constant 32 : i32
        %add3A_738 = vector.broadcast %add3A_737 : i32 to vector<16xi32>
        %add3A_739 = arith.addi %and3A_104, %add3A_738 : vector<16xi32>
        %gather3A_740 = tpu.vector_load_idx %arg7[%add3A_278, %add3A_739] : memref<128x64xf32, #tpu.memory_space<vmem>>[vector<16xi32>, vector<16xi32>], vector<16xf32>,
        %shift_right_logical3A_741 = arith.constant 3 : i32
        %shift_right_logical3A_742 = vector.broadcast %shift_right_logical3A_741 : i32 to vector<16xi32>
        %shift_right_logical3A_743 = arith.shrui %add3A_739, %shift_right_logical3A_742 : vector<16xi32>
        %and3A_744 = arith.constant 7 : i32
        %and3A_745 = vector.broadcast %and3A_744 : i32 to vector<16xi32>
        %and3A_746 = arith.andi %add3A_739, %and3A_745 : vector<16xi32>
        tpu.vector_store_idx %arg9[%shift_right_logical3A_743, %and3A_746, %add3A_278], %gather3A_740 : memref<8x8x128xf32, #tpu.memory_space<vmem>>[vector<16xi32>, vector<16xi32>, vector<16xi32>], vector<16xf32>,
        %add3A_747 = arith.constant 32 : i32
        %add3A_748 = vector.broadcast %add3A_747 : i32 to vector<16xi32>
        %add3A_749 = arith.addi %and3A_110, %add3A_748 : vector<16xi32>
        %gather3A_750 = tpu.vector_load_idx %arg7[%add3A_278, %add3A_749] : memref<128x64xf32, #tpu.memory_space<vmem>>[vector<16xi32>, vector<16xi32>], vector<16xf32>,
        %shift_right_logical3A_751 = arith.constant 3 : i32
        %shift_right_logical3A_752 = vector.broadcast %shift_right_logical3A_751 : i32 to vector<16xi32>
        %shift_right_logical3A_753 = arith.shrui %add3A_749, %shift_right_logical3A_752 : vector<16xi32>
        %and3A_754 = arith.constant 7 : i32
        %and3A_755 = vector.broadcast %and3A_754 : i32 to vector<16xi32>
        %and3A_756 = arith.andi %add3A_749, %and3A_755 : vector<16xi32>
        tpu.vector_store_idx %arg9[%shift_right_logical3A_753, %and3A_756, %add3A_278], %gather3A_750 : memref<8x8x128xf32, #tpu.memory_space<vmem>>[vector<16xi32>, vector<16xi32>, vector<16xi32>], vector<16xf32>,
        %add3A_757 = arith.constant 48 : i32
        %add3A_758 = vector.broadcast %add3A_757 : i32 to vector<16xi32>
        %add3A_759 = arith.addi %and3A_20, %add3A_758 : vector<16xi32>
        %gather3A_760 = tpu.vector_load_idx %arg7[%add3A_278, %add3A_759] : memref<128x64xf32, #tpu.memory_space<vmem>>[vector<16xi32>, vector<16xi32>], vector<16xf32>,
        %shift_right_logical3A_761 = arith.constant 3 : i32
        %shift_right_logical3A_762 = vector.broadcast %shift_right_logical3A_761 : i32 to vector<16xi32>
        %shift_right_logical3A_763 = arith.shrui %add3A_759, %shift_right_logical3A_762 : vector<16xi32>
        %and3A_764 = arith.constant 7 : i32
        %and3A_765 = vector.broadcast %and3A_764 : i32 to vector<16xi32>
        %and3A_766 = arith.andi %add3A_759, %and3A_765 : vector<16xi32>
        tpu.vector_store_idx %arg9[%shift_right_logical3A_763, %and3A_766, %add3A_278], %gather3A_760 : memref<8x8x128xf32, #tpu.memory_space<vmem>>[vector<16xi32>, vector<16xi32>, vector<16xi32>], vector<16xf32>,
        %add3A_767 = arith.constant 48 : i32
        %add3A_768 = vector.broadcast %add3A_767 : i32 to vector<16xi32>
        %add3A_769 = arith.addi %and3A_26, %add3A_768 : vector<16xi32>
        %gather3A_770 = tpu.vector_load_idx %arg7[%add3A_278, %add3A_769] : memref<128x64xf32, #tpu.memory_space<vmem>>[vector<16xi32>, vector<16xi32>], vector<16xf32>,
        %shift_right_logical3A_771 = arith.constant 3 : i32
        %shift_right_logical3A_772 = vector.broadcast %shift_right_logical3A_771 : i32 to vector<16xi32>
        %shift_right_logical3A_773 = arith.shrui %add3A_769, %shift_right_logical3A_772 : vector<16xi32>
        %and3A_774 = arith.constant 7 : i32
        %and3A_775 = vector.broadcast %and3A_774 : i32 to vector<16xi32>
        %and3A_776 = arith.andi %add3A_769, %and3A_775 : vector<16xi32>
        tpu.vector_store_idx %arg9[%shift_right_logical3A_773, %and3A_776, %add3A_278], %gather3A_770 : memref<8x8x128xf32, #tpu.memory_space<vmem>>[vector<16xi32>, vector<16xi32>, vector<16xi32>], vector<16xf32>,
        %add3A_777 = arith.constant 48 : i32
        %add3A_778 = vector.broadcast %add3A_777 : i32 to vector<16xi32>
        %add3A_779 = arith.addi %and3A_32, %add3A_778 : vector<16xi32>
        %gather3A_780 = tpu.vector_load_idx %arg7[%add3A_278, %add3A_779] : memref<128x64xf32, #tpu.memory_space<vmem>>[vector<16xi32>, vector<16xi32>], vector<16xf32>,
        %shift_right_logical3A_781 = arith.constant 3 : i32
        %shift_right_logical3A_782 = vector.broadcast %shift_right_logical3A_781 : i32 to vector<16xi32>
        %shift_right_logical3A_783 = arith.shrui %add3A_779, %shift_right_logical3A_782 : vector<16xi32>
        %and3A_784 = arith.constant 7 : i32
        %and3A_785 = vector.broadcast %and3A_784 : i32 to vector<16xi32>
        %and3A_786 = arith.andi %add3A_779, %and3A_785 : vector<16xi32>
        tpu.vector_store_idx %arg9[%shift_right_logical3A_783, %and3A_786, %add3A_278], %gather3A_780 : memref<8x8x128xf32, #tpu.memory_space<vmem>>[vector<16xi32>, vector<16xi32>, vector<16xi32>], vector<16xf32>,
        %add3A_787 = arith.constant 48 : i32
        %add3A_788 = vector.broadcast %add3A_787 : i32 to vector<16xi32>
        %add3A_789 = arith.addi %and3A_38, %add3A_788 : vector<16xi32>
        %gather3A_790 = tpu.vector_load_idx %arg7[%add3A_278, %add3A_789] : memref<128x64xf32, #tpu.memory_space<vmem>>[vector<16xi32>, vector<16xi32>], vector<16xf32>,
        %shift_right_logical3A_791 = arith.constant 3 : i32
        %shift_right_logical3A_792 = vector.broadcast %shift_right_logical3A_791 : i32 to vector<16xi32>
        %shift_right_logical3A_793 = arith.shrui %add3A_789, %shift_right_logical3A_792 : vector<16xi32>
        %and3A_794 = arith.constant 7 : i32
        %and3A_795 = vector.broadcast %and3A_794 : i32 to vector<16xi32>
        %and3A_796 = arith.andi %add3A_789, %and3A_795 : vector<16xi32>
        tpu.vector_store_idx %arg9[%shift_right_logical3A_793, %and3A_796, %add3A_278], %gather3A_790 : memref<8x8x128xf32, #tpu.memory_space<vmem>>[vector<16xi32>, vector<16xi32>, vector<16xi32>], vector<16xf32>,
        %add3A_797 = arith.constant 48 : i32
        %add3A_798 = vector.broadcast %add3A_797 : i32 to vector<16xi32>
        %add3A_799 = arith.addi %and3A_44, %add3A_798 : vector<16xi32>
        %gather3A_800 = tpu.vector_load_idx %arg7[%add3A_278, %add3A_799] : memref<128x64xf32, #tpu.memory_space<vmem>>[vector<16xi32>, vector<16xi32>], vector<16xf32>,
        %shift_right_logical3A_801 = arith.constant 3 : i32
        %shift_right_logical3A_802 = vector.broadcast %shift_right_logical3A_801 : i32 to vector<16xi32>
        %shift_right_logical3A_803 = arith.shrui %add3A_799, %shift_right_logical3A_802 : vector<16xi32>
        %and3A_804 = arith.constant 7 : i32
        %and3A_805 = vector.broadcast %and3A_804 : i32 to vector<16xi32>
        %and3A_806 = arith.andi %add3A_799, %and3A_805 : vector<16xi32>
        tpu.vector_store_idx %arg9[%shift_right_logical3A_803, %and3A_806, %add3A_278], %gather3A_800 : memref<8x8x128xf32, #tpu.memory_space<vmem>>[vector<16xi32>, vector<16xi32>, vector<16xi32>], vector<16xf32>,
        %add3A_807 = arith.constant 48 : i32
        %add3A_808 = vector.broadcast %add3A_807 : i32 to vector<16xi32>
        %add3A_809 = arith.addi %and3A_50, %add3A_808 : vector<16xi32>
        %gather3A_810 = tpu.vector_load_idx %arg7[%add3A_278, %add3A_809] : memref<128x64xf32, #tpu.memory_space<vmem>>[vector<16xi32>, vector<16xi32>], vector<16xf32>,
        %shift_right_logical3A_811 = arith.constant 3 : i32
        %shift_right_logical3A_812 = vector.broadcast %shift_right_logical3A_811 : i32 to vector<16xi32>
        %shift_right_logical3A_813 = arith.shrui %add3A_809, %shift_right_logical3A_812 : vector<16xi32>
        %and3A_814 = arith.constant 7 : i32
        %and3A_815 = vector.broadcast %and3A_814 : i32 to vector<16xi32>
        %and3A_816 = arith.andi %add3A_809, %and3A_815 : vector<16xi32>
        tpu.vector_store_idx %arg9[%shift_right_logical3A_813, %and3A_816, %add3A_278], %gather3A_810 : memref<8x8x128xf32, #tpu.memory_space<vmem>>[vector<16xi32>, vector<16xi32>, vector<16xi32>], vector<16xf32>,
        %add3A_817 = arith.constant 48 : i32
        %add3A_818 = vector.broadcast %add3A_817 : i32 to vector<16xi32>
        %add3A_819 = arith.addi %and3A_56, %add3A_818 : vector<16xi32>
        %gather3A_820 = tpu.vector_load_idx %arg7[%add3A_278, %add3A_819] : memref<128x64xf32, #tpu.memory_space<vmem>>[vector<16xi32>, vector<16xi32>], vector<16xf32>,
        %shift_right_logical3A_821 = arith.constant 3 : i32
        %shift_right_logical3A_822 = vector.broadcast %shift_right_logical3A_821 : i32 to vector<16xi32>
        %shift_right_logical3A_823 = arith.shrui %add3A_819, %shift_right_logical3A_822 : vector<16xi32>
        %and3A_824 = arith.constant 7 : i32
        %and3A_825 = vector.broadcast %and3A_824 : i32 to vector<16xi32>
        %and3A_826 = arith.andi %add3A_819, %and3A_825 : vector<16xi32>
        tpu.vector_store_idx %arg9[%shift_right_logical3A_823, %and3A_826, %add3A_278], %gather3A_820 : memref<8x8x128xf32, #tpu.memory_space<vmem>>[vector<16xi32>, vector<16xi32>, vector<16xi32>], vector<16xf32>,
        %add3A_827 = arith.constant 48 : i32
        %add3A_828 = vector.broadcast %add3A_827 : i32 to vector<16xi32>
        %add3A_829 = arith.addi %and3A_62, %add3A_828 : vector<16xi32>
        %gather3A_830 = tpu.vector_load_idx %arg7[%add3A_278, %add3A_829] : memref<128x64xf32, #tpu.memory_space<vmem>>[vector<16xi32>, vector<16xi32>], vector<16xf32>,
        %shift_right_logical3A_831 = arith.constant 3 : i32
        %shift_right_logical3A_832 = vector.broadcast %shift_right_logical3A_831 : i32 to vector<16xi32>
        %shift_right_logical3A_833 = arith.shrui %add3A_829, %shift_right_logical3A_832 : vector<16xi32>
        %and3A_834 = arith.constant 7 : i32
        %and3A_835 = vector.broadcast %and3A_834 : i32 to vector<16xi32>
        %and3A_836 = arith.andi %add3A_829, %and3A_835 : vector<16xi32>
        tpu.vector_store_idx %arg9[%shift_right_logical3A_833, %and3A_836, %add3A_278], %gather3A_830 : memref<8x8x128xf32, #tpu.memory_space<vmem>>[vector<16xi32>, vector<16xi32>, vector<16xi32>], vector<16xf32>,
        %add3A_837 = arith.constant 48 : i32
        %add3A_838 = vector.broadcast %add3A_837 : i32 to vector<16xi32>
        %add3A_839 = arith.addi %and3A_68, %add3A_838 : vector<16xi32>
        %gather3A_840 = tpu.vector_load_idx %arg7[%add3A_278, %add3A_839] : memref<128x64xf32, #tpu.memory_space<vmem>>[vector<16xi32>, vector<16xi32>], vector<16xf32>,
        %shift_right_logical3A_841 = arith.constant 3 : i32
        %shift_right_logical3A_842 = vector.broadcast %shift_right_logical3A_841 : i32 to vector<16xi32>
        %shift_right_logical3A_843 = arith.shrui %add3A_839, %shift_right_logical3A_842 : vector<16xi32>
        %and3A_844 = arith.constant 7 : i32
        %and3A_845 = vector.broadcast %and3A_844 : i32 to vector<16xi32>
        %and3A_846 = arith.andi %add3A_839, %and3A_845 : vector<16xi32>
        tpu.vector_store_idx %arg9[%shift_right_logical3A_843, %and3A_846, %add3A_278], %gather3A_840 : memref<8x8x128xf32, #tpu.memory_space<vmem>>[vector<16xi32>, vector<16xi32>, vector<16xi32>], vector<16xf32>,
        %add3A_847 = arith.constant 48 : i32
        %add3A_848 = vector.broadcast %add3A_847 : i32 to vector<16xi32>
        %add3A_849 = arith.addi %and3A_74, %add3A_848 : vector<16xi32>
        %gather3A_850 = tpu.vector_load_idx %arg7[%add3A_278, %add3A_849] : memref<128x64xf32, #tpu.memory_space<vmem>>[vector<16xi32>, vector<16xi32>], vector<16xf32>,
        %shift_right_logical3A_851 = arith.constant 3 : i32
        %shift_right_logical3A_852 = vector.broadcast %shift_right_logical3A_851 : i32 to vector<16xi32>
        %shift_right_logical3A_853 = arith.shrui %add3A_849, %shift_right_logical3A_852 : vector<16xi32>
        %and3A_854 = arith.constant 7 : i32
        %and3A_855 = vector.broadcast %and3A_854 : i32 to vector<16xi32>
        %and3A_856 = arith.andi %add3A_849, %and3A_855 : vector<16xi32>
        tpu.vector_store_idx %arg9[%shift_right_logical3A_853, %and3A_856, %add3A_278], %gather3A_850 : memref<8x8x128xf32, #tpu.memory_space<vmem>>[vector<16xi32>, vector<16xi32>, vector<16xi32>], vector<16xf32>,
        %add3A_857 = arith.constant 48 : i32
        %add3A_858 = vector.broadcast %add3A_857 : i32 to vector<16xi32>
        %add3A_859 = arith.addi %and3A_80, %add3A_858 : vector<16xi32>
        %gather3A_860 = tpu.vector_load_idx %arg7[%add3A_278, %add3A_859] : memref<128x64xf32, #tpu.memory_space<vmem>>[vector<16xi32>, vector<16xi32>], vector<16xf32>,
        %shift_right_logical3A_861 = arith.constant 3 : i32
        %shift_right_logical3A_862 = vector.broadcast %shift_right_logical3A_861 : i32 to vector<16xi32>
        %shift_right_logical3A_863 = arith.shrui %add3A_859, %shift_right_logical3A_862 : vector<16xi32>
        %and3A_864 = arith.constant 7 : i32
        %and3A_865 = vector.broadcast %and3A_864 : i32 to vector<16xi32>
        %and3A_866 = arith.andi %add3A_859, %and3A_865 : vector<16xi32>
        tpu.vector_store_idx %arg9[%shift_right_logical3A_863, %and3A_866, %add3A_278], %gather3A_860 : memref<8x8x128xf32, #tpu.memory_space<vmem>>[vector<16xi32>, vector<16xi32>, vector<16xi32>], vector<16xf32>,
        %add3A_867 = arith.constant 48 : i32
        %add3A_868 = vector.broadcast %add3A_867 : i32 to vector<16xi32>
        %add3A_869 = arith.addi %and3A_86, %add3A_868 : vector<16xi32>
        %gather3A_870 = tpu.vector_load_idx %arg7[%add3A_278, %add3A_869] : memref<128x64xf32, #tpu.memory_space<vmem>>[vector<16xi32>, vector<16xi32>], vector<16xf32>,
        %shift_right_logical3A_871 = arith.constant 3 : i32
        %shift_right_logical3A_872 = vector.broadcast %shift_right_logical3A_871 : i32 to vector<16xi32>
        %shift_right_logical3A_873 = arith.shrui %add3A_869, %shift_right_logical3A_872 : vector<16xi32>
        %and3A_874 = arith.constant 7 : i32
        %and3A_875 = vector.broadcast %and3A_874 : i32 to vector<16xi32>
        %and3A_876 = arith.andi %add3A_869, %and3A_875 : vector<16xi32>
        tpu.vector_store_idx %arg9[%shift_right_logical3A_873, %and3A_876, %add3A_278], %gather3A_870 : memref<8x8x128xf32, #tpu.memory_space<vmem>>[vector<16xi32>, vector<16xi32>, vector<16xi32>], vector<16xf32>,
        %add3A_877 = arith.constant 48 : i32
        %add3A_878 = vector.broadcast %add3A_877 : i32 to vector<16xi32>
        %add3A_879 = arith.addi %and3A_92, %add3A_878 : vector<16xi32>
        %gather3A_880 = tpu.vector_load_idx %arg7[%add3A_278, %add3A_879] : memref<128x64xf32, #tpu.memory_space<vmem>>[vector<16xi32>, vector<16xi32>], vector<16xf32>,
        %shift_right_logical3A_881 = arith.constant 3 : i32
        %shift_right_logical3A_882 = vector.broadcast %shift_right_logical3A_881 : i32 to vector<16xi32>
        %shift_right_logical3A_883 = arith.shrui %add3A_879, %shift_right_logical3A_882 : vector<16xi32>
        %and3A_884 = arith.constant 7 : i32
        %and3A_885 = vector.broadcast %and3A_884 : i32 to vector<16xi32>
        %and3A_886 = arith.andi %add3A_879, %and3A_885 : vector<16xi32>
        tpu.vector_store_idx %arg9[%shift_right_logical3A_883, %and3A_886, %add3A_278], %gather3A_880 : memref<8x8x128xf32, #tpu.memory_space<vmem>>[vector<16xi32>, vector<16xi32>, vector<16xi32>], vector<16xf32>,
        %add3A_887 = arith.constant 48 : i32
        %add3A_888 = vector.broadcast %add3A_887 : i32 to vector<16xi32>
        %add3A_889 = arith.addi %and3A_98, %add3A_888 : vector<16xi32>
        %gather3A_890 = tpu.vector_load_idx %arg7[%add3A_278, %add3A_889] : memref<128x64xf32, #tpu.memory_space<vmem>>[vector<16xi32>, vector<16xi32>], vector<16xf32>,
        %shift_right_logical3A_891 = arith.constant 3 : i32
        %shift_right_logical3A_892 = vector.broadcast %shift_right_logical3A_891 : i32 to vector<16xi32>
        %shift_right_logical3A_893 = arith.shrui %add3A_889, %shift_right_logical3A_892 : vector<16xi32>
        %and3A_894 = arith.constant 7 : i32
        %and3A_895 = vector.broadcast %and3A_894 : i32 to vector<16xi32>
        %and3A_896 = arith.andi %add3A_889, %and3A_895 : vector<16xi32>
        tpu.vector_store_idx %arg9[%shift_right_logical3A_893, %and3A_896, %add3A_278], %gather3A_890 : memref<8x8x128xf32, #tpu.memory_space<vmem>>[vector<16xi32>, vector<16xi32>, vector<16xi32>], vector<16xf32>,
        %add3A_897 = arith.constant 48 : i32
        %add3A_898 = vector.broadcast %add3A_897 : i32 to vector<16xi32>
        %add3A_899 = arith.addi %and3A_104, %add3A_898 : vector<16xi32>
        %gather3A_900 = tpu.vector_load_idx %arg7[%add3A_278, %add3A_899] : memref<128x64xf32, #tpu.memory_space<vmem>>[vector<16xi32>, vector<16xi32>], vector<16xf32>,
        %shift_right_logical3A_901 = arith.constant 3 : i32
        %shift_right_logical3A_902 = vector.broadcast %shift_right_logical3A_901 : i32 to vector<16xi32>
        %shift_right_logical3A_903 = arith.shrui %add3A_899, %shift_right_logical3A_902 : vector<16xi32>
        %and3A_904 = arith.constant 7 : i32
        %and3A_905 = vector.broadcast %and3A_904 : i32 to vector<16xi32>
        %and3A_906 = arith.andi %add3A_899, %and3A_905 : vector<16xi32>
        tpu.vector_store_idx %arg9[%shift_right_logical3A_903, %and3A_906, %add3A_278], %gather3A_900 : memref<8x8x128xf32, #tpu.memory_space<vmem>>[vector<16xi32>, vector<16xi32>, vector<16xi32>], vector<16xf32>,
        %add3A_907 = arith.constant 48 : i32
        %add3A_908 = vector.broadcast %add3A_907 : i32 to vector<16xi32>
        %add3A_909 = arith.addi %and3A_110, %add3A_908 : vector<16xi32>
        %gather3A_910 = tpu.vector_load_idx %arg7[%add3A_278, %add3A_909] : memref<128x64xf32, #tpu.memory_space<vmem>>[vector<16xi32>, vector<16xi32>], vector<16xf32>,
        %shift_right_logical3A_911 = arith.constant 3 : i32
        %shift_right_logical3A_912 = vector.broadcast %shift_right_logical3A_911 : i32 to vector<16xi32>
        %shift_right_logical3A_913 = arith.shrui %add3A_909, %shift_right_logical3A_912 : vector<16xi32>
        %and3A_914 = arith.constant 7 : i32
        %and3A_915 = vector.broadcast %and3A_914 : i32 to vector<16xi32>
        %and3A_916 = arith.andi %add3A_909, %and3A_915 : vector<16xi32>
        tpu.vector_store_idx %arg9[%shift_right_logical3A_913, %and3A_916, %add3A_278], %gather3A_910 : memref<8x8x128xf32, #tpu.memory_space<vmem>>[vector<16xi32>, vector<16xi32>, vector<16xi32>], vector<16xf32>,
        %scan3A_917 = arith.constant 0 : i32
        scf.yield %scan3A_917 : i32
      }
      %scan3A_236 = arith.constant 8 : i32
      %mul3A_237 = arith.constant 2 : i32
      %mul3A_238 = arith.muli %mul3A_237, %add3A_218 : i32
      %add3A_239 = arith.constant 0 : i32
      %add3A_240 = arith.addi %mul3A_238, %add3A_239 : i32
      %dma_start3A_241 = arith.constant 0 : i32
      %dma_start3A_242 = arith.constant 0 : i32
      %dma_start3A_243 = arith.constant 0 : i32
      %dma_start3A_244 = tpu.memref_slice %arg4[%add3A_240, %dma_start3A_241, %add3A, %dma_start3A_242, %dma_start3A_243] : memref<400x8x32x8x128xf32, #tpu.memory_space<hbm>> -> memref<1x8x1x8x128xf32, #tpu.memory_space<hbm>>
      %dma_start3A_245 = tpu.memref_squeeze %dma_start3A_244 : memref<1x8x1x8x128xf32, #tpu.memory_space<hbm>> -> memref<8x8x128xf32, #tpu.memory_space<hbm>>
      %dma_start3A_246 = arith.constant 0 : i32
      %dma_start3A_247 = arith.constant 0 : i32
      %dma_start3A_248 = arith.constant 0 : i32
      %dma_start3A_249 = tpu.memref_slice %arg4[%add3A_240, %dma_start3A_246, %add3A, %dma_start3A_247, %dma_start3A_248] : memref<400x8x32x8x128xf32, #tpu.memory_space<hbm>> -> memref<1x8x1x8x128xf32, #tpu.memory_space<hbm>>
      %dma_start3A_250 = tpu.memref_squeeze %dma_start3A_249 : memref<1x8x1x8x128xf32, #tpu.memory_space<hbm>> -> memref<8x8x128xf32, #tpu.memory_space<hbm>>
      tpu.enqueue_dma source(%arg9 : memref<8x8x128xf32, #tpu.memory_space<vmem>>) target(%dma_start3A_250 : memref<8x8x128xf32, #tpu.memory_space<hbm>>) target_semaphore(%arg13 : memref<!tpu.dma_semaphore, #tpu.memory_space<semaphore_mem>>)
      %mul3A_251 = arith.constant 2 : i32
      %mul3A_252 = arith.muli %mul3A_251, %add3A_218 : i32
      %add3A_253 = arith.constant 1 : i32
      %add3A_254 = arith.addi %mul3A_252, %add3A_253 : i32
      %dma_start3A_255 = arith.constant 0 : i32
      %dma_start3A_256 = arith.constant 0 : i32
      %dma_start3A_257 = arith.constant 0 : i32
      %dma_start3A_258 = tpu.memref_slice %arg4[%add3A_254, %dma_start3A_255, %add3A, %dma_start3A_256, %dma_start3A_257] : memref<400x8x32x8x128xf32, #tpu.memory_space<hbm>> -> memref<1x8x1x8x128xf32, #tpu.memory_space<hbm>>
      %dma_start3A_259 = tpu.memref_squeeze %dma_start3A_258 : memref<1x8x1x8x128xf32, #tpu.memory_space<hbm>> -> memref<8x8x128xf32, #tpu.memory_space<hbm>>
      %dma_start3A_260 = arith.constant 0 : i32
      %dma_start3A_261 = arith.constant 0 : i32
      %dma_start3A_262 = arith.constant 0 : i32
      %dma_start3A_263 = tpu.memref_slice %arg4[%add3A_254, %dma_start3A_260, %add3A, %dma_start3A_261, %dma_start3A_262] : memref<400x8x32x8x128xf32, #tpu.memory_space<hbm>> -> memref<1x8x1x8x128xf32, #tpu.memory_space<hbm>>
      %dma_start3A_264 = tpu.memref_squeeze %dma_start3A_263 : memref<1x8x1x8x128xf32, #tpu.memory_space<hbm>> -> memref<8x8x128xf32, #tpu.memory_space<hbm>>
      tpu.enqueue_dma source(%arg9 : memref<8x8x128xf32, #tpu.memory_space<vmem>>) target(%dma_start3A_264 : memref<8x8x128xf32, #tpu.memory_space<hbm>>) target_semaphore(%arg13 : memref<!tpu.dma_semaphore, #tpu.memory_space<semaphore_mem>>)
      %add3A_265 = arith.constant 2 : i32
      %add3A_266 = arith.addi %add3A_218, %add3A_265 : i32
      %lt3A_267 = arith.constant 200 : i32
      %lt3A_268 = arith.cmpi slt, %add3A_266, %lt3A_267 : i32
      %convert_element_type3A_269 = arith.extui %lt3A_268 : i1 to i32
      %cond3A_270 = arith.constant 0 : i32
      %cond3A_271 = arith.cmpi ne, %convert_element_type3A_269, %cond3A_270 : i32
      scf.if %cond3A_271 {
        %add3A_273 = arith.constant 2 : i32
        %add3A_274 = arith.addi %add3A_218, %add3A_273 : i32
        %dma_start3A_275 = arith.constant 0 : i32
        %dma_start3A_276 = tpu.memref_slice %arg5[%add3A_274, %dma_start3A_275] : memref<200x128xi32, #tpu.memory_space<vmem>> -> memref<1x128xi32, #tpu.memory_space<vmem>>
        %dma_start3A_277 = tpu.memref_squeeze %dma_start3A_276 : memref<1x128xi32, #tpu.memory_space<vmem>> -> memref<128xi32, #tpu.memory_space<vmem>>
        %dma_start3A_278 = arith.constant 0 : i32
        %dma_start3A_279 = arith.constant 0 : i32
        %dma_start3A_280 = tpu.memref_slice %arg3[%dma_start3A_278, %dma_start3A_279] : memref<100001x64xf32, #tpu.memory_space<hbm>> -> memref<100001x64xf32, #tpu.memory_space<hbm>>
        tpu.enqueue_indirect_dma source(%dma_start3A_280 : memref<100001x64xf32, #tpu.memory_space<hbm>>) target(%arg7 : memref<128x64xf32, #tpu.memory_space<vmem>>) offsets(%dma_start3A_277 : memref<128xi32, #tpu.memory_space<vmem>>) semaphore(%arg11 : memref<!tpu.dma_semaphore, #tpu.memory_space<semaphore_mem>>)
      } else {
      }
      %scan3A_272 = arith.constant 0 : i32
      scf.yield %scan3A_272 : i32
    }
    %scan3A_116 = arith.constant 100 : i32
    %dma_wait3A = arith.constant 396 : i32
    %dma_wait3A_117 = arith.constant 0 : i32
    %dma_wait3A_118 = arith.constant 0 : i32
    %dma_wait3A_119 = arith.constant 0 : i32
    %dma_wait3A_120 = tpu.memref_slice %arg4[%dma_wait3A, %dma_wait3A_117, %add3A, %dma_wait3A_118, %dma_wait3A_119] : memref<400x8x32x8x128xf32, #tpu.memory_space<hbm>> -> memref<1x8x1x8x128xf32, #tpu.memory_space<hbm>>
    %dma_wait3A_121 = tpu.memref_squeeze %dma_wait3A_120 : memref<1x8x1x8x128xf32, #tpu.memory_space<hbm>> -> memref<8x8x128xf32, #tpu.memory_space<hbm>>
    %dma_wait3A_122 = arith.constant 0 : i32
    %dma_wait3A_123 = arith.constant 0 : i32
    %dma_wait3A_124 = arith.constant 0 : i32
    %dma_wait3A_125 = tpu.memref_slice %arg4[%dma_wait3A, %dma_wait3A_122, %add3A, %dma_wait3A_123, %dma_wait3A_124] : memref<400x8x32x8x128xf32, #tpu.memory_space<hbm>> -> memref<1x8x1x8x128xf32, #tpu.memory_space<hbm>>
    %dma_wait3A_126 = tpu.memref_squeeze %dma_wait3A_125 : memref<1x8x1x8x128xf32, #tpu.memory_space<hbm>> -> memref<8x8x128xf32, #tpu.memory_space<hbm>>
    tpu.wait_dma2 semaphore(%arg12 : memref<!tpu.dma_semaphore, #tpu.memory_space<semaphore_mem>>) src(%arg8 : memref<8x8x128xf32, #tpu.memory_space<vmem>>) dst(%dma_wait3A_126 : memref<8x8x128xf32, #tpu.memory_space<hbm>>)
    %dma_wait3A_127 = arith.constant 397 : i32
    %dma_wait3A_128 = arith.constant 0 : i32
    %dma_wait3A_129 = arith.constant 0 : i32
    %dma_wait3A_130 = arith.constant 0 : i32
    %dma_wait3A_131 = tpu.memref_slice %arg4[%dma_wait3A_127, %dma_wait3A_128, %add3A, %dma_wait3A_129, %dma_wait3A_130] : memref<400x8x32x8x128xf32, #tpu.memory_space<hbm>> -> memref<1x8x1x8x128xf32, #tpu.memory_space<hbm>>
    %dma_wait3A_132 = tpu.memref_squeeze %dma_wait3A_131 : memref<1x8x1x8x128xf32, #tpu.memory_space<hbm>> -> memref<8x8x128xf32, #tpu.memory_space<hbm>>
    %dma_wait3A_133 = arith.constant 0 : i32
    %dma_wait3A_134 = arith.constant 0 : i32
    %dma_wait3A_135 = arith.constant 0 : i32
    %dma_wait3A_136 = tpu.memref_slice %arg4[%dma_wait3A_127, %dma_wait3A_133, %add3A, %dma_wait3A_134, %dma_wait3A_135] : memref<400x8x32x8x128xf32, #tpu.memory_space<hbm>> -> memref<1x8x1x8x128xf32, #tpu.memory_space<hbm>>
    %dma_wait3A_137 = tpu.memref_squeeze %dma_wait3A_136 : memref<1x8x1x8x128xf32, #tpu.memory_space<hbm>> -> memref<8x8x128xf32, #tpu.memory_space<hbm>>
    tpu.wait_dma2 semaphore(%arg12 : memref<!tpu.dma_semaphore, #tpu.memory_space<semaphore_mem>>) src(%arg8 : memref<8x8x128xf32, #tpu.memory_space<vmem>>) dst(%dma_wait3A_137 : memref<8x8x128xf32, #tpu.memory_space<hbm>>)
    %dma_wait3A_138 = arith.constant 398 : i32
    %dma_wait3A_139 = arith.constant 0 : i32
    %dma_wait3A_140 = arith.constant 0 : i32
    %dma_wait3A_141 = arith.constant 0 : i32
    %dma_wait3A_142 = tpu.memref_slice %arg4[%dma_wait3A_138, %dma_wait3A_139, %add3A, %dma_wait3A_140, %dma_wait3A_141] : memref<400x8x32x8x128xf32, #tpu.memory_space<hbm>> -> memref<1x8x1x8x128xf32, #tpu.memory_space<hbm>>
    %dma_wait3A_143 = tpu.memref_squeeze %dma_wait3A_142 : memref<1x8x1x8x128xf32, #tpu.memory_space<hbm>> -> memref<8x8x128xf32, #tpu.memory_space<hbm>>
    %dma_wait3A_144 = arith.constant 0 : i32
    %dma_wait3A_145 = arith.constant 0 : i32
    %dma_wait3A_146 = arith.constant 0 : i32
    %dma_wait3A_147 = tpu.memref_slice %arg4[%dma_wait3A_138, %dma_wait3A_144, %add3A, %dma_wait3A_145, %dma_wait3A_146] : memref<400x8x32x8x128xf32, #tpu.memory_space<hbm>> -> memref<1x8x1x8x128xf32, #tpu.memory_space<hbm>>
    %dma_wait3A_148 = tpu.memref_squeeze %dma_wait3A_147 : memref<1x8x1x8x128xf32, #tpu.memory_space<hbm>> -> memref<8x8x128xf32, #tpu.memory_space<hbm>>
    tpu.wait_dma2 semaphore(%arg13 : memref<!tpu.dma_semaphore, #tpu.memory_space<semaphore_mem>>) src(%arg9 : memref<8x8x128xf32, #tpu.memory_space<vmem>>) dst(%dma_wait3A_148 : memref<8x8x128xf32, #tpu.memory_space<hbm>>)
    %dma_wait3A_149 = arith.constant 399 : i32
    %dma_wait3A_150 = arith.constant 0 : i32
    %dma_wait3A_151 = arith.constant 0 : i32
    %dma_wait3A_152 = arith.constant 0 : i32
    %dma_wait3A_153 = tpu.memref_slice %arg4[%dma_wait3A_149, %dma_wait3A_150, %add3A, %dma_wait3A_151, %dma_wait3A_152] : memref<400x8x32x8x128xf32, #tpu.memory_space<hbm>> -> memref<1x8x1x8x128xf32, #tpu.memory_space<hbm>>
    %dma_wait3A_154 = tpu.memref_squeeze %dma_wait3A_153 : memref<1x8x1x8x128xf32, #tpu.memory_space<hbm>> -> memref<8x8x128xf32, #tpu.memory_space<hbm>>
    %dma_wait3A_155 = arith.constant 0 : i32
    %dma_wait3A_156 = arith.constant 0 : i32
    %dma_wait3A_157 = arith.constant 0 : i32
    %dma_wait3A_158 = tpu.memref_slice %arg4[%dma_wait3A_149, %dma_wait3A_155, %add3A, %dma_wait3A_156, %dma_wait3A_157] : memref<400x8x32x8x128xf32, #tpu.memory_space<hbm>> -> memref<1x8x1x8x128xf32, #tpu.memory_space<hbm>>
    %dma_wait3A_159 = tpu.memref_squeeze %dma_wait3A_158 : memref<1x8x1x8x128xf32, #tpu.memory_space<hbm>> -> memref<8x8x128xf32, #tpu.memory_space<hbm>>
    tpu.wait_dma2 semaphore(%arg13 : memref<!tpu.dma_semaphore, #tpu.memory_space<semaphore_mem>>) src(%arg9 : memref<8x8x128xf32, #tpu.memory_space<vmem>>) dst(%dma_wait3A_159 : memref<8x8x128xf32, #tpu.memory_space<hbm>>)
    return
  }
}

</mosaic_0001>

<sc_bundles>
// kernel: _run.3.cloned.1.call-start
scs
__scs_entry_jumppad:
0x0: {  	(pc) =	sbr.rel $0x88, $3  }
0x1: {  	(tag) =	ssettag $0x0;
	lr =	simm.s32 $0x1  }
0x2: {  	[smem:$0x3F9F] =	sst lr;
	_ =	strace $0xD0000000  }
0x3: {  	_ = 	snop  }
0x4: {  	_ = 	snop  }
0x5: {  	_ = 	snop  }
0x6: {  	_ = 	snop  }
0x7: {  	_ = 	snop  }
__scs_overlays_trampoline_lowered:
0x8: {  	[smem:$0x3FAE] =	sst s0  }
0x9: {  	[smem:$0x3FAF] =	sst s1  }
0xa: {  	[smem:$0x3FB0] =	sst s2  }
0xb: {  	[smem:$0x3FB1] =	sst s3  }
0xc: {  	[smem:$0x3FB2] =	sst s4  }
0xd: {  	[smem:$0x3FB3] =	sst s5  }
0xe: {  	[smem:$0x3FB4] =	sst s6  }
0xf: {  	[smem:$0x3FB5] =	sst s7  }
0x10: {  	[smem:$0x3FB6] =	sst s8  }
0x11: {  	[smem:$0x3FB7] =	sst s9;
	s0 =	simm.s32 @!p0 $0x0  }
0x12: {  	s1 =	sld [smem:$0x3F9D];
	s0 =	simm.s32 @p0 $0x1  }
0x13: {  	[smem:$0x3FB8] =	sst s0;
	s0 =	simm.s32 @!p1 $0x0  }
0x14: {  	s2 =	sld [smem:$0x3F9C];
	s0 =	simm.s32 @p1 $0x1  }
0x15: {  	[smem:$0x3FB9] =	sst s0;
	s0 =	simm.s32 @!p2 $0x0  }
0x16: {  	s3 =	sld [smem:$0x3FDB];
	s0 =	simm.s32 @p2 $0x1  }
0x17: {  	s4 =	simm.s32 $0x1BF5;
	[smem:$0x3FBB] =	sst s0  }
0x18: {  	s0 =	sld [smem:$0x3F9E];
	_ =	swait.ge [sflag:s4], $0x0  }
0x19: {  	s7 =	sld [smem:$0x3F9F]  }
0x1a: {  	s8 =	sadd.s32 $0xFFFFE003, lr  }
0x1b: {  	s9 =	sadd.s32 $0xFFFFFEF7, lr;
	s5 =	simm.s32 $0xFFFFFFFF;
	p2 =	slt.u32 s8, $0xFFFFF086  }
0x1c: {  	p1 =	slt.u32 s9, $0xF7A;
	s5 =	simm.s32 @!p2 $0x0  }
0x1d: {  	s5 =	simm.s32 @p1 $0x1;
	p0 =	seq.s32 s7, s2  }
0x1e: {  	s7 =	smul.u32 @!p0 $0xF7A, s2;
	p2 =	seq.s32 @!p0 s5, $0x0  }
0x1f: {  	s9 =	smul.u32 $0xF7A, s1;
	s8 =	simm.s32 @!p0 $0x1BF5;
	p2 =	por !p2, p0  }
0x20: {  	[sflag:s8] =	ssyncset.s32 @!p0 $0xFFFFF086;
	s6 =	sadd.s32 @!p0 s3, s7;
	s7 =	simm.s32 @!p0 $0x108  }
0x21: {  	s3 =	sadd.s32 s3, s9;
	s6 =	sadd.s32 @!p0 $0x88, s6;
	s7 =	simm.s32 @p2 $0x1082  }
0x22: {  	[simem:s7], [sflag:s8] =	dma.local @!p0 [hbm:s6], $0xF7A  }
0x23: {  	s9 =	sor.u32 $0xD0000000, s2;
	s6 =	simm.s32 $0x108;
	_ =	swait.ge @!p0 [sflag:s8], $0x0  }
0x24: {  	s3 =	sadd.s32 $0x88, s3;
	s6 =	simm.s32 @!p1 $0x1082;
	[sflag:s4] =	ssyncset.s32 $0xFFFFF086  }
0x25: {  	[simem:s6], [sflag:s4] =	dma.local [hbm:s3], $0xF7A  }
0x26: {  	[smem:$0x3F9F] =	sst s1;
	(tag) =	ssettag s2;
	_ =	strace s9  }
0x27: {  	s1 =	sld [smem:$0x3FAF]  }
0x28: {  	s2 =	sld [smem:$0x3FB0]  }
0x29: {  	s4 =	sld [smem:$0x3FB2]  }
0x2a: {  	p0 =	seq.s32 s5, $0x0;
	s5 =	sld [smem:$0x3FB3]  }
0x2b: {  	s6 =	sld [smem:$0x3FB4]  }
0x2c: {  	s7 =	sld [smem:$0x3FB5]  }
0x2d: {  	s3 =	simm.s32 $0x108;
	s8 =	sld [smem:$0x3FB6]  }
0x2e: {  	s3 =	simm.s32 @!p0 $0x1082;
	s9 =	sld [smem:$0x3FB7]  }
0x2f: {  	lr =	sadd.s32 s0, s3;
	s0 =	sld [smem:$0x3FAE]  }
0x30: {  	s3 =	sld [smem:$0x3FB1]  }
0x31: {  	[smem:$0x3FBA] =	sst s10  }
0x32: {  	s10 =	sld [smem:$0x3FB8];
	_ =	sdelay $0x3  }
0x33: {  	p0 =	seq.s32 s10, $0x1;
	s10 =	sld [smem:$0x3FBA];
	_ =	sdelay $0x3  }
0x34: {  	[smem:$0x3FBA] =	sst s10  }
0x35: {  	s10 =	sld [smem:$0x3FB9];
	_ =	sdelay $0x3  }
0x36: {  	p1 =	seq.s32 s10, $0x1;
	s10 =	sld [smem:$0x3FBA];
	_ =	sdelay $0x3  }
0x37: {  	[smem:$0x3FBA] =	sst s10  }
0x38: {  	s10 =	sld [smem:$0x3FBB]  }
0x39: {  	_ = 	snop;
	(pc) =	sbr.ind lr, $3  }
0x3a: {  	_ = 	snop  }
0x3b: {  	_ = 	snop  }
0x3c: {  	p2 =	seq.s32 s10, $0x1;
	s10 =	sld [smem:$0x3FBA]  }
0x3d: {  	_ =	shalt  }
0x3e: {  	_ =	shalt  }
0x3f: {  	_ =	shalt  }
0x40: {  	_ =	shalt  }
0x41: {  	_ =	shalt  }
0x42: {  	_ =	shalt  }
0x43: {  	_ =	shalt  }
0x44: {  	_ =	shalt  }
0x45: {  	_ =	shalt  }
0x46: {  	_ =	shalt  }
0x47: {  	_ =	shalt  }
0x48: {  	_ =	shalt  }
0x49: {  	_ =	shalt  }
0x4a: {  	_ =	shalt  }
0x4b: {  	_ =	shalt  }
0x4c: {  	_ =	shalt  }
0x4d: {  	_ =	shalt  }
0x4e: {  	_ =	shalt  }
0x4f: {  	_ =	shalt  }
0x50: {  	_ =	shalt  }
0x51: {  	_ =	shalt  }
0x52: {  	_ =	shalt  }
0x53: {  	_ =	shalt  }
0x54: {  	_ =	shalt  }
0x55: {  	_ =	shalt  }
0x56: {  	_ =	shalt  }
0x57: {  	_ =	shalt  }
0x58: {  	_ =	shalt  }
0x59: {  	_ =	shalt  }
0x5a: {  	_ =	shalt  }
0x5b: {  	_ =	shalt  }
0x5c: {  	_ =	shalt  }
0x5d: {  	_ =	shalt  }
0x5e: {  	_ =	shalt  }
0x5f: {  	_ =	shalt  }
0x60: {  	_ =	shalt  }
0x61: {  	_ =	shalt  }
0x62: {  	_ =	shalt  }
0x63: {  	_ =	shalt  }
0x64: {  	_ =	shalt  }
0x65: {  	_ =	shalt  }
0x66: {  	_ =	shalt  }
0x67: {  	_ =	shalt  }
0x68: {  	_ =	shalt  }
0x69: {  	_ =	shalt  }
0x6a: {  	_ =	shalt  }
0x6b: {  	_ =	shalt  }
0x6c: {  	_ =	shalt  }
0x6d: {  	_ =	shalt  }
0x6e: {  	_ =	shalt  }
0x6f: {  	_ =	shalt  }
0x70: {  	_ =	shalt  }
0x71: {  	_ =	shalt  }
0x72: {  	_ =	shalt  }
0x73: {  	_ =	shalt  }
0x74: {  	_ =	shalt  }
0x75: {  	_ =	shalt  }
0x76: {  	_ =	shalt  }
0x77: {  	_ =	shalt  }
0x78: {  	_ =	shalt  }
0x79: {  	_ =	shalt  }
0x7a: {  	_ =	shalt  }
0x7b: {  	_ =	shalt  }
0x7c: {  	_ =	shalt  }
0x7d: {  	_ =	shalt  }
0x7e: {  	_ =	shalt  }
0x7f: {  	_ =	shalt  }
0x80: {  	_ =	shalt  }
0x81: {  	_ =	shalt  }
0x82: {  	_ =	shalt  }
0x83: {  	_ =	shalt  }
0x84: {  	_ =	shalt  }
0x85: {  	_ =	shalt  }
0x86: {  	_ =	shalt  }
0x87: {  	_ =	shalt  }
.Lfunc_end0:
.L_simem_size_0:
called_computation_lowered:
.L_overlay_start_0:
0x88: {  	s2 =	sld [smem:$0x3FD9]  }
0x89: {  	s3 =	sld [smem:$0x3FFE];
	_ =	sdelay $0x1  }
0x8a: {  	s1 =	srdreg.scid  }
0x8b: {  	s0 =	sand.u32 $0x1, s1  }
0x8c: {  	s17 =	sshll.u32 s0, $0xA;
	s2 =	sadd.s32 s3, s2  }
0x8d: {  	s2 =	sadd.s32 s2, s17  }
0x8e: {  	[smem:$0x3FC6] =	sst s2  }
0x8f: {  	_ = 	snop  }
0x90: {  	s2 =	sld [smem:$0x3FD0];
	(tm) =	ssettm $0x1  }
0x91: {  	s18 =	sld [smem:$0x3FFB];
	_ =	sdelay $0x3  }
0x92: {  	_ =	strace s18  }
0x93: {  	s3 =	sld [smem:$0x3FFC];
	_ =	sdelay $0x3  }
0x94: {  	_ =	strace s3  }
0x95: {  	s3 =	sld [smem:$0x3FFD];
	_ =	sdelay $0x3  }
0x96: {  	_ =	strace s3  }
0x97: {  	_ =	strace $0x8FFFFFFF  }
0x98: {  	s19 =	sld [smem:$0x3FDB];
	_ =	sdelay $0x1  }
0x99: {  	s4 =	simm.s32 $_scs_section_size  }
0x9a: {  	s5 =	simm.s32 $_size__tile_overlayer_lowered;
	s6 =	simm.s32 $_tile_overlayer_lowered  }
0x9b: {  	s22 =	simm.s32 $0x1BFF;
	s21 =	sshll.u32 s6, $0x1;
	s3 =	sadd.s32 s4, s19  }
0x9c: {  	s7 =	simm.s32 $0x0;
	s20 =	sshll.u32 s5, $0x1;
	s5 =	sadd.s32 s21, s3  }
0x9d: {  	[timem:s7], [sflag:s22] =	dma.local [hbm:s5], s20  }
0x9e: {  	_ =	swait.ge [sflag:s22], s20  }
0x9f: {  	s4 =	ssub.s32 $0x0, s20;
	[sflag:s22] =	ssyncset.done $0x0  }
0xa0: {  	[sflag:s22] =	ssyncadd.s32 s4;
	_ =	sdelay $0x1  }
0xa1: {  	s23 =	simm.s32 $0x1B8B  }
0xa2: {  	_ =	swait.ge [sflag:s23], $0x1  }
0xa3: {  	[sflag:s23] =	ssyncset.done $0x0  }
0xa4: {  	s25 =	simm.s32 $0x1B8E;
	s24 =	sld [smem:$0x3FFE];
	[sflag:s23] =	ssyncadd.s32 $0xFFFFFFFF  }
0xa5: {  	s26 =	simm.s32 $execute0_lowered;
	[smem:$0x3FD2] =	sst s25  }
0xa6: {  	s5 =	sshll.u32 s26, $0x1;
	_ =	strace $0x80000046;
	[dreg:$0x1] =	wrdreg $0xFFFFFFFF  }
0xa7: {  	s28 =	simm.s32 $_size_execute0_lowered;
	s3 =	sadd.s32 s3, s5;
	[dreg:$0x0] =	wrdreg $0x0  }
0xa8: {  	s5 =	sshll.u32 s28, $0x1;
	[dreg:$0x2] =	wrdreg s3  }
0xa9: {  	[dreg:$0x3] =	wrdreg s5  }
0xaa: {  	[dreg:$0x4] =	wrdreg $0xC0  }
0xab: {  	_ =	task [dreg:s7], $0x5FFFF  }
0xac: {  	[dreg:$0x1] =	wrdreg $0xFFFFFFFF  }
0xad: {  	[dreg:$0x0] =	wrdreg $0x60  }
0xae: {  	[dreg:$0x2] =	wrdreg s24  }
0xaf: {  	[dreg:$0x3] =	wrdreg s2  }
0xb0: {  	[dreg:$0x4] =	wrdreg $0x9  }
0xb1: {  	_ =	task.clear_ibuf [dreg:s7], $0x5FFFF;
	_ =	strace $0x90000046  }
0xb2: {  	s29 =	simm.s32 $0x9;
	_ =	strace $0x80000048  }
0xb3: {  	_ =	swait.ge [sflag:s29], $0x1  }
0xb4: {  	[sflag:s29] =	ssyncadd.s32 $0xFFFFFFFF  }
0xb5: {  	_ =	strace $0x90000048  }
0xb6: {  	_ =	sfence  }
0xb7: {  	s30 =	sld [smem:$0x0];
	_ =	sdelay $0x2  }
0xb8: {  	s31 =	sshll.u32 s1, $0xD;
	s1 =	sshrl.u32 s1, $0x2  }
0xb9: {  	s3 =	sand.u32 $0x4000, s31;
	s1 =	sadd.s32 s1, s30  }
0xba: {  	s0 =	sor.u32 s3, s0;
	s1 =	sshll.u32 s1, $0x11  }
0xbb: {  	s0 =	sor.u32 s1, s0  }
0xbc: {  	s0 =	sadd.s32 $0x8F2B, s0  }
0xbd: {  	[sflag:s0] =	ssyncadd.remote.s32 $0x1  }
0xbe: {  	_ =	sfence.sel $0xFFFF  }
0xbf: {  	[dreg:$0x0] =	wrdreg $0xFFFFFFFF;
	(pc) =	sbr.abs _section_cstart, $3  }
0xc0: {  	[dreg:$0x1] =	wrdreg $0xFFFFFFFF  }
0xc1: {  	_ =	task.clear_ibuf [dreg:s7], $0x2FFFF;
	_ =	strace $0x9FFFFFFF  }
0xc2: {  	(tm) =	ssettm $0x7FFFFFFF  }
0xc3: {  	_ =	shalt  }
tec
execute0_lowered:
.L_overlay_start_1:
0x0: {  	(tag) =	ssettag $0x1  }
0x1: {  	vm14 =	vcmask $0x300;
	v0 =	vimm.s32 $0x787;
	vm13 =	vcmask $0x704  }
0x2: {  	vm12 =	vcmask $0xB08;
	vm11 =	vcmask $0xF0C;
	vm10 =	vcmask $0x1310  }
0x3: {  	vm9 =	vcmask $0x1714;
	vm8 =	vcmask $0x1B18;
	vm7 =	vcmask $0x1F1C  }
0x4: {  	vm5 =	vcmask $0x2320;
	v1 =	vimm.s32 $0x7;
	vm6 =	vcmask $0x2724  }
0x5: {  	vm4 =	vcmask $0x2B28;
	vm1 =	vcmask $0x2F2C;
	vm2 =	vcmask $0x3330  }
0x6: {  	vm3 =	vcmask $0x3734;
	v3 =	vimm.s32 $0x87654321;
	v4 =	vimm.s32 $0x87  }
0x7: {  	vm0 =	vcmask $0x3B38;
	v7 =	vimm.s32 $0xA9876543;
	v10 =	vimm.s32 $0x207  }
0x8: {  	v13 =	vimm.s32 $0x287;
	v49 =	vimm.s32 $0x307;
	v50 =	vimm.s32 $0xDCBA9876  }
0x9: {  	v54 =	vimm.s32 $0x6543210F;
	v15 =	vimm.s32 $0xEDCBA987;
	v59 =	vimm.s32 $0x387  }
0xa: {  	v32 =	vimm.s32 $0xFEDCBA98;
	v33 =	vimm.s32 $0x76543210;
	v35 =	vimm.s32 $0x407  }
0xb: {  	v38 =	vimm.s32 $0x487;
	v41 =	vimm.s32 $0x507;
	v42 =	vimm.s32 $0xE07  }
0xc: {  	v43 =	vimm.s32 $0xE87;
	v44 =	vimm.s32 $0xF07;
	v45 =	vimm.s32 $0x1787  }
0xd: {  	v46 =	vimm.s32 $0x1007;
	v19 =	vimm.s32 $0x1187;
	v20 =	vimm.s32 $0x1207  }
0xe: {  	v21 =	vimm.s32 $0x1287;
	v22 =	vimm.s32 $0x1307;
	v23 =	vimm.s32 $0x1387  }
0xf: {  	v24 =	vimm.s32 $0x1407;
	v25 =	vimm.s32 $0x1487;
	v26 =	vimm.s32 $0x1507  }
0x10: {  	v27 =	vimm.s32 $0x1587;
	v28 =	vimm.s32 $0x1607;
	v29 =	vimm.s32 $0x1687  }
0x11: {  	v30 =	vimm.s32 $0x1707;
	v31 =	vimm.s32 $0x1F87;
	v0 =	vsel vm14, $0x0, v0  }
0x12: {  	v1 =	vsel vm14, $0x80, v1;
	v3 =	vunpack.c.l.s4.s8 v3;
	v4 =	vsel vm14, $0x100, v4  }
0x13: {  	v7 =	vunpack.c.l.s4.s8 v7;
	v10 =	vsel vm14, $0x280, v10;
	v15 =	vunpack.c.l.s4.s8 v15  }
0x14: {  	v34 =	vunpack.c.l.s4.s8 v33;
	v19 =	vsel vm14, $0x1200, v19;
	v20 =	vsel vm14, $0x1280, v20  }
0x15: {  	v21 =	vsel vm14, $0x1300, v21;
	v22 =	vsel vm14, $0x1380, v22;
	v23 =	vsel vm14, $0x1400, v23  }
0x16: {  	v24 =	vsel vm14, $0x1480, v24;
	v25 =	vsel vm14, $0x1500, v25;
	v26 =	vsel vm14, $0x1580, v26  }
0x17: {  	v27 =	vsel vm14, $0x1600, v27;
	v28 =	vsel vm14, $0x1680, v28;
	v29 =	vsel vm14, $0x1700, v29  }
0x18: {  	v30 =	vsel vm14, $0x1780, v30;
	v31 =	vsel vm14, $0x1800, v31;
	v33 =	vimm.s32 $0x1887  }
0x19: {  	v0 =	vsel vm13, $0x81, v0;
	v1 =	vsel vm13, $0x101, v1;
	v4 =	vsel vm13, $0x181, v4  }
0x1a: {  	v10 =	vsel vm13, $0x301, v10;
	v33 =	vsel vm14, $0x1900, v33;
	v0 =	vsel vm12, $0x102, v0  }
0x1b: {  	v19 =	vsel vm13, $0x1281, v19;
	v20 =	vsel vm13, $0x1301, v20;
	v0 =	vsel vm11, $0x183, v0  }
0x1c: {  	v21 =	vsel vm13, $0x1381, v21;
	v22 =	vsel vm13, $0x1401, v22;
	v0 =	vsel vm10, $0x204, v0  }
0x1d: {  	v23 =	vsel vm13, $0x1481, v23;
	v24 =	vsel vm13, $0x1501, v24;
	v0 =	vsel vm9, $0x285, v0  }
0x1e: {  	v25 =	vsel vm13, $0x1581, v25;
	v26 =	vsel vm13, $0x1601, v26;
	v0 =	vsel vm8, $0x306, v0  }
0x1f: {  	v27 =	vsel vm13, $0x1681, v27;
	v1 =	vsel vm12, $0x182, v1;
	v0 =	vsel vm7, $0x387, v0  }
0x20: {  	v28 =	vsel vm13, $0x1701, v28;
	v1 =	vsel vm11, $0x203, v1;
	v0 =	vsel vm5, $0x400, v0  }
0x21: {  	v29 =	vsel vm13, $0x1781, v29;
	v1 =	vsel vm10, $0x284, v1;
	v0 =	vsel vm6, $0x481, v0  }
0x22: {  	v30 =	vsel vm13, $0x1001, v30;
	v1 =	vsel vm9, $0x305, v1;
	v0 =	vsel vm4, $0x502, v0  }
0x23: {  	v31 =	vsel vm13, $0x1881, v31;
	v1 =	vsel vm8, $0x386, v1;
	v0 =	vsel vm1, $0x583, v0  }
0x24: {  	v4 =	vsel vm12, $0x202, v4;
	v1 =	vsel vm7, $0x407, v1;
	v0 =	vsel vm2, $0x604, v0  }
0x25: {  	v5 =	vsel vm5, $0x480, v1;
	v2 =	vsel vm3, $0x685, v0;
	v0 =	vimm.s32 $0xFEDCBA9  }
0x26: {  	v1 =	vunpack.c.0.s8.s32 v3;
	v3 =	vsel vm6, $0x501, v5;
	v0 =	vunpack.c.l.s4.s8 v0  }
0x27: {  	v7 =	vunpack.c.0.s8.s32 v7;
	v10 =	vsel vm12, $0x382, v10;
	v3 =	vsel vm4, $0x582, v3  }
0x28: {  	v3 =	vsel vm1, $0x603, v3;
	v2 =	vsel vm0, $0x706, v2;
	v0 =	vunpack.c.0.s8.s32 v0  }
0x29: {  	v33 =	vsel vm13, $0x1981, v33;
	v4 =	vsel vm11, $0x283, v4;
	[tilespmem:$0x1FA80] =	vst v2;
	v2 =	vsel vm2, $0x684, v3  }
0x2a: {  	v3 =	vsel vm10, $0x304, v4;
	v2 =	vsel vm3, $0x705, v2;
	v5 =	vcombine.low v1, v0  }
0x2b: {  	v10 =	vsel vm11, $0x403, v10;
	v3 =	vsel vm9, $0x385, v3;
	v2 =	vsel vm0, $0x786, v2  }
0x2c: {  	v3 =	vsel vm8, $0x406, v3;
	[tilespmem:$0x1F950] =	vst v2;
	v2 =	vimm.s32 $0x10FEDCBA;
	v4 =	vand.u32 $0xF, v5  }
0x2d: {  	v3 =	vsel vm7, $0x487, v3;
	v0 =	vcombine.low v0, v1;
	[tilespmem:$0x1F960] =	vst v4;
	v4 =	vimm.s32 $0x107  }
0x2e: {  	v2 =	vunpack.c.l.s4.s8 v2;
	v5 =	vimm.s32 $0x98765432;
	v4 =	vsel vm14, $0x180, v4  }
0x2f: {  	v3 =	vsel vm5, $0x500, v3;
	v5 =	vunpack.c.l.s4.s8 v5;
	v4 =	vsel vm13, $0x201, v4  }
0x30: {  	v3 =	vsel vm6, $0x581, v3;
	v2 =	vunpack.c.0.s8.s32 v2;
	v6 =	vsel vm12, $0x282, v4  }
0x31: {  	v4 =	vunpack.c.0.s8.s32 v5;
	v5 =	vsel vm11, $0x303, v6;
	v6 =	vimm.s32 $0x210FEDCB  }
0x32: {  	v3 =	vsel vm4, $0x602, v3;
	v5 =	vsel vm10, $0x384, v5;
	v6 =	vunpack.c.l.s4.s8 v6  }
0x33: {  	v3 =	vsel vm1, $0x683, v3;
	v8 =	vcombine.low v4, v2;
	v5 =	vsel vm9, $0x405, v5  }
0x34: {  	v3 =	vsel vm2, $0x704, v3;
	v9 =	vsel vm8, $0x486, v5;
	v5 =	vunpack.c.0.s8.s32 v6  }
0x35: {  	v3 =	vsel vm3, $0x785, v3;
	v8 =	vand.u32 $0xF, v8;
	v6 =	vsel vm7, $0x507, v9  }
0x36: {  	v3 =	vsel vm0, $0x6, v3;
	[tilespmem:$0x1F940] =	vst v8;
	v6 =	vsel vm5, $0x580, v6;
	v8 =	vcombine.low v7, v5  }
0x37: {  	v2 =	vcombine.low v2, v4;
	v9 =	vimm.s32 $0x187;
	v6 =	vsel vm6, $0x601, v6  }
0x38: {  	[tilespmem:$0x1F930] =	vst v3;
	v3 =	vsel vm4, $0x682, v6;
	v6 =	vsel vm14, $0x200, v9;
	v8 =	vand.u32 $0xF, v8  }
0x39: {  	v9 =	vimm.s32 $0xBA987654;
	v3 =	vsel vm1, $0x703, v3;
	v6 =	vsel vm13, $0x281, v6  }
0x3a: {  	[tilespmem:$0x1FAB0] =	vst v8;
	v8 =	vsel vm2, $0x784, v3;
	v3 =	vimm.s32 $0x3210FEDC;
	v6 =	vsel vm12, $0x302, v6  }
0x3b: {  	v9 =	vunpack.c.l.s4.s8 v9;
	v3 =	vunpack.c.l.s4.s8 v3;
	v6 =	vsel vm11, $0x383, v6  }
0x3c: {  	v0 =	vand.u32 $0xF, v0;
	v2 =	vand.u32 $0xF, v2;
	v6 =	vsel vm10, $0x404, v6  }
0x3d: {  	v3 =	vunpack.c.0.s8.s32 v3;
	v11 =	vsel vm9, $0x485, v6;
	v6 =	vunpack.c.0.s8.s32 v9  }
0x3e: {  	[tilespmem:$0x1F7D0] =	vst v2;
	v2 =	vimm.s32 $0x587;
	v8 =	vsel vm3, $0x5, v8;
	v9 =	vsel vm8, $0x506, v11  }
0x3f: {  	v8 =	vsel vm0, $0x86, v8;
	v9 =	vsel vm7, $0x587, v9;
	v11 =	vcombine.low v6, v3  }
0x40: {  	v3 =	vcombine.low v3, v6;
	v6 =	vimm.s32 $0xB07;
	v9 =	vsel vm5, $0x600, v9  }
0x41: {  	v2 =	vsel vm14, $0x600, v2;
	[tilespmem:$0x1F9D0] =	vst v8;
	v6 =	vsel vm14, $0xB80, v6;
	v8 =	vsel vm6, $0x681, v9  }
0x42: {  	v9 =	vsel vm10, $0x484, v10;
	v10 =	vand.u32 $0xF, v11;
	v11 =	vimm.s32 $0xCBA98765  }
0x43: {  	v6 =	vsel vm13, $0xC01, v6;
	[tilespmem:$0x1F9C0] =	vst v10;
	v9 =	vsel vm9, $0x505, v9;
	v10 =	vimm.s32 $0x43210FED  }
0x44: {  	v8 =	vsel vm4, $0x702, v8;
	v9 =	vsel vm8, $0x586, v9;
	v10 =	vunpack.c.l.s4.s8 v10  }
0x45: {  	v11 =	vunpack.c.l.s4.s8 v11;
	v8 =	vsel vm1, $0x783, v8;
	v9 =	vsel vm7, $0x607, v9  }
0x46: {  	v12 =	vsel vm2, $0x4, v8;
	v9 =	vsel vm5, $0x680, v9;
	v8 =	vunpack.c.0.s8.s32 v10  }
0x47: {  	v12 =	vsel vm3, $0x85, v12;
	v10 =	vsel vm6, $0x701, v9;
	v9 =	vunpack.c.0.s8.s32 v11  }
0x48: {  	v11 =	vsel vm14, $0x300, v13;
	v12 =	vsel vm0, $0x106, v12;
	v13 =	vunpack.c.l.s4.s8 v50  }
0x49: {  	v10 =	vsel vm4, $0x782, v10;
	v11 =	vsel vm13, $0x381, v11;
	[tilespmem:$0x1F9B0] =	vst v12;
	v12 =	vsel vm14, $0x380, v49  }
0x4a: {  	v10 =	vsel vm1, $0x3, v10;
	v47 =	vcombine.low v9, v8;
	v11 =	vsel vm12, $0x402, v11  }
0x4b: {  	v12 =	vsel vm13, $0x401, v12;
	v13 =	vunpack.c.0.s8.s32 v13;
	v10 =	vsel vm2, $0x84, v10  }
0x4c: {  	v11 =	vsel vm11, $0x483, v11;
	v14 =	vsel vm12, $0x482, v12;
	v10 =	vsel vm3, $0x105, v10  }
0x4d: {  	v12 =	vsel vm14, $0xE80, v42;
	v42 =	vimm.s32 $0x1D07;
	v10 =	vsel vm0, $0x186, v10  }
0x4e: {  	v48 =	vand.u32 $0xF, v47;
	v47 =	vimm.s32 $0x1087;
	[tilespmem:$0x1F990] =	vst v10;
	v10 =	vsel vm10, $0x504, v11  }
0x4f: {  	v42 =	vsel vm14, $0x1D80, v42;
	v11 =	vimm.s32 $0x543210FE;
	v10 =	vsel vm9, $0x585, v10  }
0x50: {  	v12 =	vsel vm13, $0xF01, v12;
	v11 =	vunpack.c.l.s4.s8 v11;
	v10 =	vsel vm8, $0x606, v10  }
0x51: {  	[tilespmem:$0x1F9A0] =	vst v48;
	v42 =	vsel vm13, $0x1E01, v42;
	v48 =	vimm.s32 $0x18171615;
	v10 =	vsel vm7, $0x687, v10  }
0x52: {  	v51 =	vunpack.c.0.s8.s32 v11;
	v11 =	vsel vm11, $0x503, v14;
	v10 =	vsel vm5, $0x700, v10  }
0x53: {  	v50 =	vsel vm12, $0x1E82, v42;
	v11 =	vsel vm10, $0x584, v11;
	v10 =	vsel vm6, $0x781, v10  }
0x54: {  	v14 =	vunpack.c.l.s4.s8 v54;
	v11 =	vsel vm9, $0x605, v11;
	v10 =	vsel vm4, $0x2, v10  }
0x55: {  	v16 =	vcombine.low v13, v51;
	v11 =	vsel vm8, $0x686, v11;
	v17 =	vsel vm1, $0x83, v10  }
0x56: {  	v18 =	vsel vm7, $0x707, v11;
	v10 =	vunpack.c.0.s8.s32 v14;
	v11 =	vunpack.c.0.s8.s32 v15  }
0x57: {  	v56 =	vand.u32 $0xF, v16;
	v16 =	vunpack.c.l.s4.s8 v32;
	v32 =	vimm.s32 $0x1807  }
0x58: {  	v55 =	vsel vm5, $0x780, v18;
	v57 =	vsel vm2, $0x104, v17;
	v17 =	vsel vm14, $0x480, v35  }
0x59: {  	v18 =	vimm.s32 $0x1107;
	v32 =	vsel vm14, $0x1880, v32;
	v35 =	vimm.s32 $0x1987  }
0x5a: {  	v14 =	vsel vm6, $0x1, v55;
	v15 =	vsel vm3, $0x185, v57;
	v58 =	vcombine.low v11, v10  }
0x5b: {  	v16 =	vunpack.c.0.s8.s32 v16;
	v17 =	vsel vm13, $0x501, v17;
	v18 =	vsel vm14, $0x1180, v18  }
0x5c: {  	v35 =	vsel vm14, $0x1A00, v35;
	v32 =	vsel vm13, $0x1901, v32;
	v14 =	vsel vm4, $0x82, v14  }
0x5d: {  	v60 =	vsel vm0, $0x206, v15;
	v15 =	vsel vm14, $0x400, v59;
	v37 =	vsel vm12, $0x582, v17  }
0x5e: {  	v17 =	vsel vm14, $0x1100, v47;
	v47 =	vimm.s32 $0x14131211;
	v18 =	vsel vm13, $0x1201, v18  }
0x5f: {  	v35 =	vsel vm13, $0x1A81, v35;
	v14 =	vsel vm1, $0x103, v14;
	v61 =	vand.u32 $0xF, v58  }
0x60: {  	v15 =	vsel vm13, $0x481, v15;
	v16 =	vand.u32 $0xF, v16;
	v63 =	vunpack.c.0.s8.s32 v47  }
0x61: {  	v17 =	vsel vm13, $0x1181, v17;
	v14 =	vsel vm2, $0x184, v14;
	v15 =	vsel vm12, $0x502, v15  }
0x62: {  	v47 =	vunpack.c.0.s8.s32 v48;
	v14 =	vsel vm3, $0x205, v14;
	v15 =	vsel vm11, $0x583, v15  }
0x63: {  	v59 =	vsel vm0, $0x286, v14;
	v15 =	vsel vm10, $0x604, v15;
	v14 =	vunpack.c.0.s8.s32 v34  }
0x64: {  	v48 =	vimm.s32 $0x1D1C1B1A;
	v34 =	vimm.s32 $0x1907;
	v15 =	vsel vm9, $0x685, v15  }
0x65: {  	v34 =	vsel vm14, $0x1980, v34;
	v15 =	vsel vm8, $0x706, v15;
	v14 =	vcombine.low v16, v14  }
0x66: {  	v16 =	vsel vm14, $0x500, v38;
	v38 =	vimm.s32 $0x1B07;
	v34 =	vsel vm13, $0x1A01, v34  }
0x67: {  	v36 =	vsel vm7, $0x787, v15;
	v15 =	vsel vm11, $0x603, v37;
	v16 =	vsel vm13, $0x581, v16  }
0x68: {  	v37 =	vimm.s32 $0x1A87;
	v38 =	vsel vm14, $0x1B80, v38;
	[tilespmem:$0x1F7B0] =	vst v14;
	v14 =	vsel vm5, $0x0, v36  }
0x69: {  	v15 =	vsel vm10, $0x684, v15;
	v16 =	vsel vm12, $0x602, v16;
	v36 =	vimm.s32 $0x1A07  }
0x6a: {  	v37 =	vsel vm14, $0x1B00, v37;
	v38 =	vsel vm13, $0x1C01, v38;
	v14 =	vsel vm6, $0x81, v14  }
0x6b: {  	v15 =	vsel vm9, $0x705, v15;
	v16 =	vsel vm11, $0x683, v16;
	v36 =	vsel vm14, $0x1A80, v36  }
0x6c: {  	v37 =	vsel vm13, $0x1B81, v37;
	v14 =	vsel vm4, $0x102, v14;
	v15 =	vsel vm8, $0x786, v15  }
0x6d: {  	v16 =	vsel vm10, $0x704, v16;
	v36 =	vsel vm13, $0x1B01, v36;
	v14 =	vsel vm1, $0x183, v14  }
0x6e: {  	v15 =	vsel vm7, $0x7, v15;
	v39 =	vsel vm9, $0x785, v16;
	v16 =	vsel vm14, $0x1080, v46  }
0x6f: {  	v46 =	vimm.s32 $0x1F07;
	v14 =	vsel vm2, $0x204, v14;
	v15 =	vsel vm5, $0x80, v15  }
0x70: {  	v40 =	vsel vm8, $0x6, v39;
	v39 =	vimm.s32 $0x1B87;
	v46 =	vsel vm14, $0x1F80, v46  }
0x71: {  	v16 =	vsel vm13, $0x1101, v16;
	v14 =	vsel vm3, $0x285, v14;
	v1 =	vsel vm6, $0x101, v15  }
0x72: {  	v15 =	vsel vm14, $0x1000, v45;
	v39 =	vsel vm14, $0x1C00, v39;
	v45 =	vimm.s32 $0x1E87  }
0x73: {  	v46 =	vsel vm13, $0x1801, v46;
	v58 =	vsel vm0, $0x306, v14;
	v1 =	vsel vm4, $0x182, v1  }
0x74: {  	v14 =	vsel vm14, $0x580, v41;
	v41 =	vimm.s32 $0x1C87;
	v45 =	vsel vm14, $0x1F00, v45  }
0x75: {  	v15 =	vsel vm13, $0x1081, v15;
	v39 =	vsel vm13, $0x1C81, v39;
	v54 =	vsel vm12, $0x1882, v46  }
0x76: {  	[tilespmem:$0x1F7C0] =	vst v0;
	v46 =	vunpack.c.0.s8.s32 v48;
	v0 =	vsel vm1, $0x203, v1;
	v1 =	vsel vm7, $0x87, v40  }
0x77: {  	v4 =	vsel vm13, $0x601, v14;
	v14 =	vsel vm14, $0xF80, v44;
	v40 =	vimm.s32 $0x1C07  }
0x78: {  	v41 =	vsel vm14, $0x1D00, v41;
	v44 =	vimm.s32 $0x1E07;
	v45 =	vsel vm13, $0x1F81, v45  }
0x79: {  	v0 =	vsel vm2, $0x284, v0;
	v1 =	vsel vm5, $0x100, v1;
	v40 =	vsel vm14, $0x1C80, v40  }
0x7a: {  	v44 =	vsel vm14, $0x1E80, v44;
	v14 =	vsel vm13, $0x801, v14;
	v41 =	vsel vm13, $0x1D81, v41  }
0x7b: {  	v53 =	vsel vm12, $0x1802, v45;
	v45 =	vsel vm11, $0x1903, v54;
	v0 =	vsel vm3, $0x305, v0  }
0x7c: {  	v1 =	vsel vm6, $0x181, v1;
	v40 =	vsel vm13, $0x1D01, v40;
	v44 =	vsel vm13, $0x1F01, v44  }
0x7d: {  	v49 =	vsel vm12, $0x1E02, v41;
	v41 =	vsel vm11, $0x1F03, v50;
	v45 =	vsel vm10, $0x1984, v45  }
0x7e: {  	v50 =	vimm.s32 $0x15141312;
	v1 =	vsel vm4, $0x202, v1;
	v57 =	vsel vm0, $0x386, v0  }
0x7f: {  	v52 =	vsel vm12, $0x1F82, v44;
	v44 =	vsel vm11, $0x1883, v53;
	v41 =	vsel vm10, $0x1F84, v41  }
0x80: {  	v45 =	vsel vm9, $0x1A05, v45;
	v0 =	vsel vm1, $0x283, v1;
	v1 =	vsel vm12, $0x682, v4  }
0x81: {  	v4 =	vcombine.low v5, v7;
	v5 =	vimm.s32 $0xA87;
	v7 =	vimm.s32 $0xB87  }
0x82: {  	v44 =	vsel vm10, $0x1904, v44;
	v41 =	vsel vm9, $0x1805, v41;
	v45 =	vsel vm8, $0x1A86, v45  }
0x83: {  	v0 =	vsel vm2, $0x304, v0;
	v1 =	vsel vm11, $0x703, v1;
	v5 =	vsel vm14, $0xB00, v5  }
0x84: {  	v7 =	vsel vm14, $0xC00, v7;
	v44 =	vsel vm9, $0x1985, v44;
	v41 =	vsel vm8, $0x1886, v41  }
0x85: {  	v0 =	vsel vm3, $0x385, v0;
	v1 =	vsel vm10, $0x784, v1;
	v5 =	vsel vm13, $0xB81, v5  }
0x86: {  	v7 =	vsel vm13, $0xC81, v7;
	v44 =	vsel vm8, $0x1A06, v44;
	v1 =	vsel vm9, $0x5, v1  }
0x87: {  	[tilespmem:$0x1FD70] =	vst v56;
	v54 =	vsel vm7, $0x1907, v41;
	v56 =	vsel vm0, $0x406, v0;
	v0 =	vsel vm8, $0x86, v1  }
0x88: {  	v1 =	vsel vm13, $0x681, v2;
	v2 =	vand.u32 $0xF, v4;
	v4 =	vimm.s32 $0xA07  }
0x89: {  	[tilespmem:$0x1FA20] =	vst v2;
	v0 =	vsel vm7, $0x107, v0;
	v1 =	vsel vm12, $0x702, v1;
	v2 =	vimm.s32 $0x607  }
0x8a: {  	v4 =	vsel vm14, $0xA80, v4;
	v0 =	vsel vm5, $0x180, v0;
	v1 =	vsel vm11, $0x783, v1  }
0x8b: {  	v2 =	vsel vm14, $0x680, v2;
	v4 =	vsel vm13, $0xB01, v4;
	v1 =	vsel vm10, $0x4, v1  }
0x8c: {  	v0 =	vsel vm6, $0x201, v0;
	v2 =	vsel vm13, $0x701, v2;
	v1 =	vsel vm9, $0x85, v1  }
0x8d: {  	v0 =	vsel vm4, $0x282, v0;
	v2 =	vsel vm12, $0x782, v2;
	v1 =	vsel vm8, $0x106, v1  }
0x8e: {  	v0 =	vsel vm1, $0x303, v0;
	v2 =	vsel vm11, $0x3, v2;
	v1 =	vsel vm7, $0x187, v1  }
0x8f: {  	v0 =	vsel vm2, $0x384, v0;
	v2 =	vsel vm10, $0x84, v2;
	v1 =	vsel vm5, $0x200, v1  }
0x90: {  	v0 =	vsel vm3, $0x405, v0;
	v2 =	vsel vm9, $0x105, v2;
	v1 =	vsel vm6, $0x281, v1  }
0x91: {  	v55 =	vsel vm0, $0x486, v0;
	v0 =	vsel vm4, $0x302, v1;
	v1 =	vsel vm8, $0x186, v2  }
0x92: {  	v2 =	vand.u32 $0xF, v3;
	v3 =	vcombine.low v51, v13;
	v13 =	vsel vm14, $0xF00, v43  }
0x93: {  	v43 =	vimm.s32 $0x1D87;
	v0 =	vsel vm1, $0x383, v0;
	v1 =	vsel vm7, $0x207, v1  }
0x94: {  	[tilespmem:$0x1FA40] =	vst v2;
	v2 =	vimm.s32 $0x687;
	v43 =	vsel vm14, $0x1E00, v43;
	v13 =	vsel vm13, $0xF81, v13  }
0x95: {  	v0 =	vsel vm2, $0x404, v0;
	v1 =	vsel vm5, $0x280, v1;
	v2 =	vsel vm14, $0x700, v2  }
0x96: {  	v43 =	vsel vm13, $0x1E81, v43;
	v0 =	vsel vm3, $0x485, v0;
	v1 =	vsel vm6, $0x301, v1  }
0x97: {  	v51 =	vsel vm12, $0x1F02, v43;
	v43 =	vsel vm11, $0x1803, v52;
	v52 =	vimm.s32 $0x1E1D1C1B  }
0x98: {  	v0 =	vsel vm0, $0x506, v0;
	v42 =	vsel vm11, $0x1F83, v51;
	v43 =	vsel vm10, $0x1884, v43  }
0x99: {  	v51 =	vimm.s32 $0x19181716;
	[tilespmem:$0x1F7E0] =	vst v0;
	v0 =	vsel vm4, $0x382, v1;
	v1 =	vsel vm13, $0x781, v2  }
0x9a: {  	v2 =	vcombine.low v8, v9;
	v8 =	vimm.s32 $0xC07;
	v9 =	vimm.s32 $0xC87  }
0x9b: {  	v42 =	vsel vm10, $0x1804, v42;
	v43 =	vsel vm9, $0x1905, v43;
	v0 =	vsel vm1, $0x403, v0  }
0x9c: {  	v1 =	vsel vm12, $0x2, v1;
	v8 =	vsel vm14, $0xC80, v8;
	v9 =	vsel vm14, $0xD00, v9  }
0x9d: {  	v42 =	vsel vm9, $0x1885, v42;
	v43 =	vsel vm8, $0x1986, v43;
	v0 =	vsel vm2, $0x484, v0  }
0x9e: {  	v1 =	vsel vm11, $0x83, v1;
	v2 =	vand.u32 $0xF, v2;
	v0 =	vsel vm3, $0x505, v0  }
0x9f: {  	v8 =	vsel vm13, $0xD01, v8;
	v9 =	vsel vm13, $0xD81, v9;
	[tilespmem:$0x1F7F0] =	vst v2;
	v0 =	vsel vm0, $0x586, v0  }
0xa0: {  	v42 =	vsel vm8, $0x1906, v42;
	v1 =	vsel vm10, $0x104, v1;
	[tilespmem:$0x1F800] =	vst v0;
	v0 =	vand.u32 $0xF, v3  }
0xa1: {  	v2 =	vimm.s32 $0xF87;
	v48 =	vsel vm7, $0x1987, v42;
	[tilespmem:$0x1F810] =	vst v0;
	v0 =	vsel vm9, $0x185, v1  }
0xa2: {  	v2 =	vsel vm14, $0x800, v2;
	v1 =	vimm.s32 $0x707;
	v0 =	vsel vm8, $0x206, v0  }
0xa3: {  	v41 =	vsel vm5, $0x1A00, v48;
	v1 =	vsel vm14, $0x780, v1;
	v0 =	vsel vm7, $0x287, v0  }
0xa4: {  	v2 =	vsel vm13, $0x881, v2;
	v1 =	vsel vm13, $0x1, v1;
	v0 =	vsel vm5, $0x300, v0  }
0xa5: {  	v3 =	vcombine.low v10, v11;
	v1 =	vsel vm12, $0x82, v1;
	v0 =	vsel vm6, $0x381, v0  }
0xa6: {  	v2 =	vsel vm12, $0x902, v2;
	v1 =	vsel vm11, $0x103, v1;
	v0 =	vsel vm4, $0x402, v0  }
0xa7: {  	v2 =	vsel vm11, $0x983, v2;
	v1 =	vsel vm10, $0x184, v1;
	v0 =	vsel vm1, $0x483, v0  }
0xa8: {  	v2 =	vsel vm10, $0xA04, v2;
	v1 =	vsel vm9, $0x205, v1;
	v0 =	vsel vm2, $0x504, v0  }
0xa9: {  	v2 =	vsel vm9, $0xA85, v2;
	v1 =	vsel vm8, $0x286, v1;
	v0 =	vsel vm3, $0x585, v0  }
0xaa: {  	v2 =	vsel vm8, $0xB06, v2;
	v1 =	vsel vm7, $0x307, v1;
	v0 =	vsel vm0, $0x606, v0  }
0xab: {  	v10 =	vimm.s32 $0xD07;
	v2 =	vsel vm7, $0xB87, v2;
	[tilespmem:$0x1F820] =	vst v0;
	v0 =	vsel vm5, $0x380, v1  }
0xac: {  	v11 =	vimm.s32 $0xD87;
	v1 =	vsel vm5, $0xC00, v2;
	v0 =	vsel vm6, $0x401, v0  }
0xad: {  	v41 =	vsel vm6, $0x1A81, v41;
	v1 =	vsel vm6, $0xC81, v1;
	v0 =	vsel vm4, $0x482, v0  }
0xae: {  	v2 =	vand.u32 $0xF, v3;
	v1 =	vsel vm4, $0xD02, v1;
	v0 =	vsel vm1, $0x503, v0  }
0xaf: {  	[tilespmem:$0x1F830] =	vst v2;
	v2 =	vimm.s32 $0x807;
	v1 =	vsel vm1, $0xD83, v1;
	v0 =	vsel vm2, $0x584, v0  }
0xb0: {  	v2 =	vsel vm14, $0x880, v2;
	v1 =	vsel vm2, $0xE04, v1;
	v0 =	vsel vm3, $0x605, v0  }
0xb1: {  	v2 =	vsel vm13, $0x901, v2;
	v1 =	vsel vm3, $0xE85, v1;
	v0 =	vsel vm0, $0x686, v0  }
0xb2: {  	v10 =	vsel vm14, $0xD80, v10;
	v2 =	vsel vm12, $0x982, v2;
	[tilespmem:$0x1F840] =	vst v0;
	v0 =	vsel vm0, $0xF06, v1  }
0xb3: {  	v11 =	vsel vm14, $0xE00, v11;
	v1 =	vimm.s32 $0x1C1B1A19;
	[tilespmem:$0x1F850] =	vst v0;
	v0 =	vsel vm11, $0xA03, v2  }
0xb4: {  	v10 =	vsel vm13, $0xE01, v10;
	v1 =	vunpack.c.0.s8.s32 v1;
	v0 =	vsel vm10, $0xA84, v0  }
0xb5: {  	v11 =	vsel vm13, $0xE81, v11;
	v2 =	vimm.s32 $0x887;
	v0 =	vsel vm9, $0xB05, v0  }
0xb6: {  	v3 =	vimm.s32 $0x987;
	[tilespmem:$0x1FD50] =	vst v1;
	v1 =	vsel vm14, $0x900, v2;
	v0 =	vsel vm8, $0xB86, v0  }
0xb7: {  	v3 =	vsel vm14, $0xA00, v3;
	v1 =	vsel vm13, $0x981, v1;
	v0 =	vsel vm7, $0xC07, v0  }
0xb8: {  	v2 =	vimm.s32 $0x101F1E1D;
	v1 =	vsel vm12, $0xA02, v1;
	v0 =	vsel vm5, $0xC80, v0  }
0xb9: {  	v62 =	vunpack.c.0.s8.s32 v2;
	v1 =	vsel vm11, $0xA83, v1;
	v0 =	vsel vm6, $0xD01, v0  }
0xba: {  	v2 =	vimm.s32 $0x907;
	v1 =	vsel vm10, $0xB04, v1;
	v0 =	vsel vm4, $0xD82, v0  }
0xbb: {  	v2 =	vsel vm14, $0x980, v2;
	v1 =	vsel vm9, $0xB85, v1;
	v0 =	vsel vm1, $0xE03, v0  }
0xbc: {  	v2 =	vsel vm13, $0xA01, v2;
	v1 =	vsel vm8, $0xC06, v1;
	v0 =	vsel vm2, $0xE84, v0  }
0xbd: {  	v2 =	vsel vm12, $0xA82, v2;
	v1 =	vsel vm7, $0xC87, v1;
	v0 =	vsel vm3, $0xF05, v0  }
0xbe: {  	v2 =	vsel vm11, $0xB03, v2;
	v1 =	vsel vm5, $0xD00, v1;
	v0 =	vsel vm0, $0xF86, v0  }
0xbf: {  	v3 =	vsel vm13, $0xA81, v3;
	[tilespmem:$0x1F860] =	vst v0;
	v0 =	vsel vm6, $0xD81, v1;
	v1 =	vsel vm10, $0xB84, v2  }
0xc0: {  	v2 =	vsel vm12, $0xB02, v3;
	v3 =	vsel vm12, $0xB82, v4;
	v4 =	vsel vm12, $0xC02, v5  }
0xc1: {  	v5 =	vsel vm12, $0xC82, v6;
	v6 =	vsel vm12, $0xD02, v7;
	v7 =	vsel vm12, $0xD82, v8  }
0xc2: {  	v8 =	vsel vm12, $0xE02, v9;
	v9 =	vsel vm12, $0xE82, v10;
	v10 =	vsel vm12, $0xF02, v11  }
0xc3: {  	v11 =	vsel vm12, $0xF82, v12;
	v12 =	vsel vm12, $0x802, v13;
	v13 =	vsel vm12, $0x882, v14  }
0xc4: {  	v14 =	vsel vm12, $0x1102, v15;
	v15 =	vsel vm12, $0x1182, v16;
	v16 =	vsel vm12, $0x1202, v17  }
0xc5: {  	v17 =	vsel vm12, $0x1282, v18;
	v18 =	vsel vm12, $0x1302, v19;
	v19 =	vsel vm12, $0x1382, v20  }
0xc6: {  	v20 =	vsel vm12, $0x1402, v21;
	v21 =	vsel vm12, $0x1482, v22;
	v22 =	vsel vm12, $0x1502, v23  }
0xc7: {  	v23 =	vsel vm12, $0x1582, v24;
	v24 =	vsel vm12, $0x1602, v25;
	v25 =	vsel vm12, $0x1682, v26  }
0xc8: {  	v26 =	vsel vm12, $0x1702, v27;
	v27 =	vsel vm12, $0x1782, v28;
	v28 =	vsel vm12, $0x1002, v29  }
0xc9: {  	v29 =	vsel vm12, $0x1082, v30;
	v30 =	vsel vm12, $0x1902, v31;
	v31 =	vsel vm12, $0x1982, v32  }
0xca: {  	v32 =	vsel vm12, $0x1A02, v33;
	v33 =	vsel vm12, $0x1A82, v34;
	v34 =	vsel vm12, $0x1B02, v35  }
0xcb: {  	v35 =	vsel vm12, $0x1B82, v36;
	v36 =	vsel vm12, $0x1C02, v37;
	v37 =	vsel vm12, $0x1C82, v38  }
0xcc: {  	v38 =	vsel vm12, $0x1D02, v39;
	v39 =	vsel vm12, $0x1D82, v40;
	v40 =	vsel vm11, $0x1E83, v49  }
0xcd: {  	v49 =	vimm.s32 $0x11101F1E;
	v0 =	vsel vm4, $0xE02, v0;
	v1 =	vsel vm9, $0xC05, v1  }
0xce: {  	v2 =	vsel vm11, $0xB83, v2;
	v3 =	vsel vm11, $0xC03, v3;
	v4 =	vsel vm11, $0xC83, v4  }
0xcf: {  	v5 =	vsel vm11, $0xD03, v5;
	v6 =	vsel vm11, $0xD83, v6;
	v7 =	vsel vm11, $0xE03, v7  }
0xd0: {  	v8 =	vsel vm11, $0xE83, v8;
	v9 =	vsel vm11, $0xF03, v9;
	v10 =	vsel vm11, $0xF83, v10  }
0xd1: {  	v11 =	vsel vm11, $0x803, v11;
	v12 =	vsel vm11, $0x883, v12;
	v13 =	vsel vm11, $0x903, v13  }
0xd2: {  	v14 =	vsel vm11, $0x1183, v14;
	v15 =	vsel vm11, $0x1203, v15;
	v16 =	vsel vm11, $0x1283, v16  }
0xd3: {  	v17 =	vsel vm11, $0x1303, v17;
	v18 =	vsel vm11, $0x1383, v18;
	v19 =	vsel vm11, $0x1403, v19  }
0xd4: {  	v20 =	vsel vm11, $0x1483, v20;
	v21 =	vsel vm11, $0x1503, v21;
	v22 =	vsel vm11, $0x1583, v22  }
0xd5: {  	v23 =	vsel vm11, $0x1603, v23;
	v24 =	vsel vm11, $0x1683, v24;
	v25 =	vsel vm11, $0x1703, v25  }
0xd6: {  	v26 =	vsel vm11, $0x1783, v26;
	v27 =	vsel vm11, $0x1003, v27;
	v28 =	vsel vm11, $0x1083, v28  }
0xd7: {  	v29 =	vsel vm11, $0x1103, v29;
	v30 =	vsel vm11, $0x1983, v30;
	v31 =	vsel vm11, $0x1A03, v31  }
0xd8: {  	v32 =	vsel vm11, $0x1A83, v32;
	v33 =	vsel vm11, $0x1B03, v33;
	v34 =	vsel vm11, $0x1B83, v34  }
0xd9: {  	v35 =	vsel vm11, $0x1C03, v35;
	v36 =	vsel vm11, $0x1C83, v36;
	v37 =	vsel vm11, $0x1D03, v37  }
0xda: {  	[tilespmem:$0x1FDA0] =	vst v46;
	v38 =	vsel vm11, $0x1D83, v38;
	v39 =	vsel vm11, $0x1E03, v39;
	v46 =	vunpack.c.0.s8.s32 v49  }
0xdb: {  	v40 =	vsel vm10, $0x1F04, v40;
	v49 =	vsel vm7, $0x1A07, v43;
	v0 =	vsel vm1, $0xE83, v0  }
0xdc: {  	v1 =	vsel vm8, $0xC86, v1;
	v2 =	vsel vm10, $0xC04, v2;
	v3 =	vsel vm10, $0xC84, v3  }
0xdd: {  	v4 =	vsel vm10, $0xD04, v4;
	v5 =	vsel vm10, $0xD84, v5;
	v6 =	vsel vm10, $0xE04, v6  }
0xde: {  	v7 =	vsel vm10, $0xE84, v7;
	v8 =	vsel vm10, $0xF04, v8;
	v9 =	vsel vm10, $0xF84, v9  }
0xdf: {  	v10 =	vsel vm10, $0x804, v10;
	v11 =	vsel vm10, $0x884, v11;
	v12 =	vsel vm10, $0x904, v12  }
0xe0: {  	v13 =	vsel vm10, $0x984, v13;
	v14 =	vsel vm10, $0x1204, v14;
	v15 =	vsel vm10, $0x1284, v15  }
0xe1: {  	v16 =	vsel vm10, $0x1304, v16;
	v17 =	vsel vm10, $0x1384, v17;
	v18 =	vsel vm10, $0x1404, v18  }
0xe2: {  	v19 =	vsel vm10, $0x1484, v19;
	v20 =	vsel vm10, $0x1504, v20;
	v21 =	vsel vm10, $0x1584, v21  }
0xe3: {  	v22 =	vsel vm10, $0x1604, v22;
	v23 =	vsel vm10, $0x1684, v23;
	v24 =	vsel vm10, $0x1704, v24  }
0xe4: {  	v25 =	vsel vm10, $0x1784, v25;
	v26 =	vsel vm10, $0x1004, v26;
	v27 =	vsel vm10, $0x1084, v27  }
0xe5: {  	v28 =	vsel vm10, $0x1104, v28;
	v29 =	vsel vm10, $0x1184, v29;
	v30 =	vsel vm10, $0x1A04, v30  }
0xe6: {  	v31 =	vsel vm10, $0x1A84, v31;
	v32 =	vsel vm10, $0x1B04, v32;
	v33 =	vsel vm10, $0x1B84, v33  }
0xe7: {  	v34 =	vsel vm10, $0x1C04, v34;
	v35 =	vsel vm10, $0x1C84, v35;
	v36 =	vsel vm10, $0x1D04, v36  }
0xe8: {  	v37 =	vsel vm10, $0x1D84, v37;
	v38 =	vsel vm10, $0x1E04, v38;
	v39 =	vsel vm10, $0x1E84, v39  }
0xe9: {  	v40 =	vsel vm9, $0x1F85, v40;
	v42 =	vsel vm5, $0x1A80, v49;
	[tilespmem:$0x1FDB0] =	vst v46;
	v46 =	vunpack.c.0.s8.s32 v50  }
0xea: {  	v0 =	vsel vm2, $0xF04, v0;
	v1 =	vsel vm7, $0xD07, v1;
	v2 =	vsel vm9, $0xC85, v2  }
0xeb: {  	v3 =	vsel vm9, $0xD05, v3;
	v4 =	vsel vm9, $0xD85, v4;
	v5 =	vsel vm9, $0xE05, v5  }
0xec: {  	v6 =	vsel vm9, $0xE85, v6;
	v7 =	vsel vm9, $0xF05, v7;
	v8 =	vsel vm9, $0xF85, v8  }
0xed: {  	v9 =	vsel vm9, $0x805, v9;
	v10 =	vsel vm9, $0x885, v10;
	v11 =	vsel vm9, $0x905, v11  }
0xee: {  	v12 =	vsel vm9, $0x985, v12;
	v13 =	vsel vm9, $0xA05, v13;
	v14 =	vsel vm9, $0x1285, v14  }
0xef: {  	v15 =	vsel vm9, $0x1305, v15;
	v16 =	vsel vm9, $0x1385, v16;
	v17 =	vsel vm9, $0x1405, v17  }
0xf0: {  	v18 =	vsel vm9, $0x1485, v18;
	v19 =	vsel vm9, $0x1505, v19;
	v20 =	vsel vm9, $0x1585, v20  }
0xf1: {  	v21 =	vsel vm9, $0x1605, v21;
	v22 =	vsel vm9, $0x1685, v22;
	v23 =	vsel vm9, $0x1705, v23  }
0xf2: {  	v24 =	vsel vm9, $0x1785, v24;
	v25 =	vsel vm9, $0x1005, v25;
	v26 =	vsel vm9, $0x1085, v26  }
0xf3: {  	v27 =	vsel vm9, $0x1105, v27;
	v28 =	vsel vm9, $0x1185, v28;
	v29 =	vsel vm9, $0x1205, v29  }
0xf4: {  	v30 =	vsel vm9, $0x1A85, v30;
	v31 =	vsel vm9, $0x1B05, v31;
	v32 =	vsel vm9, $0x1B85, v32  }
0xf5: {  	v33 =	vsel vm9, $0x1C05, v33;
	v34 =	vsel vm9, $0x1C85, v34;
	v35 =	vsel vm9, $0x1D05, v35  }
0xf6: {  	v36 =	vsel vm9, $0x1D85, v36;
	v37 =	vsel vm9, $0x1E05, v37;
	v38 =	vsel vm9, $0x1E85, v38  }
0xf7: {  	v39 =	vsel vm9, $0x1F05, v39;
	v40 =	vsel vm8, $0x1806, v40;
	v50 =	vsel vm7, $0x1A87, v44  }
0xf8: {  	v42 =	vsel vm6, $0x1B01, v42;
	v0 =	vsel vm3, $0xF85, v0;
	v1 =	vsel vm5, $0xD80, v1  }
0xf9: {  	v2 =	vsel vm8, $0xD06, v2;
	v3 =	vsel vm8, $0xD86, v3;
	v4 =	vsel vm8, $0xE06, v4  }
0xfa: {  	v5 =	vsel vm8, $0xE86, v5;
	v6 =	vsel vm8, $0xF06, v6;
	v7 =	vsel vm8, $0xF86, v7  }
0xfb: {  	v8 =	vsel vm8, $0x806, v8;
	v9 =	vsel vm8, $0x886, v9;
	v10 =	vsel vm8, $0x906, v10  }
0xfc: {  	v11 =	vsel vm8, $0x986, v11;
	v12 =	vsel vm8, $0xA06, v12;
	v13 =	vsel vm8, $0xA86, v13  }
0xfd: {  	v14 =	vsel vm8, $0x1306, v14;
	v15 =	vsel vm8, $0x1386, v15;
	v16 =	vsel vm8, $0x1406, v16  }
0xfe: {  	v17 =	vsel vm8, $0x1486, v17;
	v18 =	vsel vm8, $0x1506, v18;
	v19 =	vsel vm8, $0x1586, v19  }
0xff: {  	v20 =	vsel vm8, $0x1606, v20;
	v21 =	vsel vm8, $0x1686, v21;
	v22 =	vsel vm8, $0x1706, v22  }
0x100: {  	v23 =	vsel vm8, $0x1786, v23;
	v24 =	vsel vm8, $0x1006, v24;
	v25 =	vsel vm8, $0x1086, v25  }
0x101: {  	v26 =	vsel vm8, $0x1106, v26;
	v27 =	vsel vm8, $0x1186, v27;
	v28 =	vsel vm8, $0x1206, v28  }
0x102: {  	v29 =	vsel vm8, $0x1286, v29;
	v30 =	vsel vm8, $0x1B06, v30;
	v31 =	vsel vm8, $0x1B86, v31  }
0x103: {  	v32 =	vsel vm8, $0x1C06, v32;
	v33 =	vsel vm8, $0x1C86, v33;
	v34 =	vsel vm8, $0x1D06, v34  }
0x104: {  	v35 =	vsel vm8, $0x1D86, v35;
	v36 =	vsel vm8, $0x1E06, v36;
	v37 =	vsel vm8, $0x1E86, v37  }
0x105: {  	v38 =	vsel vm8, $0x1F06, v38;
	v39 =	vsel vm8, $0x1F86, v39;
	v53 =	vsel vm7, $0x1887, v40  }
0x106: {  	v40 =	vsel vm5, $0x1980, v54;
	v43 =	vsel vm5, $0x1B00, v50;
	[tilespmem:$0x1FDC0] =	vst v46;
	v0 =	vsel vm0, $0x806, v0  }
0x107: {  	v54 =	vimm.s32 $0x1A191817;
	v46 =	vunpack.c.0.s8.s32 v51;
	[tilespmem:$0x1F870] =	vst v0;
	v0 =	vunpack.c.0.s8.s32 v52  }
0x108: {  	v51 =	vsel vm7, $0x1B07, v45;
	v40 =	vsel vm6, $0x1A01, v40;
	v52 =	vimm.s32 $0x1211101F  }
0x109: {  	v48 =	vunpack.c.0.s8.s32 v54;
	v45 =	vunpack.c.0.s8.s32 v52;
	[tilespmem:$0x1F880] =	vst v0;
	v0 =	vsel vm6, $0xE01, v1  }
0x10a: {  	v1 =	vsel vm7, $0xD87, v2;
	v2 =	vsel vm7, $0xE07, v3;
	v3 =	vsel vm7, $0xE87, v4  }
0x10b: {  	v4 =	vsel vm7, $0xF07, v5;
	v5 =	vsel vm7, $0xF87, v6;
	v6 =	vsel vm7, $0x807, v7  }
0x10c: {  	v7 =	vsel vm7, $0x887, v8;
	v8 =	vsel vm7, $0x907, v9;
	v9 =	vsel vm7, $0x987, v10  }
0x10d: {  	v10 =	vsel vm7, $0xA07, v11;
	v11 =	vsel vm7, $0xA87, v12;
	v12 =	vsel vm7, $0xB07, v13  }
0x10e: {  	v13 =	vsel vm7, $0x1387, v14;
	v14 =	vsel vm7, $0x1407, v15;
	v15 =	vsel vm7, $0x1487, v16  }
0x10f: {  	v16 =	vsel vm7, $0x1507, v17;
	v17 =	vsel vm7, $0x1587, v18;
	v18 =	vsel vm7, $0x1607, v19  }
0x110: {  	v19 =	vsel vm7, $0x1687, v20;
	v20 =	vsel vm7, $0x1707, v21;
	v21 =	vsel vm7, $0x1787, v22  }
0x111: {  	v22 =	vsel vm7, $0x1007, v23;
	v23 =	vsel vm7, $0x1087, v24;
	v24 =	vsel vm7, $0x1107, v25  }
0x112: {  	v25 =	vsel vm7, $0x1187, v26;
	v26 =	vsel vm7, $0x1207, v27;
	v27 =	vsel vm7, $0x1287, v28  }
0x113: {  	v28 =	vsel vm7, $0x1307, v29;
	v29 =	vsel vm7, $0x1B87, v30;
	v30 =	vsel vm7, $0x1C07, v31  }
0x114: {  	v31 =	vsel vm7, $0x1C87, v32;
	v32 =	vsel vm7, $0x1D07, v33;
	v33 =	vsel vm7, $0x1D87, v34  }
0x115: {  	v34 =	vsel vm7, $0x1E07, v35;
	v35 =	vsel vm7, $0x1E87, v36;
	v36 =	vsel vm7, $0x1F07, v37  }
0x116: {  	v37 =	vsel vm7, $0x1F87, v38;
	v38 =	vsel vm7, $0x1807, v39;
	v39 =	vsel vm5, $0x1900, v53  }
0x117: {  	v53 =	vimm.s32 $0x16151413;
	v0 =	vsel vm4, $0xE82, v0;
	v1 =	vsel vm5, $0xE00, v1  }
0x118: {  	v2 =	vsel vm5, $0xE80, v2;
	v3 =	vsel vm5, $0xF00, v3;
	v4 =	vsel vm5, $0xF80, v4  }
0x119: {  	v5 =	vsel vm5, $0x800, v5;
	v6 =	vsel vm5, $0x880, v6;
	v7 =	vsel vm5, $0x900, v7  }
0x11a: {  	v8 =	vsel vm5, $0x980, v8;
	v9 =	vsel vm5, $0xA00, v9;
	v10 =	vsel vm5, $0xA80, v10  }
0x11b: {  	v11 =	vsel vm5, $0xB00, v11;
	v12 =	vsel vm5, $0xB80, v12;
	v13 =	vsel vm5, $0x1400, v13  }
0x11c: {  	v14 =	vsel vm5, $0x1480, v14;
	v15 =	vsel vm5, $0x1500, v15;
	v16 =	vsel vm5, $0x1580, v16  }
0x11d: {  	v17 =	vsel vm5, $0x1600, v17;
	v18 =	vsel vm5, $0x1680, v18;
	v19 =	vsel vm5, $0x1700, v19  }
0x11e: {  	v20 =	vsel vm5, $0x1780, v20;
	v21 =	vsel vm5, $0x1000, v21;
	v22 =	vsel vm5, $0x1080, v22  }
0x11f: {  	v23 =	vsel vm5, $0x1100, v23;
	v24 =	vsel vm5, $0x1180, v24;
	v25 =	vsel vm5, $0x1200, v25  }
0x120: {  	v26 =	vsel vm5, $0x1280, v26;
	v27 =	vsel vm5, $0x1300, v27;
	v28 =	vsel vm5, $0x1380, v28  }
0x121: {  	v29 =	vsel vm5, $0x1C00, v29;
	v30 =	vsel vm5, $0x1C80, v30;
	v31 =	vsel vm5, $0x1D00, v31  }
0x122: {  	v32 =	vsel vm5, $0x1D80, v32;
	v33 =	vsel vm5, $0x1E00, v33;
	v34 =	vsel vm5, $0x1E80, v34  }
0x123: {  	v35 =	vsel vm5, $0x1F00, v35;
	v36 =	vsel vm5, $0x1F80, v36;
	v37 =	vsel vm5, $0x1800, v37  }
0x124: {  	[tilespmem:$0x1F890] =	vst v45;
	v38 =	vsel vm5, $0x1880, v38;
	v39 =	vsel vm6, $0x1981, v39;
	v45 =	vunpack.c.0.s8.s32 v53  }
0x125: {  	v0 =	vsel vm1, $0xF03, v0;
	v1 =	vsel vm6, $0xE81, v1;
	v2 =	vsel vm6, $0xF01, v2  }
0x126: {  	v3 =	vsel vm6, $0xF81, v3;
	v4 =	vsel vm6, $0x801, v4;
	v5 =	vsel vm6, $0x881, v5  }
0x127: {  	v6 =	vsel vm6, $0x901, v6;
	v7 =	vsel vm6, $0x981, v7;
	v8 =	vsel vm6, $0xA01, v8  }
0x128: {  	v9 =	vsel vm6, $0xA81, v9;
	v10 =	vsel vm6, $0xB01, v10;
	v11 =	vsel vm6, $0xB81, v11  }
0x129: {  	v12 =	vsel vm6, $0xC01, v12;
	v13 =	vsel vm6, $0x1481, v13;
	v14 =	vsel vm6, $0x1501, v14  }
0x12a: {  	v15 =	vsel vm6, $0x1581, v15;
	v16 =	vsel vm6, $0x1601, v16;
	v17 =	vsel vm6, $0x1681, v17  }
0x12b: {  	v18 =	vsel vm6, $0x1701, v18;
	v19 =	vsel vm6, $0x1781, v19;
	v20 =	vsel vm6, $0x1001, v20  }
0x12c: {  	v21 =	vsel vm6, $0x1081, v21;
	v22 =	vsel vm6, $0x1101, v22;
	v23 =	vsel vm6, $0x1181, v23  }
0x12d: {  	v24 =	vsel vm6, $0x1201, v24;
	v25 =	vsel vm6, $0x1281, v25;
	v26 =	vsel vm6, $0x1301, v26  }
0x12e: {  	v27 =	vsel vm6, $0x1381, v27;
	v28 =	vsel vm6, $0x1401, v28;
	v29 =	vsel vm6, $0x1C81, v29  }
0x12f: {  	v30 =	vsel vm6, $0x1D01, v30;
	v31 =	vsel vm6, $0x1D81, v31;
	v32 =	vsel vm6, $0x1E01, v32  }
0x130: {  	v33 =	vsel vm6, $0x1E81, v33;
	v34 =	vsel vm6, $0x1F01, v34;
	v35 =	vsel vm6, $0x1F81, v35  }
0x131: {  	v36 =	vsel vm6, $0x1801, v36;
	v37 =	vsel vm6, $0x1881, v37;
	v38 =	vsel vm6, $0x1901, v38  }
0x132: {  	v0 =	vsel vm2, $0xF84, v0;
	v1 =	vsel vm4, $0xF02, v1;
	v2 =	vsel vm4, $0xF82, v2  }
0x133: {  	v49 =	vsel vm4, $0x1502, v13;
	v50 =	vsel vm4, $0x1582, v14;
	v14 =	vsel vm4, $0x1602, v15  }
0x134: {  	v15 =	vsel vm4, $0x1682, v16;
	v16 =	vsel vm4, $0x1702, v17;
	v17 =	vsel vm4, $0x1782, v18  }
0x135: {  	v18 =	vsel vm4, $0x1002, v19;
	v19 =	vsel vm4, $0x1082, v20;
	v20 =	vsel vm4, $0x1102, v21  }
0x136: {  	v21 =	vsel vm4, $0x1182, v22;
	v22 =	vsel vm4, $0x1202, v23;
	v23 =	vsel vm4, $0x1282, v24  }
0x137: {  	v24 =	vsel vm4, $0x1302, v25;
	v25 =	vsel vm4, $0x1382, v26;
	v26 =	vsel vm4, $0x1402, v27  }
0x138: {  	v27 =	vsel vm4, $0x1482, v28;
	v28 =	vsel vm4, $0x1D02, v29;
	v29 =	vsel vm4, $0x1D82, v30  }
0x139: {  	v30 =	vsel vm4, $0x1E02, v31;
	v31 =	vsel vm4, $0x1E82, v32;
	v32 =	vsel vm4, $0x1F02, v33  }
0x13a: {  	v33 =	vsel vm4, $0x1F82, v34;
	v34 =	vsel vm4, $0x1802, v35;
	v35 =	vsel vm4, $0x1882, v36  }
0x13b: {  	v36 =	vsel vm4, $0x1902, v37;
	v37 =	vsel vm4, $0x1982, v38;
	v38 =	vsel vm4, $0x1A02, v39  }
0x13c: {  	v39 =	vsel vm4, $0x1A82, v40;
	v40 =	vsel vm4, $0x1B02, v41;
	v41 =	vsel vm4, $0x1B82, v42  }
0x13d: {  	v0 =	vsel vm3, $0x805, v0;
	v13 =	vsel vm1, $0x1603, v50;
	v14 =	vsel vm1, $0x1683, v14  }
0x13e: {  	v15 =	vsel vm1, $0x1703, v15;
	v18 =	vsel vm1, $0x1083, v18;
	v20 =	vsel vm1, $0x1183, v20  }
0x13f: {  	v21 =	vsel vm1, $0x1203, v21;
	v22 =	vsel vm1, $0x1283, v22;
	v23 =	vsel vm1, $0x1303, v23  }
0x140: {  	v24 =	vsel vm1, $0x1383, v24;
	v25 =	vsel vm1, $0x1403, v25;
	v27 =	vsel vm1, $0x1503, v27  }
0x141: {  	v28 =	vsel vm1, $0x1D83, v28;
	v29 =	vsel vm1, $0x1E03, v29;
	v30 =	vsel vm1, $0x1E83, v30  }
0x142: {  	v31 =	vsel vm1, $0x1F03, v31;
	v32 =	vsel vm1, $0x1F83, v32;
	v33 =	vsel vm1, $0x1803, v33  }
0x143: {  	v34 =	vsel vm1, $0x1883, v34;
	v35 =	vsel vm1, $0x1903, v35;
	v36 =	vsel vm1, $0x1983, v36  }
0x144: {  	v37 =	vsel vm1, $0x1A03, v37;
	v38 =	vsel vm1, $0x1A83, v38;
	v41 =	vsel vm1, $0x1C03, v41  }
0x145: {  	v0 =	vsel vm0, $0x886, v0;
	v13 =	vsel vm2, $0x1684, v13;
	v14 =	vsel vm2, $0x1704, v14  }
0x146: {  	v15 =	vsel vm2, $0x1784, v15;
	v18 =	vsel vm2, $0x1104, v18;
	v20 =	vsel vm2, $0x1204, v20  }
0x147: {  	v21 =	vsel vm2, $0x1284, v21;
	v22 =	vsel vm2, $0x1304, v22;
	v31 =	vsel vm2, $0x1F84, v31  }
0x148: {  	v36 =	vsel vm2, $0x1A04, v36;
	v41 =	vsel vm2, $0x1C84, v41;
	[tilespmem:$0x1F8C0] =	vst v0;
	v0 =	vsel vm1, $0xF83, v1  }
0x149: {  	v1 =	vsel vm1, $0x803, v2;
	v2 =	vsel vm4, $0x802, v3;
	v3 =	vsel vm4, $0x882, v4  }
0x14a: {  	v4 =	vsel vm4, $0x902, v5;
	v5 =	vsel vm4, $0x982, v6;
	v6 =	vsel vm4, $0xA02, v7  }
0x14b: {  	v7 =	vsel vm4, $0xA82, v8;
	v8 =	vsel vm4, $0xB02, v9;
	v9 =	vsel vm4, $0xB82, v10  }
0x14c: {  	[tilespmem:$0x1FD90] =	vst v47;
	v10 =	vsel vm4, $0xC02, v11;
	v47 =	vsel vm3, $0x1805, v31;
	v31 =	vsel vm3, $0x1A85, v36  }
0x14d: {  	v36 =	vsel vm3, $0x1D05, v41;
	v41 =	vimm.s32 $0x17161514;
	v0 =	vsel vm2, $0x804, v0  }
0x14e: {  	v3 =	vsel vm1, $0x903, v3;
	v4 =	vsel vm1, $0x983, v4;
	v5 =	vsel vm1, $0xA03, v5  }
0x14f: {  	v7 =	vsel vm1, $0xB03, v7;
	v10 =	vsel vm1, $0xC83, v10;
	v53 =	vunpack.c.0.s8.s32 v41  }
0x150: {  	v0 =	vsel vm3, $0x885, v0;
	v3 =	vsel vm2, $0x984, v3;
	v4 =	vsel vm2, $0xA04, v4  }
0x151: {  	[tilespmem:$0x1F8B0] =	vst v48;
	v5 =	vsel vm2, $0xA84, v5;
	v7 =	vsel vm2, $0xB84, v7;
	v3 =	vsel vm3, $0xA05, v3  }
0x152: {  	v5 =	vsel vm3, $0xB05, v5;
	[tilespmem:$0x1F8F0] =	vst v53;
	v41 =	vsel vm0, $0x906, v0;
	v0 =	vsel vm0, $0xA86, v3  }
0x153: {  	v10 =	vsel vm2, $0xD04, v10;
	v7 =	vsel vm3, $0xC05, v7;
	[tilespmem:$0x1F910] =	vst v0;
	v0 =	vsel vm0, $0xB86, v5  }
0x154: {  	v52 =	vsel vm3, $0xA85, v4;
	v4 =	vsel vm3, $0xD85, v10;
	[tilespmem:$0x1F920] =	vst v0;
	v0 =	vsel vm0, $0xC86, v7  }
0x155: {  	v23 =	vsel vm2, $0x1384, v23;
	v18 =	vsel vm3, $0x1185, v18;
	[tilespmem:$0x1F970] =	vst v0;
	v0 =	vsel vm0, $0xE06, v4  }
0x156: {  	v24 =	vsel vm2, $0x1404, v24;
	v20 =	vsel vm3, $0x1285, v20;
	[tilespmem:$0x1F980] =	vst v0;
	v0 =	vsel vm0, $0x1206, v18  }
0x157: {  	v25 =	vsel vm2, $0x1484, v25;
	v21 =	vsel vm3, $0x1305, v21;
	[tilespmem:$0x1F9E0] =	vst v0;
	v0 =	vsel vm0, $0x1306, v20  }
0x158: {  	v27 =	vsel vm2, $0x1584, v27;
	v22 =	vsel vm3, $0x1385, v22;
	[tilespmem:$0x1F9F0] =	vst v0;
	v0 =	vsel vm0, $0x1386, v21  }
0x159: {  	v11 =	vsel vm4, $0xC82, v12;
	v23 =	vsel vm3, $0x1405, v23;
	[tilespmem:$0x1FA00] =	vst v0;
	v0 =	vsel vm0, $0x1406, v22  }
0x15a: {  	v12 =	vsel vm1, $0x1583, v49;
	v49 =	vsel vm3, $0x1485, v24;
	[tilespmem:$0x1FA10] =	vst v0;
	v0 =	vsel vm0, $0x1486, v23  }
0x15b: {  	v28 =	vsel vm2, $0x1E04, v28;
	v25 =	vsel vm3, $0x1505, v25;
	[tilespmem:$0x1FA30] =	vst v0;
	v0 =	vsel vm0, $0x1506, v49  }
0x15c: {  	v29 =	vsel vm2, $0x1E84, v29;
	v27 =	vsel vm3, $0x1605, v27;
	[tilespmem:$0x1FA50] =	vst v0;
	v0 =	vsel vm0, $0x1586, v25  }
0x15d: {  	v30 =	vsel vm2, $0x1F04, v30;
	v28 =	vsel vm3, $0x1E85, v28;
	[tilespmem:$0x1FA60] =	vst v0;
	v0 =	vsel vm0, $0x1686, v27  }
0x15e: {  	v32 =	vsel vm2, $0x1804, v32;
	v29 =	vsel vm3, $0x1F05, v29;
	[tilespmem:$0x1FA70] =	vst v0;
	v0 =	vsel vm0, $0x1F06, v28  }
0x15f: {  	v33 =	vsel vm2, $0x1884, v33;
	v30 =	vsel vm3, $0x1F85, v30;
	[tilespmem:$0x1FA90] =	vst v0;
	v0 =	vsel vm0, $0x1F86, v29  }
0x160: {  	v34 =	vsel vm2, $0x1904, v34;
	v35 =	vsel vm2, $0x1984, v35;
	[tilespmem:$0x1FAA0] =	vst v0;
	v0 =	vsel vm0, $0x1806, v30  }
0x161: {  	v37 =	vsel vm2, $0x1A84, v37;
	v32 =	vsel vm3, $0x1885, v32;
	[tilespmem:$0x1FAC0] =	vst v0;
	v0 =	vsel vm0, $0x1886, v47  }
0x162: {  	v50 =	vsel vm3, $0x1705, v13;
	v33 =	vsel vm3, $0x1905, v33;
	[tilespmem:$0x1FAD0] =	vst v0;
	v0 =	vsel vm0, $0x1906, v32  }
0x163: {  	v13 =	vsel vm3, $0x1785, v14;
	v34 =	vsel vm3, $0x1985, v34;
	[tilespmem:$0x1FAE0] =	vst v0;
	v0 =	vsel vm0, $0x1986, v33  }
0x164: {  	v14 =	vsel vm3, $0x1A05, v35;
	v12 =	vsel vm2, $0x1604, v12;
	[tilespmem:$0x1FAF0] =	vst v0;
	v0 =	vsel vm0, $0x1A06, v34  }
0x165: {  	v38 =	vsel vm2, $0x1B04, v38;
	v48 =	vsel vm3, $0x1685, v12;
	[tilespmem:$0x1FB00] =	vst v0;
	v0 =	vsel vm0, $0x1A86, v14  }
0x166: {  	v12 =	vsel vm3, $0x1005, v15;
	v15 =	vsel vm3, $0x1B05, v37;
	[tilespmem:$0x1FB10] =	vst v0;
	v0 =	vsel vm0, $0x1B06, v31  }
0x167: {  	v38 =	vsel vm3, $0x1B85, v38;
	v1 =	vsel vm2, $0x884, v1;
	[tilespmem:$0x1FB20] =	vst v0;
	v0 =	vsel vm0, $0x1B86, v15  }
0x168: {  	v1 =	vsel vm3, $0x905, v1;
	[tilespmem:$0x1FB30] =	vst v0;
	v0 =	vsel vm0, $0x1C06, v38  }
0x169: {  	v53 =	vsel vm0, $0x986, v1;
	v1 =	vld [tilespmem:$0x1F940];
	[tilespmem:$0x1FB40] =	vst v0;
	v0 =	vimm.s32 $0x2C2B2A29  }
0x16a: {  	v0 =	vunpack.c.0.s8.s32 v0;
	_ =	sdelay $0x1  }
0x16b: {  	[tilespmem:$0x1FB50] =	vst v0;
	v0 =	vimm.s32 $0x202F2E2D  }
0x16c: {  	v0 =	vunpack.c.0.s8.s32 v0  }
0x16d: {  	v31 =	vmov v1;
	v1 =	vimm.s32 $0x24232221  }
0x16e: {  	[tilespmem:$0x1FB60] =	vst v0;
	v0 =	vunpack.c.0.s8.s32 v1;
	_ =	sdelay $0x1  }
0x16f: {  	[tilespmem:$0x1FB70] =	vst v0;
	v0 =	vimm.s32 $0x28272625  }
0x170: {  	v0 =	vunpack.c.0.s8.s32 v0;
	_ =	sdelay $0x1  }
0x171: {  	[tilespmem:$0x1FB80] =	vst v0;
	v0 =	vimm.s32 $0x2D2C2B2A  }
0x172: {  	v0 =	vunpack.c.0.s8.s32 v0  }
0x173: {  	v1 =	vimm.s32 $0x21202F2E  }
0x174: {  	[tilespmem:$0x1FB90] =	vst v0;
	v0 =	vunpack.c.0.s8.s32 v1;
	_ =	sdelay $0x1  }
0x175: {  	[tilespmem:$0x1FBA0] =	vst v0;
	v0 =	vimm.s32 $0x25242322  }
0x176: {  	v0 =	vunpack.c.0.s8.s32 v0;
	_ =	sdelay $0x1  }
0x177: {  	[tilespmem:$0x1FBB0] =	vst v0;
	v0 =	vimm.s32 $0x29282726  }
0x178: {  	v0 =	vunpack.c.0.s8.s32 v0  }
0x179: {  	v1 =	vimm.s32 $0x2E2D2C2B  }
0x17a: {  	[tilespmem:$0x1FBC0] =	vst v0;
	v0 =	vunpack.c.0.s8.s32 v1;
	_ =	sdelay $0x1  }
0x17b: {  	[tilespmem:$0x1FBD0] =	vst v0;
	v0 =	vimm.s32 $0x2221202F  }
0x17c: {  	v0 =	vunpack.c.0.s8.s32 v0;
	_ =	sdelay $0x1  }
0x17d: {  	[tilespmem:$0x1FBE0] =	vst v0;
	v0 =	vimm.s32 $0x26252423  }
0x17e: {  	v0 =	vunpack.c.0.s8.s32 v0  }
0x17f: {  	v1 =	vimm.s32 $0x2A292827  }
0x180: {  	[tilespmem:$0x1FBF0] =	vst v0;
	v0 =	vunpack.c.0.s8.s32 v1;
	_ =	sdelay $0x1  }
0x181: {  	[tilespmem:$0x1FC00] =	vst v0;
	v0 =	vimm.s32 $0x2F2E2D2C  }
0x182: {  	v0 =	vunpack.c.0.s8.s32 v0;
	_ =	sdelay $0x1  }
0x183: {  	[tilespmem:$0x1FC10] =	vst v0;
	v0 =	vimm.s32 $0x23222120  }
0x184: {  	v0 =	vunpack.c.0.s8.s32 v0  }
0x185: {  	v1 =	vimm.s32 $0x27262524  }
0x186: {  	[tilespmem:$0x1FC20] =	vst v0;
	v0 =	vunpack.c.0.s8.s32 v1;
	_ =	sdelay $0x1  }
0x187: {  	[tilespmem:$0x1FC30] =	vst v0;
	v0 =	vimm.s32 $0x2B2A2928  }
0x188: {  	v0 =	vunpack.c.0.s8.s32 v0;
	_ =	sdelay $0x1  }
0x189: {  	[tilespmem:$0x1FC40] =	vst v0;
	v0 =	vimm.s32 $0x3C3B3A39  }
0x18a: {  	v0 =	vunpack.c.0.s8.s32 v0  }
0x18b: {  	v43 =	vsel vm6, $0x1B81, v43;
	v44 =	vsel vm5, $0x1B80, v51;
	v1 =	vimm.s32 $0x303F3E3D  }
0x18c: {  	v54 =	vimm.s32 $0x1F1E1D1C;
	v44 =	vsel vm6, $0x1C01, v44;
	[tilespmem:$0x1FC50] =	vst v0;
	v0 =	vunpack.c.0.s8.s32 v1  }
0x18d: {  	v51 =	vimm.s32 $0x1B1A1918;
	v42 =	vsel vm4, $0x1C02, v43;
	v43 =	vsel vm4, $0x1C82, v44  }
0x18e: {  	v44 =	vunpack.c.0.s8.s32 v54;
	v54 =	vunpack.c.0.s8.s32 v51;
	[tilespmem:$0x1FC60] =	vst v0;
	v0 =	vimm.s32 $0x34333231  }
0x18f: {  	v51 =	vld [tilespmem:$0x1F930];
	v19 =	vsel vm1, $0x1103, v19;
	v0 =	vunpack.c.0.s8.s32 v0  }
0x190: {  	v19 =	vsel vm2, $0x1184, v19;
	[tilespmem:$0x1F900] =	vst v54;
	v54 =	vld [tilespmem:$0x1F960];
	v6 =	vsel vm1, $0xA83, v6;
	v8 =	vsel vm1, $0xB83, v8  }
0x191: {  	v35 =	vld [tilespmem:$0x1F990];
	v9 =	vsel vm1, $0xC03, v9;
	v6 =	vsel vm2, $0xB04, v6;
	[tilespmem:$0x1FC70] =	vst v0;
	v0 =	vimm.s32 $0x38373635  }
0x192: {  	[tilespmem:$0x1FDD0] =	vst v46;
	v24 =	vld [tilespmem:$0x1F9C0];
	v9 =	vsel vm2, $0xC84, v9;
	v37 =	vimm.s32 $0x13121110;
	v0 =	vunpack.c.0.s8.s32 v0  }
0x193: {  	[tilespmem:$0x1F8D0] =	vst v44;
	v9 =	vsel vm3, $0xD05, v9;
	v44 =	vunpack.c.0.s8.s32 v37;
	v37 =	vld [tilespmem:$0x1F9A0];
	v1 =	vimm.s32 $0x3D3C3B3A  }
0x194: {  	v6 =	vsel vm3, $0xB85, v6;
	v3 =	vsel vm0, $0xB06, v52;
	v52 =	vld [tilespmem:$0x1F950];
	[tilespmem:$0x1FC80] =	vst v0;
	v0 =	vunpack.c.0.s8.s32 v1  }
0x195: {  	v8 =	vsel vm2, $0xC04, v8;
	v10 =	vsel vm3, $0x1205, v19;
	[tilespmem:$0x1F8E0] =	vst v44;
	v5 =	vmov v56;
	v56 =	vld [tilespmem:$0x1F9B0]  }
0x196: {  	v46 =	vsel vm0, $0xC06, v6;
	v44 =	vsel vm0, $0xD86, v9;
	v9 =	vmovc v61;
	v61 =	vld [tilespmem:$0x1F9D0];
	[tilespmem:$0x1FC90] =	vst v0;
	v0 =	vimm.s32 $0x31303F3E  }
0x197: {  	s4 =	rddreg [dreg:$0x0];
	v6 =	vmovc v59;
	v59 =	vsel vm0, $0x1086, v12;
	v12 =	vsel vm0, $0x1286, v10;
	v10 =	vld [tilespmem:$0x1FAB0];
	v0 =	vunpack.c.0.s8.s32 v0  }
0x198: {  	s1 =	rddreg [dreg:$0x1];
	s3 =	simm.s32 $0x0;
	[tilespmem:$0x1F8A0] =	vst v45;
	v8 =	vsel vm3, $0xC85, v8;
	v20 =	vld [tilespmem:$0x1FA20]  }
0x199: {  	[smem:$0x7FF] =	sst s3;
	v21 =	vld [tilespmem:$0x1FA40];
	[tilespmem:$0x1FCA0] =	vst v0  }
0x19a: {  	s0 =	rddreg [dreg:$0x2];
	v22 =	vmov v5;
	v5 =	vld [tilespmem:$0x1FA80];
	_ =	strace $0x80000047;
	[tilespmem:$0x1FD60] =	vst v62  }
0x19b: {  	v40 =	vsel vm1, $0x1B83, v40;
	v19 =	vsel vm0, $0xD06, v8;
	v8 =	vmov v60;
	[tilespmem:$0x1FD80] =	vst v63  }
0x19c: {  	v40 =	vsel vm2, $0x1C04, v40;
	v23 =	vmov v9;
	[tilespmem:$0x1FE20] =	vst v8  }
0x19d: {  	v40 =	vsel vm3, $0x1C85, v40;
	v4 =	vmov v58;
	[tilespmem:$0x1FE30] =	vst v23  }
0x19e: {  	v34 =	vsel vm0, $0x1D06, v40;
	v40 =	vsel vm0, $0x1D86, v36;
	v36 =	vmov v4;
	[tilespmem:$0x1FE40] =	vst v6  }
0x19f: {  	v7 =	vmov v55;
	v55 =	vmov v57;
	[tilespmem:$0x1FE50] =	vst v36  }
0x1a0: {  	[tilespmem:$0x1FE60] =	vst v55  }
0x1a1: {  	[tilespmem:$0x1FE70] =	vst v22  }
0x1a2: {  	v2 =	vsel vm1, $0x883, v2;
	[tilespmem:$0x1FE80] =	vst v7  }
0x1a3: {  	v2 =	vsel vm2, $0x904, v2;
	[tilespmem:$0x1FE90] =	vst v19  }
0x1a4: {  	v2 =	vsel vm3, $0x985, v2;
	[tilespmem:$0x1FEA0] =	vst v44  }
0x1a5: {  	v11 =	vsel vm1, $0xD03, v11;
	v2 =	vsel vm0, $0xA06, v2;
	[tilespmem:$0x1FEB0] =	vst v41  }
0x1a6: {  	v11 =	vsel vm2, $0xD84, v11;
	[tilespmem:$0x1FEC0] =	vst v2  }
0x1a7: {  	v11 =	vsel vm3, $0xE05, v11;
	[tilespmem:$0x1FED0] =	vst v3  }
0x1a8: {  	v11 =	vsel vm0, $0xE86, v11;
	[tilespmem:$0x1FEE0] =	vst v46  }
0x1a9: {  	v45 =	vsel vm0, $0x1706, v48;
	v0 =	vimm.s32 $0x35343332;
	[tilespmem:$0x1FEF0] =	vst v11  }
0x1aa: {  	v58 =	vsel vm0, $0x1786, v50;
	v0 =	vunpack.c.0.s8.s32 v0;
	[tilespmem:$0x1FF00] =	vst v45  }
0x1ab: {  	v1 =	vimm.s32 $0x39383736;
	[tilespmem:$0x1FF10] =	vst v58  }
0x1ac: {  	v16 =	vsel vm1, $0x1783, v16;
	v48 =	vsel vm0, $0x1006, v13;
	[tilespmem:$0x1FCB0] =	vst v0;
	v0 =	vunpack.c.0.s8.s32 v1  }
0x1ad: {  	v16 =	vsel vm2, $0x1004, v16;
	[tilespmem:$0x1FF20] =	vst v48  }
0x1ae: {  	v17 =	vsel vm1, $0x1003, v17;
	v16 =	vsel vm3, $0x1085, v16;
	[tilespmem:$0x1FCC0] =	vst v0;
	v0 =	vimm.s32 $0x3E3D3C3B  }
0x1af: {  	v17 =	vsel vm2, $0x1084, v17;
	v50 =	vsel vm0, $0x1106, v16;
	[tilespmem:$0x1FF30] =	vst v59;
	v0 =	vunpack.c.0.s8.s32 v0  }
0x1b0: {  	v17 =	vsel vm3, $0x1105, v17;
	[tilespmem:$0x1FF40] =	vst v50  }
0x1b1: {  	v26 =	vsel vm1, $0x1483, v26;
	v60 =	vsel vm0, $0x1186, v17;
	[tilespmem:$0x1FCD0] =	vst v0;
	v0 =	vimm.s32 $0x3231303F  }
0x1b2: {  	v26 =	vsel vm2, $0x1504, v26;
	[tilespmem:$0x1FF50] =	vst v60;
	v0 =	vunpack.c.0.s8.s32 v0  }
0x1b3: {  	v39 =	vsel vm1, $0x1B03, v39;
	v26 =	vsel vm3, $0x1585, v26;
	[tilespmem:$0x1FF60] =	vst v12;
	v1 =	vimm.s32 $0x36353433  }
0x1b4: {  	v39 =	vsel vm2, $0x1B84, v39;
	v13 =	vsel vm0, $0x1606, v26;
	[tilespmem:$0x1FCE0] =	vst v0;
	v0 =	vunpack.c.0.s8.s32 v1  }
0x1b5: {  	v39 =	vsel vm3, $0x1C05, v39;
	[tilespmem:$0x1FF70] =	vst v13  }
0x1b6: {  	v33 =	vsel vm0, $0x1C86, v39;
	[tilespmem:$0x1FCF0] =	vst v0;
	v0 =	vimm.s32 $0x3A393837  }
0x1b7: {  	v42 =	vsel vm1, $0x1C83, v42;
	[tilespmem:$0x1FF80] =	vst v33;
	v9 =	vld [tilespmem:$0x1FDA0];
	v0 =	vunpack.c.0.s8.s32 v0  }
0x1b8: {  	v42 =	vsel vm2, $0x1D04, v42;
	[tilespmem:$0x1FF90] =	vst v34;
	v18 =	vld [tilespmem:$0x1FDB0]  }
0x1b9: {  	v43 =	vsel vm1, $0x1D03, v43;
	v42 =	vsel vm3, $0x1D85, v42;
	[tilespmem:$0x1FD00] =	vst v0;
	v0 =	vimm.s32 $0x3F3E3D3C  }
0x1ba: {  	v43 =	vsel vm2, $0x1D84, v43;
	v42 =	vsel vm0, $0x1E06, v42;
	[tilespmem:$0x1FFA0] =	vst v40;
	v0 =	vunpack.c.0.s8.s32 v0  }
0x1bb: {  	v43 =	vsel vm3, $0x1E05, v43;
	[tilespmem:$0x1FFB0] =	vst v42;
	v1 =	vimm.s32 $0x33323130  }
0x1bc: {  	v43 =	vsel vm0, $0x1E86, v43;
	vm0 =	vcmask $0x1F10;
	v25 =	vld [tilespmem:$0x1FDD0];
	[tilespmem:$0x1FD10] =	vst v0;
	v0 =	vunpack.c.0.s8.s32 v1  }
0x1bd: {  	s5 =	srdreg.scid;
	s2 =	stileid.u32;
	[tilespmem:$0x1FFC0] =	vst v43;
	v9 =	vsel vm0, v18, v9;
	v18 =	vld [tilespmem:$0x1FDC0]  }
0x1be: {  	s11 =	simm.s32 $0x80;
	s12 =	simm.s32 $0x1000;
	s13 =	simm.s32 $0x5;
	v4 =	vlaneseq.u32;
	v49 =	vld [tilespmem:$0x1FD50];
	[tilespmem:$0x1FD20] =	vst v0;
	v0 =	vimm.s32 $0x37363534  }
0x1bf: {  	s14 =	simm.s32 $0x6400;
	s15 =	simm.s32 $0x8400;
	s16 =	simm.s32 $0x1;
	v29 =	vor.u32 $0x10, v4;
	[tilespmem:$0x1FFE0] =	vst v53;
	v1 =	vld [tilespmem:$0x1FD90];
	v0 =	vunpack.c.0.s8.s32 v0  }
0x1c0: {  	s17 =	simm.s32 $0xA400;
	s18 =	simm.s32 $0x400;
	s19 =	simm.s32 $0x8000;
	[tilespmem:$0x1FFF0] =	vst v29  }
0x1c1: {  	s20 =	simm.s32 $0x2;
	s21 =	simm.s32 $0x4;
	s22 =	simm.s32 $0xC400;
	[tilespmem:$0x1FD30] =	vst v0;
	v0 =	vimm.s32 $0x3B3A3938  }
0x1c2: {  	s23 =	simm.s32 $0x3;
	s5 =	sand.u32 $0x1, s5;
	s6 =	sshll.u32 s2, $0x1;
	[tilespmem:$0x1FE00] =	vst v9;
	v18 =	vsel vm0, v25, v18;
	v0 =	vunpack.c.0.s8.s32 v0  }
.Ltmp0:
0x1c3: {  	s24 =	simm.s32 $0x0;
	s7 =	sor.u32 s5, s6;
	[tilespmem:$0x1FE10] =	vst v18;
	(pc) =	sbr.rel .LBB2_1-.Ltmp0, $4  }
0x1c4: {  	s9 =	sadd.s32 $0x18000, s1;
	s5 =	ssub.s32 $0x2, s5;
	s6 =	sshll.u32 s7, $0x4;
	v1 =	vsel vm0, v1, v63;
	[tilespmem:$0x1FD40] =	vst v0;
	v0 =	vsel vm0, v62, v49  }
0x1c5: {  	s8 =	sshrl.u32 s5, $0x1;
	s7 =	sshll.u32 s7, $0x7;
	s6 =	sadd.s32 s6, s4;
	[tilespmem:$0x1FDF0] =	vst v1;
	v27 =	vcombine.low v1, v0  }
0x1c6: {  	s4 =	sadd.s32 $0x19400, s4;
	s10 =	ssub.s32 s5, s8;
	s8 =	sadd.s32 $0x10000, s1;
	[tilespmem:$0x1FDE0] =	vst v0  }
0x1c7: {  	s5 =	sadd.s32 $0x400, s6;
	s6 =	sadd.s32 $0x8000, s1;
	s10 =	smax.u32 s10, $0x1;
	v57 =	vmovc v51;
	v39 =	vmovc v24;
	v24 =	vld [tilespmem:$0x1FD70];
	v9 =	vcombine.low v18, v9;
	v1 =	vmov v44;
	v0 =	vmov v19;
	[tilespmem:$0x1FFD0] =	vst v27  }
.LBB2_12:
0x1c8: {  	_ =	swait.ge [sflag:s23], $0x2000  }
0x1c9: {  	[sflag:s23] =	ssyncset.done $0x0  }
0x1ca: {  	[sflag:s23] =	ssyncadd.s32 $0xFFFFE000  }
0x1cb: {  	_ =	swait.ge [sflag:s23], $0x2000  }
0x1cc: {  	[sflag:s23] =	ssyncset.done $0x0  }
0x1cd: {  	[sflag:s23] =	ssyncadd.s32 $0xFFFFE000  }
0x1ce: {  	_ =	swait.ge [sflag:s21], $0x2000  }
0x1cf: {  	[sflag:s21] =	ssyncset.done $0x0  }
0x1d0: {  	[sflag:s21] =	ssyncadd.s32 $0xFFFFE000  }
0x1d1: {  	_ =	swait.ge [sflag:s21], $0x2000  }
0x1d2: {  	s24 =	sadd.s32 $0x1, s24;
	v5 =	vld [tilespmem:$0x1FA80]  }
0x1d3: {  	p0 =	sne.s32 s24, s10;
	v10 =	vld [tilespmem:$0x1FAB0]  }
.Ltmp1:
0x1d4: {  	v41 =	vld [tilespmem:$0x1FEB0];
	(pc) =	sbr.rel @!p0 .LBB2_13-.Ltmp1, $4  }
0x1d5: {  	v0 =	vld [tilespmem:$0x1FE90]  }
0x1d6: {  	v1 =	vld [tilespmem:$0x1FEA0]  }
0x1d7: {  	[sflag:s21] =	ssyncset.done $0x0;
	v21 =	vld [tilespmem:$0x1FA40]  }
0x1d8: {  	v4 =	vlaneseq.u32;
	v9 =	vmov v44;
	v20 =	vld [tilespmem:$0x1FA20];
	[sflag:s21] =	ssyncadd.s32 $0xFFFFE000  }
.LBB2_1:
0x1d9: {  	[tilespmem:s3], [sflag:$0x5] =	stream.strided.gather [hbm4b:s5+s11], $0x6400, s12, s11, $0x38;
	[tilespmem:$0xE400] =	vst v63  }
0x1da: {  	_ =	swait.ge [sflag:s13], $0x6400  }
0x1db: {  	[sflag:s13] =	ssyncset.done $0x0  }
0x1dc: {  	[sflag:s13] =	ssyncadd.s32 $0xFFFF9C00  }
0x1dd: {  	[tilespmem:s14], [sflag:$0x1] =	stream.indirect.gather [hbm4b:s4+s11], $0x40, s3, s11, $0xb8;
	[tilespmem:$0xE400] =	vst v63  }
0x1de: {  	s25 =	simm.s32 $0x0  }
0x1df: {  	v58 =	vmov v0;
	v59 =	vmov v1;
	[tilespmem:s15], [sflag:$0x2] =	stream.indirect.gather [hbm4b:s4+s11], $0x40, s11, s11, $0xb8;
	[tilespmem:$0xE400] =	vst v63  }
.LBB2_2:
0x1e0: {  	_ =	swait.ge [sflag:s16], $0x2000  }
0x1e1: {  	p0 =	seq.s32 s25, $0x0;
	s26 =	simm.s32 $0x0;
	[sflag:s16] =	ssyncset.done $0x0  }
0x1e2: {  	s28 =	simm.s32 @!p0 $0x3;
	v0 =	vor.u32 s26, v4;
	[sflag:s16] =	ssyncadd.s32 $0xFFFFE000  }
0x1e3: {  	v1 =	vshll.u32 v0, $0x6;
	_ =	swait.ge @!p0 [sflag:s28], $0x2000  }
0x1e4: {  	v2 =	vor.u32 v4, v1;
	[sflag:s28] =	ssyncset.done @!p0 $0x0  }
0x1e5: {  	[sflag:s28] =	ssyncadd.s32 @!p0 $0xFFFFE000  }
0x1e6: {  	_ =	swait.ge @!p0 [sflag:s28], $0x2000  }
0x1e7: {  	[sflag:s28] =	ssyncset.done @!p0 $0x0  }
0x1e8: {  	v0 =	vand.u32 $0x78, v0;
	[sflag:s28] =	ssyncadd.s32 @!p0 $0xFFFFE000  }
0x1e9: {  	v3 =	vor.u32 v5, v0;
	v2 =	vld.idx.msk [tilespmem:v2+s14+$0x0], $0xffff  }
0x1ea: {  	v19 =	vor.u32 v54, v1;
	_ =	sdelay $0x3  }
0x1eb: {  	[tilespmem:v3+s17+$0x0] =	vst.idx.msk $0xffff, v2  }
0x1ec: {  	v3 =	vor.u32 v52, v0;
	v2 =	vld.idx.msk [tilespmem:v19+s14+$0x0], $0xffff  }
0x1ed: {  	v19 =	vor.u32 v31, v1;
	_ =	sdelay $0x3  }
0x1ee: {  	[tilespmem:v3+s17+$0x0] =	vst.idx.msk $0xffff, v2  }
0x1ef: {  	v3 =	vor.u32 v57, v0;
	v2 =	vld.idx.msk [tilespmem:v19+s14+$0x0], $0xffff  }
0x1f0: {  	v19 =	vor.u32 v10, v1;
	_ =	sdelay $0x3  }
0x1f1: {  	[tilespmem:v3+s17+$0x0] =	vst.idx.msk $0xffff, v2  }
0x1f2: {  	v3 =	vor.u32 v61, v0;
	v2 =	vld.idx.msk [tilespmem:v19+s14+$0x0], $0xffff  }
0x1f3: {  	v19 =	vor.u32 v39, v1;
	_ =	sdelay $0x3  }
0x1f4: {  	[tilespmem:v3+s17+$0x0] =	vst.idx.msk $0xffff, v2  }
0x1f5: {  	v3 =	vor.u32 v56, v0;
	v2 =	vld.idx.msk [tilespmem:v19+s14+$0x0], $0xffff  }
0x1f6: {  	v19 =	vor.u32 v37, v1;
	_ =	sdelay $0x3  }
0x1f7: {  	[tilespmem:v3+s17+$0x0] =	vst.idx.msk $0xffff, v2  }
0x1f8: {  	v3 =	vor.u32 v35, v0;
	v2 =	vld.idx.msk [tilespmem:v19+s14+$0x0], $0xffff  }
0x1f9: {  	v19 =	vor.u32 v24, v1;
	_ =	sdelay $0x3  }
0x1fa: {  	[tilespmem:v3+s17+$0x0] =	vst.idx.msk $0xffff, v2  }
0x1fb: {  	v3 =	vor.u32 v8, v0;
	v2 =	vld.idx.msk [tilespmem:v19+s14+$0x0], $0xffff  }
0x1fc: {  	v19 =	vor.u32 v23, v1  }
0x1fd: {  	v11 =	vld [tilespmem:$0x1F7B0];
	_ =	sdelay $0x2  }
0x1fe: {  	[tilespmem:v3+s17+$0x0] =	vst.idx.msk $0xffff, v2  }
0x1ff: {  	v3 =	vor.u32 v6, v0;
	v2 =	vld.idx.msk [tilespmem:v19+s14+$0x0], $0xffff  }
0x200: {  	v19 =	vor.u32 v11, v1  }
0x201: {  	v11 =	vld [tilespmem:$0x1F7C0];
	_ =	sdelay $0x2  }
0x202: {  	[tilespmem:v3+s17+$0x0] =	vst.idx.msk $0xffff, v2  }
0x203: {  	v3 =	vor.u32 v36, v0;
	v2 =	vld.idx.msk [tilespmem:v19+s14+$0x0], $0xffff  }
0x204: {  	v19 =	vor.u32 v11, v1  }
0x205: {  	v11 =	vld [tilespmem:$0x1F7D0];
	_ =	sdelay $0x2  }
0x206: {  	[tilespmem:v3+s17+$0x0] =	vst.idx.msk $0xffff, v2  }
0x207: {  	v3 =	vor.u32 v55, v0;
	v2 =	vld.idx.msk [tilespmem:v19+s14+$0x0], $0xffff  }
0x208: {  	v19 =	vor.u32 v11, v1;
	_ =	sdelay $0x3  }
0x209: {  	[tilespmem:v3+s17+$0x0] =	vst.idx.msk $0xffff, v2  }
0x20a: {  	v3 =	vor.u32 v22, v0;
	v2 =	vld.idx.msk [tilespmem:v19+s14+$0x0], $0xffff  }
0x20b: {  	v19 =	vor.u32 v20, v1;
	_ =	sdelay $0x3  }
0x20c: {  	[tilespmem:v3+s17+$0x0] =	vst.idx.msk $0xffff, v2  }
0x20d: {  	v3 =	vor.u32 v7, v0;
	v2 =	vld.idx.msk [tilespmem:v19+s14+$0x0], $0xffff;
	_ =	sdelay $0x4  }
0x20e: {  	v19 =	vor.u32 v21, v1;
	[tilespmem:v3+s17+$0x0] =	vst.idx.msk $0xffff, v2;
	v3 =	vld [tilespmem:$0x1F7E0];
	_ =	sdelay $0x3  }
0x20f: {  	v11 =	vld [tilespmem:$0x1F7F0]  }
0x210: {  	v2 =	vld.idx.msk [tilespmem:v19+s14+$0x0], $0xffff;
	v3 =	vor.u32 v3, v0;
	_ =	sdelay $0x4  }
0x211: {  	v19 =	vor.u32 v11, v1;
	[tilespmem:v3+s17+$0x0] =	vst.idx.msk $0xffff, v2;
	v3 =	vld [tilespmem:$0x1F800];
	_ =	sdelay $0x3  }
0x212: {  	v11 =	vld [tilespmem:$0x1F810]  }
0x213: {  	v2 =	vld.idx.msk [tilespmem:v19+s14+$0x0], $0xffff;
	v3 =	vor.u32 v3, v0;
	_ =	sdelay $0x4  }
0x214: {  	v19 =	vor.u32 v11, v1;
	[tilespmem:v3+s17+$0x0] =	vst.idx.msk $0xffff, v2;
	v3 =	vld [tilespmem:$0x1F820];
	_ =	sdelay $0x3  }
0x215: {  	v11 =	vld [tilespmem:$0x1F830]  }
0x216: {  	v2 =	vld.idx.msk [tilespmem:v19+s14+$0x0], $0xffff;
	v3 =	vor.u32 v3, v0;
	_ =	sdelay $0x4  }
0x217: {  	v19 =	vor.u32 v11, v1;
	[tilespmem:v3+s17+$0x0] =	vst.idx.msk $0xffff, v2;
	v3 =	vld [tilespmem:$0x1F840];
	_ =	sdelay $0x4  }
0x218: {  	v2 =	vld.idx.msk [tilespmem:v19+s14+$0x0], $0xffff;
	v3 =	vor.u32 v3, v0;
	_ =	sdelay $0x4  }
0x219: {  	v19 =	vor.u32 v29, v1;
	[tilespmem:v3+s17+$0x0] =	vst.idx.msk $0xffff, v2;
	v3 =	vld [tilespmem:$0x1F850];
	_ =	sdelay $0x4  }
0x21a: {  	v2 =	vld.idx.msk [tilespmem:v19+s14+$0x0], $0xffff;
	v3 =	vor.u32 v3, v0;
	_ =	sdelay $0x4  }
0x21b: {  	v19 =	vor.u32 v27, v1;
	[tilespmem:v3+s17+$0x0] =	vst.idx.msk $0xffff, v2;
	v3 =	vld [tilespmem:$0x1F860];
	_ =	sdelay $0x2  }
0x21c: {  	v13 =	vld [tilespmem:$0x1F880]  }
0x21d: {  	v62 =	vld [tilespmem:$0x1F8A0]  }
0x21e: {  	v2 =	vld.idx.msk [tilespmem:v19+s14+$0x0], $0xffff;
	v3 =	vor.u32 v3, v0  }
0x21f: {  	v63 =	vld [tilespmem:$0x1F8B0];
	v20 =	vor.u32 v9, v1  }
0x220: {  	v38 =	vld [tilespmem:$0x1F8E0]  }
0x221: {  	v44 =	vld [tilespmem:$0x1F8F0]  }
0x222: {  	v40 =	vld [tilespmem:$0x1F900]  }
0x223: {  	v19 =	vld [tilespmem:$0x1F890];
	[tilespmem:v3+s17+$0x0] =	vst.idx.msk $0xffff, v2  }
0x224: {  	v2 =	vld.idx.msk [tilespmem:v20+s14+$0x0], $0xffff  }
0x225: {  	v20 =	vld [tilespmem:$0x1F8D0];
	_ =	sdelay $0x1  }
0x226: {  	v3 =	vld [tilespmem:$0x1F870];
	_ =	sdelay $0x1  }
0x227: {  	v15 =	vsel vm0, v63, v62;
	v14 =	vsel vm0, v19, v13  }
0x228: {  	v17 =	vsel vm0, v40, v44;
	v12 =	vcombine.low v15, v14;
	v16 =	vsel vm0, v38, v20  }
0x229: {  	v11 =	vcombine.low v17, v16  }
0x22a: {  	[tilespmem:$0x1F580] =	vst v12;
	v21 =	vor.u32 v12, v1;
	v12 =	vld [tilespmem:$0x1FD80];
	v3 =	vor.u32 v3, v0  }
0x22b: {  	v29 =	vmov v22;
	[tilespmem:$0x1F590] =	vst v11;
	v22 =	vor.u32 v11, v1;
	v11 =	vld [tilespmem:$0x1FD60];
	_ =	sdelay $0x3  }
0x22c: {  	[tilespmem:v3+s17+$0x0] =	vst.idx.msk $0xffff, v2;
	v3 =	vld [tilespmem:$0x1F8C0]  }
0x22d: {  	v18 =	vsel vm0, v12, v11;
	v11 =	vld [tilespmem:$0x1FD50]  }
0x22e: {  	v12 =	vld [tilespmem:$0x1FD90];
	_ =	sdelay $0x3  }
0x22f: {  	v2 =	vld.idx.msk [tilespmem:v21+s14+$0x0], $0xffff;
	v3 =	vor.u32 v3, v0  }
0x230: {  	v32 =	vsel vm0, v11, v12  }
0x231: {  	v11 =	vcombine.low v32, v18  }
0x232: {  	v12 =	vld [tilespmem:$0x1FDC0]  }
0x233: {  	v21 =	vmov v23;
	[tilespmem:$0x1F5A0] =	vst v11;
	v23 =	vor.u32 v11, v1;
	v11 =	vld [tilespmem:$0x1FDB0]  }
0x234: {  	[tilespmem:v3+s17+$0x0] =	vst.idx.msk $0xffff, v2  }
0x235: {  	v3 =	vor.u32 v41, v0;
	v2 =	vld.idx.msk [tilespmem:v22+s14+$0x0], $0xffff;
	_ =	sdelay $0x2  }
0x236: {  	v33 =	vsel vm0, v12, v11;
	v11 =	vld [tilespmem:$0x1FDA0]  }
0x237: {  	v12 =	vld [tilespmem:$0x1FDD0]  }
0x238: {  	[tilespmem:v3+s17+$0x0] =	vst.idx.msk $0xffff, v2  }
0x239: {  	v3 =	vor.u32 v53, v0;
	v2 =	vld.idx.msk [tilespmem:v23+s14+$0x0], $0xffff;
	_ =	sdelay $0x2  }
0x23a: {  	v34 =	vsel vm0, v11, v12  }
0x23b: {  	v11 =	vcombine.low v34, v33  }
0x23c: {  	[tilespmem:v3+s17+$0x0] =	vst.idx.msk $0xffff, v2  }
0x23d: {  	v3 =	vld [tilespmem:$0x1FEC0];
	[tilespmem:$0x1F5B0] =	vst v11;
	v11 =	vor.u32 v11, v1;
	_ =	sdelay $0x4  }
0x23e: {  	v3 =	vor.u32 v3, v0;
	v2 =	vld.idx.msk [tilespmem:v11+s14+$0x0], $0xffff  }
0x23f: {  	v30 =	vmov v35;
	v35 =	vsel vm0, v62, v19;
	v19 =	vsel vm0, v13, v63  }
0x240: {  	v12 =	vcombine.low v19, v35;
	_ =	sdelay $0x1  }
0x241: {  	[tilespmem:$0x1F5C0] =	vst v12  }
0x242: {  	v12 =	vor.u32 v12, v1;
	[tilespmem:v3+s17+$0x0] =	vst.idx.msk $0xffff, v2;
	v3 =	vld [tilespmem:$0x1F910];
	_ =	sdelay $0x4  }
0x243: {  	v2 =	vld.idx.msk [tilespmem:v12+s14+$0x0], $0xffff;
	v3 =	vor.u32 v3, v0;
	_ =	sdelay $0x4  }
0x244: {  	[tilespmem:v3+s17+$0x0] =	vst.idx.msk $0xffff, v2;
	v2 =	vld [tilespmem:$0x1FDE0]  }
0x245: {  	v3 =	vld [tilespmem:$0x1FDF0];
	_ =	sdelay $0x1  }
0x246: {  	v13 =	vsel vm0, v20, v40;
	v11 =	vsel vm0, v44, v38  }
0x247: {  	v11 =	vcombine.low v13, v11;
	_ =	sdelay $0x1  }
0x248: {  	[tilespmem:$0x1F5D0] =	vst v11;
	v11 =	vor.u32 v11, v1;
	v12 =	vcombine.low v2, v3;
	v3 =	vld [tilespmem:$0x1FED0];
	_ =	sdelay $0x4  }
0x249: {  	v2 =	vld.idx.msk [tilespmem:v11+s14+$0x0], $0xffff;
	v3 =	vor.u32 v3, v0;
	_ =	sdelay $0x4  }
0x24a: {  	[tilespmem:v3+s17+$0x0] =	vst.idx.msk $0xffff, v2;
	v2 =	vld [tilespmem:$0x1FE00]  }
0x24b: {  	v3 =	vld [tilespmem:$0x1FE10];
	_ =	sdelay $0x4  }
0x24c: {  	v46 =	vor.u32 v12, v1;
	v11 =	vcombine.low v2, v3;
	v3 =	vld [tilespmem:$0x1F920];
	_ =	sdelay $0x4  }
0x24d: {  	v2 =	vld.idx.msk [tilespmem:v46+s14+$0x0], $0xffff;
	v3 =	vor.u32 v3, v0;
	_ =	sdelay $0x4  }
0x24e: {  	v47 =	vor.u32 v11, v1;
	[tilespmem:v3+s17+$0x0] =	vst.idx.msk $0xffff, v2;
	v3 =	vld [tilespmem:$0x1FEE0];
	_ =	sdelay $0x4  }
0x24f: {  	v2 =	vld.idx.msk [tilespmem:v47+s14+$0x0], $0xffff;
	v3 =	vor.u32 v3, v0;
	_ =	sdelay $0x2  }
0x250: {  	[tilespmem:$0x1F5F0] =	vst v11;
	v11 =	vcombine.low v14, v15;
	_ =	sdelay $0x1  }
0x251: {  	v48 =	vor.u32 v11, v1;
	[tilespmem:v3+s17+$0x0] =	vst.idx.msk $0xffff, v2;
	v3 =	vld [tilespmem:$0x1F970];
	_ =	sdelay $0x3  }
0x252: {  	[tilespmem:$0x1F600] =	vst v11;
	v11 =	vcombine.low v16, v17  }
0x253: {  	v2 =	vld.idx.msk [tilespmem:v48+s14+$0x0], $0xffff;
	v3 =	vor.u32 v3, v0  }
0x254: {  	[tilespmem:$0x1F610] =	vst v11;
	v11 =	vor.u32 v11, v1;
	_ =	sdelay $0x2  }
0x255: {  	[tilespmem:$0x1F5E0] =	vst v12  }
0x256: {  	v12 =	vcombine.low v18, v32;
	[tilespmem:v3+s17+$0x0] =	vst.idx.msk $0xffff, v2  }
0x257: {  	v3 =	vor.u32 v58, v0;
	v2 =	vld.idx.msk [tilespmem:v11+s14+$0x0], $0xffff  }
0x258: {  	v11 =	vor.u32 v12, v1;
	_ =	sdelay $0x3  }
0x259: {  	[tilespmem:v3+s17+$0x0] =	vst.idx.msk $0xffff, v2  }
0x25a: {  	v3 =	vor.u32 v59, v0;
	v2 =	vld.idx.msk [tilespmem:v11+s14+$0x0], $0xffff;
	_ =	sdelay $0x2  }
0x25b: {  	[tilespmem:$0x1F620] =	vst v12;
	v12 =	vcombine.low v33, v34;
	_ =	sdelay $0x1  }
0x25c: {  	v49 =	vor.u32 v12, v1;
	[tilespmem:v3+s17+$0x0] =	vst.idx.msk $0xffff, v2;
	v3 =	vld [tilespmem:$0x1F980];
	_ =	sdelay $0x4  }
0x25d: {  	v2 =	vld.idx.msk [tilespmem:v49+s14+$0x0], $0xffff;
	v3 =	vor.u32 v3, v0;
	_ =	sdelay $0x2  }
0x25e: {  	v11 =	vcombine.low v35, v19;
	_ =	sdelay $0x1  }
0x25f: {  	v51 =	vor.u32 v11, v1;
	[tilespmem:v3+s17+$0x0] =	vst.idx.msk $0xffff, v2;
	v3 =	vld [tilespmem:$0x1FEF0];
	_ =	sdelay $0x4  }
0x260: {  	v2 =	vld.idx.msk [tilespmem:v51+s14+$0x0], $0xffff;
	v3 =	vor.u32 v3, v0;
	_ =	sdelay $0x2  }
0x261: {  	v13 =	vld [tilespmem:$0x1FB70]  }
0x262: {  	v4 =	vor.u32 $0x20, v4;
	v14 =	vld [tilespmem:$0x1FB80]  }
0x263: {  	v28 =	vmov v52;
	v52 =	vor.u32 v4, v1;
	[tilespmem:v3+s17+$0x0] =	vst.idx.msk $0xffff, v2;
	v3 =	vld [tilespmem:$0x1FF00]  }
0x264: {  	[tilespmem:$0x1F630] =	vst v12;
	v12 =	vld [tilespmem:$0x1FB60]  }
0x265: {  	[tilespmem:$0x1F640] =	vst v11;
	v11 =	vld [tilespmem:$0x1FB50];
	_ =	sdelay $0x2  }
0x266: {  	v2 =	vld.idx.msk [tilespmem:v52+s14+$0x0], $0xffff;
	v3 =	vor.u32 v3, v0;
	_ =	sdelay $0x1  }
0x267: {  	v34 =	vsel vm0, v14, v13;
	v60 =	vsel vm0, v12, v11  }
0x268: {  	[tilespmem:$0x1F650] =	vst v4;
	v25 =	vld [tilespmem:$0x1FB90];
	v4 =	vcombine.low v34, v60  }
0x269: {  	v26 =	vld [tilespmem:$0x1FBA0]  }
0x26a: {  	v62 =	vor.u32 v4, v1;
	[tilespmem:v3+s17+$0x0] =	vst.idx.msk $0xffff, v2;
	v3 =	vld [tilespmem:$0x1FF10]  }
0x26b: {  	v48 =	vmov v9;
	v9 =	vld [tilespmem:$0x1FBC0]  }
0x26c: {  	v49 =	vld [tilespmem:$0x1FBB0];
	_ =	sdelay $0x2  }
0x26d: {  	v2 =	vld.idx.msk [tilespmem:v62+s14+$0x0], $0xffff;
	v3 =	vor.u32 v3, v0;
	_ =	sdelay $0x1  }
0x26e: {  	v45 =	vmov v37;
	v35 =	vsel vm0, v26, v25;
	v37 =	vsel vm0, v9, v49  }
0x26f: {  	v46 =	vld [tilespmem:$0x1FBF0];
	[tilespmem:$0x1F660] =	vst v4;
	v4 =	vcombine.low v37, v35  }
0x270: {  	v16 =	vmov v24;
	v24 =	vld [tilespmem:$0x1FBE0]  }
0x271: {  	v63 =	vor.u32 v4, v1;
	[tilespmem:v3+s17+$0x0] =	vst.idx.msk $0xffff, v2;
	v3 =	vld [tilespmem:$0x1FF20]  }
0x272: {  	v33 =	vld [tilespmem:$0x1FC00]  }
0x273: {  	[tilespmem:$0x1F670] =	vst v4;
	v4 =	vld [tilespmem:$0x1FBD0];
	_ =	sdelay $0x2  }
0x274: {  	v2 =	vld.idx.msk [tilespmem:v63+s14+$0x0], $0xffff;
	v3 =	vor.u32 v3, v0;
	_ =	sdelay $0x1  }
0x275: {  	v50 =	vmov v39;
	v39 =	vsel vm0, v33, v46;
	v38 =	vsel vm0, v24, v4  }
0x276: {  	v47 =	vld [tilespmem:$0x1FC40];
	v15 =	vcombine.low v39, v38  }
0x277: {  	v52 =	vld [tilespmem:$0x1FC30]  }
0x278: {  	v32 =	vor.u32 v15, v1;
	[tilespmem:v3+s17+$0x0] =	vst.idx.msk $0xffff, v2;
	v3 =	vld [tilespmem:$0x1FF30]  }
0x279: {  	v62 =	vld [tilespmem:$0x1FC10]  }
0x27a: {  	v63 =	vld [tilespmem:$0x1FC20];
	_ =	sdelay $0x2  }
0x27b: {  	v2 =	vld.idx.msk [tilespmem:v32+s14+$0x0], $0xffff;
	v3 =	vor.u32 v3, v0;
	_ =	sdelay $0x1  }
0x27c: {  	v42 =	vsel vm0, v47, v52;
	v40 =	vsel vm0, v63, v62  }
0x27d: {  	[tilespmem:$0x1F680] =	vst v15;
	v15 =	vcombine.low v42, v40;
	_ =	sdelay $0x1  }
0x27e: {  	v32 =	vor.u32 v15, v1;
	[tilespmem:v3+s17+$0x0] =	vst.idx.msk $0xffff, v2;
	v3 =	vld [tilespmem:$0x1FF40];
	_ =	sdelay $0x4  }
0x27f: {  	v2 =	vld.idx.msk [tilespmem:v32+s14+$0x0], $0xffff;
	v3 =	vor.u32 v3, v0;
	_ =	sdelay $0x1  }
0x280: {  	v43 =	vsel vm0, v13, v12;
	v44 =	vsel vm0, v11, v14  }
0x281: {  	v19 =	vmov v6;
	v6 =	vcombine.low v44, v43;
	_ =	sdelay $0x1  }
0x282: {  	v51 =	vmov v41;
	v41 =	vor.u32 v6, v1;
	[tilespmem:v3+s17+$0x0] =	vst.idx.msk $0xffff, v2;
	v3 =	vld [tilespmem:$0x1FF50];
	_ =	sdelay $0x4  }
0x283: {  	v2 =	vld.idx.msk [tilespmem:v41+s14+$0x0], $0xffff;
	v3 =	vor.u32 v3, v0;
	_ =	sdelay $0x1  }
0x284: {  	v25 =	vsel vm0, v25, v9;
	v26 =	vsel vm0, v49, v26  }
0x285: {  	[tilespmem:$0x1F6A0] =	vst v6;
	v6 =	vcombine.low v25, v26;
	_ =	sdelay $0x1  }
0x286: {  	v14 =	vmov v45;
	v45 =	vor.u32 v6, v1;
	[tilespmem:v3+s17+$0x0] =	vst.idx.msk $0xffff, v2;
	v3 =	vld [tilespmem:$0x1F9E0];
	_ =	sdelay $0x4  }
0x287: {  	v2 =	vld.idx.msk [tilespmem:v45+s14+$0x0], $0xffff;
	v3 =	vor.u32 v3, v0;
	_ =	sdelay $0x1  }
0x288: {  	v18 =	vmovc v21;
	v21 =	vmovc v55;
	v55 =	vmov v58;
	v24 =	vsel vm0, v46, v24;
	v58 =	vsel vm0, v4, v33  }
0x289: {  	v4 =	vcombine.low v58, v24;
	_ =	sdelay $0x1  }
0x28a: {  	v13 =	vmov v56;
	v56 =	vmov v59;
	v59 =	vor.u32 v4, v1;
	[tilespmem:v3+s17+$0x0] =	vst.idx.msk $0xffff, v2;
	v3 =	vld [tilespmem:$0x1FF60];
	_ =	sdelay $0x4  }
0x28b: {  	v2 =	vld.idx.msk [tilespmem:v59+s14+$0x0], $0xffff;
	v3 =	vor.u32 v3, v0;
	_ =	sdelay $0x1  }
0x28c: {  	v11 =	vmov v61;
	[tilespmem:$0x1F6C0] =	vst v4;
	v4 =	vsel vm0, v62, v47;
	v61 =	vsel vm0, v52, v63  }
0x28d: {  	v4 =	vcombine.low v4, v61;
	_ =	sdelay $0x1  }
0x28e: {  	v63 =	vor.u32 v4, v1;
	[tilespmem:v3+s17+$0x0] =	vst.idx.msk $0xffff, v2;
	v3 =	vld [tilespmem:$0x1F9F0];
	_ =	sdelay $0x4  }
0x28f: {  	v2 =	vld.idx.msk [tilespmem:v63+s14+$0x0], $0xffff;
	v3 =	vor.u32 v3, v0;
	_ =	sdelay $0x2  }
0x290: {  	[tilespmem:$0x1F6D0] =	vst v4;
	v4 =	vcombine.low v60, v34;
	_ =	sdelay $0x1  }
0x291: {  	v20 =	vmov v36;
	v36 =	vor.u32 v4, v1;
	[tilespmem:v3+s17+$0x0] =	vst.idx.msk $0xffff, v2;
	v3 =	vld [tilespmem:$0x1FA00];
	_ =	sdelay $0x4  }
0x292: {  	v2 =	vld.idx.msk [tilespmem:v36+s14+$0x0], $0xffff;
	v3 =	vor.u32 v3, v0;
	_ =	sdelay $0x1  }
0x293: {  	[tilespmem:$0x1F6E0] =	vst v4;
	v4 =	vcombine.low v35, v37;
	_ =	sdelay $0x1  }
0x294: {  	[tilespmem:$0x1F6F0] =	vst v4  }
0x295: {  	v4 =	vor.u32 v4, v1;
	[tilespmem:v3+s17+$0x0] =	vst.idx.msk $0xffff, v2;
	v3 =	vld [tilespmem:$0x1FA10];
	_ =	sdelay $0x4  }
0x296: {  	v2 =	vld.idx.msk [tilespmem:v4+s14+$0x0], $0xffff;
	v3 =	vor.u32 v3, v0;
	_ =	sdelay $0x2  }
0x297: {  	v41 =	vcombine.low v38, v39;
	_ =	sdelay $0x1  }
0x298: {  	v4 =	vor.u32 v41, v1;
	[tilespmem:v3+s17+$0x0] =	vst.idx.msk $0xffff, v2;
	v3 =	vld [tilespmem:$0x1FA30];
	_ =	sdelay $0x4  }
0x299: {  	v2 =	vld.idx.msk [tilespmem:v4+s14+$0x0], $0xffff;
	v3 =	vor.u32 v3, v0;
	_ =	sdelay $0x2  }
0x29a: {  	v45 =	vcombine.low v40, v42;
	_ =	sdelay $0x1  }
0x29b: {  	v4 =	vor.u32 v45, v1;
	[tilespmem:v3+s17+$0x0] =	vst.idx.msk $0xffff, v2;
	v3 =	vld [tilespmem:$0x1FA50];
	_ =	sdelay $0x4  }
0x29c: {  	v2 =	vld.idx.msk [tilespmem:v4+s14+$0x0], $0xffff;
	v3 =	vor.u32 v3, v0;
	_ =	sdelay $0x2  }
0x29d: {  	v46 =	vcombine.low v43, v44;
	_ =	sdelay $0x1  }
0x29e: {  	v4 =	vor.u32 v46, v1;
	[tilespmem:v3+s17+$0x0] =	vst.idx.msk $0xffff, v2;
	v3 =	vld [tilespmem:$0x1FA60];
	_ =	sdelay $0x3  }
0x29f: {  	v25 =	vcombine.low v26, v25  }
0x2a0: {  	v2 =	vld.idx.msk [tilespmem:v4+s14+$0x0], $0xffff;
	v3 =	vor.u32 v3, v0  }
0x2a1: {  	v37 =	vld [tilespmem:$0x1FF70];
	v4 =	vor.u32 v25, v1;
	_ =	sdelay $0x3  }
0x2a2: {  	[tilespmem:v3+s17+$0x0] =	vst.idx.msk $0xffff, v2  }
0x2a3: {  	v3 =	vor.u32 v37, v0;
	v2 =	vld.idx.msk [tilespmem:v4+s14+$0x0], $0xffff;
	_ =	sdelay $0x1  }
0x2a4: {  	v24 =	vcombine.low v24, v58;
	_ =	sdelay $0x1  }
0x2a5: {  	v4 =	vor.u32 v24, v1  }
0x2a6: {  	[tilespmem:v3+s17+$0x0] =	vst.idx.msk $0xffff, v2;
	v3 =	vld [tilespmem:$0x1FA70];
	_ =	sdelay $0x2  }
0x2a7: {  	v23 =	vmov v7;
	v7 =	vmov v28;
	v28 =	vld [tilespmem:$0x1FA90]  }
0x2a8: {  	v2 =	vld.idx.msk [tilespmem:v4+s14+$0x0], $0xffff;
	v4 =	vlaneseq.u32  }
0x2a9: {  	v26 =	vld [tilespmem:$0x1FC70];
	v4 =	vor.u32 $0x30, v4;
	v35 =	vmov v3;
	v3 =	vor.u32 v3, v0  }
0x2aa: {  	v44 =	vld [tilespmem:$0x1FC60];
	[tilespmem:$0x1F690] =	vst v15;
	v15 =	vmov v30;
	v30 =	vmov v4;
	v4 =	vor.u32 v4, v1  }
0x2ab: {  	[tilespmem:$0x1F6B0] =	vst v6;
	v6 =	vmov v54;
	v54 =	vld [tilespmem:$0x1FC80]  }
0x2ac: {  	v32 =	vld [tilespmem:$0x1FC50];
	_ =	sdelay $0x1  }
0x2ad: {  	v33 =	vld [tilespmem:$0x1FC90];
	[tilespmem:v3+s17+$0x0] =	vst.idx.msk $0xffff, v2  }
0x2ae: {  	v3 =	vor.u32 v28, v0;
	v2 =	vld.idx.msk [tilespmem:v4+s14+$0x0], $0xffff  }
0x2af: {  	v43 =	vld [tilespmem:$0x1FCA0]  }
0x2b0: {  	v17 =	vmovc v8;
	v8 =	vmov v31;
	v47 =	vld [tilespmem:$0x1FCC0];
	v31 =	vsel vm0, v44, v32;
	[tilespmem:$0x1F710] =	vst v45;
	v45 =	vsel vm0, v54, v26  }
0x2b1: {  	[tilespmem:$0x1F740] =	vst v24;
	v38 =	vld [tilespmem:$0x1FCB0];
	v24 =	vcombine.low v45, v31;
	_ =	sdelay $0x1  }
0x2b2: {  	v4 =	vor.u32 v24, v1;
	[tilespmem:v3+s17+$0x0] =	vst.idx.msk $0xffff, v2;
	v3 =	vld [tilespmem:$0x1FAA0]  }
0x2b3: {  	v49 =	vld [tilespmem:$0x1FCE0]  }
0x2b4: {  	v58 =	vld [tilespmem:$0x1FD00]  }
0x2b5: {  	v12 =	vmov v50;
	v50 =	vsel vm0, v43, v33;
	v34 =	vld [tilespmem:$0x1FAC0];
	v52 =	vsel vm0, v47, v38  }
0x2b6: {  	v42 =	vld [tilespmem:$0x1FCD0];
	v63 =	vmov v24;
	v24 =	vcombine.low v52, v50  }
0x2b7: {  	[tilespmem:$0x1F720] =	vst v46;
	v2 =	vld.idx.msk [tilespmem:v4+s14+$0x0], $0xffff;
	v46 =	vmov v3;
	v3 =	vor.u32 v3, v0  }
0x2b8: {  	[tilespmem:$0x1F730] =	vst v25;
	v25 =	vld [tilespmem:$0x1FCF0];
	v4 =	vor.u32 v24, v1;
	_ =	sdelay $0x3  }
0x2b9: {  	v22 =	vmov v29;
	v29 =	vld [tilespmem:$0x1FD40];
	[tilespmem:v3+s17+$0x0] =	vst.idx.msk $0xffff, v2  }
0x2ba: {  	v59 =	vsel vm0, v49, v42;
	v61 =	vsel vm0, v58, v25;
	v3 =	vor.u32 v34, v0;
	v2 =	vld.idx.msk [tilespmem:v4+s14+$0x0], $0xffff  }
0x2bb: {  	v9 =	vmov v57;
	v57 =	vld [tilespmem:$0x1FD10];
	v36 =	vmov v24;
	v24 =	vcombine.low v61, v59  }
0x2bc: {  	v40 =	vld [tilespmem:$0x1FD30]  }
0x2bd: {  	[tilespmem:$0x1F700] =	vst v41;
	v41 =	vmov v24;
	v4 =	vor.u32 v24, v1;
	v24 =	vld [tilespmem:$0x1FD20];
	_ =	sdelay $0x1  }
0x2be: {  	[tilespmem:v3+s17+$0x0] =	vst.idx.msk $0xffff, v2;
	v3 =	vld [tilespmem:$0x1FAD0];
	_ =	sdelay $0x2  }
0x2bf: {  	v29 =	vsel vm0, v29, v40;
	v24 =	vsel vm0, v24, v57  }
0x2c0: {  	v2 =	vcombine.low v29, v24  }
0x2c1: {  	[tilespmem:$0x1F760] =	vst v24;
	v24 =	vld.idx.msk [tilespmem:v4+s14+$0x0], $0xffff;
	v39 =	vmov v3;
	v3 =	vor.u32 v3, v0  }
0x2c2: {  	v26 =	vsel vm0, v26, v44;
	v44 =	vld [tilespmem:$0x1FAE0];
	v4 =	vor.u32 v2, v1;
	_ =	sdelay $0x3  }
0x2c3: {  	v62 =	vmov v2;
	v2 =	vsel vm0, v32, v54;
	[tilespmem:v3+s17+$0x0] =	vst.idx.msk $0xffff, v24  }
0x2c4: {  	[tilespmem:$0x1F770] =	vst v2;
	v24 =	vcombine.low v2, v26;
	v3 =	vor.u32 v44, v0;
	v2 =	vld.idx.msk [tilespmem:v4+s14+$0x0], $0xffff;
	_ =	sdelay $0x4  }
0x2c5: {  	v4 =	vor.u32 v24, v1;
	[tilespmem:v3+s17+$0x0] =	vst.idx.msk $0xffff, v2;
	v3 =	vld [tilespmem:$0x1FAF0];
	_ =	sdelay $0x4  }
0x2c6: {  	[tilespmem:$0x1F750] =	vst v29;
	v2 =	vld.idx.msk [tilespmem:v4+s14+$0x0], $0xffff;
	v29 =	vmov v3;
	v3 =	vor.u32 v3, v0  }
0x2c7: {  	v43 =	vsel vm0, v38, v43;
	v54 =	vmov v24;
	v24 =	vsel vm0, v33, v47  }
0x2c8: {  	[tilespmem:$0x1F780] =	vst v24;
	v24 =	vcombine.low v24, v43;
	_ =	sdelay $0x1  }
0x2c9: {  	v60 =	vmovc v24;
	v4 =	vor.u32 v24, v1;
	v24 =	vsel vm0, v25, v49;
	v25 =	vsel vm0, v42, v58;
	v58 =	vld [tilespmem:$0x1FB00]  }
0x2ca: {  	[tilespmem:v3+s17+$0x0] =	vst.idx.msk $0xffff, v2;
	v2 =	vcombine.low v25, v24;
	_ =	sdelay $0x1  }
0x2cb: {  	[tilespmem:$0x1F790] =	vst v25;
	v32 =	vmov v2;
	v25 =	vor.u32 v2, v1;
	v2 =	vld [tilespmem:$0x1FD20];
	_ =	sdelay $0x1  }
0x2cc: {  	v3 =	vor.u32 v58, v0;
	v47 =	vld.idx.msk [tilespmem:v4+s14+$0x0], $0xffff;
	_ =	sdelay $0x2  }
0x2cd: {  	v4 =	vsel vm0, v40, v2;
	v2 =	vld [tilespmem:$0x1FD40];
	_ =	sdelay $0x1  }
0x2ce: {  	[tilespmem:v3+s17+$0x0] =	vst.idx.msk $0xffff, v47;
	v3 =	vld [tilespmem:$0x1FB10];
	_ =	sdelay $0x2  }
0x2cf: {  	v2 =	vsel vm0, v57, v2  }
0x2d0: {  	v4 =	vcombine.low v2, v4  }
0x2d1: {  	v42 =	vmov v3;
	v3 =	vor.u32 v3, v0;
	v2 =	vld.idx.msk [tilespmem:v25+s14+$0x0], $0xffff  }
0x2d2: {  	v49 =	vld [tilespmem:$0x1FB20];
	v33 =	vmov v4;
	v4 =	vor.u32 v4, v1;
	_ =	sdelay $0x3  }
0x2d3: {  	[tilespmem:v3+s17+$0x0] =	vst.idx.msk $0xffff, v2  }
0x2d4: {  	v3 =	vor.u32 v49, v0;
	v2 =	vld.idx.msk [tilespmem:v4+s14+$0x0], $0xffff;
	_ =	sdelay $0x2  }
0x2d5: {  	[tilespmem:$0x1F7A0] =	vst v24;
	v24 =	vcombine.low v31, v45;
	_ =	sdelay $0x1  }
0x2d6: {  	v4 =	vor.u32 v24, v1;
	[tilespmem:v3+s17+$0x0] =	vst.idx.msk $0xffff, v2;
	v3 =	vld [tilespmem:$0x1FB30];
	_ =	sdelay $0x3  }
0x2d7: {  	v47 =	vmov v24;
	v24 =	vcombine.low v50, v52  }
0x2d8: {  	v2 =	vld.idx.msk [tilespmem:v4+s14+$0x0], $0xffff;
	v50 =	vmov v3;
	v3 =	vor.u32 v3, v0  }
0x2d9: {  	v38 =	vld [tilespmem:$0x1FB40];
	v4 =	vor.u32 v24, v1;
	_ =	sdelay $0x3  }
0x2da: {  	[tilespmem:v3+s17+$0x0] =	vst.idx.msk $0xffff, v2  }
0x2db: {  	v3 =	vor.u32 v38, v0;
	v2 =	vld.idx.msk [tilespmem:v4+s14+$0x0], $0xffff;
	_ =	sdelay $0x3  }
0x2dc: {  	v40 =	vld [tilespmem:$0x1FF80];
	v57 =	vmov v24;
	v24 =	vcombine.low v59, v61  }
0x2dd: {  	[tilespmem:v3+s17+$0x0] =	vst.idx.msk $0xffff, v2;
	v2 =	vld [tilespmem:$0x1F750]  }
0x2de: {  	v4 =	vor.u32 v24, v1;
	v3 =	vld [tilespmem:$0x1F760];
	_ =	sdelay $0x4  }
0x2df: {  	v61 =	vmov v24;
	v24 =	vcombine.low v3, v2;
	v2 =	vld.idx.msk [tilespmem:v4+s14+$0x0], $0xffff;
	v3 =	vor.u32 v40, v0;
	_ =	sdelay $0x3  }
0x2e0: {  	v31 =	vld [tilespmem:$0x1FF90]  }
0x2e1: {  	v4 =	vor.u32 v24, v1;
	[tilespmem:v3+s17+$0x0] =	vst.idx.msk $0xffff, v2;
	v2 =	vld [tilespmem:$0x1F770];
	_ =	sdelay $0x4  }
0x2e2: {  	v59 =	vmov v24;
	v3 =	vor.u32 v31, v0;
	v24 =	vcombine.low v26, v2;
	v2 =	vld.idx.msk [tilespmem:v4+s14+$0x0], $0xffff;
	_ =	sdelay $0x3  }
0x2e3: {  	v52 =	vmov v24;
	v4 =	vor.u32 v24, v1;
	v24 =	vld [tilespmem:$0x1FFA0]  }
0x2e4: {  	[tilespmem:v3+s17+$0x0] =	vst.idx.msk $0xffff, v2;
	v2 =	vld [tilespmem:$0x1F780];
	_ =	sdelay $0x4  }
0x2e5: {  	v3 =	vor.u32 v24, v0;
	v25 =	vcombine.low v43, v2;
	v2 =	vld.idx.msk [tilespmem:v4+s14+$0x0], $0xffff;
	_ =	sdelay $0x4  }
0x2e6: {  	[tilespmem:v3+s17+$0x0] =	vst.idx.msk $0xffff, v2;
	v2 =	vld [tilespmem:$0x1F790]  }
0x2e7: {  	v43 =	vmov v25;
	v25 =	vor.u32 v25, v1;
	v3 =	vld [tilespmem:$0x1F7A0];
	_ =	sdelay $0x4  }
0x2e8: {  	v26 =	vcombine.low v3, v2;
	v2 =	vld.idx.msk [tilespmem:v25+s14+$0x0], $0xffff  }
0x2e9: {  	v25 =	vld [tilespmem:$0x1FFB0];
	_ =	sdelay $0x4  }
0x2ea: {  	v3 =	vor.u32 v25, v0  }
0x2eb: {  	v1 =	vor.u32 v26, v1  }
0x2ec: {  	v45 =	vmov v26;
	v26 =	vld [tilespmem:$0x1FFC0];
	_ =	sdelay $0x2  }
0x2ed: {  	s28 =	simm.s32 $0x10;
	v4 =	vlaneseq.u32;
	[tilespmem:v3+s17+$0x0] =	vst.idx.msk $0xffff, v2  }
0x2ee: {  	s26 =	sshll.u32 s25, $0xA;
	v2 =	vor.u32 s28, v4;
	s28 =	simm.s32 $0x20;
	v3 =	vld.idx.msk [tilespmem:v1+s14+$0x0], $0xffff  }
.LBB2_3:
0x2ef: {  	v1 =	vshll.u32 v2, $0x6;
	v0 =	vor.u32 v26, v0;
	v4 =	vlaneseq.u32  }
0x2f0: {  	v4 =	vor.u32 v4, v1;
	_ =	sdelay $0x3  }
0x2f1: {  	[tilespmem:v0+s17+$0x0] =	vst.idx.msk $0xffff, v3;
	v0 =	vand.u32 $0x78, v2  }
0x2f2: {  	v3 =	vld.idx.msk [tilespmem:v4+s14+$0x0], $0xffff;
	v2 =	vor.u32 v5, v0  }
0x2f3: {  	v4 =	vor.u32 v6, v1;
	_ =	sdelay $0x3  }
0x2f4: {  	[tilespmem:v2+s17+$0x0] =	vst.idx.msk $0xffff, v3  }
0x2f5: {  	v3 =	vor.u32 v7, v0;
	v2 =	vld.idx.msk [tilespmem:v4+s14+$0x0], $0xffff  }
0x2f6: {  	v4 =	vor.u32 v8, v1;
	_ =	sdelay $0x3  }
0x2f7: {  	[tilespmem:v3+s17+$0x0] =	vst.idx.msk $0xffff, v2  }
0x2f8: {  	v3 =	vor.u32 v9, v0;
	v2 =	vld.idx.msk [tilespmem:v4+s14+$0x0], $0xffff  }
0x2f9: {  	v4 =	vor.u32 v10, v1;
	_ =	sdelay $0x3  }
0x2fa: {  	[tilespmem:v3+s17+$0x0] =	vst.idx.msk $0xffff, v2  }
0x2fb: {  	v3 =	vor.u32 v11, v0;
	v2 =	vld.idx.msk [tilespmem:v4+s14+$0x0], $0xffff  }
0x2fc: {  	v4 =	vor.u32 v12, v1;
	_ =	sdelay $0x3  }
0x2fd: {  	[tilespmem:v3+s17+$0x0] =	vst.idx.msk $0xffff, v2  }
0x2fe: {  	v3 =	vor.u32 v13, v0;
	v2 =	vld.idx.msk [tilespmem:v4+s14+$0x0], $0xffff  }
0x2ff: {  	v4 =	vor.u32 v14, v1;
	_ =	sdelay $0x3  }
0x300: {  	[tilespmem:v3+s17+$0x0] =	vst.idx.msk $0xffff, v2  }
0x301: {  	v3 =	vor.u32 v15, v0;
	v2 =	vld.idx.msk [tilespmem:v4+s14+$0x0], $0xffff  }
0x302: {  	v4 =	vor.u32 v16, v1;
	_ =	sdelay $0x3  }
0x303: {  	[tilespmem:v3+s17+$0x0] =	vst.idx.msk $0xffff, v2  }
0x304: {  	v3 =	vor.u32 v17, v0;
	v2 =	vld.idx.msk [tilespmem:v4+s14+$0x0], $0xffff  }
0x305: {  	v4 =	vor.u32 v18, v1;
	_ =	sdelay $0x3  }
0x306: {  	[tilespmem:v3+s17+$0x0] =	vst.idx.msk $0xffff, v2  }
0x307: {  	v2 =	vld.idx.msk [tilespmem:v4+s14+$0x0], $0xffff  }
0x308: {  	v4 =	vld [tilespmem:$0x1F7B0];
	_ =	sdelay $0x3  }
0x309: {  	v3 =	vor.u32 v19, v0  }
0x30a: {  	v4 =	vor.u32 v4, v1;
	_ =	sdelay $0x3  }
0x30b: {  	[tilespmem:v3+s17+$0x0] =	vst.idx.msk $0xffff, v2  }
0x30c: {  	v2 =	vld.idx.msk [tilespmem:v4+s14+$0x0], $0xffff  }
0x30d: {  	v4 =	vld [tilespmem:$0x1F7C0];
	_ =	sdelay $0x3  }
0x30e: {  	v3 =	vor.u32 v20, v0  }
0x30f: {  	v4 =	vor.u32 v4, v1;
	_ =	sdelay $0x3  }
0x310: {  	[tilespmem:v3+s17+$0x0] =	vst.idx.msk $0xffff, v2  }
0x311: {  	v2 =	vld.idx.msk [tilespmem:v4+s14+$0x0], $0xffff  }
0x312: {  	v4 =	vld [tilespmem:$0x1F7D0];
	_ =	sdelay $0x3  }
0x313: {  	v3 =	vor.u32 v21, v0  }
0x314: {  	v4 =	vor.u32 v4, v1;
	_ =	sdelay $0x3  }
0x315: {  	[tilespmem:v3+s17+$0x0] =	vst.idx.msk $0xffff, v2  }
0x316: {  	v2 =	vld.idx.msk [tilespmem:v4+s14+$0x0], $0xffff  }
0x317: {  	v4 =	vld [tilespmem:$0x1FA20];
	_ =	sdelay $0x3  }
0x318: {  	v3 =	vor.u32 v22, v0  }
0x319: {  	v4 =	vor.u32 v4, v1;
	_ =	sdelay $0x3  }
0x31a: {  	[tilespmem:v3+s17+$0x0] =	vst.idx.msk $0xffff, v2  }
0x31b: {  	v2 =	vld.idx.msk [tilespmem:v4+s14+$0x0], $0xffff  }
0x31c: {  	v4 =	vld [tilespmem:$0x1FA40];
	_ =	sdelay $0x3  }
0x31d: {  	v3 =	vor.u32 v23, v0  }
0x31e: {  	v4 =	vor.u32 v4, v1;
	_ =	sdelay $0x3  }
0x31f: {  	[tilespmem:v3+s17+$0x0] =	vst.idx.msk $0xffff, v2;
	v3 =	vld [tilespmem:$0x1F7E0]  }
0x320: {  	v2 =	vld.idx.msk [tilespmem:v4+s14+$0x0], $0xffff  }
0x321: {  	v4 =	vld [tilespmem:$0x1F7F0];
	_ =	sdelay $0x2  }
0x322: {  	v3 =	vor.u32 v3, v0;
	_ =	sdelay $0x1  }
0x323: {  	v4 =	vor.u32 v4, v1;
	_ =	sdelay $0x2  }
0x324: {  	[tilespmem:v3+s17+$0x0] =	vst.idx.msk $0xffff, v2;
	v3 =	vld [tilespmem:$0x1F800];
	_ =	sdelay $0x1  }
0x325: {  	v2 =	vld.idx.msk [tilespmem:v4+s14+$0x0], $0xffff  }
0x326: {  	v4 =	vld [tilespmem:$0x1F810];
	_ =	sdelay $0x1  }
0x327: {  	v3 =	vor.u32 v3, v0;
	_ =	sdelay $0x2  }
0x328: {  	v4 =	vor.u32 v4, v1;
	_ =	sdelay $0x1  }
0x329: {  	[tilespmem:v3+s17+$0x0] =	vst.idx.msk $0xffff, v2;
	v3 =	vld [tilespmem:$0x1F820];
	_ =	sdelay $0x2  }
0x32a: {  	v2 =	vld.idx.msk [tilespmem:v4+s14+$0x0], $0xffff  }
0x32b: {  	v4 =	vld [tilespmem:$0x1F830]  }
0x32c: {  	v3 =	vor.u32 v3, v0;
	_ =	sdelay $0x3  }
0x32d: {  	v4 =	vor.u32 v4, v1  }
0x32e: {  	[tilespmem:v3+s17+$0x0] =	vst.idx.msk $0xffff, v2;
	v3 =	vld [tilespmem:$0x1F840];
	_ =	sdelay $0x3  }
0x32f: {  	v2 =	vld.idx.msk [tilespmem:v4+s14+$0x0], $0xffff  }
0x330: {  	v3 =	vor.u32 v3, v0;
	v4 =	vld [tilespmem:$0x1FFF0];
	_ =	sdelay $0x4  }
0x331: {  	v4 =	vor.u32 v4, v1;
	[tilespmem:v3+s17+$0x0] =	vst.idx.msk $0xffff, v2;
	v3 =	vld [tilespmem:$0x1F850];
	_ =	sdelay $0x4  }
0x332: {  	v2 =	vld.idx.msk [tilespmem:v4+s14+$0x0], $0xffff;
	v3 =	vor.u32 v3, v0;
	_ =	sdelay $0x4  }
0x333: {  	v4 =	vor.u32 v27, v1;
	[tilespmem:v3+s17+$0x0] =	vst.idx.msk $0xffff, v2;
	v3 =	vld [tilespmem:$0x1F860];
	_ =	sdelay $0x4  }
0x334: {  	v2 =	vld.idx.msk [tilespmem:v4+s14+$0x0], $0xffff;
	v3 =	vor.u32 v3, v0  }
0x335: {  	v4 =	vor.u32 v48, v1;
	_ =	sdelay $0x3  }
0x336: {  	[tilespmem:v3+s17+$0x0] =	vst.idx.msk $0xffff, v2;
	v3 =	vld [tilespmem:$0x1F870]  }
0x337: {  	v2 =	vld.idx.msk [tilespmem:v4+s14+$0x0], $0xffff  }
0x338: {  	v4 =	vld [tilespmem:$0x1F580];
	_ =	sdelay $0x3  }
0x339: {  	v3 =	vor.u32 v3, v0  }
0x33a: {  	v4 =	vor.u32 v4, v1;
	_ =	sdelay $0x3  }
0x33b: {  	[tilespmem:v3+s17+$0x0] =	vst.idx.msk $0xffff, v2;
	v3 =	vld [tilespmem:$0x1F8C0]  }
0x33c: {  	v2 =	vld.idx.msk [tilespmem:v4+s14+$0x0], $0xffff  }
0x33d: {  	v4 =	vld [tilespmem:$0x1F590];
	_ =	sdelay $0x3  }
0x33e: {  	v3 =	vor.u32 v3, v0  }
0x33f: {  	v4 =	vor.u32 v4, v1;
	_ =	sdelay $0x3  }
0x340: {  	[tilespmem:v3+s17+$0x0] =	vst.idx.msk $0xffff, v2  }
0x341: {  	v2 =	vld.idx.msk [tilespmem:v4+s14+$0x0], $0xffff  }
0x342: {  	v4 =	vld [tilespmem:$0x1F5A0];
	_ =	sdelay $0x3  }
0x343: {  	v3 =	vor.u32 v51, v0  }
0x344: {  	v4 =	vor.u32 v4, v1;
	_ =	sdelay $0x3  }
0x345: {  	[tilespmem:v3+s17+$0x0] =	vst.idx.msk $0xffff, v2  }
0x346: {  	v2 =	vld.idx.msk [tilespmem:v4+s14+$0x0], $0xffff  }
0x347: {  	v4 =	vld [tilespmem:$0x1F5B0];
	_ =	sdelay $0x3  }
0x348: {  	v3 =	vor.u32 v53, v0  }
0x349: {  	v4 =	vor.u32 v4, v1;
	_ =	sdelay $0x3  }
0x34a: {  	[tilespmem:v3+s17+$0x0] =	vst.idx.msk $0xffff, v2;
	v3 =	vld [tilespmem:$0x1FEC0]  }
0x34b: {  	v2 =	vld.idx.msk [tilespmem:v4+s14+$0x0], $0xffff  }
0x34c: {  	v4 =	vld [tilespmem:$0x1F5C0];
	_ =	sdelay $0x3  }
0x34d: {  	v3 =	vor.u32 v3, v0  }
0x34e: {  	v4 =	vor.u32 v4, v1;
	_ =	sdelay $0x3  }
0x34f: {  	[tilespmem:v3+s17+$0x0] =	vst.idx.msk $0xffff, v2;
	v3 =	vld [tilespmem:$0x1F910]  }
0x350: {  	v2 =	vld.idx.msk [tilespmem:v4+s14+$0x0], $0xffff  }
0x351: {  	v4 =	vld [tilespmem:$0x1F5D0];
	_ =	sdelay $0x3  }
0x352: {  	v3 =	vor.u32 v3, v0  }
0x353: {  	v4 =	vor.u32 v4, v1;
	_ =	sdelay $0x3  }
0x354: {  	[tilespmem:v3+s17+$0x0] =	vst.idx.msk $0xffff, v2;
	v3 =	vld [tilespmem:$0x1FED0]  }
0x355: {  	v2 =	vld.idx.msk [tilespmem:v4+s14+$0x0], $0xffff  }
0x356: {  	v4 =	vld [tilespmem:$0x1F5E0];
	_ =	sdelay $0x3  }
0x357: {  	v3 =	vor.u32 v3, v0  }
0x358: {  	v4 =	vor.u32 v4, v1;
	_ =	sdelay $0x3  }
0x359: {  	[tilespmem:v3+s17+$0x0] =	vst.idx.msk $0xffff, v2;
	v3 =	vld [tilespmem:$0x1F920]  }
0x35a: {  	v2 =	vld.idx.msk [tilespmem:v4+s14+$0x0], $0xffff  }
0x35b: {  	v4 =	vld [tilespmem:$0x1F5F0];
	_ =	sdelay $0x3  }
0x35c: {  	v3 =	vor.u32 v3, v0  }
0x35d: {  	v4 =	vor.u32 v4, v1;
	_ =	sdelay $0x3  }
0x35e: {  	[tilespmem:v3+s17+$0x0] =	vst.idx.msk $0xffff, v2;
	v3 =	vld [tilespmem:$0x1FEE0]  }
0x35f: {  	v2 =	vld.idx.msk [tilespmem:v4+s14+$0x0], $0xffff  }
0x360: {  	v4 =	vld [tilespmem:$0x1F600];
	_ =	sdelay $0x3  }
0x361: {  	v3 =	vor.u32 v3, v0  }
0x362: {  	v4 =	vor.u32 v4, v1;
	_ =	sdelay $0x3  }
0x363: {  	[tilespmem:v3+s17+$0x0] =	vst.idx.msk $0xffff, v2;
	v3 =	vld [tilespmem:$0x1F970]  }
0x364: {  	v2 =	vld.idx.msk [tilespmem:v4+s14+$0x0], $0xffff  }
0x365: {  	v4 =	vld [tilespmem:$0x1F610];
	_ =	sdelay $0x3  }
0x366: {  	v3 =	vor.u32 v3, v0  }
0x367: {  	v4 =	vor.u32 v4, v1;
	_ =	sdelay $0x3  }
0x368: {  	[tilespmem:v3+s17+$0x0] =	vst.idx.msk $0xffff, v2  }
0x369: {  	v2 =	vld.idx.msk [tilespmem:v4+s14+$0x0], $0xffff  }
0x36a: {  	v4 =	vld [tilespmem:$0x1F620];
	_ =	sdelay $0x3  }
0x36b: {  	v3 =	vor.u32 v55, v0  }
0x36c: {  	v4 =	vor.u32 v4, v1;
	_ =	sdelay $0x3  }
0x36d: {  	[tilespmem:v3+s17+$0x0] =	vst.idx.msk $0xffff, v2  }
0x36e: {  	v2 =	vld.idx.msk [tilespmem:v4+s14+$0x0], $0xffff  }
0x36f: {  	v4 =	vld [tilespmem:$0x1F630];
	_ =	sdelay $0x3  }
0x370: {  	v3 =	vor.u32 v56, v0  }
0x371: {  	v4 =	vor.u32 v4, v1;
	_ =	sdelay $0x3  }
0x372: {  	[tilespmem:v3+s17+$0x0] =	vst.idx.msk $0xffff, v2;
	v3 =	vld [tilespmem:$0x1F980]  }
0x373: {  	v2 =	vld.idx.msk [tilespmem:v4+s14+$0x0], $0xffff  }
0x374: {  	v4 =	vld [tilespmem:$0x1F640];
	_ =	sdelay $0x3  }
0x375: {  	v3 =	vor.u32 v3, v0  }
0x376: {  	v4 =	vor.u32 v4, v1;
	_ =	sdelay $0x3  }
0x377: {  	[tilespmem:v3+s17+$0x0] =	vst.idx.msk $0xffff, v2;
	v3 =	vld [tilespmem:$0x1FEF0]  }
0x378: {  	v2 =	vld.idx.msk [tilespmem:v4+s14+$0x0], $0xffff  }
0x379: {  	v4 =	vld [tilespmem:$0x1F650];
	_ =	sdelay $0x3  }
0x37a: {  	v3 =	vor.u32 v3, v0  }
0x37b: {  	v4 =	vor.u32 v4, v1;
	_ =	sdelay $0x3  }
0x37c: {  	[tilespmem:v3+s17+$0x0] =	vst.idx.msk $0xffff, v2;
	v3 =	vld [tilespmem:$0x1FF00]  }
0x37d: {  	v2 =	vld.idx.msk [tilespmem:v4+s14+$0x0], $0xffff  }
0x37e: {  	v4 =	vld [tilespmem:$0x1F660];
	_ =	sdelay $0x3  }
0x37f: {  	v3 =	vor.u32 v3, v0  }
0x380: {  	v4 =	vor.u32 v4, v1;
	_ =	sdelay $0x3  }
0x381: {  	[tilespmem:v3+s17+$0x0] =	vst.idx.msk $0xffff, v2;
	v3 =	vld [tilespmem:$0x1FF10]  }
0x382: {  	v2 =	vld.idx.msk [tilespmem:v4+s14+$0x0], $0xffff  }
0x383: {  	v4 =	vld [tilespmem:$0x1F670];
	_ =	sdelay $0x3  }
0x384: {  	v3 =	vor.u32 v3, v0  }
0x385: {  	v4 =	vor.u32 v4, v1;
	_ =	sdelay $0x3  }
0x386: {  	[tilespmem:v3+s17+$0x0] =	vst.idx.msk $0xffff, v2;
	v3 =	vld [tilespmem:$0x1FF20]  }
0x387: {  	v2 =	vld.idx.msk [tilespmem:v4+s14+$0x0], $0xffff  }
0x388: {  	v4 =	vld [tilespmem:$0x1F680];
	_ =	sdelay $0x3  }
0x389: {  	v3 =	vor.u32 v3, v0  }
0x38a: {  	v4 =	vor.u32 v4, v1;
	_ =	sdelay $0x3  }
0x38b: {  	[tilespmem:v3+s17+$0x0] =	vst.idx.msk $0xffff, v2;
	v3 =	vld [tilespmem:$0x1FF30]  }
0x38c: {  	v2 =	vld.idx.msk [tilespmem:v4+s14+$0x0], $0xffff  }
0x38d: {  	v4 =	vld [tilespmem:$0x1F690];
	_ =	sdelay $0x3  }
0x38e: {  	v3 =	vor.u32 v3, v0  }
0x38f: {  	v4 =	vor.u32 v4, v1;
	_ =	sdelay $0x3  }
0x390: {  	[tilespmem:v3+s17+$0x0] =	vst.idx.msk $0xffff, v2;
	v3 =	vld [tilespmem:$0x1FF40]  }
0x391: {  	v2 =	vld.idx.msk [tilespmem:v4+s14+$0x0], $0xffff  }
0x392: {  	v4 =	vld [tilespmem:$0x1F6A0];
	_ =	sdelay $0x3  }
0x393: {  	v3 =	vor.u32 v3, v0  }
0x394: {  	v4 =	vor.u32 v4, v1;
	_ =	sdelay $0x3  }
0x395: {  	[tilespmem:v3+s17+$0x0] =	vst.idx.msk $0xffff, v2;
	v3 =	vld [tilespmem:$0x1FF50]  }
0x396: {  	v2 =	vld.idx.msk [tilespmem:v4+s14+$0x0], $0xffff  }
0x397: {  	v4 =	vld [tilespmem:$0x1F6B0];
	_ =	sdelay $0x3  }
0x398: {  	v3 =	vor.u32 v3, v0  }
0x399: {  	v4 =	vor.u32 v4, v1;
	_ =	sdelay $0x3  }
0x39a: {  	[tilespmem:v3+s17+$0x0] =	vst.idx.msk $0xffff, v2;
	v3 =	vld [tilespmem:$0x1F9E0]  }
0x39b: {  	v2 =	vld.idx.msk [tilespmem:v4+s14+$0x0], $0xffff  }
0x39c: {  	v4 =	vld [tilespmem:$0x1F6C0];
	_ =	sdelay $0x3  }
0x39d: {  	v3 =	vor.u32 v3, v0  }
0x39e: {  	v4 =	vor.u32 v4, v1;
	_ =	sdelay $0x3  }
0x39f: {  	[tilespmem:v3+s17+$0x0] =	vst.idx.msk $0xffff, v2;
	v3 =	vld [tilespmem:$0x1FF60]  }
0x3a0: {  	v2 =	vld.idx.msk [tilespmem:v4+s14+$0x0], $0xffff  }
0x3a1: {  	v4 =	vld [tilespmem:$0x1F6D0];
	_ =	sdelay $0x3  }
0x3a2: {  	v3 =	vor.u32 v3, v0  }
0x3a3: {  	v4 =	vor.u32 v4, v1;
	_ =	sdelay $0x3  }
0x3a4: {  	[tilespmem:v3+s17+$0x0] =	vst.idx.msk $0xffff, v2;
	v3 =	vld [tilespmem:$0x1F9F0]  }
0x3a5: {  	v2 =	vld.idx.msk [tilespmem:v4+s14+$0x0], $0xffff  }
0x3a6: {  	v4 =	vld [tilespmem:$0x1F6E0];
	_ =	sdelay $0x3  }
0x3a7: {  	v3 =	vor.u32 v3, v0  }
0x3a8: {  	v4 =	vor.u32 v4, v1;
	_ =	sdelay $0x3  }
0x3a9: {  	[tilespmem:v3+s17+$0x0] =	vst.idx.msk $0xffff, v2;
	v3 =	vld [tilespmem:$0x1FA00]  }
0x3aa: {  	v2 =	vld.idx.msk [tilespmem:v4+s14+$0x0], $0xffff  }
0x3ab: {  	v4 =	vld [tilespmem:$0x1F6F0];
	_ =	sdelay $0x3  }
0x3ac: {  	v3 =	vor.u32 v3, v0  }
0x3ad: {  	v4 =	vor.u32 v4, v1;
	_ =	sdelay $0x3  }
0x3ae: {  	[tilespmem:v3+s17+$0x0] =	vst.idx.msk $0xffff, v2;
	v3 =	vld [tilespmem:$0x1FA10]  }
0x3af: {  	v2 =	vld.idx.msk [tilespmem:v4+s14+$0x0], $0xffff  }
0x3b0: {  	v4 =	vld [tilespmem:$0x1F700];
	_ =	sdelay $0x3  }
0x3b1: {  	v3 =	vor.u32 v3, v0  }
0x3b2: {  	v4 =	vor.u32 v4, v1;
	_ =	sdelay $0x3  }
0x3b3: {  	[tilespmem:v3+s17+$0x0] =	vst.idx.msk $0xffff, v2;
	v3 =	vld [tilespmem:$0x1FA30]  }
0x3b4: {  	v2 =	vld.idx.msk [tilespmem:v4+s14+$0x0], $0xffff  }
0x3b5: {  	v4 =	vld [tilespmem:$0x1F710];
	_ =	sdelay $0x3  }
0x3b6: {  	v3 =	vor.u32 v3, v0  }
0x3b7: {  	v4 =	vor.u32 v4, v1;
	_ =	sdelay $0x3  }
0x3b8: {  	[tilespmem:v3+s17+$0x0] =	vst.idx.msk $0xffff, v2;
	v3 =	vld [tilespmem:$0x1FA50]  }
0x3b9: {  	v2 =	vld.idx.msk [tilespmem:v4+s14+$0x0], $0xffff  }
0x3ba: {  	v4 =	vld [tilespmem:$0x1F720];
	_ =	sdelay $0x3  }
0x3bb: {  	v3 =	vor.u32 v3, v0  }
0x3bc: {  	v4 =	vor.u32 v4, v1;
	_ =	sdelay $0x3  }
0x3bd: {  	[tilespmem:v3+s17+$0x0] =	vst.idx.msk $0xffff, v2;
	v3 =	vld [tilespmem:$0x1FA60]  }
0x3be: {  	v2 =	vld.idx.msk [tilespmem:v4+s14+$0x0], $0xffff  }
0x3bf: {  	v4 =	vld [tilespmem:$0x1F730];
	_ =	sdelay $0x3  }
0x3c0: {  	v3 =	vor.u32 v3, v0  }
0x3c1: {  	v4 =	vor.u32 v4, v1;
	_ =	sdelay $0x3  }
0x3c2: {  	[tilespmem:v3+s17+$0x0] =	vst.idx.msk $0xffff, v2  }
0x3c3: {  	v2 =	vld.idx.msk [tilespmem:v4+s14+$0x0], $0xffff  }
0x3c4: {  	v4 =	vld [tilespmem:$0x1F740];
	_ =	sdelay $0x3  }
0x3c5: {  	v3 =	vor.u32 v37, v0  }
0x3c6: {  	v4 =	vor.u32 v4, v1;
	_ =	sdelay $0x3  }
0x3c7: {  	[tilespmem:v3+s17+$0x0] =	vst.idx.msk $0xffff, v2  }
0x3c8: {  	v3 =	vor.u32 v35, v0;
	v2 =	vld.idx.msk [tilespmem:v4+s14+$0x0], $0xffff  }
0x3c9: {  	v4 =	vor.u32 v30, v1;
	_ =	sdelay $0x3  }
0x3ca: {  	[tilespmem:v3+s17+$0x0] =	vst.idx.msk $0xffff, v2  }
0x3cb: {  	v3 =	vor.u32 v28, v0;
	v2 =	vld.idx.msk [tilespmem:v4+s14+$0x0], $0xffff  }
0x3cc: {  	v4 =	vor.u32 v63, v1;
	_ =	sdelay $0x3  }
0x3cd: {  	[tilespmem:v3+s17+$0x0] =	vst.idx.msk $0xffff, v2  }
0x3ce: {  	v3 =	vor.u32 v46, v0;
	v2 =	vld.idx.msk [tilespmem:v4+s14+$0x0], $0xffff  }
0x3cf: {  	v4 =	vor.u32 v36, v1;
	_ =	sdelay $0x3  }
0x3d0: {  	[tilespmem:v3+s17+$0x0] =	vst.idx.msk $0xffff, v2  }
0x3d1: {  	v3 =	vor.u32 v34, v0;
	v2 =	vld.idx.msk [tilespmem:v4+s14+$0x0], $0xffff  }
0x3d2: {  	v4 =	vor.u32 v41, v1;
	_ =	sdelay $0x3  }
0x3d3: {  	[tilespmem:v3+s17+$0x0] =	vst.idx.msk $0xffff, v2  }
0x3d4: {  	v3 =	vor.u32 v39, v0;
	v2 =	vld.idx.msk [tilespmem:v4+s14+$0x0], $0xffff  }
0x3d5: {  	v4 =	vor.u32 v62, v1;
	_ =	sdelay $0x3  }
0x3d6: {  	[tilespmem:v3+s17+$0x0] =	vst.idx.msk $0xffff, v2  }
0x3d7: {  	v3 =	vor.u32 v44, v0;
	v2 =	vld.idx.msk [tilespmem:v4+s14+$0x0], $0xffff  }
0x3d8: {  	v4 =	vor.u32 v54, v1;
	_ =	sdelay $0x3  }
0x3d9: {  	[tilespmem:v3+s17+$0x0] =	vst.idx.msk $0xffff, v2  }
0x3da: {  	v3 =	vor.u32 v29, v0;
	v2 =	vld.idx.msk [tilespmem:v4+s14+$0x0], $0xffff  }
0x3db: {  	v4 =	vor.u32 v60, v1;
	_ =	sdelay $0x3  }
0x3dc: {  	[tilespmem:v3+s17+$0x0] =	vst.idx.msk $0xffff, v2  }
0x3dd: {  	v3 =	vor.u32 v58, v0;
	v2 =	vld.idx.msk [tilespmem:v4+s14+$0x0], $0xffff  }
0x3de: {  	v4 =	vor.u32 v32, v1;
	_ =	sdelay $0x3  }
0x3df: {  	[tilespmem:v3+s17+$0x0] =	vst.idx.msk $0xffff, v2  }
0x3e0: {  	v3 =	vor.u32 v42, v0;
	v2 =	vld.idx.msk [tilespmem:v4+s14+$0x0], $0xffff  }
0x3e1: {  	v4 =	vor.u32 v33, v1;
	_ =	sdelay $0x3  }
0x3e2: {  	[tilespmem:v3+s17+$0x0] =	vst.idx.msk $0xffff, v2  }
0x3e3: {  	v3 =	vor.u32 v49, v0;
	v2 =	vld.idx.msk [tilespmem:v4+s14+$0x0], $0xffff  }
0x3e4: {  	v4 =	vor.u32 v47, v1;
	_ =	sdelay $0x3  }
0x3e5: {  	[tilespmem:v3+s17+$0x0] =	vst.idx.msk $0xffff, v2  }
0x3e6: {  	v3 =	vor.u32 v50, v0;
	v2 =	vld.idx.msk [tilespmem:v4+s14+$0x0], $0xffff  }
0x3e7: {  	v4 =	vor.u32 v57, v1;
	_ =	sdelay $0x3  }
0x3e8: {  	[tilespmem:v3+s17+$0x0] =	vst.idx.msk $0xffff, v2  }
0x3e9: {  	v3 =	vor.u32 v38, v0;
	v2 =	vld.idx.msk [tilespmem:v4+s14+$0x0], $0xffff  }
0x3ea: {  	v4 =	vor.u32 v61, v1;
	_ =	sdelay $0x3  }
0x3eb: {  	[tilespmem:v3+s17+$0x0] =	vst.idx.msk $0xffff, v2  }
0x3ec: {  	v3 =	vor.u32 v40, v0;
	v2 =	vld.idx.msk [tilespmem:v4+s14+$0x0], $0xffff  }
0x3ed: {  	v4 =	vor.u32 v59, v1;
	_ =	sdelay $0x3  }
0x3ee: {  	[tilespmem:v3+s17+$0x0] =	vst.idx.msk $0xffff, v2  }
0x3ef: {  	v3 =	vor.u32 v31, v0;
	v2 =	vld.idx.msk [tilespmem:v4+s14+$0x0], $0xffff  }
0x3f0: {  	v4 =	vor.u32 v52, v1;
	_ =	sdelay $0x3  }
0x3f1: {  	[tilespmem:v3+s17+$0x0] =	vst.idx.msk $0xffff, v2  }
0x3f2: {  	v3 =	vor.u32 v24, v0;
	v2 =	vld.idx.msk [tilespmem:v4+s14+$0x0], $0xffff  }
0x3f3: {  	v4 =	vor.u32 v43, v1;
	_ =	sdelay $0x3  }
0x3f4: {  	[tilespmem:v3+s17+$0x0] =	vst.idx.msk $0xffff, v2  }
0x3f5: {  	v3 =	vor.u32 v25, v0;
	v2 =	vld.idx.msk [tilespmem:v4+s14+$0x0], $0xffff  }
0x3f6: {  	p1 =	sne.s32 s28, $0x70;
	v1 =	vor.u32 v45, v1  }
.Ltmp2:
0x3f7: {  	_ = 	snop;
	(pc) =	sbr.rel @p1 .LBB2_3-.Ltmp2, $3  }
0x3f8: {  	_ =	sdelay $0x1  }
0x3f9: {  	v4 =	vlaneseq.u32;
	[tilespmem:v3+s17+$0x0] =	vst.idx.msk $0xffff, v2  }
0x3fa: {  	v2 =	vor.u32 s28, v4;
	s28 =	sadd.s32 $0x10, s28;
	v3 =	vld.idx.msk [tilespmem:v1+s14+$0x0], $0xffff  }
0x3fb: {  	v1 =	vshll.u32 v2, $0x6;
	v0 =	vor.u32 v26, v0;
	v4 =	vlaneseq.u32  }
0x3fc: {  	v4 =	vor.u32 v4, v1;
	_ =	sdelay $0x3  }
0x3fd: {  	[tilespmem:v0+s17+$0x0] =	vst.idx.msk $0xffff, v3;
	v0 =	vand.u32 $0x78, v2  }
0x3fe: {  	v2 =	vld.idx.msk [tilespmem:v4+s14+$0x0], $0xffff;
	v3 =	vor.u32 v5, v0  }
0x3ff: {  	v4 =	vor.u32 v6, v1;
	_ =	sdelay $0x3  }
0x400: {  	[tilespmem:v3+s17+$0x0] =	vst.idx.msk $0xffff, v2  }
0x401: {  	v3 =	vor.u32 v7, v0;
	v2 =	vld.idx.msk [tilespmem:v4+s14+$0x0], $0xffff  }
0x402: {  	v4 =	vor.u32 v8, v1;
	_ =	sdelay $0x3  }
0x403: {  	[tilespmem:v3+s17+$0x0] =	vst.idx.msk $0xffff, v2  }
0x404: {  	v3 =	vor.u32 v9, v0;
	v2 =	vld.idx.msk [tilespmem:v4+s14+$0x0], $0xffff  }
0x405: {  	v4 =	vor.u32 v10, v1;
	_ =	sdelay $0x3  }
0x406: {  	[tilespmem:v3+s17+$0x0] =	vst.idx.msk $0xffff, v2  }
0x407: {  	v3 =	vor.u32 v11, v0;
	v2 =	vld.idx.msk [tilespmem:v4+s14+$0x0], $0xffff  }
0x408: {  	v4 =	vor.u32 v12, v1;
	_ =	sdelay $0x3  }
0x409: {  	[tilespmem:v3+s17+$0x0] =	vst.idx.msk $0xffff, v2  }
0x40a: {  	v3 =	vor.u32 v13, v0;
	v2 =	vld.idx.msk [tilespmem:v4+s14+$0x0], $0xffff  }
0x40b: {  	v4 =	vor.u32 v14, v1;
	_ =	sdelay $0x3  }
0x40c: {  	[tilespmem:v3+s17+$0x0] =	vst.idx.msk $0xffff, v2  }
0x40d: {  	v3 =	vor.u32 v15, v0;
	v2 =	vld.idx.msk [tilespmem:v4+s14+$0x0], $0xffff  }
0x40e: {  	v4 =	vor.u32 v16, v1;
	_ =	sdelay $0x3  }
0x40f: {  	[tilespmem:v3+s17+$0x0] =	vst.idx.msk $0xffff, v2  }
0x410: {  	v3 =	vor.u32 v17, v0;
	v2 =	vld.idx.msk [tilespmem:v4+s14+$0x0], $0xffff  }
0x411: {  	v4 =	vor.u32 v18, v1  }
0x412: {  	v7 =	vld [tilespmem:$0x1F7B0];
	_ =	sdelay $0x2  }
0x413: {  	[tilespmem:v3+s17+$0x0] =	vst.idx.msk $0xffff, v2  }
0x414: {  	v3 =	vor.u32 v19, v0;
	v2 =	vld.idx.msk [tilespmem:v4+s14+$0x0], $0xffff  }
0x415: {  	v4 =	vor.u32 v7, v1  }
0x416: {  	v8 =	vld [tilespmem:$0x1F7C0];
	_ =	sdelay $0x2  }
0x417: {  	[tilespmem:v3+s17+$0x0] =	vst.idx.msk $0xffff, v2  }
0x418: {  	v3 =	vor.u32 v20, v0;
	v2 =	vld.idx.msk [tilespmem:v4+s14+$0x0], $0xffff  }
0x419: {  	v4 =	vor.u32 v8, v1  }
0x41a: {  	v10 =	vld [tilespmem:$0x1F7D0];
	_ =	sdelay $0x2  }
0x41b: {  	[tilespmem:v3+s17+$0x0] =	vst.idx.msk $0xffff, v2  }
0x41c: {  	v3 =	vor.u32 v21, v0;
	v2 =	vld.idx.msk [tilespmem:v4+s14+$0x0], $0xffff  }
0x41d: {  	v4 =	vor.u32 v10, v1  }
0x41e: {  	v12 =	vld [tilespmem:$0x1FA20];
	_ =	sdelay $0x2  }
0x41f: {  	[tilespmem:v3+s17+$0x0] =	vst.idx.msk $0xffff, v2  }
0x420: {  	v3 =	vor.u32 v22, v0;
	v2 =	vld.idx.msk [tilespmem:v4+s14+$0x0], $0xffff  }
0x421: {  	v4 =	vor.u32 v12, v1;
	_ =	sdelay $0x1  }
0x422: {  	v13 =	vld [tilespmem:$0x1FA40];
	_ =	sdelay $0x1  }
0x423: {  	[tilespmem:v3+s17+$0x0] =	vst.idx.msk $0xffff, v2  }
0x424: {  	v3 =	vor.u32 v23, v0;
	v2 =	vld.idx.msk [tilespmem:v4+s14+$0x0], $0xffff;
	_ =	sdelay $0x1  }
0x425: {  	v4 =	vor.u32 v13, v1;
	_ =	sdelay $0x2  }
0x426: {  	[tilespmem:v3+s17+$0x0] =	vst.idx.msk $0xffff, v2;
	v3 =	vld [tilespmem:$0x1F7E0];
	_ =	sdelay $0x1  }
0x427: {  	v2 =	vld.idx.msk [tilespmem:v4+s14+$0x0], $0xffff  }
0x428: {  	v4 =	vld [tilespmem:$0x1F7F0];
	_ =	sdelay $0x1  }
0x429: {  	v3 =	vor.u32 v3, v0;
	_ =	sdelay $0x2  }
0x42a: {  	v4 =	vor.u32 v4, v1;
	_ =	sdelay $0x1  }
0x42b: {  	[tilespmem:v3+s17+$0x0] =	vst.idx.msk $0xffff, v2;
	v3 =	vld [tilespmem:$0x1F800];
	_ =	sdelay $0x2  }
0x42c: {  	v2 =	vld.idx.msk [tilespmem:v4+s14+$0x0], $0xffff  }
0x42d: {  	v4 =	vld [tilespmem:$0x1F810]  }
0x42e: {  	v3 =	vor.u32 v3, v0;
	_ =	sdelay $0x3  }
0x42f: {  	v4 =	vor.u32 v4, v1  }
0x430: {  	[tilespmem:v3+s17+$0x0] =	vst.idx.msk $0xffff, v2;
	v3 =	vld [tilespmem:$0x1F820];
	_ =	sdelay $0x3  }
0x431: {  	v2 =	vld.idx.msk [tilespmem:v4+s14+$0x0], $0xffff  }
0x432: {  	v4 =	vld [tilespmem:$0x1F830];
	v3 =	vor.u32 v3, v0;
	_ =	sdelay $0x4  }
0x433: {  	v4 =	vor.u32 v4, v1;
	[tilespmem:v3+s17+$0x0] =	vst.idx.msk $0xffff, v2;
	v3 =	vld [tilespmem:$0x1F840];
	_ =	sdelay $0x3  }
0x434: {  	v16 =	vld [tilespmem:$0x1FFF0]  }
0x435: {  	v2 =	vld.idx.msk [tilespmem:v4+s14+$0x0], $0xffff;
	v3 =	vor.u32 v3, v0;
	_ =	sdelay $0x4  }
0x436: {  	v4 =	vor.u32 v16, v1;
	[tilespmem:v3+s17+$0x0] =	vst.idx.msk $0xffff, v2;
	v3 =	vld [tilespmem:$0x1F850];
	_ =	sdelay $0x4  }
0x437: {  	v2 =	vld.idx.msk [tilespmem:v4+s14+$0x0], $0xffff;
	v3 =	vor.u32 v3, v0  }
0x438: {  	v4 =	vor.u32 v27, v1;
	v27 =	vld [tilespmem:$0x1F860];
	_ =	sdelay $0x3  }
0x439: {  	[tilespmem:v3+s17+$0x0] =	vst.idx.msk $0xffff, v2  }
0x43a: {  	v3 =	vor.u32 v27, v0;
	v2 =	vld.idx.msk [tilespmem:v4+s14+$0x0], $0xffff  }
0x43b: {  	v27 =	vld [tilespmem:$0x1F870];
	v4 =	vor.u32 v48, v1  }
0x43c: {  	v20 =	vld [tilespmem:$0x1F580];
	_ =	sdelay $0x2  }
0x43d: {  	[tilespmem:v3+s17+$0x0] =	vst.idx.msk $0xffff, v2  }
0x43e: {  	v3 =	vor.u32 v27, v0;
	v2 =	vld.idx.msk [tilespmem:v4+s14+$0x0], $0xffff  }
0x43f: {  	v19 =	vmov v48;
	v48 =	vld [tilespmem:$0x1F8C0];
	v4 =	vor.u32 v20, v1  }
0x440: {  	v23 =	vld [tilespmem:$0x1F590];
	_ =	sdelay $0x2  }
0x441: {  	[tilespmem:v3+s17+$0x0] =	vst.idx.msk $0xffff, v2  }
0x442: {  	v3 =	vor.u32 v48, v0;
	v2 =	vld.idx.msk [tilespmem:v4+s14+$0x0], $0xffff  }
0x443: {  	v4 =	vor.u32 v23, v1;
	_ =	sdelay $0x3  }
0x444: {  	[tilespmem:v3+s17+$0x0] =	vst.idx.msk $0xffff, v2  }
0x445: {  	v2 =	vld.idx.msk [tilespmem:v4+s14+$0x0], $0xffff  }
0x446: {  	v4 =	vld [tilespmem:$0x1F5A0];
	_ =	sdelay $0x3  }
0x447: {  	v27 =	vor.u32 v51, v0  }
0x448: {  	v4 =	vor.u32 v4, v1;
	_ =	sdelay $0x3  }
0x449: {  	[tilespmem:v27+s17+$0x0] =	vst.idx.msk $0xffff, v2  }
0x44a: {  	v2 =	vld.idx.msk [tilespmem:v4+s14+$0x0], $0xffff  }
0x44b: {  	v4 =	vld [tilespmem:$0x1F5B0];
	_ =	sdelay $0x3  }
0x44c: {  	v48 =	vor.u32 v53, v0  }
0x44d: {  	v4 =	vor.u32 v4, v1;
	_ =	sdelay $0x3  }
0x44e: {  	v51 =	vld [tilespmem:$0x1FEC0];
	[tilespmem:v48+s17+$0x0] =	vst.idx.msk $0xffff, v2  }
0x44f: {  	v2 =	vld.idx.msk [tilespmem:v4+s14+$0x0], $0xffff  }
0x450: {  	v4 =	vld [tilespmem:$0x1F5C0];
	_ =	sdelay $0x3  }
0x451: {  	v3 =	vor.u32 v51, v0  }
0x452: {  	v4 =	vor.u32 v4, v1;
	_ =	sdelay $0x3  }
0x453: {  	v53 =	vld [tilespmem:$0x1F910];
	[tilespmem:v3+s17+$0x0] =	vst.idx.msk $0xffff, v2  }
0x454: {  	v2 =	vld.idx.msk [tilespmem:v4+s14+$0x0], $0xffff  }
0x455: {  	v4 =	vld [tilespmem:$0x1F5D0];
	_ =	sdelay $0x3  }
0x456: {  	v3 =	vor.u32 v53, v0  }
0x457: {  	v4 =	vor.u32 v4, v1;
	_ =	sdelay $0x3  }
0x458: {  	v27 =	vld [tilespmem:$0x1FED0];
	[tilespmem:v3+s17+$0x0] =	vst.idx.msk $0xffff, v2  }
0x459: {  	v2 =	vld.idx.msk [tilespmem:v4+s14+$0x0], $0xffff  }
0x45a: {  	v4 =	vld [tilespmem:$0x1F5E0];
	_ =	sdelay $0x3  }
0x45b: {  	v3 =	vor.u32 v27, v0  }
0x45c: {  	v4 =	vor.u32 v4, v1;
	_ =	sdelay $0x3  }
0x45d: {  	v48 =	vld [tilespmem:$0x1F920];
	[tilespmem:v3+s17+$0x0] =	vst.idx.msk $0xffff, v2  }
0x45e: {  	v2 =	vld.idx.msk [tilespmem:v4+s14+$0x0], $0xffff  }
0x45f: {  	v4 =	vld [tilespmem:$0x1F5F0];
	_ =	sdelay $0x3  }
0x460: {  	v3 =	vor.u32 v48, v0  }
0x461: {  	v4 =	vor.u32 v4, v1;
	_ =	sdelay $0x3  }
0x462: {  	v51 =	vld [tilespmem:$0x1FEE0];
	[tilespmem:v3+s17+$0x0] =	vst.idx.msk $0xffff, v2  }
0x463: {  	v2 =	vld.idx.msk [tilespmem:v4+s14+$0x0], $0xffff  }
0x464: {  	v4 =	vld [tilespmem:$0x1F600];
	_ =	sdelay $0x3  }
0x465: {  	v3 =	vor.u32 v51, v0  }
0x466: {  	v4 =	vor.u32 v4, v1;
	_ =	sdelay $0x3  }
0x467: {  	v22 =	vld [tilespmem:$0x1F970];
	[tilespmem:v3+s17+$0x0] =	vst.idx.msk $0xffff, v2  }
0x468: {  	v2 =	vld.idx.msk [tilespmem:v4+s14+$0x0], $0xffff  }
0x469: {  	v4 =	vld [tilespmem:$0x1F610];
	_ =	sdelay $0x3  }
0x46a: {  	v53 =	vor.u32 v22, v0  }
0x46b: {  	v4 =	vor.u32 v4, v1;
	_ =	sdelay $0x3  }
0x46c: {  	[tilespmem:v53+s17+$0x0] =	vst.idx.msk $0xffff, v2  }
0x46d: {  	v2 =	vld.idx.msk [tilespmem:v4+s14+$0x0], $0xffff  }
0x46e: {  	v4 =	vld [tilespmem:$0x1F620];
	_ =	sdelay $0x3  }
0x46f: {  	v27 =	vor.u32 v55, v0  }
0x470: {  	v4 =	vor.u32 v4, v1;
	_ =	sdelay $0x3  }
0x471: {  	[tilespmem:v27+s17+$0x0] =	vst.idx.msk $0xffff, v2  }
0x472: {  	v2 =	vld.idx.msk [tilespmem:v4+s14+$0x0], $0xffff  }
0x473: {  	v4 =	vld [tilespmem:$0x1F630];
	_ =	sdelay $0x3  }
0x474: {  	v48 =	vor.u32 v56, v0  }
0x475: {  	v4 =	vor.u32 v4, v1;
	_ =	sdelay $0x3  }
0x476: {  	v51 =	vld [tilespmem:$0x1F980];
	[tilespmem:v48+s17+$0x0] =	vst.idx.msk $0xffff, v2  }
0x477: {  	v2 =	vld.idx.msk [tilespmem:v4+s14+$0x0], $0xffff  }
0x478: {  	v4 =	vld [tilespmem:$0x1F640];
	_ =	sdelay $0x3  }
0x479: {  	v3 =	vor.u32 v51, v0  }
0x47a: {  	v4 =	vor.u32 v4, v1;
	_ =	sdelay $0x3  }
0x47b: {  	v53 =	vld [tilespmem:$0x1FEF0];
	[tilespmem:v3+s17+$0x0] =	vst.idx.msk $0xffff, v2  }
0x47c: {  	v2 =	vld.idx.msk [tilespmem:v4+s14+$0x0], $0xffff  }
0x47d: {  	v4 =	vld [tilespmem:$0x1F650];
	_ =	sdelay $0x3  }
0x47e: {  	v3 =	vor.u32 v53, v0  }
0x47f: {  	v4 =	vor.u32 v4, v1;
	_ =	sdelay $0x3  }
0x480: {  	v18 =	vld [tilespmem:$0x1FF00];
	[tilespmem:v3+s17+$0x0] =	vst.idx.msk $0xffff, v2  }
0x481: {  	v2 =	vld.idx.msk [tilespmem:v4+s14+$0x0], $0xffff  }
0x482: {  	v4 =	vld [tilespmem:$0x1F660];
	_ =	sdelay $0x3  }
0x483: {  	v55 =	vor.u32 v18, v0  }
0x484: {  	v56 =	vld [tilespmem:$0x1FF10];
	v4 =	vor.u32 v4, v1  }
0x485: {  	v51 =	vld [tilespmem:$0x1F670];
	_ =	sdelay $0x2  }
0x486: {  	[tilespmem:v55+s17+$0x0] =	vst.idx.msk $0xffff, v2  }
0x487: {  	v3 =	vor.u32 v56, v0;
	v2 =	vld.idx.msk [tilespmem:v4+s14+$0x0], $0xffff  }
0x488: {  	v4 =	vor.u32 v51, v1;
	_ =	sdelay $0x3  }
0x489: {  	v27 =	vld [tilespmem:$0x1FF20];
	[tilespmem:v3+s17+$0x0] =	vst.idx.msk $0xffff, v2  }
0x48a: {  	v2 =	vld.idx.msk [tilespmem:v4+s14+$0x0], $0xffff  }
0x48b: {  	v4 =	vld [tilespmem:$0x1F680];
	_ =	sdelay $0x3  }
0x48c: {  	v53 =	vor.u32 v27, v0  }
0x48d: {  	v55 =	vld [tilespmem:$0x1FF30];
	v4 =	vor.u32 v4, v1  }
0x48e: {  	v21 =	vld [tilespmem:$0x1F690];
	_ =	sdelay $0x2  }
0x48f: {  	[tilespmem:v53+s17+$0x0] =	vst.idx.msk $0xffff, v2  }
0x490: {  	v3 =	vor.u32 v55, v0;
	v2 =	vld.idx.msk [tilespmem:v4+s14+$0x0], $0xffff  }
0x491: {  	v4 =	vor.u32 v21, v1;
	_ =	sdelay $0x3  }
0x492: {  	v15 =	vld [tilespmem:$0x1FF40];
	[tilespmem:v3+s17+$0x0] =	vst.idx.msk $0xffff, v2  }
0x493: {  	v2 =	vld.idx.msk [tilespmem:v4+s14+$0x0], $0xffff  }
0x494: {  	v4 =	vld [tilespmem:$0x1F6A0];
	_ =	sdelay $0x3  }
0x495: {  	v56 =	vor.u32 v15, v0  }
0x496: {  	v4 =	vor.u32 v4, v1;
	_ =	sdelay $0x3  }
0x497: {  	v27 =	vld [tilespmem:$0x1FF50];
	[tilespmem:v56+s17+$0x0] =	vst.idx.msk $0xffff, v2  }
0x498: {  	v2 =	vld.idx.msk [tilespmem:v4+s14+$0x0], $0xffff  }
0x499: {  	v4 =	vld [tilespmem:$0x1F6B0];
	_ =	sdelay $0x3  }
0x49a: {  	v3 =	vor.u32 v27, v0  }
0x49b: {  	v4 =	vor.u32 v4, v1;
	_ =	sdelay $0x3  }
0x49c: {  	v11 =	vld [tilespmem:$0x1F9E0];
	[tilespmem:v3+s17+$0x0] =	vst.idx.msk $0xffff, v2  }
0x49d: {  	v2 =	vld.idx.msk [tilespmem:v4+s14+$0x0], $0xffff  }
0x49e: {  	v4 =	vld [tilespmem:$0x1F6C0];
	_ =	sdelay $0x3  }
0x49f: {  	v48 =	vor.u32 v11, v0  }
0x4a0: {  	v4 =	vor.u32 v4, v1;
	_ =	sdelay $0x3  }
0x4a1: {  	v53 =	vld [tilespmem:$0x1FF60];
	[tilespmem:v48+s17+$0x0] =	vst.idx.msk $0xffff, v2  }
0x4a2: {  	v2 =	vld.idx.msk [tilespmem:v4+s14+$0x0], $0xffff  }
0x4a3: {  	v4 =	vld [tilespmem:$0x1F6D0];
	_ =	sdelay $0x3  }
0x4a4: {  	v3 =	vor.u32 v53, v0  }
0x4a5: {  	v4 =	vor.u32 v4, v1;
	_ =	sdelay $0x3  }
0x4a6: {  	v9 =	vld [tilespmem:$0x1F9F0];
	[tilespmem:v3+s17+$0x0] =	vst.idx.msk $0xffff, v2  }
0x4a7: {  	v2 =	vld.idx.msk [tilespmem:v4+s14+$0x0], $0xffff  }
0x4a8: {  	v4 =	vld [tilespmem:$0x1F6E0];
	_ =	sdelay $0x3  }
0x4a9: {  	v55 =	vor.u32 v9, v0  }
0x4aa: {  	v4 =	vor.u32 v4, v1;
	_ =	sdelay $0x3  }
0x4ab: {  	v56 =	vld [tilespmem:$0x1FA00];
	[tilespmem:v55+s17+$0x0] =	vst.idx.msk $0xffff, v2  }
0x4ac: {  	v2 =	vld.idx.msk [tilespmem:v4+s14+$0x0], $0xffff  }
0x4ad: {  	v4 =	vld [tilespmem:$0x1F6F0];
	_ =	sdelay $0x3  }
0x4ae: {  	v3 =	vor.u32 v56, v0  }
0x4af: {  	v4 =	vor.u32 v4, v1;
	_ =	sdelay $0x3  }
0x4b0: {  	v27 =	vld [tilespmem:$0x1FA10];
	[tilespmem:v3+s17+$0x0] =	vst.idx.msk $0xffff, v2  }
0x4b1: {  	v2 =	vld.idx.msk [tilespmem:v4+s14+$0x0], $0xffff  }
0x4b2: {  	v4 =	vld [tilespmem:$0x1F700];
	_ =	sdelay $0x3  }
0x4b3: {  	v3 =	vor.u32 v27, v0  }
0x4b4: {  	v4 =	vor.u32 v4, v1;
	_ =	sdelay $0x3  }
0x4b5: {  	v48 =	vld [tilespmem:$0x1FA30];
	[tilespmem:v3+s17+$0x0] =	vst.idx.msk $0xffff, v2  }
0x4b6: {  	v2 =	vld.idx.msk [tilespmem:v4+s14+$0x0], $0xffff  }
0x4b7: {  	v4 =	vld [tilespmem:$0x1F710];
	_ =	sdelay $0x3  }
0x4b8: {  	v3 =	vor.u32 v48, v0  }
0x4b9: {  	v4 =	vor.u32 v4, v1;
	_ =	sdelay $0x3  }
0x4ba: {  	v53 =	vld [tilespmem:$0x1FA50];
	[tilespmem:v3+s17+$0x0] =	vst.idx.msk $0xffff, v2  }
0x4bb: {  	v2 =	vld.idx.msk [tilespmem:v4+s14+$0x0], $0xffff  }
0x4bc: {  	v4 =	vld [tilespmem:$0x1F720];
	_ =	sdelay $0x3  }
0x4bd: {  	v3 =	vor.u32 v53, v0  }
0x4be: {  	v55 =	vld [tilespmem:$0x1FA60];
	v4 =	vor.u32 v4, v1  }
0x4bf: {  	v17 =	vld [tilespmem:$0x1F730];
	_ =	sdelay $0x2  }
0x4c0: {  	[tilespmem:v3+s17+$0x0] =	vst.idx.msk $0xffff, v2  }
0x4c1: {  	v3 =	vor.u32 v55, v0;
	v2 =	vld.idx.msk [tilespmem:v4+s14+$0x0], $0xffff  }
0x4c2: {  	v4 =	vor.u32 v17, v1  }
0x4c3: {  	v6 =	vld [tilespmem:$0x1F740];
	_ =	sdelay $0x2  }
0x4c4: {  	[tilespmem:v3+s17+$0x0] =	vst.idx.msk $0xffff, v2  }
0x4c5: {  	v56 =	vor.u32 v37, v0;
	v2 =	vld.idx.msk [tilespmem:v4+s14+$0x0], $0xffff  }
0x4c6: {  	v4 =	vor.u32 v6, v1;
	_ =	sdelay $0x3  }
0x4c7: {  	[tilespmem:v56+s17+$0x0] =	vst.idx.msk $0xffff, v2  }
0x4c8: {  	v27 =	vor.u32 v35, v0;
	v2 =	vld.idx.msk [tilespmem:v4+s14+$0x0], $0xffff  }
0x4c9: {  	v4 =	vor.u32 v30, v1;
	_ =	sdelay $0x3  }
0x4ca: {  	[tilespmem:v27+s17+$0x0] =	vst.idx.msk $0xffff, v2  }
0x4cb: {  	v28 =	vor.u32 v28, v0;
	v2 =	vld.idx.msk [tilespmem:v4+s14+$0x0], $0xffff  }
0x4cc: {  	v4 =	vor.u32 v63, v1;
	_ =	sdelay $0x3  }
0x4cd: {  	[tilespmem:v28+s17+$0x0] =	vst.idx.msk $0xffff, v2  }
0x4ce: {  	v35 =	vor.u32 v46, v0;
	v2 =	vld.idx.msk [tilespmem:v4+s14+$0x0], $0xffff  }
0x4cf: {  	v4 =	vor.u32 v36, v1;
	_ =	sdelay $0x3  }
0x4d0: {  	[tilespmem:v35+s17+$0x0] =	vst.idx.msk $0xffff, v2  }
0x4d1: {  	v37 =	vor.u32 v34, v0;
	v2 =	vld.idx.msk [tilespmem:v4+s14+$0x0], $0xffff  }
0x4d2: {  	v4 =	vor.u32 v41, v1;
	_ =	sdelay $0x3  }
0x4d3: {  	[tilespmem:v37+s17+$0x0] =	vst.idx.msk $0xffff, v2  }
0x4d4: {  	v46 =	vor.u32 v39, v0;
	v2 =	vld.idx.msk [tilespmem:v4+s14+$0x0], $0xffff  }
0x4d5: {  	v4 =	vor.u32 v62, v1;
	_ =	sdelay $0x3  }
0x4d6: {  	[tilespmem:v46+s17+$0x0] =	vst.idx.msk $0xffff, v2  }
0x4d7: {  	v48 =	vor.u32 v44, v0;
	v2 =	vld.idx.msk [tilespmem:v4+s14+$0x0], $0xffff  }
0x4d8: {  	v4 =	vor.u32 v54, v1;
	_ =	sdelay $0x3  }
0x4d9: {  	[tilespmem:v48+s17+$0x0] =	vst.idx.msk $0xffff, v2  }
0x4da: {  	v53 =	vor.u32 v29, v0;
	v2 =	vld.idx.msk [tilespmem:v4+s14+$0x0], $0xffff  }
0x4db: {  	v4 =	vor.u32 v60, v1;
	_ =	sdelay $0x3  }
0x4dc: {  	[tilespmem:v53+s17+$0x0] =	vst.idx.msk $0xffff, v2  }
0x4dd: {  	v55 =	vmov v54;
	v54 =	vor.u32 v58, v0;
	v2 =	vld.idx.msk [tilespmem:v4+s14+$0x0], $0xffff  }
0x4de: {  	v4 =	vor.u32 v32, v1;
	_ =	sdelay $0x3  }
0x4df: {  	[tilespmem:v54+s17+$0x0] =	vst.idx.msk $0xffff, v2  }
0x4e0: {  	v56 =	vor.u32 v42, v0;
	v2 =	vld.idx.msk [tilespmem:v4+s14+$0x0], $0xffff  }
0x4e1: {  	v4 =	vor.u32 v33, v1;
	_ =	sdelay $0x3  }
0x4e2: {  	[tilespmem:v56+s17+$0x0] =	vst.idx.msk $0xffff, v2  }
0x4e3: {  	v58 =	vor.u32 v49, v0;
	v2 =	vld.idx.msk [tilespmem:v4+s14+$0x0], $0xffff  }
0x4e4: {  	v4 =	vor.u32 v47, v1;
	_ =	sdelay $0x3  }
0x4e5: {  	[tilespmem:v58+s17+$0x0] =	vst.idx.msk $0xffff, v2  }
0x4e6: {  	v27 =	vor.u32 v50, v0;
	v2 =	vld.idx.msk [tilespmem:v4+s14+$0x0], $0xffff  }
0x4e7: {  	v4 =	vor.u32 v57, v1;
	_ =	sdelay $0x3  }
0x4e8: {  	[tilespmem:v27+s17+$0x0] =	vst.idx.msk $0xffff, v2  }
0x4e9: {  	v28 =	vor.u32 v38, v0;
	v2 =	vld.idx.msk [tilespmem:v4+s14+$0x0], $0xffff  }
0x4ea: {  	v4 =	vor.u32 v61, v1;
	_ =	sdelay $0x3  }
0x4eb: {  	[tilespmem:v28+s17+$0x0] =	vst.idx.msk $0xffff, v2  }
0x4ec: {  	v29 =	vor.u32 v40, v0;
	v2 =	vld.idx.msk [tilespmem:v4+s14+$0x0], $0xffff  }
0x4ed: {  	v4 =	vor.u32 v59, v1;
	_ =	sdelay $0x3  }
0x4ee: {  	[tilespmem:v29+s17+$0x0] =	vst.idx.msk $0xffff, v2  }
0x4ef: {  	v34 =	vor.u32 v31, v0;
	v2 =	vld.idx.msk [tilespmem:v4+s14+$0x0], $0xffff  }
0x4f0: {  	v4 =	vor.u32 v52, v1;
	_ =	sdelay $0x3  }
0x4f1: {  	[tilespmem:v34+s17+$0x0] =	vst.idx.msk $0xffff, v2  }
0x4f2: {  	[tilespmem:$0x1F480] =	vst v45;
	v42 =	vor.u32 v24, v0;
	v2 =	vld.idx.msk [tilespmem:v4+s14+$0x0], $0xffff  }
0x4f3: {  	[tilespmem:$0x1F490] =	vst v43;
	v4 =	vor.u32 v43, v1  }
0x4f4: {  	[tilespmem:$0x1F4B0] =	vst v59  }
0x4f5: {  	[tilespmem:$0x1F4C0] =	vst v61  }
0x4f6: {  	[tilespmem:$0x1F4D0] =	vst v57  }
0x4f7: {  	[tilespmem:v42+s17+$0x0] =	vst.idx.msk $0xffff, v2  }
0x4f8: {  	[tilespmem:$0x1F4E0] =	vst v47;
	v44 =	vor.u32 v25, v0;
	v2 =	vld.idx.msk [tilespmem:v4+s14+$0x0], $0xffff  }
0x4f9: {  	[tilespmem:$0x1F4F0] =	vst v33;
	v1 =	vor.u32 v45, v1  }
0x4fa: {  	[tilespmem:$0x1F500] =	vst v32  }
0x4fb: {  	[tilespmem:$0x1F510] =	vst v60  }
0x4fc: {  	[tilespmem:$0x1F530] =	vst v62  }
0x4fd: {  	[tilespmem:v44+s17+$0x0] =	vst.idx.msk $0xffff, v2  }
0x4fe: {  	[tilespmem:$0x1F540] =	vst v41;
	v0 =	vor.u32 v26, v0;
	v1 =	vld.idx.msk [tilespmem:v1+s14+$0x0], $0xffff  }
0x4ff: {  	[tilespmem:$0x1F550] =	vst v36  }
0x500: {  	[tilespmem:$0x1F560] =	vst v63;
	v14 =	vld [tilespmem:$0x1F5F0]  }
0x501: {  	s28 =	sshll.u32 s25, $0x11;
	p1 =	sne.s32 s25, $0x63;
	[tilespmem:$0x1F570] =	vst v30;
	v18 =	vmov v16;
	v16 =	vld [tilespmem:$0x1F650]  }
.Ltmp3:
0x502: {  	s28 =	sor.u32 s7, s28;
	v15 =	vld [tilespmem:$0x1F5B0];
	[tilespmem:$0x1F520] =	vst v55;
	(pc) =	sbr.rel @p1 .LBB2_6-.Ltmp3, $4  }
0x503: {  	s29 =	sadd.s32 s1, s28;
	v9 =	vld [tilespmem:$0x1F5E0];
	v46 =	vmov v22;
	[tilespmem:v0+s17+$0x0] =	vst.idx.msk $0xffff, v1  }
0x504: {  	v35 =	vmov v52;
	v22 =	vld [tilespmem:$0x1F5C0];
	v62 =	vmov v46;
	[hbm4b:s29+s18] =	stream.strided.scatter [tilespmem:s17], [sflag:$0x3], $0x2000, s19, s18, $0x38  }
0x505: {  	s31 =	sadd.s32 s28, s6;
	[tilespmem:$0x1F4A0] =	vst v35;
	v48 =	vmovc v23;
	v53 =	vmovc v8;
	v54 =	vmov v20;
	v56 =	vld [tilespmem:$0x1F5A0];
	v58 =	vmov v10;
	v52 =	vmov v19  }
0x506: {  	v19 =	vmovc v51;
	v42 =	vld [tilespmem:$0x1F5D0];
	v44 =	vmovc v7;
	v7 =	vmov v12;
	v12 =	vmov v13;
	v13 =	vmov v21;
	[hbm4b:s31+s18] =	stream.strided.scatter [tilespmem:s17], [sflag:$0x3], $0x2000, s19, s18, $0x38  }
.Ltmp4:
0x507: {  	(pc) =	sbr.rel .LBB2_7-.Ltmp4, $4  }
0x508: {  	_ = 	snop  }
0x509: {  	_ =	swait.ge [sflag:s20], $0x2000  }
0x50a: {  	[sflag:s20] =	ssyncset.done $0x0  }
0x50b: {  	[sflag:s20] =	ssyncadd.s32 $0xFFFFE000  }
.LBB2_6:
0x50c: {  	s29 =	sshrl.u32 s26, $0x2  }
.Ltmp5:
0x50d: {  	s29 =	sadd.s32 $0x100, s29;
	(pc) =	sbr.rel @p0 .LBB2_8-.Ltmp5, $4  }
0x50e: {  	[tilespmem:s14], [sflag:$0x1] =	stream.indirect.gather [hbm4b:s4+s11], $0x40, s29, s11, $0xb8;
	[tilespmem:$0xE400] =	vst v63  }
0x50f: {  	_ =	swait.ge [sflag:s20], $0x2000  }
0x510: {  	[sflag:s20] =	ssyncset.done $0x0  }
0x511: {  	[sflag:s20] =	ssyncadd.s32 $0xFFFFE000  }
.LBB2_7:
0x512: {  	_ =	swait.ge [sflag:s21], $0x2000  }
0x513: {  	[sflag:s21] =	ssyncset.done $0x0  }
0x514: {  	[sflag:s21] =	ssyncadd.s32 $0xFFFFE000  }
0x515: {  	_ =	swait.ge [sflag:s21], $0x2000  }
0x516: {  	[sflag:s21] =	ssyncset.done $0x0  }
0x517: {  	[sflag:s21] =	ssyncadd.s32 $0xFFFFE000  }
.LBB2_8:
0x518: {  	s29 =	simm.s32 $0x0;
	v2 =	vlaneseq.u32  }
0x519: {  	v0 =	vor.u32 s29, v2  }
0x51a: {  	v1 =	vshll.u32 v0, $0x6  }
0x51b: {  	v3 =	vld [tilespmem:$0x1FA80];
	v2 =	vor.u32 v2, v1  }
0x51c: {  	v4 =	vld [tilespmem:$0x1F960];
	_ =	sdelay $0x2  }
0x51d: {  	v0 =	vand.u32 $0x78, v0  }
0x51e: {  	v23 =	vmov v3;
	v3 =	vor.u32 v3, v0;
	v2 =	vld.idx.msk [tilespmem:v2+s15+$0x0], $0xffff  }
0x51f: {  	v57 =	vmov v4;
	v4 =	vor.u32 v4, v1;
	_ =	sdelay $0x3  }
0x520: {  	[tilespmem:v3+s22+$0x0] =	vst.idx.msk $0xffff, v2;
	v3 =	vld [tilespmem:$0x1F950]  }
0x521: {  	v2 =	vld.idx.msk [tilespmem:v4+s15+$0x0], $0xffff  }
0x522: {  	v4 =	vld [tilespmem:$0x1F940];
	_ =	sdelay $0x3  }
0x523: {  	v63 =	vmov v3;
	v3 =	vor.u32 v3, v0  }
0x524: {  	v36 =	vmov v4;
	v4 =	vor.u32 v4, v1;
	_ =	sdelay $0x3  }
0x525: {  	[tilespmem:v3+s22+$0x0] =	vst.idx.msk $0xffff, v2;
	v3 =	vld [tilespmem:$0x1F930]  }
0x526: {  	v2 =	vld.idx.msk [tilespmem:v4+s15+$0x0], $0xffff  }
0x527: {  	v4 =	vld [tilespmem:$0x1FAB0];
	_ =	sdelay $0x3  }
0x528: {  	v29 =	vmov v3;
	v3 =	vor.u32 v3, v0  }
0x529: {  	v10 =	vmov v4;
	v4 =	vor.u32 v4, v1;
	_ =	sdelay $0x3  }
0x52a: {  	[tilespmem:v3+s22+$0x0] =	vst.idx.msk $0xffff, v2;
	v3 =	vld [tilespmem:$0x1F9D0]  }
0x52b: {  	v2 =	vld.idx.msk [tilespmem:v4+s15+$0x0], $0xffff  }
0x52c: {  	v4 =	vld [tilespmem:$0x1F9C0];
	_ =	sdelay $0x2  }
0x52d: {  	v33 =	vmov v3;
	v3 =	vor.u32 v3, v0;
	_ =	sdelay $0x1  }
0x52e: {  	v46 =	vmov v4;
	v4 =	vor.u32 v4, v1;
	_ =	sdelay $0x2  }
0x52f: {  	[tilespmem:v3+s22+$0x0] =	vst.idx.msk $0xffff, v2;
	v3 =	vld [tilespmem:$0x1F9B0];
	_ =	sdelay $0x1  }
0x530: {  	v2 =	vld.idx.msk [tilespmem:v4+s15+$0x0], $0xffff  }
0x531: {  	v4 =	vld [tilespmem:$0x1F9A0];
	_ =	sdelay $0x1  }
0x532: {  	v41 =	vmov v3;
	v3 =	vor.u32 v3, v0;
	_ =	sdelay $0x2  }
0x533: {  	v45 =	vmov v4;
	v4 =	vor.u32 v4, v1;
	_ =	sdelay $0x1  }
0x534: {  	[tilespmem:v3+s22+$0x0] =	vst.idx.msk $0xffff, v2;
	v3 =	vld [tilespmem:$0x1F990];
	_ =	sdelay $0x2  }
0x535: {  	v2 =	vld.idx.msk [tilespmem:v4+s15+$0x0], $0xffff  }
0x536: {  	v4 =	vld [tilespmem:$0x1FD70]  }
0x537: {  	v43 =	vmov v3;
	v3 =	vor.u32 v3, v0;
	_ =	sdelay $0x3  }
0x538: {  	v40 =	vmov v4;
	v4 =	vor.u32 v4, v1  }
0x539: {  	[tilespmem:v3+s22+$0x0] =	vst.idx.msk $0xffff, v2;
	v3 =	vld [tilespmem:$0x1FE20];
	_ =	sdelay $0x3  }
0x53a: {  	v2 =	vld.idx.msk [tilespmem:v4+s15+$0x0], $0xffff  }
0x53b: {  	v4 =	vld [tilespmem:$0x1FE30];
	v8 =	vmov v3;
	v3 =	vor.u32 v3, v0;
	_ =	sdelay $0x4  }
0x53c: {  	v34 =	vmov v4;
	v4 =	vor.u32 v4, v1;
	[tilespmem:v3+s22+$0x0] =	vst.idx.msk $0xffff, v2;
	v3 =	vld [tilespmem:$0x1FE40];
	_ =	sdelay $0x4  }
0x53d: {  	v2 =	vld.idx.msk [tilespmem:v4+s15+$0x0], $0xffff;
	v38 =	vmov v3;
	v3 =	vor.u32 v3, v0;
	_ =	sdelay $0x4  }
0x53e: {  	v4 =	vor.u32 v44, v1;
	[tilespmem:v3+s22+$0x0] =	vst.idx.msk $0xffff, v2;
	v3 =	vld [tilespmem:$0x1FE50];
	_ =	sdelay $0x4  }
0x53f: {  	v2 =	vld.idx.msk [tilespmem:v4+s15+$0x0], $0xffff;
	v32 =	vmov v3;
	v3 =	vor.u32 v3, v0;
	_ =	sdelay $0x4  }
0x540: {  	v4 =	vor.u32 v53, v1;
	[tilespmem:v3+s22+$0x0] =	vst.idx.msk $0xffff, v2;
	v3 =	vld [tilespmem:$0x1FE60];
	_ =	sdelay $0x4  }
0x541: {  	v2 =	vld.idx.msk [tilespmem:v4+s15+$0x0], $0xffff;
	v28 =	vmov v3;
	v3 =	vor.u32 v3, v0;
	_ =	sdelay $0x4  }
0x542: {  	v4 =	vor.u32 v58, v1;
	[tilespmem:v3+s22+$0x0] =	vst.idx.msk $0xffff, v2;
	v3 =	vld [tilespmem:$0x1FE70];
	_ =	sdelay $0x4  }
0x543: {  	v2 =	vld.idx.msk [tilespmem:v4+s15+$0x0], $0xffff;
	v26 =	vmov v3;
	v3 =	vor.u32 v3, v0;
	_ =	sdelay $0x4  }
0x544: {  	v4 =	vor.u32 v7, v1;
	[tilespmem:v3+s22+$0x0] =	vst.idx.msk $0xffff, v2;
	v3 =	vld [tilespmem:$0x1FE80];
	_ =	sdelay $0x4  }
0x545: {  	v2 =	vld.idx.msk [tilespmem:v4+s15+$0x0], $0xffff;
	v27 =	vmov v3;
	v3 =	vor.u32 v3, v0;
	_ =	sdelay $0x1  }
0x546: {  	v4 =	vor.u32 v12, v1;
	_ =	sdelay $0x2  }
0x547: {  	[tilespmem:v3+s22+$0x0] =	vst.idx.msk $0xffff, v2;
	v3 =	vld [tilespmem:$0x1F7E0];
	_ =	sdelay $0x1  }
0x548: {  	v2 =	vld.idx.msk [tilespmem:v4+s15+$0x0], $0xffff  }
0x549: {  	v4 =	vld [tilespmem:$0x1F7F0];
	_ =	sdelay $0x1  }
0x54a: {  	v47 =	vmov v53;
	v53 =	vmov v3;
	v3 =	vor.u32 v3, v0;
	_ =	sdelay $0x2  }
0x54b: {  	v35 =	vmov v4;
	v4 =	vor.u32 v4, v1;
	_ =	sdelay $0x1  }
0x54c: {  	[tilespmem:v3+s22+$0x0] =	vst.idx.msk $0xffff, v2;
	v3 =	vld [tilespmem:$0x1F800];
	_ =	sdelay $0x2  }
0x54d: {  	v2 =	vld.idx.msk [tilespmem:v4+s15+$0x0], $0xffff  }
0x54e: {  	v4 =	vld [tilespmem:$0x1F810]  }
0x54f: {  	v55 =	vmov v58;
	v58 =	vmov v3;
	v3 =	vor.u32 v3, v0;
	_ =	sdelay $0x3  }
0x550: {  	v24 =	vmov v4;
	v4 =	vor.u32 v4, v1  }
0x551: {  	[tilespmem:v3+s22+$0x0] =	vst.idx.msk $0xffff, v2;
	v3 =	vld [tilespmem:$0x1F820];
	_ =	sdelay $0x3  }
0x552: {  	v2 =	vld.idx.msk [tilespmem:v4+s15+$0x0], $0xffff  }
0x553: {  	v4 =	vld [tilespmem:$0x1F830];
	v61 =	vmov v3;
	v3 =	vor.u32 v3, v0;
	_ =	sdelay $0x4  }
0x554: {  	v17 =	vmov v4;
	v4 =	vor.u32 v4, v1;
	[tilespmem:v3+s22+$0x0] =	vst.idx.msk $0xffff, v2;
	v3 =	vld [tilespmem:$0x1F840];
	_ =	sdelay $0x4  }
0x555: {  	v2 =	vld.idx.msk [tilespmem:v4+s15+$0x0], $0xffff;
	v11 =	vmov v3;
	v3 =	vor.u32 v3, v0;
	_ =	sdelay $0x3  }
0x556: {  	v4 =	vor.u32 v18, v1  }
0x557: {  	[tilespmem:v3+s22+$0x0] =	vst.idx.msk $0xffff, v2;
	v3 =	vld [tilespmem:$0x1F850];
	_ =	sdelay $0x3  }
0x558: {  	v2 =	vld.idx.msk [tilespmem:v4+s15+$0x0], $0xffff  }
0x559: {  	v4 =	vld [tilespmem:$0x1FFD0];
	v59 =	vmov v3;
	v3 =	vor.u32 v3, v0;
	_ =	sdelay $0x4  }
0x55a: {  	v25 =	vmov v4;
	v4 =	vor.u32 v4, v1;
	[tilespmem:v3+s22+$0x0] =	vst.idx.msk $0xffff, v2;
	v3 =	vld [tilespmem:$0x1F860];
	_ =	sdelay $0x4  }
0x55b: {  	v2 =	vld.idx.msk [tilespmem:v4+s15+$0x0], $0xffff;
	v6 =	vmov v3;
	v3 =	vor.u32 v3, v0;
	_ =	sdelay $0x4  }
0x55c: {  	v4 =	vor.u32 v52, v1;
	[tilespmem:v3+s22+$0x0] =	vst.idx.msk $0xffff, v2;
	v3 =	vld [tilespmem:$0x1F870];
	_ =	sdelay $0x4  }
0x55d: {  	v30 =	vmov v12;
	v2 =	vld.idx.msk [tilespmem:v4+s15+$0x0], $0xffff;
	v12 =	vmov v3;
	v3 =	vor.u32 v3, v0;
	_ =	sdelay $0x4  }
0x55e: {  	v4 =	vor.u32 v54, v1;
	[tilespmem:v3+s22+$0x0] =	vst.idx.msk $0xffff, v2;
	v3 =	vld [tilespmem:$0x1F8C0];
	_ =	sdelay $0x4  }
0x55f: {  	v2 =	vld.idx.msk [tilespmem:v4+s15+$0x0], $0xffff;
	v60 =	vmov v3;
	v3 =	vor.u32 v3, v0;
	_ =	sdelay $0x4  }
0x560: {  	v4 =	vor.u32 v48, v1;
	[tilespmem:v3+s22+$0x0] =	vst.idx.msk $0xffff, v2;
	v3 =	vld [tilespmem:$0x1FEB0];
	_ =	sdelay $0x4  }
0x561: {  	v2 =	vld.idx.msk [tilespmem:v4+s15+$0x0], $0xffff;
	v39 =	vmov v3;
	v3 =	vor.u32 v3, v0;
	_ =	sdelay $0x4  }
0x562: {  	v4 =	vor.u32 v56, v1;
	[tilespmem:v3+s22+$0x0] =	vst.idx.msk $0xffff, v2;
	v3 =	vld [tilespmem:$0x1FFE0];
	_ =	sdelay $0x4  }
0x563: {  	v2 =	vld.idx.msk [tilespmem:v4+s15+$0x0], $0xffff;
	v37 =	vmov v3;
	v3 =	vor.u32 v3, v0;
	_ =	sdelay $0x4  }
0x564: {  	v4 =	vor.u32 v15, v1;
	[tilespmem:v3+s22+$0x0] =	vst.idx.msk $0xffff, v2;
	v3 =	vld [tilespmem:$0x1FEC0];
	_ =	sdelay $0x4  }
0x565: {  	v2 =	vld.idx.msk [tilespmem:v4+s15+$0x0], $0xffff;
	v20 =	vmov v3;
	v3 =	vor.u32 v3, v0  }
0x566: {  	v31 =	vld [tilespmem:$0x1F910];
	v4 =	vor.u32 v22, v1;
	_ =	sdelay $0x3  }
0x567: {  	[tilespmem:v3+s22+$0x0] =	vst.idx.msk $0xffff, v2  }
0x568: {  	v3 =	vor.u32 v31, v0;
	v2 =	vld.idx.msk [tilespmem:v4+s15+$0x0], $0xffff;
	_ =	sdelay $0x4  }
0x569: {  	v4 =	vor.u32 v42, v1;
	[tilespmem:v3+s22+$0x0] =	vst.idx.msk $0xffff, v2;
	v3 =	vld [tilespmem:$0x1FED0];
	_ =	sdelay $0x4  }
0x56a: {  	v2 =	vld.idx.msk [tilespmem:v4+s15+$0x0], $0xffff;
	v21 =	vmov v3;
	v3 =	vor.u32 v3, v0  }
0x56b: {  	v51 =	vld [tilespmem:$0x1F920];
	v4 =	vor.u32 v9, v1;
	_ =	sdelay $0x3  }
0x56c: {  	[tilespmem:v3+s22+$0x0] =	vst.idx.msk $0xffff, v2  }
0x56d: {  	v3 =	vor.u32 v51, v0;
	v2 =	vld.idx.msk [tilespmem:v4+s15+$0x0], $0xffff;
	_ =	sdelay $0x4  }
0x56e: {  	v4 =	vor.u32 v14, v1;
	[tilespmem:v3+s22+$0x0] =	vst.idx.msk $0xffff, v2;
	v3 =	vld [tilespmem:$0x1FEE0]  }
0x56f: {  	v22 =	vld [tilespmem:$0x1F600];
	_ =	sdelay $0x3  }
0x570: {  	v2 =	vld.idx.msk [tilespmem:v4+s15+$0x0], $0xffff;
	v5 =	vmov v3;
	v3 =	vor.u32 v3, v0  }
0x571: {  	v4 =	vor.u32 v22, v1;
	_ =	sdelay $0x3  }
0x572: {  	v14 =	vld [tilespmem:$0x1F610];
	[tilespmem:v3+s22+$0x0] =	vst.idx.msk $0xffff, v2  }
0x573: {  	v3 =	vor.u32 v62, v0;
	v2 =	vld.idx.msk [tilespmem:v4+s15+$0x0], $0xffff;
	_ =	sdelay $0x4  }
0x574: {  	v4 =	vor.u32 v14, v1;
	[tilespmem:v3+s22+$0x0] =	vst.idx.msk $0xffff, v2;
	v3 =	vld [tilespmem:$0x1FE90];
	_ =	sdelay $0x3  }
0x575: {  	v15 =	vld [tilespmem:$0x1F620]  }
0x576: {  	v50 =	vmov v7;
	v2 =	vld.idx.msk [tilespmem:v4+s15+$0x0], $0xffff;
	v7 =	vmov v3;
	v3 =	vor.u32 v3, v0;
	_ =	sdelay $0x4  }
0x577: {  	v4 =	vor.u32 v15, v1;
	[tilespmem:v3+s22+$0x0] =	vst.idx.msk $0xffff, v2;
	v3 =	vld [tilespmem:$0x1FEA0];
	_ =	sdelay $0x3  }
0x578: {  	v9 =	vld [tilespmem:$0x1F630]  }
0x579: {  	v2 =	vld.idx.msk [tilespmem:v4+s15+$0x0], $0xffff;
	v54 =	vmov v3;
	v3 =	vor.u32 v3, v0;
	_ =	sdelay $0x4  }
0x57a: {  	v4 =	vor.u32 v9, v1;
	[tilespmem:v3+s22+$0x0] =	vst.idx.msk $0xffff, v2;
	v3 =	vld [tilespmem:$0x1F980];
	_ =	sdelay $0x3  }
0x57b: {  	v42 =	vld [tilespmem:$0x1F640]  }
0x57c: {  	v2 =	vld.idx.msk [tilespmem:v4+s15+$0x0], $0xffff;
	v49 =	vmov v3;
	v3 =	vor.u32 v3, v0;
	_ =	sdelay $0x4  }
0x57d: {  	v4 =	vor.u32 v42, v1;
	[tilespmem:v3+s22+$0x0] =	vst.idx.msk $0xffff, v2;
	v3 =	vld [tilespmem:$0x1FEF0];
	_ =	sdelay $0x4  }
0x57e: {  	v2 =	vld.idx.msk [tilespmem:v4+s15+$0x0], $0xffff;
	v3 =	vor.u32 v3, v0;
	_ =	sdelay $0x4  }
0x57f: {  	v4 =	vor.u32 v16, v1;
	[tilespmem:v3+s22+$0x0] =	vst.idx.msk $0xffff, v2;
	v3 =	vld [tilespmem:$0x1FF00];
	_ =	sdelay $0x3  }
0x580: {  	v56 =	vmov v47;
	v47 =	vld [tilespmem:$0x1F660]  }
0x581: {  	v48 =	vmov v30;
	v2 =	vld.idx.msk [tilespmem:v4+s15+$0x0], $0xffff;
	v30 =	vmov v3;
	v3 =	vor.u32 v3, v0;
	_ =	sdelay $0x4  }
0x582: {  	v4 =	vor.u32 v47, v1;
	[tilespmem:v3+s22+$0x0] =	vst.idx.msk $0xffff, v2;
	v3 =	vld [tilespmem:$0x1FF10];
	_ =	sdelay $0x4  }
0x583: {  	v2 =	vld.idx.msk [tilespmem:v4+s15+$0x0], $0xffff;
	v9 =	vmov v3;
	v3 =	vor.u32 v3, v0;
	_ =	sdelay $0x4  }
0x584: {  	v4 =	vor.u32 v19, v1;
	[tilespmem:v3+s22+$0x0] =	vst.idx.msk $0xffff, v2;
	v3 =	vld [tilespmem:$0x1FF20];
	_ =	sdelay $0x3  }
0x585: {  	v16 =	vld [tilespmem:$0x1F680]  }
0x586: {  	v2 =	vld.idx.msk [tilespmem:v4+s15+$0x0], $0xffff;
	v3 =	vor.u32 v3, v0;
	_ =	sdelay $0x4  }
0x587: {  	v4 =	vor.u32 v16, v1;
	[tilespmem:v3+s22+$0x0] =	vst.idx.msk $0xffff, v2;
	v3 =	vld [tilespmem:$0x1FF30];
	_ =	sdelay $0x4  }
0x588: {  	v2 =	vld.idx.msk [tilespmem:v4+s15+$0x0], $0xffff;
	v3 =	vor.u32 v3, v0;
	_ =	sdelay $0x4  }
0x589: {  	v4 =	vor.u32 v13, v1;
	[tilespmem:v3+s22+$0x0] =	vst.idx.msk $0xffff, v2;
	v3 =	vld [tilespmem:$0x1FF40];
	_ =	sdelay $0x3  }
0x58a: {  	v15 =	vld [tilespmem:$0x1F6A0]  }
0x58b: {  	v2 =	vld.idx.msk [tilespmem:v4+s15+$0x0], $0xffff;
	v3 =	vor.u32 v3, v0;
	_ =	sdelay $0x4  }
0x58c: {  	v4 =	vor.u32 v15, v1;
	[tilespmem:v3+s22+$0x0] =	vst.idx.msk $0xffff, v2;
	v3 =	vld [tilespmem:$0x1FF50];
	_ =	sdelay $0x3  }
0x58d: {  	v14 =	vld [tilespmem:$0x1F6B0]  }
0x58e: {  	v2 =	vld.idx.msk [tilespmem:v4+s15+$0x0], $0xffff;
	v3 =	vor.u32 v3, v0;
	_ =	sdelay $0x4  }
0x58f: {  	v4 =	vor.u32 v14, v1;
	[tilespmem:v3+s22+$0x0] =	vst.idx.msk $0xffff, v2;
	v3 =	vld [tilespmem:$0x1F9E0];
	_ =	sdelay $0x3  }
0x590: {  	v13 =	vld [tilespmem:$0x1F6C0]  }
0x591: {  	v2 =	vld.idx.msk [tilespmem:v4+s15+$0x0], $0xffff;
	v3 =	vor.u32 v3, v0;
	_ =	sdelay $0x3  }
0x592: {  	v4 =	vor.u32 v13, v1  }
0x593: {  	[tilespmem:v3+s22+$0x0] =	vst.idx.msk $0xffff, v2;
	v3 =	vld [tilespmem:$0x1FF60];
	_ =	sdelay $0x3  }
0x594: {  	v2 =	vld.idx.msk [tilespmem:v4+s15+$0x0], $0xffff  }
0x595: {  	v4 =	vld [tilespmem:$0x1F6D0];
	v3 =	vor.u32 v3, v0;
	_ =	sdelay $0x4  }
0x596: {  	v4 =	vor.u32 v4, v1;
	[tilespmem:v3+s22+$0x0] =	vst.idx.msk $0xffff, v2;
	v3 =	vld [tilespmem:$0x1F9F0];
	_ =	sdelay $0x3  }
0x597: {  	v13 =	vld [tilespmem:$0x1F6E0]  }
0x598: {  	v2 =	vld.idx.msk [tilespmem:v4+s15+$0x0], $0xffff;
	v3 =	vor.u32 v3, v0;
	_ =	sdelay $0x3  }
0x599: {  	v4 =	vor.u32 v13, v1  }
0x59a: {  	[tilespmem:v3+s22+$0x0] =	vst.idx.msk $0xffff, v2;
	v3 =	vld [tilespmem:$0x1FA00];
	_ =	sdelay $0x3  }
0x59b: {  	v2 =	vld.idx.msk [tilespmem:v4+s15+$0x0], $0xffff  }
0x59c: {  	v4 =	vld [tilespmem:$0x1F6F0];
	v3 =	vor.u32 v3, v0;
	_ =	sdelay $0x4  }
0x59d: {  	v4 =	vor.u32 v4, v1;
	[tilespmem:v3+s22+$0x0] =	vst.idx.msk $0xffff, v2;
	v3 =	vld [tilespmem:$0x1FA10];
	_ =	sdelay $0x3  }
0x59e: {  	v14 =	vld [tilespmem:$0x1F700]  }
0x59f: {  	v2 =	vld.idx.msk [tilespmem:v4+s15+$0x0], $0xffff;
	v3 =	vor.u32 v3, v0;
	_ =	sdelay $0x4  }
0x5a0: {  	v4 =	vor.u32 v14, v1;
	[tilespmem:v3+s22+$0x0] =	vst.idx.msk $0xffff, v2;
	v3 =	vld [tilespmem:$0x1FA30];
	_ =	sdelay $0x3  }
0x5a1: {  	v15 =	vld [tilespmem:$0x1F710]  }
0x5a2: {  	v2 =	vld.idx.msk [tilespmem:v4+s15+$0x0], $0xffff;
	v3 =	vor.u32 v3, v0;
	_ =	sdelay $0x3  }
0x5a3: {  	v4 =	vor.u32 v15, v1  }
0x5a4: {  	[tilespmem:v3+s22+$0x0] =	vst.idx.msk $0xffff, v2;
	v3 =	vld [tilespmem:$0x1FA50];
	_ =	sdelay $0x3  }
0x5a5: {  	v2 =	vld.idx.msk [tilespmem:v4+s15+$0x0], $0xffff  }
0x5a6: {  	v4 =	vld [tilespmem:$0x1F720];
	v3 =	vor.u32 v3, v0;
	_ =	sdelay $0x4  }
0x5a7: {  	v4 =	vor.u32 v4, v1;
	[tilespmem:v3+s22+$0x0] =	vst.idx.msk $0xffff, v2;
	v3 =	vld [tilespmem:$0x1FA60]  }
0x5a8: {  	v19 =	vld [tilespmem:$0x1F730];
	_ =	sdelay $0x3  }
0x5a9: {  	v2 =	vld.idx.msk [tilespmem:v4+s15+$0x0], $0xffff;
	v3 =	vor.u32 v3, v0  }
0x5aa: {  	v4 =	vor.u32 v19, v1;
	_ =	sdelay $0x3  }
0x5ab: {  	[tilespmem:v3+s22+$0x0] =	vst.idx.msk $0xffff, v2;
	v3 =	vld [tilespmem:$0x1FF70]  }
0x5ac: {  	v2 =	vld.idx.msk [tilespmem:v4+s15+$0x0], $0xffff  }
0x5ad: {  	v4 =	vld [tilespmem:$0x1F740];
	_ =	sdelay $0x3  }
0x5ae: {  	v3 =	vor.u32 v3, v0  }
0x5af: {  	v4 =	vor.u32 v4, v1;
	_ =	sdelay $0x3  }
0x5b0: {  	[tilespmem:v3+s22+$0x0] =	vst.idx.msk $0xffff, v2;
	v3 =	vld [tilespmem:$0x1FA70]  }
0x5b1: {  	v2 =	vld.idx.msk [tilespmem:v4+s15+$0x0], $0xffff  }
0x5b2: {  	v4 =	vld [tilespmem:$0x1F570];
	_ =	sdelay $0x3  }
0x5b3: {  	v3 =	vor.u32 v3, v0  }
0x5b4: {  	v4 =	vor.u32 v4, v1;
	_ =	sdelay $0x3  }
0x5b5: {  	[tilespmem:v3+s22+$0x0] =	vst.idx.msk $0xffff, v2;
	v3 =	vld [tilespmem:$0x1FA90]  }
0x5b6: {  	v2 =	vld.idx.msk [tilespmem:v4+s15+$0x0], $0xffff  }
0x5b7: {  	v4 =	vld [tilespmem:$0x1F560];
	_ =	sdelay $0x3  }
0x5b8: {  	v3 =	vor.u32 v3, v0  }
0x5b9: {  	v4 =	vor.u32 v4, v1;
	_ =	sdelay $0x3  }
0x5ba: {  	[tilespmem:v3+s22+$0x0] =	vst.idx.msk $0xffff, v2;
	v3 =	vld [tilespmem:$0x1FAA0]  }
0x5bb: {  	v2 =	vld.idx.msk [tilespmem:v4+s15+$0x0], $0xffff  }
0x5bc: {  	v4 =	vld [tilespmem:$0x1F550];
	_ =	sdelay $0x3  }
0x5bd: {  	v3 =	vor.u32 v3, v0  }
0x5be: {  	v4 =	vor.u32 v4, v1;
	_ =	sdelay $0x3  }
0x5bf: {  	[tilespmem:v3+s22+$0x0] =	vst.idx.msk $0xffff, v2;
	v3 =	vld [tilespmem:$0x1FAC0]  }
0x5c0: {  	v2 =	vld.idx.msk [tilespmem:v4+s15+$0x0], $0xffff  }
0x5c1: {  	v4 =	vld [tilespmem:$0x1F540];
	_ =	sdelay $0x3  }
0x5c2: {  	v3 =	vor.u32 v3, v0  }
0x5c3: {  	v4 =	vor.u32 v4, v1;
	_ =	sdelay $0x3  }
0x5c4: {  	[tilespmem:v3+s22+$0x0] =	vst.idx.msk $0xffff, v2;
	v3 =	vld [tilespmem:$0x1FAD0]  }
0x5c5: {  	v2 =	vld.idx.msk [tilespmem:v4+s15+$0x0], $0xffff  }
0x5c6: {  	v4 =	vld [tilespmem:$0x1F530];
	_ =	sdelay $0x3  }
0x5c7: {  	v3 =	vor.u32 v3, v0  }
0x5c8: {  	v4 =	vor.u32 v4, v1;
	_ =	sdelay $0x3  }
0x5c9: {  	[tilespmem:v3+s22+$0x0] =	vst.idx.msk $0xffff, v2;
	v3 =	vld [tilespmem:$0x1FAE0]  }
0x5ca: {  	v2 =	vld.idx.msk [tilespmem:v4+s15+$0x0], $0xffff  }
0x5cb: {  	v4 =	vld [tilespmem:$0x1F520];
	_ =	sdelay $0x3  }
0x5cc: {  	v3 =	vor.u32 v3, v0  }
0x5cd: {  	v4 =	vor.u32 v4, v1;
	_ =	sdelay $0x3  }
0x5ce: {  	[tilespmem:v3+s22+$0x0] =	vst.idx.msk $0xffff, v2;
	v3 =	vld [tilespmem:$0x1FAF0]  }
0x5cf: {  	v2 =	vld.idx.msk [tilespmem:v4+s15+$0x0], $0xffff  }
0x5d0: {  	v4 =	vld [tilespmem:$0x1F510];
	_ =	sdelay $0x3  }
0x5d1: {  	v3 =	vor.u32 v3, v0  }
0x5d2: {  	v4 =	vor.u32 v4, v1;
	_ =	sdelay $0x3  }
0x5d3: {  	[tilespmem:v3+s22+$0x0] =	vst.idx.msk $0xffff, v2;
	v3 =	vld [tilespmem:$0x1FB00]  }
0x5d4: {  	v2 =	vld.idx.msk [tilespmem:v4+s15+$0x0], $0xffff  }
0x5d5: {  	v4 =	vld [tilespmem:$0x1F500];
	_ =	sdelay $0x3  }
0x5d6: {  	v3 =	vor.u32 v3, v0  }
0x5d7: {  	v4 =	vor.u32 v4, v1;
	_ =	sdelay $0x3  }
0x5d8: {  	[tilespmem:v3+s22+$0x0] =	vst.idx.msk $0xffff, v2;
	v3 =	vld [tilespmem:$0x1FB10]  }
0x5d9: {  	v2 =	vld.idx.msk [tilespmem:v4+s15+$0x0], $0xffff  }
0x5da: {  	v4 =	vld [tilespmem:$0x1F4F0];
	_ =	sdelay $0x3  }
0x5db: {  	v3 =	vor.u32 v3, v0  }
0x5dc: {  	v4 =	vor.u32 v4, v1;
	_ =	sdelay $0x3  }
0x5dd: {  	[tilespmem:v3+s22+$0x0] =	vst.idx.msk $0xffff, v2;
	v3 =	vld [tilespmem:$0x1FB20]  }
0x5de: {  	v2 =	vld.idx.msk [tilespmem:v4+s15+$0x0], $0xffff  }
0x5df: {  	v4 =	vld [tilespmem:$0x1F4E0];
	_ =	sdelay $0x3  }
0x5e0: {  	v3 =	vor.u32 v3, v0  }
0x5e1: {  	v4 =	vor.u32 v4, v1;
	_ =	sdelay $0x3  }
0x5e2: {  	[tilespmem:v3+s22+$0x0] =	vst.idx.msk $0xffff, v2;
	v3 =	vld [tilespmem:$0x1FB30]  }
0x5e3: {  	v2 =	vld.idx.msk [tilespmem:v4+s15+$0x0], $0xffff  }
0x5e4: {  	v4 =	vld [tilespmem:$0x1F4D0];
	_ =	sdelay $0x3  }
0x5e5: {  	v3 =	vor.u32 v3, v0  }
0x5e6: {  	v4 =	vor.u32 v4, v1;
	_ =	sdelay $0x3  }
0x5e7: {  	[tilespmem:v3+s22+$0x0] =	vst.idx.msk $0xffff, v2;
	v3 =	vld [tilespmem:$0x1FB40]  }
0x5e8: {  	v2 =	vld.idx.msk [tilespmem:v4+s15+$0x0], $0xffff  }
0x5e9: {  	v4 =	vld [tilespmem:$0x1F4C0];
	_ =	sdelay $0x2  }
0x5ea: {  	v3 =	vor.u32 v3, v0;
	_ =	sdelay $0x1  }
0x5eb: {  	v4 =	vor.u32 v4, v1;
	_ =	sdelay $0x2  }
0x5ec: {  	[tilespmem:v3+s22+$0x0] =	vst.idx.msk $0xffff, v2;
	v3 =	vld [tilespmem:$0x1FF80];
	_ =	sdelay $0x1  }
0x5ed: {  	v2 =	vld.idx.msk [tilespmem:v4+s15+$0x0], $0xffff  }
0x5ee: {  	v4 =	vld [tilespmem:$0x1F4B0];
	_ =	sdelay $0x1  }
0x5ef: {  	v3 =	vor.u32 v3, v0;
	_ =	sdelay $0x2  }
0x5f0: {  	v4 =	vor.u32 v4, v1;
	_ =	sdelay $0x1  }
0x5f1: {  	[tilespmem:v3+s22+$0x0] =	vst.idx.msk $0xffff, v2;
	v3 =	vld [tilespmem:$0x1FF90];
	_ =	sdelay $0x2  }
0x5f2: {  	v2 =	vld.idx.msk [tilespmem:v4+s15+$0x0], $0xffff  }
0x5f3: {  	v4 =	vld [tilespmem:$0x1F4A0]  }
0x5f4: {  	v3 =	vor.u32 v3, v0;
	_ =	sdelay $0x3  }
0x5f5: {  	v4 =	vor.u32 v4, v1  }
0x5f6: {  	[tilespmem:v3+s22+$0x0] =	vst.idx.msk $0xffff, v2;
	v3 =	vld [tilespmem:$0x1FFA0];
	_ =	sdelay $0x3  }
0x5f7: {  	v2 =	vld.idx.msk [tilespmem:v4+s15+$0x0], $0xffff  }
0x5f8: {  	v4 =	vld [tilespmem:$0x1F490];
	v3 =	vor.u32 v3, v0;
	_ =	sdelay $0x4  }
0x5f9: {  	v4 =	vor.u32 v4, v1;
	[tilespmem:v3+s22+$0x0] =	vst.idx.msk $0xffff, v2;
	v3 =	vld [tilespmem:$0x1FFB0]  }
0x5fa: {  	v47 =	vld [tilespmem:$0x1F480];
	_ =	sdelay $0x3  }
0x5fb: {  	v2 =	vld.idx.msk [tilespmem:v4+s15+$0x0], $0xffff;
	v3 =	vor.u32 v3, v0  }
0x5fc: {  	v1 =	vor.u32 v47, v1  }
0x5fd: {  	v47 =	vld [tilespmem:$0x1FFC0]  }
0x5fe: {  	v22 =	vld [tilespmem:$0x1F720]  }
0x5ff: {  	v16 =	vld [tilespmem:$0x1F6D0]  }
0x600: {  	s29 =	simm.s32 $0x10;
	v19 =	vld [tilespmem:$0x1F6F0];
	v4 =	vlaneseq.u32;
	[tilespmem:v3+s22+$0x0] =	vst.idx.msk $0xffff, v2  }
0x601: {  	v2 =	vor.u32 s29, v4;
	s29 =	simm.s32 $0x20;
	v3 =	vld.idx.msk [tilespmem:v1+s15+$0x0], $0xffff  }
.LBB2_9:
0x602: {  	v1 =	vshll.u32 v2, $0x6;
	v0 =	vor.u32 v47, v0;
	v4 =	vlaneseq.u32  }
0x603: {  	v4 =	vor.u32 v4, v1;
	_ =	sdelay $0x3  }
0x604: {  	[tilespmem:v0+s22+$0x0] =	vst.idx.msk $0xffff, v3;
	v0 =	vand.u32 $0x78, v2  }
0x605: {  	v3 =	vld.idx.msk [tilespmem:v4+s15+$0x0], $0xffff;
	v2 =	vor.u32 v23, v0  }
0x606: {  	v4 =	vor.u32 v57, v1;
	_ =	sdelay $0x3  }
0x607: {  	[tilespmem:v2+s22+$0x0] =	vst.idx.msk $0xffff, v3  }
0x608: {  	v3 =	vor.u32 v63, v0;
	v2 =	vld.idx.msk [tilespmem:v4+s15+$0x0], $0xffff  }
0x609: {  	v4 =	vor.u32 v36, v1;
	_ =	sdelay $0x3  }
0x60a: {  	[tilespmem:v3+s22+$0x0] =	vst.idx.msk $0xffff, v2  }
0x60b: {  	v3 =	vor.u32 v29, v0;
	v2 =	vld.idx.msk [tilespmem:v4+s15+$0x0], $0xffff  }
0x60c: {  	v4 =	vor.u32 v10, v1;
	_ =	sdelay $0x3  }
0x60d: {  	[tilespmem:v3+s22+$0x0] =	vst.idx.msk $0xffff, v2  }
0x60e: {  	v3 =	vor.u32 v33, v0;
	v2 =	vld.idx.msk [tilespmem:v4+s15+$0x0], $0xffff  }
0x60f: {  	v4 =	vor.u32 v46, v1;
	_ =	sdelay $0x3  }
0x610: {  	[tilespmem:v3+s22+$0x0] =	vst.idx.msk $0xffff, v2  }
0x611: {  	v3 =	vor.u32 v41, v0;
	v2 =	vld.idx.msk [tilespmem:v4+s15+$0x0], $0xffff  }
0x612: {  	v4 =	vor.u32 v45, v1;
	_ =	sdelay $0x3  }
0x613: {  	[tilespmem:v3+s22+$0x0] =	vst.idx.msk $0xffff, v2  }
0x614: {  	v3 =	vor.u32 v43, v0;
	v2 =	vld.idx.msk [tilespmem:v4+s15+$0x0], $0xffff  }
0x615: {  	v4 =	vor.u32 v40, v1;
	_ =	sdelay $0x3  }
0x616: {  	[tilespmem:v3+s22+$0x0] =	vst.idx.msk $0xffff, v2  }
0x617: {  	v3 =	vor.u32 v8, v0;
	v2 =	vld.idx.msk [tilespmem:v4+s15+$0x0], $0xffff  }
0x618: {  	v4 =	vor.u32 v34, v1;
	_ =	sdelay $0x3  }
0x619: {  	[tilespmem:v3+s22+$0x0] =	vst.idx.msk $0xffff, v2  }
0x61a: {  	v3 =	vor.u32 v38, v0;
	v2 =	vld.idx.msk [tilespmem:v4+s15+$0x0], $0xffff  }
0x61b: {  	v4 =	vor.u32 v44, v1;
	_ =	sdelay $0x3  }
0x61c: {  	[tilespmem:v3+s22+$0x0] =	vst.idx.msk $0xffff, v2  }
0x61d: {  	v3 =	vor.u32 v32, v0;
	v2 =	vld.idx.msk [tilespmem:v4+s15+$0x0], $0xffff  }
0x61e: {  	v4 =	vor.u32 v56, v1;
	_ =	sdelay $0x3  }
0x61f: {  	[tilespmem:v3+s22+$0x0] =	vst.idx.msk $0xffff, v2  }
0x620: {  	v3 =	vor.u32 v28, v0;
	v2 =	vld.idx.msk [tilespmem:v4+s15+$0x0], $0xffff  }
0x621: {  	v4 =	vor.u32 v55, v1;
	_ =	sdelay $0x3  }
0x622: {  	[tilespmem:v3+s22+$0x0] =	vst.idx.msk $0xffff, v2  }
0x623: {  	v3 =	vor.u32 v26, v0;
	v2 =	vld.idx.msk [tilespmem:v4+s15+$0x0], $0xffff  }
0x624: {  	v4 =	vor.u32 v50, v1;
	_ =	sdelay $0x3  }
0x625: {  	[tilespmem:v3+s22+$0x0] =	vst.idx.msk $0xffff, v2  }
0x626: {  	v3 =	vor.u32 v27, v0;
	v2 =	vld.idx.msk [tilespmem:v4+s15+$0x0], $0xffff  }
0x627: {  	v4 =	vor.u32 v48, v1;
	_ =	sdelay $0x3  }
0x628: {  	[tilespmem:v3+s22+$0x0] =	vst.idx.msk $0xffff, v2  }
0x629: {  	v3 =	vor.u32 v53, v0;
	v2 =	vld.idx.msk [tilespmem:v4+s15+$0x0], $0xffff  }
0x62a: {  	v4 =	vor.u32 v35, v1;
	_ =	sdelay $0x3  }
0x62b: {  	[tilespmem:v3+s22+$0x0] =	vst.idx.msk $0xffff, v2  }
0x62c: {  	v3 =	vor.u32 v58, v0;
	v2 =	vld.idx.msk [tilespmem:v4+s15+$0x0], $0xffff  }
0x62d: {  	v4 =	vor.u32 v24, v1;
	_ =	sdelay $0x3  }
0x62e: {  	[tilespmem:v3+s22+$0x0] =	vst.idx.msk $0xffff, v2  }
0x62f: {  	v3 =	vor.u32 v61, v0;
	v2 =	vld.idx.msk [tilespmem:v4+s15+$0x0], $0xffff  }
0x630: {  	v4 =	vor.u32 v17, v1;
	_ =	sdelay $0x3  }
0x631: {  	[tilespmem:v3+s22+$0x0] =	vst.idx.msk $0xffff, v2  }
0x632: {  	v3 =	vor.u32 v11, v0;
	v2 =	vld.idx.msk [tilespmem:v4+s15+$0x0], $0xffff  }
0x633: {  	v4 =	vor.u32 v18, v1;
	_ =	sdelay $0x3  }
0x634: {  	[tilespmem:v3+s22+$0x0] =	vst.idx.msk $0xffff, v2  }
0x635: {  	v3 =	vor.u32 v59, v0;
	v2 =	vld.idx.msk [tilespmem:v4+s15+$0x0], $0xffff  }
0x636: {  	v4 =	vor.u32 v25, v1;
	_ =	sdelay $0x3  }
0x637: {  	[tilespmem:v3+s22+$0x0] =	vst.idx.msk $0xffff, v2  }
0x638: {  	v3 =	vor.u32 v6, v0;
	v2 =	vld.idx.msk [tilespmem:v4+s15+$0x0], $0xffff  }
0x639: {  	v4 =	vor.u32 v52, v1;
	_ =	sdelay $0x3  }
0x63a: {  	[tilespmem:v3+s22+$0x0] =	vst.idx.msk $0xffff, v2  }
0x63b: {  	v2 =	vld.idx.msk [tilespmem:v4+s15+$0x0], $0xffff  }
0x63c: {  	v4 =	vld [tilespmem:$0x1F580];
	_ =	sdelay $0x3  }
0x63d: {  	v3 =	vor.u32 v12, v0  }
0x63e: {  	v4 =	vor.u32 v4, v1;
	_ =	sdelay $0x3  }
0x63f: {  	[tilespmem:v3+s22+$0x0] =	vst.idx.msk $0xffff, v2  }
0x640: {  	v2 =	vld.idx.msk [tilespmem:v4+s15+$0x0], $0xffff  }
0x641: {  	v4 =	vld [tilespmem:$0x1F590];
	_ =	sdelay $0x3  }
0x642: {  	v3 =	vor.u32 v60, v0  }
0x643: {  	v4 =	vor.u32 v4, v1;
	_ =	sdelay $0x3  }
0x644: {  	[tilespmem:v3+s22+$0x0] =	vst.idx.msk $0xffff, v2  }
0x645: {  	v2 =	vld.idx.msk [tilespmem:v4+s15+$0x0], $0xffff  }
0x646: {  	v4 =	vld [tilespmem:$0x1F5A0];
	_ =	sdelay $0x3  }
0x647: {  	v3 =	vor.u32 v39, v0  }
0x648: {  	v4 =	vor.u32 v4, v1;
	_ =	sdelay $0x3  }
0x649: {  	[tilespmem:v3+s22+$0x0] =	vst.idx.msk $0xffff, v2  }
0x64a: {  	v2 =	vld.idx.msk [tilespmem:v4+s15+$0x0], $0xffff  }
0x64b: {  	v4 =	vld [tilespmem:$0x1F5B0];
	_ =	sdelay $0x3  }
0x64c: {  	v3 =	vor.u32 v37, v0  }
0x64d: {  	v4 =	vor.u32 v4, v1;
	_ =	sdelay $0x3  }
0x64e: {  	[tilespmem:v3+s22+$0x0] =	vst.idx.msk $0xffff, v2  }
0x64f: {  	v2 =	vld.idx.msk [tilespmem:v4+s15+$0x0], $0xffff  }
0x650: {  	v4 =	vld [tilespmem:$0x1F5C0];
	_ =	sdelay $0x3  }
0x651: {  	v3 =	vor.u32 v20, v0  }
0x652: {  	v4 =	vor.u32 v4, v1;
	_ =	sdelay $0x3  }
0x653: {  	[tilespmem:v3+s22+$0x0] =	vst.idx.msk $0xffff, v2  }
0x654: {  	v2 =	vld.idx.msk [tilespmem:v4+s15+$0x0], $0xffff  }
0x655: {  	v4 =	vld [tilespmem:$0x1F5D0];
	_ =	sdelay $0x3  }
0x656: {  	v3 =	vor.u32 v31, v0  }
0x657: {  	v4 =	vor.u32 v4, v1;
	_ =	sdelay $0x3  }
0x658: {  	[tilespmem:v3+s22+$0x0] =	vst.idx.msk $0xffff, v2  }
0x659: {  	v2 =	vld.idx.msk [tilespmem:v4+s15+$0x0], $0xffff  }
0x65a: {  	v4 =	vld [tilespmem:$0x1F5E0];
	_ =	sdelay $0x3  }
0x65b: {  	v3 =	vor.u32 v21, v0  }
0x65c: {  	v4 =	vor.u32 v4, v1;
	_ =	sdelay $0x3  }
0x65d: {  	[tilespmem:v3+s22+$0x0] =	vst.idx.msk $0xffff, v2  }
0x65e: {  	v2 =	vld.idx.msk [tilespmem:v4+s15+$0x0], $0xffff  }
0x65f: {  	v4 =	vld [tilespmem:$0x1F5F0];
	_ =	sdelay $0x3  }
0x660: {  	v3 =	vor.u32 v51, v0  }
0x661: {  	v4 =	vor.u32 v4, v1;
	_ =	sdelay $0x3  }
0x662: {  	[tilespmem:v3+s22+$0x0] =	vst.idx.msk $0xffff, v2  }
0x663: {  	v2 =	vld.idx.msk [tilespmem:v4+s15+$0x0], $0xffff  }
0x664: {  	v4 =	vld [tilespmem:$0x1F600];
	_ =	sdelay $0x3  }
0x665: {  	v3 =	vor.u32 v5, v0  }
0x666: {  	v4 =	vor.u32 v4, v1;
	_ =	sdelay $0x3  }
0x667: {  	[tilespmem:v3+s22+$0x0] =	vst.idx.msk $0xffff, v2  }
0x668: {  	v2 =	vld.idx.msk [tilespmem:v4+s15+$0x0], $0xffff  }
0x669: {  	v4 =	vld [tilespmem:$0x1F610];
	_ =	sdelay $0x3  }
0x66a: {  	v3 =	vor.u32 v62, v0  }
0x66b: {  	v4 =	vor.u32 v4, v1;
	_ =	sdelay $0x3  }
0x66c: {  	[tilespmem:v3+s22+$0x0] =	vst.idx.msk $0xffff, v2  }
0x66d: {  	v2 =	vld.idx.msk [tilespmem:v4+s15+$0x0], $0xffff  }
0x66e: {  	v4 =	vld [tilespmem:$0x1F620];
	_ =	sdelay $0x3  }
0x66f: {  	v3 =	vor.u32 v7, v0  }
0x670: {  	v4 =	vor.u32 v4, v1;
	_ =	sdelay $0x3  }
0x671: {  	[tilespmem:v3+s22+$0x0] =	vst.idx.msk $0xffff, v2  }
0x672: {  	v2 =	vld.idx.msk [tilespmem:v4+s15+$0x0], $0xffff  }
0x673: {  	v4 =	vld [tilespmem:$0x1F630];
	_ =	sdelay $0x3  }
0x674: {  	v3 =	vor.u32 v54, v0  }
0x675: {  	v4 =	vor.u32 v4, v1;
	_ =	sdelay $0x3  }
0x676: {  	[tilespmem:v3+s22+$0x0] =	vst.idx.msk $0xffff, v2  }
0x677: {  	v2 =	vld.idx.msk [tilespmem:v4+s15+$0x0], $0xffff  }
0x678: {  	v4 =	vld [tilespmem:$0x1F640];
	_ =	sdelay $0x3  }
0x679: {  	v3 =	vor.u32 v49, v0  }
0x67a: {  	v4 =	vor.u32 v4, v1;
	_ =	sdelay $0x3  }
0x67b: {  	[tilespmem:v3+s22+$0x0] =	vst.idx.msk $0xffff, v2;
	v3 =	vld [tilespmem:$0x1FEF0]  }
0x67c: {  	v2 =	vld.idx.msk [tilespmem:v4+s15+$0x0], $0xffff  }
0x67d: {  	v4 =	vld [tilespmem:$0x1F650];
	_ =	sdelay $0x3  }
0x67e: {  	v3 =	vor.u32 v3, v0  }
0x67f: {  	v4 =	vor.u32 v4, v1;
	_ =	sdelay $0x3  }
0x680: {  	[tilespmem:v3+s22+$0x0] =	vst.idx.msk $0xffff, v2  }
0x681: {  	v2 =	vld.idx.msk [tilespmem:v4+s15+$0x0], $0xffff  }
0x682: {  	v4 =	vld [tilespmem:$0x1F660];
	_ =	sdelay $0x3  }
0x683: {  	v3 =	vor.u32 v30, v0  }
0x684: {  	v4 =	vor.u32 v4, v1;
	_ =	sdelay $0x3  }
0x685: {  	[tilespmem:v3+s22+$0x0] =	vst.idx.msk $0xffff, v2  }
0x686: {  	v2 =	vld.idx.msk [tilespmem:v4+s15+$0x0], $0xffff  }
0x687: {  	v4 =	vld [tilespmem:$0x1F670];
	_ =	sdelay $0x3  }
0x688: {  	v3 =	vor.u32 v9, v0  }
0x689: {  	v4 =	vor.u32 v4, v1;
	_ =	sdelay $0x3  }
0x68a: {  	[tilespmem:v3+s22+$0x0] =	vst.idx.msk $0xffff, v2;
	v3 =	vld [tilespmem:$0x1FF20]  }
0x68b: {  	v2 =	vld.idx.msk [tilespmem:v4+s15+$0x0], $0xffff  }
0x68c: {  	v4 =	vld [tilespmem:$0x1F680];
	_ =	sdelay $0x3  }
0x68d: {  	v3 =	vor.u32 v3, v0  }
0x68e: {  	v4 =	vor.u32 v4, v1;
	_ =	sdelay $0x3  }
0x68f: {  	[tilespmem:v3+s22+$0x0] =	vst.idx.msk $0xffff, v2;
	v3 =	vld [tilespmem:$0x1FF30]  }
0x690: {  	v2 =	vld.idx.msk [tilespmem:v4+s15+$0x0], $0xffff  }
0x691: {  	v4 =	vld [tilespmem:$0x1F690];
	_ =	sdelay $0x2  }
0x692: {  	v3 =	vor.u32 v3, v0;
	_ =	sdelay $0x1  }
0x693: {  	v4 =	vor.u32 v4, v1;
	_ =	sdelay $0x2  }
0x694: {  	[tilespmem:v3+s22+$0x0] =	vst.idx.msk $0xffff, v2;
	v3 =	vld [tilespmem:$0x1FF40];
	_ =	sdelay $0x1  }
0x695: {  	v2 =	vld.idx.msk [tilespmem:v4+s15+$0x0], $0xffff  }
0x696: {  	v4 =	vld [tilespmem:$0x1F6A0];
	_ =	sdelay $0x1  }
0x697: {  	v3 =	vor.u32 v3, v0;
	_ =	sdelay $0x2  }
0x698: {  	v4 =	vor.u32 v4, v1;
	_ =	sdelay $0x1  }
0x699: {  	[tilespmem:v3+s22+$0x0] =	vst.idx.msk $0xffff, v2;
	v3 =	vld [tilespmem:$0x1FF50];
	_ =	sdelay $0x2  }
0x69a: {  	v2 =	vld.idx.msk [tilespmem:v4+s15+$0x0], $0xffff  }
0x69b: {  	v4 =	vld [tilespmem:$0x1F6B0]  }
0x69c: {  	v3 =	vor.u32 v3, v0;
	_ =	sdelay $0x3  }
0x69d: {  	v4 =	vor.u32 v4, v1  }
0x69e: {  	[tilespmem:v3+s22+$0x0] =	vst.idx.msk $0xffff, v2;
	v3 =	vld [tilespmem:$0x1F9E0];
	_ =	sdelay $0x3  }
0x69f: {  	v2 =	vld.idx.msk [tilespmem:v4+s15+$0x0], $0xffff  }
0x6a0: {  	v3 =	vor.u32 v3, v0;
	v4 =	vld [tilespmem:$0x1F6C0];
	_ =	sdelay $0x4  }
0x6a1: {  	v4 =	vor.u32 v4, v1;
	[tilespmem:v3+s22+$0x0] =	vst.idx.msk $0xffff, v2;
	v3 =	vld [tilespmem:$0x1FF60];
	_ =	sdelay $0x4  }
0x6a2: {  	v2 =	vld.idx.msk [tilespmem:v4+s15+$0x0], $0xffff;
	v3 =	vor.u32 v3, v0;
	_ =	sdelay $0x4  }
0x6a3: {  	v4 =	vor.u32 v16, v1;
	[tilespmem:v3+s22+$0x0] =	vst.idx.msk $0xffff, v2;
	v3 =	vld [tilespmem:$0x1F9F0];
	_ =	sdelay $0x4  }
0x6a4: {  	v2 =	vld.idx.msk [tilespmem:v4+s15+$0x0], $0xffff;
	v3 =	vor.u32 v3, v0;
	_ =	sdelay $0x4  }
0x6a5: {  	v4 =	vor.u32 v13, v1;
	[tilespmem:v3+s22+$0x0] =	vst.idx.msk $0xffff, v2;
	v3 =	vld [tilespmem:$0x1FA00];
	_ =	sdelay $0x4  }
0x6a6: {  	v2 =	vld.idx.msk [tilespmem:v4+s15+$0x0], $0xffff;
	v3 =	vor.u32 v3, v0;
	_ =	sdelay $0x4  }
0x6a7: {  	v4 =	vor.u32 v19, v1;
	[tilespmem:v3+s22+$0x0] =	vst.idx.msk $0xffff, v2;
	v3 =	vld [tilespmem:$0x1FA10];
	_ =	sdelay $0x4  }
0x6a8: {  	v2 =	vld.idx.msk [tilespmem:v4+s15+$0x0], $0xffff;
	v3 =	vor.u32 v3, v0;
	_ =	sdelay $0x4  }
0x6a9: {  	v4 =	vor.u32 v14, v1;
	[tilespmem:v3+s22+$0x0] =	vst.idx.msk $0xffff, v2;
	v3 =	vld [tilespmem:$0x1FA30];
	_ =	sdelay $0x4  }
0x6aa: {  	v2 =	vld.idx.msk [tilespmem:v4+s15+$0x0], $0xffff;
	v3 =	vor.u32 v3, v0;
	_ =	sdelay $0x4  }
0x6ab: {  	v4 =	vor.u32 v15, v1;
	[tilespmem:v3+s22+$0x0] =	vst.idx.msk $0xffff, v2;
	v3 =	vld [tilespmem:$0x1FA50];
	_ =	sdelay $0x4  }
0x6ac: {  	v2 =	vld.idx.msk [tilespmem:v4+s15+$0x0], $0xffff;
	v3 =	vor.u32 v3, v0  }
0x6ad: {  	v4 =	vor.u32 v22, v1;
	_ =	sdelay $0x3  }
0x6ae: {  	[tilespmem:v3+s22+$0x0] =	vst.idx.msk $0xffff, v2;
	v3 =	vld [tilespmem:$0x1FA60]  }
0x6af: {  	v2 =	vld.idx.msk [tilespmem:v4+s15+$0x0], $0xffff  }
0x6b0: {  	v4 =	vld [tilespmem:$0x1F730];
	_ =	sdelay $0x3  }
0x6b1: {  	v3 =	vor.u32 v3, v0  }
0x6b2: {  	v4 =	vor.u32 v4, v1;
	_ =	sdelay $0x3  }
0x6b3: {  	[tilespmem:v3+s22+$0x0] =	vst.idx.msk $0xffff, v2;
	v3 =	vld [tilespmem:$0x1FF70]  }
0x6b4: {  	v2 =	vld.idx.msk [tilespmem:v4+s15+$0x0], $0xffff  }
0x6b5: {  	v4 =	vld [tilespmem:$0x1F740];
	_ =	sdelay $0x3  }
0x6b6: {  	v3 =	vor.u32 v3, v0  }
0x6b7: {  	v4 =	vor.u32 v4, v1;
	_ =	sdelay $0x3  }
0x6b8: {  	[tilespmem:v3+s22+$0x0] =	vst.idx.msk $0xffff, v2;
	v3 =	vld [tilespmem:$0x1FA70]  }
0x6b9: {  	v2 =	vld.idx.msk [tilespmem:v4+s15+$0x0], $0xffff  }
0x6ba: {  	v4 =	vld [tilespmem:$0x1F570];
	_ =	sdelay $0x3  }
0x6bb: {  	v3 =	vor.u32 v3, v0  }
0x6bc: {  	v4 =	vor.u32 v4, v1;
	_ =	sdelay $0x3  }
0x6bd: {  	[tilespmem:v3+s22+$0x0] =	vst.idx.msk $0xffff, v2;
	v3 =	vld [tilespmem:$0x1FA90]  }
0x6be: {  	v2 =	vld.idx.msk [tilespmem:v4+s15+$0x0], $0xffff  }
0x6bf: {  	v4 =	vld [tilespmem:$0x1F560];
	_ =	sdelay $0x3  }
0x6c0: {  	v3 =	vor.u32 v3, v0  }
0x6c1: {  	v4 =	vor.u32 v4, v1;
	_ =	sdelay $0x3  }
0x6c2: {  	[tilespmem:v3+s22+$0x0] =	vst.idx.msk $0xffff, v2;
	v3 =	vld [tilespmem:$0x1FAA0]  }
0x6c3: {  	v2 =	vld.idx.msk [tilespmem:v4+s15+$0x0], $0xffff  }
0x6c4: {  	v4 =	vld [tilespmem:$0x1F550];
	_ =	sdelay $0x3  }
0x6c5: {  	v3 =	vor.u32 v3, v0  }
0x6c6: {  	v4 =	vor.u32 v4, v1;
	_ =	sdelay $0x3  }
0x6c7: {  	[tilespmem:v3+s22+$0x0] =	vst.idx.msk $0xffff, v2;
	v3 =	vld [tilespmem:$0x1FAC0]  }
0x6c8: {  	v2 =	vld.idx.msk [tilespmem:v4+s15+$0x0], $0xffff  }
0x6c9: {  	v4 =	vld [tilespmem:$0x1F540];
	_ =	sdelay $0x3  }
0x6ca: {  	v3 =	vor.u32 v3, v0  }
0x6cb: {  	v4 =	vor.u32 v4, v1;
	_ =	sdelay $0x3  }
0x6cc: {  	[tilespmem:v3+s22+$0x0] =	vst.idx.msk $0xffff, v2;
	v3 =	vld [tilespmem:$0x1FAD0]  }
0x6cd: {  	v2 =	vld.idx.msk [tilespmem:v4+s15+$0x0], $0xffff  }
0x6ce: {  	v4 =	vld [tilespmem:$0x1F530];
	_ =	sdelay $0x3  }
0x6cf: {  	v3 =	vor.u32 v3, v0  }
0x6d0: {  	v4 =	vor.u32 v4, v1;
	_ =	sdelay $0x3  }
0x6d1: {  	[tilespmem:v3+s22+$0x0] =	vst.idx.msk $0xffff, v2;
	v3 =	vld [tilespmem:$0x1FAE0]  }
0x6d2: {  	v2 =	vld.idx.msk [tilespmem:v4+s15+$0x0], $0xffff  }
0x6d3: {  	v4 =	vld [tilespmem:$0x1F520];
	_ =	sdelay $0x3  }
0x6d4: {  	v3 =	vor.u32 v3, v0  }
0x6d5: {  	v4 =	vor.u32 v4, v1;
	_ =	sdelay $0x3  }
0x6d6: {  	[tilespmem:v3+s22+$0x0] =	vst.idx.msk $0xffff, v2;
	v3 =	vld [tilespmem:$0x1FAF0]  }
0x6d7: {  	v2 =	vld.idx.msk [tilespmem:v4+s15+$0x0], $0xffff  }
0x6d8: {  	v4 =	vld [tilespmem:$0x1F510];
	_ =	sdelay $0x3  }
0x6d9: {  	v3 =	vor.u32 v3, v0  }
0x6da: {  	v4 =	vor.u32 v4, v1;
	_ =	sdelay $0x3  }
0x6db: {  	[tilespmem:v3+s22+$0x0] =	vst.idx.msk $0xffff, v2;
	v3 =	vld [tilespmem:$0x1FB00]  }
0x6dc: {  	v2 =	vld.idx.msk [tilespmem:v4+s15+$0x0], $0xffff  }
0x6dd: {  	v4 =	vld [tilespmem:$0x1F500];
	_ =	sdelay $0x3  }
0x6de: {  	v3 =	vor.u32 v3, v0  }
0x6df: {  	v4 =	vor.u32 v4, v1;
	_ =	sdelay $0x3  }
0x6e0: {  	[tilespmem:v3+s22+$0x0] =	vst.idx.msk $0xffff, v2;
	v3 =	vld [tilespmem:$0x1FB10]  }
0x6e1: {  	v2 =	vld.idx.msk [tilespmem:v4+s15+$0x0], $0xffff  }
0x6e2: {  	v4 =	vld [tilespmem:$0x1F4F0];
	_ =	sdelay $0x3  }
0x6e3: {  	v3 =	vor.u32 v3, v0  }
0x6e4: {  	v4 =	vor.u32 v4, v1;
	_ =	sdelay $0x3  }
0x6e5: {  	[tilespmem:v3+s22+$0x0] =	vst.idx.msk $0xffff, v2;
	v3 =	vld [tilespmem:$0x1FB20]  }
0x6e6: {  	v2 =	vld.idx.msk [tilespmem:v4+s15+$0x0], $0xffff  }
0x6e7: {  	v4 =	vld [tilespmem:$0x1F4E0];
	_ =	sdelay $0x3  }
0x6e8: {  	v3 =	vor.u32 v3, v0  }
0x6e9: {  	v4 =	vor.u32 v4, v1;
	_ =	sdelay $0x3  }
0x6ea: {  	[tilespmem:v3+s22+$0x0] =	vst.idx.msk $0xffff, v2;
	v3 =	vld [tilespmem:$0x1FB30]  }
0x6eb: {  	v2 =	vld.idx.msk [tilespmem:v4+s15+$0x0], $0xffff  }
0x6ec: {  	v4 =	vld [tilespmem:$0x1F4D0];
	_ =	sdelay $0x3  }
0x6ed: {  	v3 =	vor.u32 v3, v0  }
0x6ee: {  	v4 =	vor.u32 v4, v1;
	_ =	sdelay $0x3  }
0x6ef: {  	[tilespmem:v3+s22+$0x0] =	vst.idx.msk $0xffff, v2;
	v3 =	vld [tilespmem:$0x1FB40]  }
0x6f0: {  	v2 =	vld.idx.msk [tilespmem:v4+s15+$0x0], $0xffff  }
0x6f1: {  	v4 =	vld [tilespmem:$0x1F4C0];
	_ =	sdelay $0x2  }
0x6f2: {  	v3 =	vor.u32 v3, v0;
	_ =	sdelay $0x1  }
0x6f3: {  	v4 =	vor.u32 v4, v1;
	_ =	sdelay $0x2  }
0x6f4: {  	[tilespmem:v3+s22+$0x0] =	vst.idx.msk $0xffff, v2;
	v3 =	vld [tilespmem:$0x1FF80];
	_ =	sdelay $0x1  }
0x6f5: {  	v2 =	vld.idx.msk [tilespmem:v4+s15+$0x0], $0xffff  }
0x6f6: {  	v4 =	vld [tilespmem:$0x1F4B0];
	_ =	sdelay $0x1  }
0x6f7: {  	v3 =	vor.u32 v3, v0;
	_ =	sdelay $0x2  }
0x6f8: {  	v4 =	vor.u32 v4, v1;
	_ =	sdelay $0x1  }
0x6f9: {  	[tilespmem:v3+s22+$0x0] =	vst.idx.msk $0xffff, v2;
	v3 =	vld [tilespmem:$0x1FF90];
	_ =	sdelay $0x2  }
0x6fa: {  	v2 =	vld.idx.msk [tilespmem:v4+s15+$0x0], $0xffff  }
0x6fb: {  	v4 =	vld [tilespmem:$0x1F4A0]  }
0x6fc: {  	v3 =	vor.u32 v3, v0;
	_ =	sdelay $0x3  }
0x6fd: {  	v4 =	vor.u32 v4, v1  }
0x6fe: {  	[tilespmem:v3+s22+$0x0] =	vst.idx.msk $0xffff, v2;
	v3 =	vld [tilespmem:$0x1FFA0];
	_ =	sdelay $0x3  }
0x6ff: {  	v2 =	vld.idx.msk [tilespmem:v4+s15+$0x0], $0xffff  }
0x700: {  	v4 =	vld [tilespmem:$0x1F490];
	v3 =	vor.u32 v3, v0;
	_ =	sdelay $0x4  }
0x701: {  	v4 =	vor.u32 v4, v1;
	[tilespmem:v3+s22+$0x0] =	vst.idx.msk $0xffff, v2;
	v3 =	vld [tilespmem:$0x1FFB0]  }
0x702: {  	v42 =	vld [tilespmem:$0x1F480];
	_ =	sdelay $0x3  }
0x703: {  	v2 =	vld.idx.msk [tilespmem:v4+s15+$0x0], $0xffff;
	v3 =	vor.u32 v3, v0  }
0x704: {  	p0 =	sne.s32 s29, $0x70;
	v1 =	vor.u32 v42, v1  }
.Ltmp6:
0x705: {  	_ = 	snop;
	(pc) =	sbr.rel @p0 .LBB2_9-.Ltmp6, $3  }
0x706: {  	_ =	sdelay $0x1  }
0x707: {  	v4 =	vlaneseq.u32;
	[tilespmem:v3+s22+$0x0] =	vst.idx.msk $0xffff, v2  }
0x708: {  	v2 =	vor.u32 s29, v4;
	s29 =	sadd.s32 $0x10, s29;
	v3 =	vld.idx.msk [tilespmem:v1+s15+$0x0], $0xffff  }
0x709: {  	v1 =	vshll.u32 v2, $0x6;
	v0 =	vor.u32 v47, v0;
	v4 =	vlaneseq.u32  }
0x70a: {  	v4 =	vor.u32 v4, v1;
	_ =	sdelay $0x3  }
0x70b: {  	[tilespmem:v0+s22+$0x0] =	vst.idx.msk $0xffff, v3;
	v0 =	vand.u32 $0x78, v2  }
0x70c: {  	v2 =	vld.idx.msk [tilespmem:v4+s15+$0x0], $0xffff;
	v42 =	vor.u32 v23, v0  }
0x70d: {  	v4 =	vor.u32 v57, v1;
	_ =	sdelay $0x3  }
0x70e: {  	[tilespmem:v42+s22+$0x0] =	vst.idx.msk $0xffff, v2  }
0x70f: {  	v23 =	vmov v57;
	v57 =	vor.u32 v63, v0;
	v2 =	vld.idx.msk [tilespmem:v4+s15+$0x0], $0xffff  }
0x710: {  	v4 =	vor.u32 v36, v1;
	_ =	sdelay $0x3  }
0x711: {  	[tilespmem:v57+s22+$0x0] =	vst.idx.msk $0xffff, v2  }
0x712: {  	v42 =	vmov v63;
	v63 =	vmov v36;
	v36 =	vor.u32 v29, v0;
	v2 =	vld.idx.msk [tilespmem:v4+s15+$0x0], $0xffff  }
0x713: {  	v4 =	vor.u32 v10, v1;
	_ =	sdelay $0x3  }
0x714: {  	[tilespmem:v36+s22+$0x0] =	vst.idx.msk $0xffff, v2  }
0x715: {  	v36 =	vmov v33;
	v33 =	vor.u32 v33, v0;
	v2 =	vld.idx.msk [tilespmem:v4+s15+$0x0], $0xffff  }
0x716: {  	v4 =	vor.u32 v46, v1;
	_ =	sdelay $0x3  }
0x717: {  	[tilespmem:v33+s22+$0x0] =	vst.idx.msk $0xffff, v2  }
0x718: {  	v33 =	vor.u32 v41, v0;
	v2 =	vld.idx.msk [tilespmem:v4+s15+$0x0], $0xffff  }
0x719: {  	v4 =	vor.u32 v45, v1;
	_ =	sdelay $0x3  }
0x71a: {  	[tilespmem:v33+s22+$0x0] =	vst.idx.msk $0xffff, v2  }
0x71b: {  	v33 =	vor.u32 v43, v0;
	v2 =	vld.idx.msk [tilespmem:v4+s15+$0x0], $0xffff  }
0x71c: {  	v4 =	vor.u32 v40, v1;
	_ =	sdelay $0x3  }
0x71d: {  	[tilespmem:v33+s22+$0x0] =	vst.idx.msk $0xffff, v2  }
0x71e: {  	v33 =	vor.u32 v8, v0;
	v2 =	vld.idx.msk [tilespmem:v4+s15+$0x0], $0xffff  }
0x71f: {  	v4 =	vor.u32 v34, v1;
	_ =	sdelay $0x3  }
0x720: {  	[tilespmem:v33+s22+$0x0] =	vst.idx.msk $0xffff, v2  }
0x721: {  	v33 =	vor.u32 v38, v0;
	v2 =	vld.idx.msk [tilespmem:v4+s15+$0x0], $0xffff  }
0x722: {  	v4 =	vor.u32 v44, v1;
	_ =	sdelay $0x3  }
0x723: {  	[tilespmem:v33+s22+$0x0] =	vst.idx.msk $0xffff, v2  }
0x724: {  	v44 =	vor.u32 v32, v0;
	v2 =	vld.idx.msk [tilespmem:v4+s15+$0x0], $0xffff  }
0x725: {  	v4 =	vor.u32 v56, v1;
	_ =	sdelay $0x3  }
0x726: {  	[tilespmem:v44+s22+$0x0] =	vst.idx.msk $0xffff, v2  }
0x727: {  	v33 =	vor.u32 v28, v0;
	v2 =	vld.idx.msk [tilespmem:v4+s15+$0x0], $0xffff  }
0x728: {  	v4 =	vor.u32 v55, v1;
	_ =	sdelay $0x3  }
0x729: {  	[tilespmem:v33+s22+$0x0] =	vst.idx.msk $0xffff, v2  }
0x72a: {  	v44 =	vor.u32 v26, v0;
	v2 =	vld.idx.msk [tilespmem:v4+s15+$0x0], $0xffff  }
0x72b: {  	v4 =	vor.u32 v50, v1;
	_ =	sdelay $0x3  }
0x72c: {  	[tilespmem:v44+s22+$0x0] =	vst.idx.msk $0xffff, v2  }
0x72d: {  	v55 =	vor.u32 v27, v0;
	v2 =	vld.idx.msk [tilespmem:v4+s15+$0x0], $0xffff  }
0x72e: {  	v4 =	vor.u32 v48, v1;
	_ =	sdelay $0x3  }
0x72f: {  	[tilespmem:v55+s22+$0x0] =	vst.idx.msk $0xffff, v2  }
0x730: {  	v56 =	vor.u32 v53, v0;
	v2 =	vld.idx.msk [tilespmem:v4+s15+$0x0], $0xffff  }
0x731: {  	v4 =	vor.u32 v35, v1;
	_ =	sdelay $0x3  }
0x732: {  	[tilespmem:v56+s22+$0x0] =	vst.idx.msk $0xffff, v2  }
0x733: {  	v58 =	vor.u32 v58, v0;
	v2 =	vld.idx.msk [tilespmem:v4+s15+$0x0], $0xffff  }
0x734: {  	v4 =	vor.u32 v24, v1;
	_ =	sdelay $0x3  }
0x735: {  	[tilespmem:v58+s22+$0x0] =	vst.idx.msk $0xffff, v2  }
0x736: {  	v33 =	vor.u32 v61, v0;
	v2 =	vld.idx.msk [tilespmem:v4+s15+$0x0], $0xffff  }
0x737: {  	v4 =	vor.u32 v17, v1;
	_ =	sdelay $0x3  }
0x738: {  	[tilespmem:v33+s22+$0x0] =	vst.idx.msk $0xffff, v2  }
0x739: {  	v35 =	vor.u32 v11, v0;
	v2 =	vld.idx.msk [tilespmem:v4+s15+$0x0], $0xffff  }
0x73a: {  	v4 =	vor.u32 v18, v1;
	_ =	sdelay $0x3  }
0x73b: {  	[tilespmem:v35+s22+$0x0] =	vst.idx.msk $0xffff, v2  }
0x73c: {  	v44 =	vor.u32 v59, v0;
	v2 =	vld.idx.msk [tilespmem:v4+s15+$0x0], $0xffff  }
0x73d: {  	v4 =	vor.u32 v25, v1;
	_ =	sdelay $0x3  }
0x73e: {  	[tilespmem:v44+s22+$0x0] =	vst.idx.msk $0xffff, v2  }
0x73f: {  	v48 =	vor.u32 v6, v0;
	v2 =	vld.idx.msk [tilespmem:v4+s15+$0x0], $0xffff  }
0x740: {  	v4 =	vor.u32 v52, v1;
	_ =	sdelay $0x3  }
0x741: {  	[tilespmem:v48+s22+$0x0] =	vst.idx.msk $0xffff, v2  }
0x742: {  	v2 =	vld.idx.msk [tilespmem:v4+s15+$0x0], $0xffff  }
0x743: {  	v4 =	vld [tilespmem:$0x1F580];
	_ =	sdelay $0x3  }
0x744: {  	v50 =	vor.u32 v12, v0  }
0x745: {  	v4 =	vor.u32 v4, v1;
	_ =	sdelay $0x3  }
0x746: {  	[tilespmem:v50+s22+$0x0] =	vst.idx.msk $0xffff, v2  }
0x747: {  	v2 =	vld.idx.msk [tilespmem:v4+s15+$0x0], $0xffff  }
0x748: {  	v4 =	vld [tilespmem:$0x1F590];
	_ =	sdelay $0x3  }
0x749: {  	v44 =	vmov v52;
	v52 =	vor.u32 v60, v0  }
0x74a: {  	v4 =	vor.u32 v4, v1;
	_ =	sdelay $0x3  }
0x74b: {  	[tilespmem:v52+s22+$0x0] =	vst.idx.msk $0xffff, v2  }
0x74c: {  	v2 =	vld.idx.msk [tilespmem:v4+s15+$0x0], $0xffff  }
0x74d: {  	v4 =	vld [tilespmem:$0x1F5A0];
	_ =	sdelay $0x3  }
0x74e: {  	v53 =	vor.u32 v39, v0  }
0x74f: {  	v4 =	vor.u32 v4, v1;
	_ =	sdelay $0x3  }
0x750: {  	[tilespmem:v53+s22+$0x0] =	vst.idx.msk $0xffff, v2  }
0x751: {  	v2 =	vld.idx.msk [tilespmem:v4+s15+$0x0], $0xffff  }
0x752: {  	v4 =	vld [tilespmem:$0x1F5B0];
	_ =	sdelay $0x3  }
0x753: {  	v55 =	vor.u32 v37, v0  }
0x754: {  	v4 =	vor.u32 v4, v1;
	_ =	sdelay $0x3  }
0x755: {  	[tilespmem:v55+s22+$0x0] =	vst.idx.msk $0xffff, v2  }
0x756: {  	v2 =	vld.idx.msk [tilespmem:v4+s15+$0x0], $0xffff  }
0x757: {  	v4 =	vld [tilespmem:$0x1F5C0];
	_ =	sdelay $0x3  }
0x758: {  	v56 =	vor.u32 v20, v0  }
0x759: {  	v4 =	vor.u32 v4, v1;
	_ =	sdelay $0x3  }
0x75a: {  	[tilespmem:v56+s22+$0x0] =	vst.idx.msk $0xffff, v2  }
0x75b: {  	v2 =	vld.idx.msk [tilespmem:v4+s15+$0x0], $0xffff  }
0x75c: {  	v4 =	vld [tilespmem:$0x1F5D0];
	_ =	sdelay $0x3  }
0x75d: {  	v58 =	vor.u32 v31, v0  }
0x75e: {  	v4 =	vor.u32 v4, v1;
	_ =	sdelay $0x3  }
0x75f: {  	[tilespmem:v58+s22+$0x0] =	vst.idx.msk $0xffff, v2  }
0x760: {  	v2 =	vld.idx.msk [tilespmem:v4+s15+$0x0], $0xffff  }
0x761: {  	v4 =	vld [tilespmem:$0x1F5E0];
	_ =	sdelay $0x3  }
0x762: {  	v59 =	vor.u32 v21, v0  }
0x763: {  	v4 =	vor.u32 v4, v1;
	_ =	sdelay $0x3  }
0x764: {  	[tilespmem:v59+s22+$0x0] =	vst.idx.msk $0xffff, v2  }
0x765: {  	v2 =	vld.idx.msk [tilespmem:v4+s15+$0x0], $0xffff  }
0x766: {  	v4 =	vld [tilespmem:$0x1F5F0];
	_ =	sdelay $0x3  }
0x767: {  	v60 =	vor.u32 v51, v0  }
0x768: {  	v4 =	vor.u32 v4, v1;
	_ =	sdelay $0x3  }
0x769: {  	[tilespmem:v60+s22+$0x0] =	vst.idx.msk $0xffff, v2  }
0x76a: {  	v2 =	vld.idx.msk [tilespmem:v4+s15+$0x0], $0xffff  }
0x76b: {  	v4 =	vld [tilespmem:$0x1F600];
	_ =	sdelay $0x3  }
0x76c: {  	v61 =	vor.u32 v5, v0  }
0x76d: {  	v4 =	vor.u32 v4, v1;
	_ =	sdelay $0x3  }
0x76e: {  	[tilespmem:v61+s22+$0x0] =	vst.idx.msk $0xffff, v2  }
0x76f: {  	v2 =	vld.idx.msk [tilespmem:v4+s15+$0x0], $0xffff  }
0x770: {  	v4 =	vld [tilespmem:$0x1F610];
	_ =	sdelay $0x3  }
0x771: {  	v62 =	vor.u32 v62, v0  }
0x772: {  	v4 =	vor.u32 v4, v1;
	_ =	sdelay $0x3  }
0x773: {  	[tilespmem:v62+s22+$0x0] =	vst.idx.msk $0xffff, v2  }
0x774: {  	v2 =	vld.idx.msk [tilespmem:v4+s15+$0x0], $0xffff  }
0x775: {  	v4 =	vld [tilespmem:$0x1F620];
	_ =	sdelay $0x3  }
0x776: {  	v12 =	vor.u32 v7, v0  }
0x777: {  	v4 =	vor.u32 v4, v1;
	_ =	sdelay $0x3  }
0x778: {  	[tilespmem:v12+s22+$0x0] =	vst.idx.msk $0xffff, v2  }
0x779: {  	v2 =	vld.idx.msk [tilespmem:v4+s15+$0x0], $0xffff  }
0x77a: {  	v4 =	vld [tilespmem:$0x1F630];
	_ =	sdelay $0x3  }
0x77b: {  	v17 =	vor.u32 v54, v0  }
0x77c: {  	v4 =	vor.u32 v4, v1;
	_ =	sdelay $0x3  }
0x77d: {  	[tilespmem:v17+s22+$0x0] =	vst.idx.msk $0xffff, v2  }
0x77e: {  	v2 =	vld.idx.msk [tilespmem:v4+s15+$0x0], $0xffff  }
0x77f: {  	v4 =	vld [tilespmem:$0x1F640];
	_ =	sdelay $0x3  }
0x780: {  	v57 =	vmov v29;
	v29 =	vmov v18;
	v18 =	vor.u32 v49, v0  }
0x781: {  	v4 =	vor.u32 v4, v1;
	_ =	sdelay $0x3  }
0x782: {  	v11 =	vld [tilespmem:$0x1FEF0];
	[tilespmem:v18+s22+$0x0] =	vst.idx.msk $0xffff, v2  }
0x783: {  	v2 =	vld.idx.msk [tilespmem:v4+s15+$0x0], $0xffff  }
0x784: {  	v4 =	vld [tilespmem:$0x1F650];
	_ =	sdelay $0x3  }
0x785: {  	v33 =	vor.u32 v11, v0  }
0x786: {  	v4 =	vor.u32 v4, v1;
	_ =	sdelay $0x3  }
0x787: {  	[tilespmem:v33+s22+$0x0] =	vst.idx.msk $0xffff, v2  }
0x788: {  	v2 =	vld.idx.msk [tilespmem:v4+s15+$0x0], $0xffff  }
0x789: {  	v4 =	vld [tilespmem:$0x1F660];
	_ =	sdelay $0x3  }
0x78a: {  	v35 =	vor.u32 v30, v0  }
0x78b: {  	v4 =	vor.u32 v4, v1;
	_ =	sdelay $0x3  }
0x78c: {  	[tilespmem:v35+s22+$0x0] =	vst.idx.msk $0xffff, v2  }
0x78d: {  	v2 =	vld.idx.msk [tilespmem:v4+s15+$0x0], $0xffff  }
0x78e: {  	v4 =	vld [tilespmem:$0x1F670];
	_ =	sdelay $0x3  }
0x78f: {  	v53 =	vmov v37;
	v37 =	vor.u32 v9, v0  }
0x790: {  	v4 =	vor.u32 v4, v1;
	_ =	sdelay $0x3  }
0x791: {  	v39 =	vld [tilespmem:$0x1FF20];
	[tilespmem:v37+s22+$0x0] =	vst.idx.msk $0xffff, v2  }
0x792: {  	v2 =	vld.idx.msk [tilespmem:v4+s15+$0x0], $0xffff  }
0x793: {  	v4 =	vld [tilespmem:$0x1F680];
	_ =	sdelay $0x3  }
0x794: {  	v49 =	vor.u32 v39, v0  }
0x795: {  	v4 =	vor.u32 v4, v1;
	_ =	sdelay $0x3  }
0x796: {  	v50 =	vld [tilespmem:$0x1FF30];
	[tilespmem:v49+s22+$0x0] =	vst.idx.msk $0xffff, v2  }
0x797: {  	v2 =	vld.idx.msk [tilespmem:v4+s15+$0x0], $0xffff  }
0x798: {  	v4 =	vld [tilespmem:$0x1F690];
	_ =	sdelay $0x3  }
0x799: {  	v51 =	vor.u32 v50, v0  }
0x79a: {  	v4 =	vor.u32 v4, v1;
	_ =	sdelay $0x3  }
0x79b: {  	v52 =	vld [tilespmem:$0x1FF40];
	[tilespmem:v51+s22+$0x0] =	vst.idx.msk $0xffff, v2  }
0x79c: {  	v2 =	vld.idx.msk [tilespmem:v4+s15+$0x0], $0xffff  }
0x79d: {  	v4 =	vld [tilespmem:$0x1F6A0];
	_ =	sdelay $0x3  }
0x79e: {  	v54 =	vor.u32 v52, v0  }
0x79f: {  	v4 =	vor.u32 v4, v1;
	_ =	sdelay $0x3  }
0x7a0: {  	v55 =	vld [tilespmem:$0x1FF50];
	[tilespmem:v54+s22+$0x0] =	vst.idx.msk $0xffff, v2  }
0x7a1: {  	v2 =	vld.idx.msk [tilespmem:v4+s15+$0x0], $0xffff  }
0x7a2: {  	v4 =	vld [tilespmem:$0x1F6B0];
	_ =	sdelay $0x3  }
0x7a3: {  	v56 =	vor.u32 v55, v0  }
0x7a4: {  	v4 =	vor.u32 v4, v1;
	_ =	sdelay $0x3  }
0x7a5: {  	v58 =	vld [tilespmem:$0x1F9E0];
	[tilespmem:v56+s22+$0x0] =	vst.idx.msk $0xffff, v2  }
0x7a6: {  	v2 =	vld.idx.msk [tilespmem:v4+s15+$0x0], $0xffff  }
0x7a7: {  	v4 =	vld [tilespmem:$0x1F6C0];
	_ =	sdelay $0x3  }
0x7a8: {  	v3 =	vor.u32 v58, v0  }
0x7a9: {  	v59 =	vld [tilespmem:$0x1FF60];
	v4 =	vor.u32 v4, v1;
	_ =	sdelay $0x3  }
0x7aa: {  	[tilespmem:v3+s22+$0x0] =	vst.idx.msk $0xffff, v2  }
0x7ab: {  	v60 =	vor.u32 v59, v0;
	v2 =	vld.idx.msk [tilespmem:v4+s15+$0x0], $0xffff  }
0x7ac: {  	v61 =	vld [tilespmem:$0x1F9F0];
	v4 =	vor.u32 v16, v1;
	_ =	sdelay $0x3  }
0x7ad: {  	[tilespmem:v60+s22+$0x0] =	vst.idx.msk $0xffff, v2  }
0x7ae: {  	v3 =	vor.u32 v61, v0;
	v2 =	vld.idx.msk [tilespmem:v4+s15+$0x0], $0xffff  }
0x7af: {  	v62 =	vld [tilespmem:$0x1FA00];
	v4 =	vor.u32 v13, v1;
	_ =	sdelay $0x3  }
0x7b0: {  	[tilespmem:v3+s22+$0x0] =	vst.idx.msk $0xffff, v2  }
0x7b1: {  	v3 =	vor.u32 v62, v0;
	v2 =	vld.idx.msk [tilespmem:v4+s15+$0x0], $0xffff  }
0x7b2: {  	v12 =	vld [tilespmem:$0x1FA10];
	v4 =	vor.u32 v19, v1;
	_ =	sdelay $0x3  }
0x7b3: {  	[tilespmem:v3+s22+$0x0] =	vst.idx.msk $0xffff, v2  }
0x7b4: {  	v3 =	vor.u32 v12, v0;
	v2 =	vld.idx.msk [tilespmem:v4+s15+$0x0], $0xffff  }
0x7b5: {  	v13 =	vld [tilespmem:$0x1FA30];
	v4 =	vor.u32 v14, v1;
	_ =	sdelay $0x3  }
0x7b6: {  	[tilespmem:v3+s22+$0x0] =	vst.idx.msk $0xffff, v2  }
0x7b7: {  	v3 =	vor.u32 v13, v0;
	v2 =	vld.idx.msk [tilespmem:v4+s15+$0x0], $0xffff  }
0x7b8: {  	v14 =	vld [tilespmem:$0x1FA50];
	v4 =	vor.u32 v15, v1;
	_ =	sdelay $0x3  }
0x7b9: {  	[tilespmem:v3+s22+$0x0] =	vst.idx.msk $0xffff, v2  }
0x7ba: {  	v3 =	vor.u32 v14, v0;
	v2 =	vld.idx.msk [tilespmem:v4+s15+$0x0], $0xffff  }
0x7bb: {  	v4 =	vor.u32 v22, v1;
	_ =	sdelay $0x3  }
0x7bc: {  	v15 =	vld [tilespmem:$0x1FA60];
	[tilespmem:v3+s22+$0x0] =	vst.idx.msk $0xffff, v2  }
0x7bd: {  	v2 =	vld.idx.msk [tilespmem:v4+s15+$0x0], $0xffff  }
0x7be: {  	v4 =	vld [tilespmem:$0x1F730];
	_ =	sdelay $0x3  }
0x7bf: {  	v3 =	vor.u32 v15, v0  }
0x7c0: {  	v4 =	vor.u32 v4, v1;
	_ =	sdelay $0x3  }
0x7c1: {  	v16 =	vld [tilespmem:$0x1FF70];
	[tilespmem:v3+s22+$0x0] =	vst.idx.msk $0xffff, v2  }
0x7c2: {  	v2 =	vld.idx.msk [tilespmem:v4+s15+$0x0], $0xffff  }
0x7c3: {  	v4 =	vld [tilespmem:$0x1F740];
	_ =	sdelay $0x3  }
0x7c4: {  	v17 =	vor.u32 v16, v0  }
0x7c5: {  	v4 =	vor.u32 v4, v1;
	_ =	sdelay $0x3  }
0x7c6: {  	v18 =	vld [tilespmem:$0x1FA70];
	[tilespmem:v17+s22+$0x0] =	vst.idx.msk $0xffff, v2  }
0x7c7: {  	v2 =	vld.idx.msk [tilespmem:v4+s15+$0x0], $0xffff  }
0x7c8: {  	v4 =	vld [tilespmem:$0x1F570];
	_ =	sdelay $0x3  }
0x7c9: {  	v3 =	vor.u32 v18, v0  }
0x7ca: {  	v4 =	vor.u32 v4, v1;
	_ =	sdelay $0x3  }
0x7cb: {  	v19 =	vld [tilespmem:$0x1FA90];
	[tilespmem:v3+s22+$0x0] =	vst.idx.msk $0xffff, v2  }
0x7cc: {  	v2 =	vld.idx.msk [tilespmem:v4+s15+$0x0], $0xffff  }
0x7cd: {  	v4 =	vld [tilespmem:$0x1F560];
	_ =	sdelay $0x3  }
0x7ce: {  	v3 =	vor.u32 v19, v0  }
0x7cf: {  	v4 =	vor.u32 v4, v1;
	_ =	sdelay $0x3  }
0x7d0: {  	v33 =	vld [tilespmem:$0x1FAA0];
	[tilespmem:v3+s22+$0x0] =	vst.idx.msk $0xffff, v2  }
0x7d1: {  	v2 =	vld.idx.msk [tilespmem:v4+s15+$0x0], $0xffff  }
0x7d2: {  	v4 =	vld [tilespmem:$0x1F550];
	_ =	sdelay $0x3  }
0x7d3: {  	v3 =	vor.u32 v33, v0  }
0x7d4: {  	v4 =	vor.u32 v4, v1;
	_ =	sdelay $0x3  }
0x7d5: {  	v35 =	vld [tilespmem:$0x1FAC0];
	[tilespmem:v3+s22+$0x0] =	vst.idx.msk $0xffff, v2  }
0x7d6: {  	v2 =	vld.idx.msk [tilespmem:v4+s15+$0x0], $0xffff  }
0x7d7: {  	v4 =	vld [tilespmem:$0x1F540];
	_ =	sdelay $0x3  }
0x7d8: {  	v3 =	vor.u32 v35, v0  }
0x7d9: {  	v4 =	vor.u32 v4, v1;
	_ =	sdelay $0x3  }
0x7da: {  	v37 =	vld [tilespmem:$0x1FAD0];
	[tilespmem:v3+s22+$0x0] =	vst.idx.msk $0xffff, v2  }
0x7db: {  	v2 =	vld.idx.msk [tilespmem:v4+s15+$0x0], $0xffff  }
0x7dc: {  	v4 =	vld [tilespmem:$0x1F530];
	_ =	sdelay $0x3  }
0x7dd: {  	v3 =	vor.u32 v37, v0  }
0x7de: {  	v4 =	vor.u32 v4, v1;
	_ =	sdelay $0x3  }
0x7df: {  	v39 =	vld [tilespmem:$0x1FAE0];
	[tilespmem:v3+s22+$0x0] =	vst.idx.msk $0xffff, v2  }
0x7e0: {  	v2 =	vld.idx.msk [tilespmem:v4+s15+$0x0], $0xffff  }
0x7e1: {  	v4 =	vld [tilespmem:$0x1F520];
	_ =	sdelay $0x3  }
0x7e2: {  	v3 =	vor.u32 v39, v0  }
0x7e3: {  	v4 =	vor.u32 v4, v1;
	_ =	sdelay $0x3  }
0x7e4: {  	v48 =	vld [tilespmem:$0x1FAF0];
	[tilespmem:v3+s22+$0x0] =	vst.idx.msk $0xffff, v2  }
0x7e5: {  	v2 =	vld.idx.msk [tilespmem:v4+s15+$0x0], $0xffff  }
0x7e6: {  	v4 =	vld [tilespmem:$0x1F510];
	_ =	sdelay $0x3  }
0x7e7: {  	v3 =	vor.u32 v48, v0  }
0x7e8: {  	v4 =	vor.u32 v4, v1;
	_ =	sdelay $0x3  }
0x7e9: {  	v49 =	vld [tilespmem:$0x1FB00];
	[tilespmem:v3+s22+$0x0] =	vst.idx.msk $0xffff, v2  }
0x7ea: {  	v2 =	vld.idx.msk [tilespmem:v4+s15+$0x0], $0xffff  }
0x7eb: {  	v4 =	vld [tilespmem:$0x1F500];
	_ =	sdelay $0x3  }
0x7ec: {  	v3 =	vor.u32 v49, v0  }
0x7ed: {  	v4 =	vor.u32 v4, v1;
	_ =	sdelay $0x3  }
0x7ee: {  	v50 =	vld [tilespmem:$0x1FB10];
	[tilespmem:v3+s22+$0x0] =	vst.idx.msk $0xffff, v2  }
0x7ef: {  	v2 =	vld.idx.msk [tilespmem:v4+s15+$0x0], $0xffff  }
0x7f0: {  	v4 =	vld [tilespmem:$0x1F4F0];
	_ =	sdelay $0x3  }
0x7f1: {  	v3 =	vor.u32 v50, v0  }
0x7f2: {  	v4 =	vor.u32 v4, v1;
	_ =	sdelay $0x3  }
0x7f3: {  	v51 =	vld [tilespmem:$0x1FB20];
	[tilespmem:v3+s22+$0x0] =	vst.idx.msk $0xffff, v2  }
0x7f4: {  	v2 =	vld.idx.msk [tilespmem:v4+s15+$0x0], $0xffff  }
0x7f5: {  	v4 =	vld [tilespmem:$0x1F4E0];
	_ =	sdelay $0x3  }
0x7f6: {  	v3 =	vor.u32 v51, v0  }
0x7f7: {  	v4 =	vor.u32 v4, v1;
	_ =	sdelay $0x3  }
0x7f8: {  	v52 =	vld [tilespmem:$0x1FB30];
	[tilespmem:v3+s22+$0x0] =	vst.idx.msk $0xffff, v2  }
0x7f9: {  	v2 =	vld.idx.msk [tilespmem:v4+s15+$0x0], $0xffff  }
0x7fa: {  	v4 =	vld [tilespmem:$0x1F4D0];
	_ =	sdelay $0x3  }
0x7fb: {  	v3 =	vor.u32 v52, v0  }
0x7fc: {  	v4 =	vor.u32 v4, v1;
	_ =	sdelay $0x3  }
0x7fd: {  	v54 =	vld [tilespmem:$0x1FB40];
	[tilespmem:v3+s22+$0x0] =	vst.idx.msk $0xffff, v2  }
0x7fe: {  	v2 =	vld.idx.msk [tilespmem:v4+s15+$0x0], $0xffff  }
0x7ff: {  	v4 =	vld [tilespmem:$0x1F4C0];
	_ =	sdelay $0x3  }
0x800: {  	v3 =	vor.u32 v54, v0  }
0x801: {  	v4 =	vor.u32 v4, v1;
	_ =	sdelay $0x3  }
0x802: {  	v55 =	vld [tilespmem:$0x1FF80];
	[tilespmem:v3+s22+$0x0] =	vst.idx.msk $0xffff, v2  }
0x803: {  	v2 =	vld.idx.msk [tilespmem:v4+s15+$0x0], $0xffff  }
0x804: {  	v4 =	vld [tilespmem:$0x1F4B0];
	_ =	sdelay $0x3  }
0x805: {  	v56 =	vor.u32 v55, v0  }
0x806: {  	v4 =	vor.u32 v4, v1;
	_ =	sdelay $0x3  }
0x807: {  	v58 =	vld [tilespmem:$0x1FF90];
	[tilespmem:v56+s22+$0x0] =	vst.idx.msk $0xffff, v2  }
0x808: {  	v2 =	vld.idx.msk [tilespmem:v4+s15+$0x0], $0xffff  }
0x809: {  	v4 =	vld [tilespmem:$0x1F4A0];
	_ =	sdelay $0x3  }
0x80a: {  	v59 =	vor.u32 v58, v0  }
0x80b: {  	v4 =	vor.u32 v4, v1;
	_ =	sdelay $0x3  }
0x80c: {  	v60 =	vld [tilespmem:$0x1FFA0];
	[tilespmem:v59+s22+$0x0] =	vst.idx.msk $0xffff, v2  }
0x80d: {  	v2 =	vld.idx.msk [tilespmem:v4+s15+$0x0], $0xffff  }
0x80e: {  	v4 =	vld [tilespmem:$0x1F490];
	_ =	sdelay $0x3  }
0x80f: {  	v61 =	vor.u32 v60, v0  }
0x810: {  	v4 =	vor.u32 v4, v1;
	_ =	sdelay $0x3  }
0x811: {  	[tilespmem:v61+s22+$0x0] =	vst.idx.msk $0xffff, v2  }
0x812: {  	v2 =	vld.idx.msk [tilespmem:v4+s15+$0x0], $0xffff  }
0x813: {  	v4 =	vld [tilespmem:$0x1FFB0]  }
0x814: {  	v6 =	vld [tilespmem:$0x1F480];
	_ =	sdelay $0x3  }
0x815: {  	v62 =	vor.u32 v4, v0  }
0x816: {  	v1 =	vor.u32 v6, v1;
	_ =	sdelay $0x3  }
0x817: {  	[tilespmem:v62+s22+$0x0] =	vst.idx.msk $0xffff, v2  }
0x818: {  	v0 =	vor.u32 v47, v0;
	v1 =	vld.idx.msk [tilespmem:v1+s15+$0x0], $0xffff;
	_ =	sdelay $0x2  }
0x819: {  	p0 =	seq.s32 s25, $0x63  }
.Ltmp7:
0x81a: {  	_ = 	snop;
	(pc) =	sbr.rel @p0 .LBB2_12-.Ltmp7, $4  }
0x81b: {  	s29 =	sadd.s32 s28, s8;
	v7 =	vmov v27;
	[tilespmem:v0+s22+$0x0] =	vst.idx.msk $0xffff, v1  }
0x81c: {  	v27 =	vmovc v25;
	v24 =	vmovc v40;
	v31 =	vmov v63;
	v55 =	vmov v28;
	v22 =	vmov v26;
	[hbm4b:s29+s18] =	stream.strided.scatter [tilespmem:s22], [sflag:$0x4], $0x2000, s19, s18, $0x38;
	[tilespmem:$0xE400] =	vst v63  }
0x81d: {  	s31 =	sadd.s32 s28, s9;
	v35 =	vmovc v43;
	v37 =	vmovc v45;
	v39 =	vmov v46;
	v52 =	vmov v42;
	v54 =	vmov v23  }
0x81e: {  	v23 =	vmovc v34;
	v56 =	vmovc v41;
	v61 =	vmov v36;
	v6 =	vmov v38;
	v36 =	vmov v32;
	[hbm4b:s31+s18] =	stream.strided.scatter [tilespmem:s22], [sflag:$0x4], $0x2000, s19, s18, $0x38;
	[tilespmem:$0xE400] =	vst v63  }
0x81f: {  	v5 =	vld [tilespmem:$0x1FA80]  }
0x820: {  	v10 =	vld [tilespmem:$0x1FAB0]  }
.Ltmp8:
0x821: {  	v41 =	vld [tilespmem:$0x1FEB0];
	(pc) =	sbr.rel .LBB2_2-.Ltmp8, $4  }
0x822: {  	v58 =	vld [tilespmem:$0x1FE90]  }
0x823: {  	s26 =	sshrl.u32 s26, $0x2;
	v59 =	vld [tilespmem:$0x1FEA0]  }
0x824: {  	s25 =	sadd.s32 $0x1, s25;
	v21 =	vld [tilespmem:$0x1FA40];
	s26 =	sadd.s32 $0x180, s26  }
0x825: {  	v4 =	vlaneseq.u32;
	v9 =	vmov v44;
	v20 =	vld [tilespmem:$0x1FA20];
	[tilespmem:s15], [sflag:$0x2] =	stream.indirect.gather [hbm4b:s4+s11], $0x40, s26, s11, $0xb8  }
.LBB2_13:
0x826: {  	_ =	sfence.sel $0x180000  }
0x827: {  	[bflag:$0x0] =	sbarrier.arrive $0xFFFF  }
0x828: {  	p0 =	sne.s32 s2, $0x0;
	_ =	strace $0x90000047  }
0x829: {  	s0 =	sadd.s32 @!p0 $0x100000, s0;
	[bflag:$0x2] =	sbarrier.arrive $0xFFFF  }
0x82a: {  	[sflag:s0] =	ssyncadd.tile.s32 @!p0 $0x1;
	_ =	shalt  }
.Lfunc_end2:
_tile_overlayer_lowered:
.L_overlay_start_2:
0x82b: {  	(tag) =	ssettag $0x2  }
0x82c: {  	s0 =	rddreg [dreg:$0x0];
	s2 =	stileid.u32  }
0x82d: {  	s1 =	rddreg [dreg:$0x1];
	p0 =	sne.s32 s2, $0x0  }
0x82e: {  	s3 =	rddreg [dreg:$0x2];
	[bflag:$0x3] =	sbarrier.arrive $0xFFFF;
	s2 =	simm.s32 @!p0 $0x1C05  }
0x82f: {  	[timem:s3], [sflag:s2] =	dma.local @!p0 [hbm:s0], s1  }
0x830: {  	s0 =	simm.s32 @!p0 $0x5  }
0x831: {  	_ =	swait.ge @!p0 [sflag:s0], s1  }
0x832: {  	s1 =	ssub.s32 @!p0 $0x0, s1;
	[sflag:s0] =	ssyncset.done @!p0 $0x0  }
0x833: {  	[sflag:s0] =	ssyncadd.s32 @!p0 s1  }
0x834: {  	[bflag:$0x3] =	sbarrier.arrive $0xFFFF  }
0x835: {  	_ =	shalt  }

</sc_bundles>
